<compile_context>
chip_gen: v7x
topology: tpu7x:2x2x1
jax: 0.10.2.dev20260603
libtpu: 0.0.44.dev20260713+nightly
codegen_flags: <defaults>
</compile_context>

<pallas_src>
import functools

import jax
import jax.numpy as jnp
from jax import lax
from jax.experimental import pallas as pl
from jax.experimental.pallas import tpu as pltpu
from jax.experimental.pallas import tpu_sc as plsc

_N = 10000
_NPAD = 10240
_E = 320000
_NC = 2
_NS = 16
_F = 32
_TR = 256
_NT = 40
_EPT = _NT * _TR
_NB = 8
_EPAD = _NC * _NS * _NT * _TR
_RPT = _NPAD // _NS
_PR = _NPAD * _F // 128
_VR = _N * _F // 128
_PR16 = _NPAD * 16 // 128
_VR16 = _N * 16 // 128


def _mesh():
    return plsc.VectorSubcoreMesh(core_axis_name="c", subcore_axis_name="s",
                                  num_cores=_NC, num_subcores=_NS)


@functools.cache
def _make_sc_agg(gather_p, fw=_F):

    assert gather_p or fw == 16
    scratch = [
        pltpu.VMEM((_EPT,), jnp.int32),
        pltpu.VMEM((_EPT,), jnp.int32),
        pltpu.VMEM((_NB, _TR, fw), jnp.float32),
        pltpu.VMEM_SHARED((_NPAD, fw), jnp.float32),
    ]
    if not gather_p:
        scratch += [pltpu.VMEM((_RPT, 16), jnp.float32),
                    pltpu.VMEM((_RPT, _F), jnp.float32)]
    scratch += [pltpu.SemaphoreType.DMA] * (2 * _NB)

    n_out = 2 if gather_p else 4
    @functools.partial(
        pl.kernel,
        out_type=tuple(
            jax.ShapeDtypeStruct((_NPAD, fw), jnp.float32)
            for _ in range(2)
        ) + tuple(
            jax.ShapeDtypeStruct((_NPAD, _F), jnp.float32)
            for _ in range(n_out - 2)
        ),
        mesh=_mesh(),
        compiler_params=pltpu.CompilerParams(use_tc_tiling_on_sc=False),
        scratch_types=scratch,
    )
    def agg(p_hbm, ei_hbm, pad_hbm, zrows_hbm, *outs_and_scratch):
        outs = outs_and_scratch[:n_out]
        out0, out1 = outs[0], outs[1]
        sidx, didx, rows, acc, *rest = outs_and_scratch[n_out:]
        if gather_p:
            sems = rest
        else:
            buf16, buf32 = rest[0], rest[1]
            sems = rest[2:]
        gsem = sems[0:_NB]
        ssem = sems[_NB:2 * _NB]
        cid = lax.axis_index("c")
        sid = lax.axis_index("s")
        wid = sid * _NC + cid
        r0 = pl.multiple_of(sid * _RPT, _RPT)
        pltpu.sync_copy(zrows_hbm.at[pl.ds(0, _RPT)], acc.at[pl.ds(r0, _RPT)])
        e0 = pl.multiple_of(wid * _EPT, _TR)
        real = _E - (_NC * _NS - 1) * _EPT
        last = _NC * _NS - 1

        @pl.when(wid < last)
        def _():
            if gather_p:
                pltpu.sync_copy(ei_hbm.at[pl.ds(e0, _EPT)], sidx)
            pltpu.sync_copy(ei_hbm.at[pl.ds(_E + e0, _EPT)], didx)

        @pl.when(wid == last)
        def _():
            if gather_p:
                pltpu.sync_copy(ei_hbm.at[pl.ds(last * _EPT, real)],
                                sidx.at[pl.ds(0, real)])
                pltpu.sync_copy(pad_hbm, sidx.at[pl.ds(real, _EPT - real)])
            pltpu.sync_copy(ei_hbm.at[pl.ds(_E + last * _EPT, real)],
                            didx.at[pl.ds(0, real)])
            pltpu.sync_copy(pad_hbm, didx.at[pl.ds(real, _EPT - real)])

        if not gather_p:
            pltpu.sync_copy(p_hbm, rows.at[0])
        plsc.subcore_barrier()

        def gather(c, k):
            pltpu.async_copy(p_hbm.at[sidx.at[pl.ds(c * _TR, _TR)]],
                             rows.at[k], gsem[k])

        def wait_gather(k):
            pltpu.make_async_copy(p_hbm.at[sidx.at[pl.ds(0, _TR)]],
                                  rows.at[k], gsem[k]).wait()

        def scat(c, k):
            kk = k if gather_p else 0
            pltpu.async_copy(rows.at[kk],
                             acc.at[didx.at[pl.ds(c * _TR, _TR)]],
                             ssem[k], add=True)

        def wait_scat(k):
            kk = k if gather_p else 0
            pltpu.make_async_copy(rows.at[kk],
                                  acc.at[didx.at[pl.ds(0, _TR)]],
                                  ssem[k]).wait()

        half = _NB // 2
        niter = _NT // _NB
        if gather_p:
            for k in range(half):
                gather(k, k)

        def body(j, _):
            c0 = _NB * j
            for k in range(_NB):
                if gather_p:
                    wait_gather(k)
                scat(c0 + k, k)
                m = (k + half) % _NB
                if k < half:
                    @pl.when(j > 0)
                    def _():
                        wait_scat(m)

                    if gather_p:
                        gather(c0 + k + half, m)
                else:
                    wait_scat(m)

                    if gather_p:
                        @pl.when(j < niter - 1)
                        def _():
                            gather(c0 + k + half, m)
            return ()

        lax.fori_loop(0, niter, body, ())
        for k in range(half, _NB):
            wait_scat(k)
        plsc.subcore_barrier()

        if gather_p:
            @pl.when(cid == 0)
            def _():
                pltpu.sync_copy(acc.at[pl.ds(r0, _RPT)],
                                out0.at[pl.ds(r0, _RPT)])

            @pl.when(cid == 1)
            def _():
                pltpu.sync_copy(acc.at[pl.ds(r0, _RPT)],
                                out1.at[pl.ds(r0, _RPT)])
        else:
            pltpu.sync_copy(acc.at[pl.ds(r0, _RPT)], buf16)

            def dup(r, _):
                v = buf16[r, :]
                buf32[r, 0:16] = v
                buf32[r, 16:32] = v
                return ()

            lax.fori_loop(0, _RPT, dup, ())

            @pl.when(cid == 0)
            def _():
                pltpu.sync_copy(buf16, out0.at[pl.ds(r0, _RPT)])
                pltpu.sync_copy(buf32, outs[2].at[pl.ds(r0, _RPT)])

            @pl.when(cid == 1)
            def _():
                pltpu.sync_copy(buf16, out1.at[pl.ds(r0, _RPT)])
                pltpu.sync_copy(buf32, outs[3].at[pl.ds(r0, _RPT)])

    return agg


def _tc_p1_dis(x2, W1bd8, dega16, degb16, dega32, degb32):

    def body(x_ref, w_ref, da16, db16, da32, db32, p_ref, d16_ref, d32_ref):
        deg16 = da16[...] + db16[...] + 1.0
        row16 = lax.broadcasted_iota(jnp.int32, (_PR16, 1), 0)
        dis16 = jnp.where(row16 < _VR16, lax.rsqrt(deg16), 0.0)
        deg32 = da32[...] + db32[...] + 1.0
        row32 = lax.broadcasted_iota(jnp.int32, (_PR, 1), 0)
        dis32 = jnp.where(row32 < _VR, lax.rsqrt(deg32), 0.0)
        p = jnp.dot(x_ref[...], w_ref[...], preferred_element_type=jnp.float32)
        p_ref[...] = p * dis16
        d16_ref[...] = dis16
        d32_ref[...] = dis32

    return pl.pallas_call(
        body,
        out_shape=[
            jax.ShapeDtypeStruct((_PR16, 128), jnp.float32),
            jax.ShapeDtypeStruct((_PR16, 128), jnp.float32),
            jax.ShapeDtypeStruct((_PR, 128), jnp.float32),
        ],
    )(x2, W1bd8, dega16, degb16, dega32, degb32)


def _tc_p2(sa, sb, p1, dis16, W2bd8, b1t8):

    def body(sa_ref, sb_ref, p_ref, d16_ref, w_ref, b_ref, out_ref):
        d = d16_ref[...]
        h = d * (sa_ref[...] + sb_ref[...] + p_ref[...]) + b_ref[...]
        h = jnp.maximum(h, 0.0) * d
        out_ref[...] = jnp.dot(h, w_ref[...],
                               preferred_element_type=jnp.float32)

    return pl.pallas_call(
        body,
        out_shape=jax.ShapeDtypeStruct((_PR16, 256), jnp.float32),
    )(sa, sb, p1, dis16, W2bd8, b1t8)


def _tc_next_p(sa, sb, p, dis, Wbd, btile, relu):

    def body(sa_ref, sb_ref, p_ref, dis_ref, w_ref, b_ref, out_ref):
        d = dis_ref[...]
        h = d * (sa_ref[...] + sb_ref[...] + p_ref[...]) + b_ref[...]
        if relu:
            h = jnp.maximum(h, 0.0)
        out_ref[...] = jnp.dot(h, w_ref[...],
                               preferred_element_type=jnp.float32) * d

    return pl.pallas_call(
        body,
        out_shape=jax.ShapeDtypeStruct((_PR, 128), jnp.float32),
    )(sa, sb, p, dis, Wbd, btile)


def _tc_head(sa, sb, p3, dis, b3t, gfeat, fc1_W, fc1_b, fc2_W, fc2_b,
             fcg_W, fcg_b, fc3_W, fc3_b, fc4_W, fc4_b, fcf_W, fcf_b):
    def body(sa_ref, sb_ref, p_ref, dis_ref, b3_ref, gf_ref,
             fc1w, fc1b, fc2w, fc2b, fcgw, fcgb, fc3w, fc3b,
             fc4w, fc4b, fcfw, fcfb, out_ref):
        d = dis_ref[...]
        h3 = d * (sa_ref[...] + sb_ref[...] + p_ref[...]) + b3_ref[...]
        row = lax.broadcasted_iota(jnp.int32, (_PR, 1), 0)
        h3 = jnp.where(row < _VR, h3, 0.0)
        cs = jnp.sum(h3, axis=0, keepdims=True)
        g = (cs[:, 0:32] + cs[:, 32:64] + cs[:, 64:96]
             + cs[:, 96:128]) * (1.0 / _N)
        g = jnp.dot(g, fc1w[...], preferred_element_type=jnp.float32) + fc1b[...]
        g = jnp.dot(g, fc2w[...], preferred_element_type=jnp.float32) + fc2b[...]
        gf = jnp.maximum(jnp.dot(gf_ref[...], fcgw[...],
                                 preferred_element_type=jnp.float32) + fcgb[...], 0.0)
        gf = jnp.maximum(jnp.dot(gf, fc3w[...],
                                 preferred_element_type=jnp.float32) + fc3b[...], 0.0)
        gf = jnp.maximum(jnp.dot(gf, fc4w[...],
                                 preferred_element_type=jnp.float32) + fc4b[...], 0.0)
        top = jnp.dot(g, fcfw[0:128, :], preferred_element_type=jnp.float32)
        bot = jnp.dot(gf, fcfw[128:384, :], preferred_element_type=jnp.float32)
        out_ref[...] = jnp.maximum(top + bot + fcfb[...], 0.0)

    return pl.pallas_call(
        body,
        out_shape=jax.ShapeDtypeStruct((512, 256), jnp.float32),
    )(sa, sb, p3, dis, b3t, gfeat, fc1_W, fc1_b, fc2_W, fc2_b,
      fcg_W, fcg_b, fc3_W, fc3_b, fc4_W, fc4_b, fcf_W, fcf_b)


def _packed(a):
    return a.reshape(_PR, 128)


def _packed16(a):
    return a.reshape(_PR16, 128)


def kernel(x, edge_index, global_features, W1, b1, W2, b2, W3, b3,
           fc1_W, fc1_b, fc2_W, fc2_b, fcg_W, fcg_b, fc3_W, fc3_b,
           fc4_W, fc4_b, fcf_W, fcf_b):
    pad_e = _EPT - (_E - (_NC * _NS - 1) * _EPT)
    pad_rows = _N + (jnp.arange(pad_e, dtype=jnp.int32) % (_NPAD - _N))
    ei = edge_index.reshape(2 * _E)
    x2 = jnp.concatenate(
        [x, jnp.zeros((_NPAD - _N, 128), jnp.float32)], axis=0
    ).reshape(_NPAD // 8, 1024)
    ones16 = jnp.ones((_TR, 16), jnp.float32)
    z16 = jnp.zeros((_RPT, 16), jnp.float32)
    z32 = jnp.zeros((_RPT, _F), jnp.float32)
    eye4 = jnp.eye(4, dtype=jnp.float32)
    W1bd8 = jnp.kron(jnp.eye(8, dtype=jnp.float32), W1)
    W2bd8 = jnp.kron(jnp.eye(8, dtype=jnp.float32), W2)
    W3bd = jnp.kron(eye4, W3)
    b1t8 = jnp.tile(b1, 8).reshape(1, 128)
    b2t = jnp.tile(b2, 4).reshape(1, 128)
    b3t = jnp.tile(b3, 4).reshape(1, 128)

    agg32 = _make_sc_agg(True, _F)
    agg16 = _make_sc_agg(True, 16)
    deg = _make_sc_agg(False, 16)
    dega16, degb16, dega32, degb32 = deg(ones16, ei, pad_rows, z16)
    p1, dis16, dis32 = _tc_p1_dis(x2, W1bd8, _packed16(dega16),
                                  _packed16(degb16), _packed(dega32),
                                  _packed(degb32))
    s1a, s1b = agg16(p1.reshape(_NPAD, 16), ei, pad_rows, z16)
    p2 = _tc_p2(_packed16(s1a), _packed16(s1b), p1, dis16,
                W2bd8, b1t8).reshape(_NPAD, _F)
    s2a, s2b = agg32(p2, ei, pad_rows, z32)
    p3 = _tc_next_p(_packed(s2a), _packed(s2b), _packed(p2), dis32,
                    W3bd, b2t, False)
    s3a, s3b = agg32(p3.reshape(_NPAD, _F), ei, pad_rows, z32)
    return _tc_head(_packed(s3a), _packed(s3b), p3, dis32, b3t,
                    global_features,
                    fc1_W, fc1_b.reshape(1, 64), fc2_W, fc2_b.reshape(1, 128),
                    fcg_W, fcg_b.reshape(1, 64), fc3_W, fc3_b.reshape(1, 128),
                    fc4_W, fc4_b.reshape(1, 256), fcf_W, fcf_b.reshape(1, 256))

# --- scband reference (transcript-rebuilt; emitter-appended) ---
"""Pipeline reference for scband-gnnmodule-14809047236638 (READ-ONLY COPY).

The authoritative reference and input builder live on the scoring server;
editing this copy changes nothing except your own understanding.
"""

import jax, jax.numpy as jnp
import numpy as np

N = 10000
E = 320000


def _add_self_loops(edge_index):
    loop = jnp.arange(N, dtype=edge_index.dtype)
    src = jnp.concatenate([edge_index[0], loop])
    dst = jnp.concatenate([edge_index[1], loop])
    return src, dst


def _gcn_conv(x, src, dst, W, b):
    deg = jnp.zeros((N,), dtype=x.dtype).at[dst].add(1.0)
    dis = jnp.where(deg > 0, jax.lax.rsqrt(jnp.maximum(deg, 1e-12)), 0.0)
    norm = dis[src] * dis[dst]
    msgs = x[src] * norm[:, None]
    agg = jax.ops.segment_sum(msgs, dst, num_segments=N)
    return agg @ W + b


def setup_inputs(seed: int = 0) -> dict:
    key = jax.random.key(seed)
    k = jax.random.split(key, 16)

    def w(i, shape, fan_in):
        return jax.random.normal(k[i], shape, dtype=jnp.float32) * (1.0 / np.sqrt(fan_in))

    inp = {}
    inp["x"] = jax.random.normal(k[0], (N, 128), dtype=jnp.float32)
    inp["edge_index"] = jax.random.randint(k[1], (2, E), 0, N, dtype=jnp.int32)
    inp["global_features"] = jax.random.normal(k[2], (512, 32), dtype=jnp.float32)
    inp["W1"] = w(3, (128, 16), 128); inp["b1"] = jnp.zeros((16,), jnp.float32)
    inp["W2"] = w(4, (16, 32), 16); inp["b2"] = jnp.zeros((32,), jnp.float32)
    inp["W3"] = w(5, (32, 32), 32); inp["b3"] = jnp.zeros((32,), jnp.float32)
    inp["fc1_W"] = w(6, (32, 64), 32); inp["fc1_b"] = jnp.zeros((64,), jnp.float32)
    inp["fc2_W"] = w(7, (64, 128), 64); inp["fc2_b"] = jnp.zeros((128,), jnp.float32)
    inp["fcg_W"] = w(8, (32, 64), 32); inp["fcg_b"] = jnp.zeros((64,), jnp.float32)
    inp["fc3_W"] = w(9, (64, 128), 64); inp["fc3_b"] = jnp.zeros((128,), jnp.float32)
    inp["fc4_W"] = w(10, (128, 256), 128); inp["fc4_b"] = jnp.zeros((256,), jnp.float32)
    inp["fcf_W"] = w(11, (384, 256), 384); inp["fcf_b"] = jnp.zeros((256,), jnp.float32)
    return inp


def reference(x, edge_index, global_features, W1, b1, W2, b2, W3, b3,
              fc1_W, fc1_b, fc2_W, fc2_b, fcg_W, fcg_b, fc3_W, fc3_b,
              fc4_W, fc4_b, fcf_W, fcf_b):
    src, dst = _add_self_loops(edge_index)
    h = _gcn_conv(x, src, dst, W1, b1)
    h = jax.nn.relu(h)
    h = _gcn_conv(h, src, dst, W2, b2)
    h = _gcn_conv(h, src, dst, W3, b3)
    g = jnp.mean(h, axis=0, keepdims=True)
    g = g @ fc1_W + fc1_b
    g = g @ fc2_W + fc2_b
    graph_features = jnp.tile(g, (global_features.shape[0], 1))
    gf = jax.nn.relu(global_features @ fcg_W + fcg_b)
    gf = jax.nn.relu(gf @ fc3_W + fc3_b)
    gf = jax.nn.relu(gf @ fc4_W + fc4_b)
    combined = jnp.concatenate([graph_features, gf], axis=1)
    out = jax.nn.relu(combined @ fcf_W + fcf_b)
    return out

if __name__ == "__main__":
    import jax
    _d = setup_inputs()
    print(jax.jit(kernel)(*tuple(_d.values())))

</pallas_src>

<mosaic_0001>
#map = affine_map<(d0, d1) -> (0, 0)>
#map1 = affine_map<(d0, d1) -> (0)>
module attributes {stable_mosaic.version = 14 : i64} {
  func.func @agg(%arg0: i32, %arg1: i32, %arg2: memref<10240x16xf32, #tpu.memory_space<hbm>>, %arg3: memref<640000xi32, #tpu.memory_space<hbm>>, %arg4: memref<7680xi32, #tpu.memory_space<hbm>>, %arg5: memref<640x16xf32, #tpu.memory_space<hbm>>, %arg6: memref<10240x16xf32, #tpu.memory_space<hbm>>, %arg7: memref<10240x16xf32, #tpu.memory_space<hbm>>, %arg8: memref<10240xi32, #tpu.memory_space<vmem>>, %arg9: memref<10240xi32, #tpu.memory_space<vmem>>, %arg10: memref<8x256x16xf32, #tpu.memory_space<vmem>>, %arg11: memref<10240x16xf32, #tpu.memory_space<vmem_shared>>, %arg12: memref<!tpu.dma_semaphore, #tpu.memory_space<semaphore_mem>>, %arg13: memref<!tpu.dma_semaphore, #tpu.memory_space<semaphore_mem>>, %arg14: memref<!tpu.dma_semaphore, #tpu.memory_space<semaphore_mem>>, %arg15: memref<!tpu.dma_semaphore, #tpu.memory_space<semaphore_mem>>, %arg16: memref<!tpu.dma_semaphore, #tpu.memory_space<semaphore_mem>>, %arg17: memref<!tpu.dma_semaphore, #tpu.memory_space<semaphore_mem>>, %arg18: memref<!tpu.dma_semaphore, #tpu.memory_space<semaphore_mem>>, %arg19: memref<!tpu.dma_semaphore, #tpu.memory_space<semaphore_mem>>, %arg20: memref<!tpu.dma_semaphore, #tpu.memory_space<semaphore_mem>>, %arg21: memref<!tpu.dma_semaphore, #tpu.memory_space<semaphore_mem>>, %arg22: memref<!tpu.dma_semaphore, #tpu.memory_space<semaphore_mem>>, %arg23: memref<!tpu.dma_semaphore, #tpu.memory_space<semaphore_mem>>, %arg24: memref<!tpu.dma_semaphore, #tpu.memory_space<semaphore_mem>>, %arg25: memref<!tpu.dma_semaphore, #tpu.memory_space<semaphore_mem>>, %arg26: memref<!tpu.dma_semaphore, #tpu.memory_space<semaphore_mem>>, %arg27: memref<!tpu.dma_semaphore, #tpu.memory_space<semaphore_mem>>) attributes {dimension_semantics = [#tpu.dimension_semantics<core_parallel>, #tpu.dimension_semantics<subcore_parallel>], iteration_bounds = array<i64: 2, 16>, scalar_prefetch = 0 : i64, scratch_operands = 20 : i64, tpu.core_type = #tpu.core_type<sc_vector_subcore>, window_params = [{transform_indices = #map}, {transform_indices = #map1}, {transform_indices = #map1}, {transform_indices = #map}, {transform_indices = #map}, {transform_indices = #map}]} {
    %mul3A = arith.constant 2 : i32
    %mul3A_0 = arith.muli %arg1, %mul3A : i32
    %add3A = arith.addi %mul3A_0, %arg0 : i32
    %mul3A_1 = arith.constant 640 : i32
    %mul3A_2 = arith.muli %arg1, %mul3A_1 : i32
    %multiple_of3A = tpu.assume_multiple %mul3A_2, 640 : i32
    "tpu.region"() ({
      %run_scoped3A = tpu.sem_alloc : memref<!tpu.dma_semaphore, #tpu.memory_space<semaphore_mem>>
      %dma_start3A_105 = arith.constant 0 : i32
      %dma_start3A_106 = tpu.memref_slice %arg11[%multiple_of3A, %dma_start3A_105] : memref<10240x16xf32, #tpu.memory_space<vmem_shared>> -> memref<640x16xf32, #tpu.memory_space<vmem_shared>>
      %dma_start3A_107 = arith.constant 0 : i32
      %dma_start3A_108 = arith.constant 0 : i32
      %dma_start3A_109 = tpu.memref_slice %arg5[%dma_start3A_107, %dma_start3A_108] : memref<640x16xf32, #tpu.memory_space<hbm>> -> memref<640x16xf32, #tpu.memory_space<hbm>>
      tpu.enqueue_dma source(%dma_start3A_109 : memref<640x16xf32, #tpu.memory_space<hbm>>) target(%dma_start3A_106 : memref<640x16xf32, #tpu.memory_space<vmem_shared>>) target_semaphore(%run_scoped3A : memref<!tpu.dma_semaphore, #tpu.memory_space<semaphore_mem>>)
      %dma_wait3A_110 = arith.constant 0 : i32
      %dma_wait3A_111 = tpu.memref_slice %arg11[%multiple_of3A, %dma_wait3A_110] : memref<10240x16xf32, #tpu.memory_space<vmem_shared>> -> memref<640x16xf32, #tpu.memory_space<vmem_shared>>
      %dma_wait3A_112 = arith.constant 0 : i32
      %dma_wait3A_113 = arith.constant 0 : i32
      %dma_wait3A_114 = tpu.memref_slice %arg5[%dma_wait3A_112, %dma_wait3A_113] : memref<640x16xf32, #tpu.memory_space<hbm>> -> memref<640x16xf32, #tpu.memory_space<hbm>>
      tpu.wait_dma2 semaphore(%run_scoped3A : memref<!tpu.dma_semaphore, #tpu.memory_space<semaphore_mem>>) src(%dma_wait3A_114 : memref<640x16xf32, #tpu.memory_space<hbm>>) dst(%dma_wait3A_111 : memref<640x16xf32, #tpu.memory_space<vmem_shared>>)
      tpu.yield
    }) : () -> ()
    %mul3A_3 = arith.constant 10240 : i32
    %mul3A_4 = arith.muli %add3A, %mul3A_3 : i32
    %multiple_of3A_5 = tpu.assume_multiple %mul3A_4, 256 : i32
    %lt3A = arith.constant 31 : i32
    %lt3A_6 = arith.cmpi slt, %add3A, %lt3A : i32
    %convert_element_type3A = arith.extui %lt3A_6 : i1 to i32
    %cond3A = arith.constant 0 : i32
    %cond3A_7 = arith.cmpi ne, %convert_element_type3A, %cond3A : i32
    scf.if %cond3A_7 {
      "tpu.region"() ({
        %run_scoped3A = tpu.sem_alloc : memref<!tpu.dma_semaphore, #tpu.memory_space<semaphore_mem>>
        %dma_start3A_107 = tpu.memref_slice %arg3[%multiple_of3A_5] : memref<640000xi32, #tpu.memory_space<hbm>> -> memref<10240xi32, #tpu.memory_space<hbm>>
        %dma_start3A_108 = tpu.memref_slice %arg3[%multiple_of3A_5] : memref<640000xi32, #tpu.memory_space<hbm>> -> memref<10240xi32, #tpu.memory_space<hbm>>
        tpu.enqueue_dma source(%dma_start3A_108 : memref<10240xi32, #tpu.memory_space<hbm>>) target(%arg8 : memref<10240xi32, #tpu.memory_space<vmem>>) target_semaphore(%run_scoped3A : memref<!tpu.dma_semaphore, #tpu.memory_space<semaphore_mem>>)
        %dma_wait3A_109 = tpu.memref_slice %arg3[%multiple_of3A_5] : memref<640000xi32, #tpu.memory_space<hbm>> -> memref<10240xi32, #tpu.memory_space<hbm>>
        %dma_wait3A_110 = tpu.memref_slice %arg3[%multiple_of3A_5] : memref<640000xi32, #tpu.memory_space<hbm>> -> memref<10240xi32, #tpu.memory_space<hbm>>
        tpu.wait_dma2 semaphore(%run_scoped3A : memref<!tpu.dma_semaphore, #tpu.memory_space<semaphore_mem>>) src(%dma_wait3A_110 : memref<10240xi32, #tpu.memory_space<hbm>>) dst(%arg8 : memref<10240xi32, #tpu.memory_space<vmem>>)
        tpu.yield
      }) : () -> ()
      %add3A_105 = arith.constant 320000 : i32
      %add3A_106 = arith.addi %add3A_105, %multiple_of3A_5 : i32
      "tpu.region"() ({
        %run_scoped3A = tpu.sem_alloc : memref<!tpu.dma_semaphore, #tpu.memory_space<semaphore_mem>>
        %dma_start3A_107 = tpu.memref_slice %arg3[%add3A_106] : memref<640000xi32, #tpu.memory_space<hbm>> -> memref<10240xi32, #tpu.memory_space<hbm>>
        %dma_start3A_108 = tpu.memref_slice %arg3[%add3A_106] : memref<640000xi32, #tpu.memory_space<hbm>> -> memref<10240xi32, #tpu.memory_space<hbm>>
        tpu.enqueue_dma source(%dma_start3A_108 : memref<10240xi32, #tpu.memory_space<hbm>>) target(%arg9 : memref<10240xi32, #tpu.memory_space<vmem>>) target_semaphore(%run_scoped3A : memref<!tpu.dma_semaphore, #tpu.memory_space<semaphore_mem>>)
        %dma_wait3A_109 = tpu.memref_slice %arg3[%add3A_106] : memref<640000xi32, #tpu.memory_space<hbm>> -> memref<10240xi32, #tpu.memory_space<hbm>>
        %dma_wait3A_110 = tpu.memref_slice %arg3[%add3A_106] : memref<640000xi32, #tpu.memory_space<hbm>> -> memref<10240xi32, #tpu.memory_space<hbm>>
        tpu.wait_dma2 semaphore(%run_scoped3A : memref<!tpu.dma_semaphore, #tpu.memory_space<semaphore_mem>>) src(%dma_wait3A_110 : memref<10240xi32, #tpu.memory_space<hbm>>) dst(%arg9 : memref<10240xi32, #tpu.memory_space<vmem>>)
        tpu.yield
      }) : () -> ()
    } else {
    }
    %eq3A = arith.constant 31 : i32
    %eq3A_8 = arith.cmpi eq, %add3A, %eq3A : i32
    %convert_element_type3A_9 = arith.extui %eq3A_8 : i1 to i32
    %cond3A_10 = arith.constant 0 : i32
    %cond3A_11 = arith.cmpi ne, %convert_element_type3A_9, %cond3A_10 : i32
    scf.if %cond3A_11 {
      "tpu.region"() ({
        %run_scoped3A = tpu.sem_alloc : memref<!tpu.dma_semaphore, #tpu.memory_space<semaphore_mem>>
        %dma_start3A_105 = arith.constant 0 : i32
        %dma_start3A_106 = tpu.memref_slice %arg8[%dma_start3A_105] : memref<10240xi32, #tpu.memory_space<vmem>> -> memref<2560xi32, #tpu.memory_space<vmem>>
        %dma_start3A_107 = arith.constant 317440 : i32
        %dma_start3A_108 = tpu.memref_slice %arg3[%dma_start3A_107] : memref<640000xi32, #tpu.memory_space<hbm>> -> memref<2560xi32, #tpu.memory_space<hbm>>
        %dma_start3A_109 = arith.constant 0 : i32
        %dma_start3A_110 = tpu.memref_slice %arg8[%dma_start3A_109] : memref<10240xi32, #tpu.memory_space<vmem>> -> memref<2560xi32, #tpu.memory_space<vmem>>
        %dma_start3A_111 = arith.constant 317440 : i32
        %dma_start3A_112 = tpu.memref_slice %arg3[%dma_start3A_111] : memref<640000xi32, #tpu.memory_space<hbm>> -> memref<2560xi32, #tpu.memory_space<hbm>>
        tpu.enqueue_dma source(%dma_start3A_112 : memref<2560xi32, #tpu.memory_space<hbm>>) target(%dma_start3A_110 : memref<2560xi32, #tpu.memory_space<vmem>>) target_semaphore(%run_scoped3A : memref<!tpu.dma_semaphore, #tpu.memory_space<semaphore_mem>>)
        %dma_wait3A_113 = arith.constant 0 : i32
        %dma_wait3A_114 = tpu.memref_slice %arg8[%dma_wait3A_113] : memref<10240xi32, #tpu.memory_space<vmem>> -> memref<2560xi32, #tpu.memory_space<vmem>>
        %dma_wait3A_115 = arith.constant 317440 : i32
        %dma_wait3A_116 = tpu.memref_slice %arg3[%dma_wait3A_115] : memref<640000xi32, #tpu.memory_space<hbm>> -> memref<2560xi32, #tpu.memory_space<hbm>>
        %dma_wait3A_117 = arith.constant 0 : i32
        %dma_wait3A_118 = tpu.memref_slice %arg8[%dma_wait3A_117] : memref<10240xi32, #tpu.memory_space<vmem>> -> memref<2560xi32, #tpu.memory_space<vmem>>
        %dma_wait3A_119 = arith.constant 317440 : i32
        %dma_wait3A_120 = tpu.memref_slice %arg3[%dma_wait3A_119] : memref<640000xi32, #tpu.memory_space<hbm>> -> memref<2560xi32, #tpu.memory_space<hbm>>
        tpu.wait_dma2 semaphore(%run_scoped3A : memref<!tpu.dma_semaphore, #tpu.memory_space<semaphore_mem>>) src(%dma_wait3A_120 : memref<2560xi32, #tpu.memory_space<hbm>>) dst(%dma_wait3A_118 : memref<2560xi32, #tpu.memory_space<vmem>>)
        tpu.yield
      }) : () -> ()
      "tpu.region"() ({
        %run_scoped3A = tpu.sem_alloc : memref<!tpu.dma_semaphore, #tpu.memory_space<semaphore_mem>>
        %dma_start3A_105 = arith.constant 2560 : i32
        %dma_start3A_106 = tpu.memref_slice %arg8[%dma_start3A_105] : memref<10240xi32, #tpu.memory_space<vmem>> -> memref<7680xi32, #tpu.memory_space<vmem>>
        %dma_start3A_107 = arith.constant 2560 : i32
        %dma_start3A_108 = tpu.memref_slice %arg8[%dma_start3A_107] : memref<10240xi32, #tpu.memory_space<vmem>> -> memref<7680xi32, #tpu.memory_space<vmem>>
        tpu.enqueue_dma source(%arg4 : memref<7680xi32, #tpu.memory_space<hbm>>) target(%dma_start3A_108 : memref<7680xi32, #tpu.memory_space<vmem>>) target_semaphore(%run_scoped3A : memref<!tpu.dma_semaphore, #tpu.memory_space<semaphore_mem>>)
        %dma_wait3A_109 = arith.constant 2560 : i32
        %dma_wait3A_110 = tpu.memref_slice %arg8[%dma_wait3A_109] : memref<10240xi32, #tpu.memory_space<vmem>> -> memref<7680xi32, #tpu.memory_space<vmem>>
        %dma_wait3A_111 = arith.constant 2560 : i32
        %dma_wait3A_112 = tpu.memref_slice %arg8[%dma_wait3A_111] : memref<10240xi32, #tpu.memory_space<vmem>> -> memref<7680xi32, #tpu.memory_space<vmem>>
        tpu.wait_dma2 semaphore(%run_scoped3A : memref<!tpu.dma_semaphore, #tpu.memory_space<semaphore_mem>>) src(%arg4 : memref<7680xi32, #tpu.memory_space<hbm>>) dst(%dma_wait3A_112 : memref<7680xi32, #tpu.memory_space<vmem>>)
        tpu.yield
      }) : () -> ()
      "tpu.region"() ({
        %run_scoped3A = tpu.sem_alloc : memref<!tpu.dma_semaphore, #tpu.memory_space<semaphore_mem>>
        %dma_start3A_105 = arith.constant 0 : i32
        %dma_start3A_106 = tpu.memref_slice %arg9[%dma_start3A_105] : memref<10240xi32, #tpu.memory_space<vmem>> -> memref<2560xi32, #tpu.memory_space<vmem>>
        %dma_start3A_107 = arith.constant 637440 : i32
        %dma_start3A_108 = tpu.memref_slice %arg3[%dma_start3A_107] : memref<640000xi32, #tpu.memory_space<hbm>> -> memref<2560xi32, #tpu.memory_space<hbm>>
        %dma_start3A_109 = arith.constant 0 : i32
        %dma_start3A_110 = tpu.memref_slice %arg9[%dma_start3A_109] : memref<10240xi32, #tpu.memory_space<vmem>> -> memref<2560xi32, #tpu.memory_space<vmem>>
        %dma_start3A_111 = arith.constant 637440 : i32
        %dma_start3A_112 = tpu.memref_slice %arg3[%dma_start3A_111] : memref<640000xi32, #tpu.memory_space<hbm>> -> memref<2560xi32, #tpu.memory_space<hbm>>
        tpu.enqueue_dma source(%dma_start3A_112 : memref<2560xi32, #tpu.memory_space<hbm>>) target(%dma_start3A_110 : memref<2560xi32, #tpu.memory_space<vmem>>) target_semaphore(%run_scoped3A : memref<!tpu.dma_semaphore, #tpu.memory_space<semaphore_mem>>)
        %dma_wait3A_113 = arith.constant 0 : i32
        %dma_wait3A_114 = tpu.memref_slice %arg9[%dma_wait3A_113] : memref<10240xi32, #tpu.memory_space<vmem>> -> memref<2560xi32, #tpu.memory_space<vmem>>
        %dma_wait3A_115 = arith.constant 637440 : i32
        %dma_wait3A_116 = tpu.memref_slice %arg3[%dma_wait3A_115] : memref<640000xi32, #tpu.memory_space<hbm>> -> memref<2560xi32, #tpu.memory_space<hbm>>
        %dma_wait3A_117 = arith.constant 0 : i32
        %dma_wait3A_118 = tpu.memref_slice %arg9[%dma_wait3A_117] : memref<10240xi32, #tpu.memory_space<vmem>> -> memref<2560xi32, #tpu.memory_space<vmem>>
        %dma_wait3A_119 = arith.constant 637440 : i32
        %dma_wait3A_120 = tpu.memref_slice %arg3[%dma_wait3A_119] : memref<640000xi32, #tpu.memory_space<hbm>> -> memref<2560xi32, #tpu.memory_space<hbm>>
        tpu.wait_dma2 semaphore(%run_scoped3A : memref<!tpu.dma_semaphore, #tpu.memory_space<semaphore_mem>>) src(%dma_wait3A_120 : memref<2560xi32, #tpu.memory_space<hbm>>) dst(%dma_wait3A_118 : memref<2560xi32, #tpu.memory_space<vmem>>)
        tpu.yield
      }) : () -> ()
      "tpu.region"() ({
        %run_scoped3A = tpu.sem_alloc : memref<!tpu.dma_semaphore, #tpu.memory_space<semaphore_mem>>
        %dma_start3A_105 = arith.constant 2560 : i32
        %dma_start3A_106 = tpu.memref_slice %arg9[%dma_start3A_105] : memref<10240xi32, #tpu.memory_space<vmem>> -> memref<7680xi32, #tpu.memory_space<vmem>>
        %dma_start3A_107 = arith.constant 2560 : i32
        %dma_start3A_108 = tpu.memref_slice %arg9[%dma_start3A_107] : memref<10240xi32, #tpu.memory_space<vmem>> -> memref<7680xi32, #tpu.memory_space<vmem>>
        tpu.enqueue_dma source(%arg4 : memref<7680xi32, #tpu.memory_space<hbm>>) target(%dma_start3A_108 : memref<7680xi32, #tpu.memory_space<vmem>>) target_semaphore(%run_scoped3A : memref<!tpu.dma_semaphore, #tpu.memory_space<semaphore_mem>>)
        %dma_wait3A_109 = arith.constant 2560 : i32
        %dma_wait3A_110 = tpu.memref_slice %arg9[%dma_wait3A_109] : memref<10240xi32, #tpu.memory_space<vmem>> -> memref<7680xi32, #tpu.memory_space<vmem>>
        %dma_wait3A_111 = arith.constant 2560 : i32
        %dma_wait3A_112 = tpu.memref_slice %arg9[%dma_wait3A_111] : memref<10240xi32, #tpu.memory_space<vmem>> -> memref<7680xi32, #tpu.memory_space<vmem>>
        tpu.wait_dma2 semaphore(%run_scoped3A : memref<!tpu.dma_semaphore, #tpu.memory_space<semaphore_mem>>) src(%arg4 : memref<7680xi32, #tpu.memory_space<hbm>>) dst(%dma_wait3A_112 : memref<7680xi32, #tpu.memory_space<vmem>>)
        tpu.yield
      }) : () -> ()
    } else {
    }
    %barrier3A = arith.constant 0 : index
    tpu.barrier barrier_id(%barrier3A)
    %dma_start3A = arith.constant 0 : i32
    %dma_start3A_12 = arith.constant 0 : i32
    %dma_start3A_13 = arith.constant 0 : i32
    %dma_start3A_14 = tpu.memref_slice %arg10[%dma_start3A, %dma_start3A_12, %dma_start3A_13] : memref<8x256x16xf32, #tpu.memory_space<vmem>> -> memref<1x256x16xf32, #tpu.memory_space<vmem>>
    %dma_start3A_15 = tpu.memref_squeeze %dma_start3A_14 : memref<1x256x16xf32, #tpu.memory_space<vmem>> -> memref<256x16xf32, #tpu.memory_space<vmem>>
    %dma_start3A_16 = arith.constant 0 : i32
    %dma_start3A_17 = tpu.memref_slice %arg8[%dma_start3A_16] : memref<10240xi32, #tpu.memory_space<vmem>> -> memref<256xi32, #tpu.memory_space<vmem>>
    %dma_start3A_18 = arith.constant 0 : i32
    %dma_start3A_19 = arith.constant 0 : i32
    %dma_start3A_20 = tpu.memref_slice %arg2[%dma_start3A_18, %dma_start3A_19] : memref<10240x16xf32, #tpu.memory_space<hbm>> -> memref<10240x16xf32, #tpu.memory_space<hbm>>
    tpu.enqueue_indirect_dma source(%dma_start3A_20 : memref<10240x16xf32, #tpu.memory_space<hbm>>) target(%dma_start3A_15 : memref<256x16xf32, #tpu.memory_space<vmem>>) offsets(%dma_start3A_17 : memref<256xi32, #tpu.memory_space<vmem>>) semaphore(%arg12 : memref<!tpu.dma_semaphore, #tpu.memory_space<semaphore_mem>>)
    %dma_start3A_21 = arith.constant 1 : i32
    %dma_start3A_22 = arith.constant 0 : i32
    %dma_start3A_23 = arith.constant 0 : i32
    %dma_start3A_24 = tpu.memref_slice %arg10[%dma_start3A_21, %dma_start3A_22, %dma_start3A_23] : memref<8x256x16xf32, #tpu.memory_space<vmem>> -> memref<1x256x16xf32, #tpu.memory_space<vmem>>
    %dma_start3A_25 = tpu.memref_squeeze %dma_start3A_24 : memref<1x256x16xf32, #tpu.memory_space<vmem>> -> memref<256x16xf32, #tpu.memory_space<vmem>>
    %dma_start3A_26 = arith.constant 256 : i32
    %dma_start3A_27 = tpu.memref_slice %arg8[%dma_start3A_26] : memref<10240xi32, #tpu.memory_space<vmem>> -> memref<256xi32, #tpu.memory_space<vmem>>
    %dma_start3A_28 = arith.constant 0 : i32
    %dma_start3A_29 = arith.constant 0 : i32
    %dma_start3A_30 = tpu.memref_slice %arg2[%dma_start3A_28, %dma_start3A_29] : memref<10240x16xf32, #tpu.memory_space<hbm>> -> memref<10240x16xf32, #tpu.memory_space<hbm>>
    tpu.enqueue_indirect_dma source(%dma_start3A_30 : memref<10240x16xf32, #tpu.memory_space<hbm>>) target(%dma_start3A_25 : memref<256x16xf32, #tpu.memory_space<vmem>>) offsets(%dma_start3A_27 : memref<256xi32, #tpu.memory_space<vmem>>) semaphore(%arg13 : memref<!tpu.dma_semaphore, #tpu.memory_space<semaphore_mem>>)
    %dma_start3A_31 = arith.constant 2 : i32
    %dma_start3A_32 = arith.constant 0 : i32
    %dma_start3A_33 = arith.constant 0 : i32
    %dma_start3A_34 = tpu.memref_slice %arg10[%dma_start3A_31, %dma_start3A_32, %dma_start3A_33] : memref<8x256x16xf32, #tpu.memory_space<vmem>> -> memref<1x256x16xf32, #tpu.memory_space<vmem>>
    %dma_start3A_35 = tpu.memref_squeeze %dma_start3A_34 : memref<1x256x16xf32, #tpu.memory_space<vmem>> -> memref<256x16xf32, #tpu.memory_space<vmem>>
    %dma_start3A_36 = arith.constant 512 : i32
    %dma_start3A_37 = tpu.memref_slice %arg8[%dma_start3A_36] : memref<10240xi32, #tpu.memory_space<vmem>> -> memref<256xi32, #tpu.memory_space<vmem>>
    %dma_start3A_38 = arith.constant 0 : i32
    %dma_start3A_39 = arith.constant 0 : i32
    %dma_start3A_40 = tpu.memref_slice %arg2[%dma_start3A_38, %dma_start3A_39] : memref<10240x16xf32, #tpu.memory_space<hbm>> -> memref<10240x16xf32, #tpu.memory_space<hbm>>
    tpu.enqueue_indirect_dma source(%dma_start3A_40 : memref<10240x16xf32, #tpu.memory_space<hbm>>) target(%dma_start3A_35 : memref<256x16xf32, #tpu.memory_space<vmem>>) offsets(%dma_start3A_37 : memref<256xi32, #tpu.memory_space<vmem>>) semaphore(%arg14 : memref<!tpu.dma_semaphore, #tpu.memory_space<semaphore_mem>>)
    %dma_start3A_41 = arith.constant 3 : i32
    %dma_start3A_42 = arith.constant 0 : i32
    %dma_start3A_43 = arith.constant 0 : i32
    %dma_start3A_44 = tpu.memref_slice %arg10[%dma_start3A_41, %dma_start3A_42, %dma_start3A_43] : memref<8x256x16xf32, #tpu.memory_space<vmem>> -> memref<1x256x16xf32, #tpu.memory_space<vmem>>
    %dma_start3A_45 = tpu.memref_squeeze %dma_start3A_44 : memref<1x256x16xf32, #tpu.memory_space<vmem>> -> memref<256x16xf32, #tpu.memory_space<vmem>>
    %dma_start3A_46 = arith.constant 768 : i32
    %dma_start3A_47 = tpu.memref_slice %arg8[%dma_start3A_46] : memref<10240xi32, #tpu.memory_space<vmem>> -> memref<256xi32, #tpu.memory_space<vmem>>
    %dma_start3A_48 = arith.constant 0 : i32
    %dma_start3A_49 = arith.constant 0 : i32
    %dma_start3A_50 = tpu.memref_slice %arg2[%dma_start3A_48, %dma_start3A_49] : memref<10240x16xf32, #tpu.memory_space<hbm>> -> memref<10240x16xf32, #tpu.memory_space<hbm>>
    tpu.enqueue_indirect_dma source(%dma_start3A_50 : memref<10240x16xf32, #tpu.memory_space<hbm>>) target(%dma_start3A_45 : memref<256x16xf32, #tpu.memory_space<vmem>>) offsets(%dma_start3A_47 : memref<256xi32, #tpu.memory_space<vmem>>) semaphore(%arg15 : memref<!tpu.dma_semaphore, #tpu.memory_space<semaphore_mem>>)
    %scan3A = arith.constant 0 : i32
    %scan3A_51 = arith.constant 5 : i32
    %scan3A_52 = arith.addi %scan3A, %scan3A_51 : i32
    %scan3A_53 = arith.constant 1 : i32
    scf.for %scan3A_105 = %scan3A to %scan3A_52 step %scan3A_53  : i32 {
      %mul3A_106 = arith.constant 8 : i32
      %mul3A_107 = arith.muli %mul3A_106, %scan3A_105 : i32
      %dma_wait3A_108 = arith.constant 0 : i32
      %dma_wait3A_109 = arith.constant 0 : i32
      %dma_wait3A_110 = arith.constant 0 : i32
      %dma_wait3A_111 = tpu.memref_slice %arg10[%dma_wait3A_108, %dma_wait3A_109, %dma_wait3A_110] : memref<8x256x16xf32, #tpu.memory_space<vmem>> -> memref<1x256x16xf32, #tpu.memory_space<vmem>>
      %dma_wait3A_112 = tpu.memref_squeeze %dma_wait3A_111 : memref<1x256x16xf32, #tpu.memory_space<vmem>> -> memref<256x16xf32, #tpu.memory_space<vmem>>
      %dma_wait3A_113 = arith.constant 0 : i32
      %dma_wait3A_114 = tpu.memref_slice %arg8[%dma_wait3A_113] : memref<10240xi32, #tpu.memory_space<vmem>> -> memref<256xi32, #tpu.memory_space<vmem>>
      %dma_wait3A_115 = arith.constant 0 : i32
      %dma_wait3A_116 = arith.constant 0 : i32
      %dma_wait3A_117 = tpu.memref_slice %arg2[%dma_wait3A_115, %dma_wait3A_116] : memref<10240x16xf32, #tpu.memory_space<hbm>> -> memref<10240x16xf32, #tpu.memory_space<hbm>>
      tpu.wait_indirect_dma semaphore(%arg12 : memref<!tpu.dma_semaphore, #tpu.memory_space<semaphore_mem>>) src(%dma_wait3A_117 : memref<10240x16xf32, #tpu.memory_space<hbm>>) dst(%dma_wait3A_112 : memref<256x16xf32, #tpu.memory_space<vmem>>)
      %add3A_118 = arith.constant 0 : i32
      %add3A_119 = arith.addi %mul3A_107, %add3A_118 : i32
      %mul3A_120 = arith.constant 256 : i32
      %mul3A_121 = arith.muli %add3A_119, %mul3A_120 : i32
      %dma_start3A_122 = arith.constant 0 : i32
      %dma_start3A_123 = arith.constant 0 : i32
      %dma_start3A_124 = arith.constant 0 : i32
      %dma_start3A_125 = tpu.memref_slice %arg10[%dma_start3A_122, %dma_start3A_123, %dma_start3A_124] : memref<8x256x16xf32, #tpu.memory_space<vmem>> -> memref<1x256x16xf32, #tpu.memory_space<vmem>>
      %dma_start3A_126 = tpu.memref_squeeze %dma_start3A_125 : memref<1x256x16xf32, #tpu.memory_space<vmem>> -> memref<256x16xf32, #tpu.memory_space<vmem>>
      %dma_start3A_127 = tpu.memref_slice %arg9[%mul3A_121] : memref<10240xi32, #tpu.memory_space<vmem>> -> memref<256xi32, #tpu.memory_space<vmem>>
      %dma_start3A_128 = arith.constant 0 : i32
      %dma_start3A_129 = arith.constant 0 : i32
      %dma_start3A_130 = tpu.memref_slice %arg11[%dma_start3A_128, %dma_start3A_129] : memref<10240x16xf32, #tpu.memory_space<vmem_shared>> -> memref<10240x16xf32, #tpu.memory_space<vmem_shared>>
      tpu.enqueue_indirect_dma source(%dma_start3A_126 : memref<256x16xf32, #tpu.memory_space<vmem>>) target(%dma_start3A_130 : memref<10240x16xf32, #tpu.memory_space<vmem_shared>>) offsets(%dma_start3A_127 : memref<256xi32, #tpu.memory_space<vmem>>) semaphore(%arg20 : memref<!tpu.dma_semaphore, #tpu.memory_space<semaphore_mem>>) {add = true}
      %gt3A = arith.constant 0 : i32
      %gt3A_131 = arith.cmpi sgt, %scan3A_105, %gt3A : i32
      %convert_element_type3A_132 = arith.extui %gt3A_131 : i1 to i32
      %cond3A_133 = arith.constant 0 : i32
      %cond3A_134 = arith.cmpi ne, %convert_element_type3A_132, %cond3A_133 : i32
      scf.if %cond3A_134 {
        %dma_wait3A_431 = arith.constant 4 : i32
        %dma_wait3A_432 = arith.constant 0 : i32
        %dma_wait3A_433 = arith.constant 0 : i32
        %dma_wait3A_434 = tpu.memref_slice %arg10[%dma_wait3A_431, %dma_wait3A_432, %dma_wait3A_433] : memref<8x256x16xf32, #tpu.memory_space<vmem>> -> memref<1x256x16xf32, #tpu.memory_space<vmem>>
        %dma_wait3A_435 = tpu.memref_squeeze %dma_wait3A_434 : memref<1x256x16xf32, #tpu.memory_space<vmem>> -> memref<256x16xf32, #tpu.memory_space<vmem>>
        %dma_wait3A_436 = arith.constant 0 : i32
        %dma_wait3A_437 = tpu.memref_slice %arg9[%dma_wait3A_436] : memref<10240xi32, #tpu.memory_space<vmem>> -> memref<256xi32, #tpu.memory_space<vmem>>
        %dma_wait3A_438 = arith.constant 0 : i32
        %dma_wait3A_439 = arith.constant 0 : i32
        %dma_wait3A_440 = tpu.memref_slice %arg11[%dma_wait3A_438, %dma_wait3A_439] : memref<10240x16xf32, #tpu.memory_space<vmem_shared>> -> memref<10240x16xf32, #tpu.memory_space<vmem_shared>>
        tpu.wait_indirect_dma semaphore(%arg24 : memref<!tpu.dma_semaphore, #tpu.memory_space<semaphore_mem>>) src(%dma_wait3A_435 : memref<256x16xf32, #tpu.memory_space<vmem>>) dst(%dma_wait3A_440 : memref<10240x16xf32, #tpu.memory_space<vmem_shared>>)
      } else {
      }
      %add3A_135 = arith.constant 0 : i32
      %add3A_136 = arith.addi %mul3A_107, %add3A_135 : i32
      %add3A_137 = arith.constant 4 : i32
      %add3A_138 = arith.addi %add3A_136, %add3A_137 : i32
      %mul3A_139 = arith.constant 256 : i32
      %mul3A_140 = arith.muli %add3A_138, %mul3A_139 : i32
      %dma_start3A_141 = arith.constant 4 : i32
      %dma_start3A_142 = arith.constant 0 : i32
      %dma_start3A_143 = arith.constant 0 : i32
      %dma_start3A_144 = tpu.memref_slice %arg10[%dma_start3A_141, %dma_start3A_142, %dma_start3A_143] : memref<8x256x16xf32, #tpu.memory_space<vmem>> -> memref<1x256x16xf32, #tpu.memory_space<vmem>>
      %dma_start3A_145 = tpu.memref_squeeze %dma_start3A_144 : memref<1x256x16xf32, #tpu.memory_space<vmem>> -> memref<256x16xf32, #tpu.memory_space<vmem>>
      %dma_start3A_146 = tpu.memref_slice %arg8[%mul3A_140] : memref<10240xi32, #tpu.memory_space<vmem>> -> memref<256xi32, #tpu.memory_space<vmem>>
      %dma_start3A_147 = arith.constant 0 : i32
      %dma_start3A_148 = arith.constant 0 : i32
      %dma_start3A_149 = tpu.memref_slice %arg2[%dma_start3A_147, %dma_start3A_148] : memref<10240x16xf32, #tpu.memory_space<hbm>> -> memref<10240x16xf32, #tpu.memory_space<hbm>>
      tpu.enqueue_indirect_dma source(%dma_start3A_149 : memref<10240x16xf32, #tpu.memory_space<hbm>>) target(%dma_start3A_145 : memref<256x16xf32, #tpu.memory_space<vmem>>) offsets(%dma_start3A_146 : memref<256xi32, #tpu.memory_space<vmem>>) semaphore(%arg16 : memref<!tpu.dma_semaphore, #tpu.memory_space<semaphore_mem>>)
      %dma_wait3A_150 = arith.constant 1 : i32
      %dma_wait3A_151 = arith.constant 0 : i32
      %dma_wait3A_152 = arith.constant 0 : i32
      %dma_wait3A_153 = tpu.memref_slice %arg10[%dma_wait3A_150, %dma_wait3A_151, %dma_wait3A_152] : memref<8x256x16xf32, #tpu.memory_space<vmem>> -> memref<1x256x16xf32, #tpu.memory_space<vmem>>
      %dma_wait3A_154 = tpu.memref_squeeze %dma_wait3A_153 : memref<1x256x16xf32, #tpu.memory_space<vmem>> -> memref<256x16xf32, #tpu.memory_space<vmem>>
      %dma_wait3A_155 = arith.constant 0 : i32
      %dma_wait3A_156 = tpu.memref_slice %arg8[%dma_wait3A_155] : memref<10240xi32, #tpu.memory_space<vmem>> -> memref<256xi32, #tpu.memory_space<vmem>>
      %dma_wait3A_157 = arith.constant 0 : i32
      %dma_wait3A_158 = arith.constant 0 : i32
      %dma_wait3A_159 = tpu.memref_slice %arg2[%dma_wait3A_157, %dma_wait3A_158] : memref<10240x16xf32, #tpu.memory_space<hbm>> -> memref<10240x16xf32, #tpu.memory_space<hbm>>
      tpu.wait_indirect_dma semaphore(%arg13 : memref<!tpu.dma_semaphore, #tpu.memory_space<semaphore_mem>>) src(%dma_wait3A_159 : memref<10240x16xf32, #tpu.memory_space<hbm>>) dst(%dma_wait3A_154 : memref<256x16xf32, #tpu.memory_space<vmem>>)
      %add3A_160 = arith.constant 1 : i32
      %add3A_161 = arith.addi %mul3A_107, %add3A_160 : i32
      %mul3A_162 = arith.constant 256 : i32
      %mul3A_163 = arith.muli %add3A_161, %mul3A_162 : i32
      %dma_start3A_164 = arith.constant 1 : i32
      %dma_start3A_165 = arith.constant 0 : i32
      %dma_start3A_166 = arith.constant 0 : i32
      %dma_start3A_167 = tpu.memref_slice %arg10[%dma_start3A_164, %dma_start3A_165, %dma_start3A_166] : memref<8x256x16xf32, #tpu.memory_space<vmem>> -> memref<1x256x16xf32, #tpu.memory_space<vmem>>
      %dma_start3A_168 = tpu.memref_squeeze %dma_start3A_167 : memref<1x256x16xf32, #tpu.memory_space<vmem>> -> memref<256x16xf32, #tpu.memory_space<vmem>>
      %dma_start3A_169 = tpu.memref_slice %arg9[%mul3A_163] : memref<10240xi32, #tpu.memory_space<vmem>> -> memref<256xi32, #tpu.memory_space<vmem>>
      %dma_start3A_170 = arith.constant 0 : i32
      %dma_start3A_171 = arith.constant 0 : i32
      %dma_start3A_172 = tpu.memref_slice %arg11[%dma_start3A_170, %dma_start3A_171] : memref<10240x16xf32, #tpu.memory_space<vmem_shared>> -> memref<10240x16xf32, #tpu.memory_space<vmem_shared>>
      tpu.enqueue_indirect_dma source(%dma_start3A_168 : memref<256x16xf32, #tpu.memory_space<vmem>>) target(%dma_start3A_172 : memref<10240x16xf32, #tpu.memory_space<vmem_shared>>) offsets(%dma_start3A_169 : memref<256xi32, #tpu.memory_space<vmem>>) semaphore(%arg21 : memref<!tpu.dma_semaphore, #tpu.memory_space<semaphore_mem>>) {add = true}
      %gt3A_173 = arith.constant 0 : i32
      %gt3A_174 = arith.cmpi sgt, %scan3A_105, %gt3A_173 : i32
      %convert_element_type3A_175 = arith.extui %gt3A_174 : i1 to i32
      %cond3A_176 = arith.constant 0 : i32
      %cond3A_177 = arith.cmpi ne, %convert_element_type3A_175, %cond3A_176 : i32
      scf.if %cond3A_177 {
        %dma_wait3A_431 = arith.constant 5 : i32
        %dma_wait3A_432 = arith.constant 0 : i32
        %dma_wait3A_433 = arith.constant 0 : i32
        %dma_wait3A_434 = tpu.memref_slice %arg10[%dma_wait3A_431, %dma_wait3A_432, %dma_wait3A_433] : memref<8x256x16xf32, #tpu.memory_space<vmem>> -> memref<1x256x16xf32, #tpu.memory_space<vmem>>
        %dma_wait3A_435 = tpu.memref_squeeze %dma_wait3A_434 : memref<1x256x16xf32, #tpu.memory_space<vmem>> -> memref<256x16xf32, #tpu.memory_space<vmem>>
        %dma_wait3A_436 = arith.constant 0 : i32
        %dma_wait3A_437 = tpu.memref_slice %arg9[%dma_wait3A_436] : memref<10240xi32, #tpu.memory_space<vmem>> -> memref<256xi32, #tpu.memory_space<vmem>>
        %dma_wait3A_438 = arith.constant 0 : i32
        %dma_wait3A_439 = arith.constant 0 : i32
        %dma_wait3A_440 = tpu.memref_slice %arg11[%dma_wait3A_438, %dma_wait3A_439] : memref<10240x16xf32, #tpu.memory_space<vmem_shared>> -> memref<10240x16xf32, #tpu.memory_space<vmem_shared>>
        tpu.wait_indirect_dma semaphore(%arg25 : memref<!tpu.dma_semaphore, #tpu.memory_space<semaphore_mem>>) src(%dma_wait3A_435 : memref<256x16xf32, #tpu.memory_space<vmem>>) dst(%dma_wait3A_440 : memref<10240x16xf32, #tpu.memory_space<vmem_shared>>)
      } else {
      }
      %add3A_178 = arith.constant 1 : i32
      %add3A_179 = arith.addi %mul3A_107, %add3A_178 : i32
      %add3A_180 = arith.constant 4 : i32
      %add3A_181 = arith.addi %add3A_179, %add3A_180 : i32
      %mul3A_182 = arith.constant 256 : i32
      %mul3A_183 = arith.muli %add3A_181, %mul3A_182 : i32
      %dma_start3A_184 = arith.constant 5 : i32
      %dma_start3A_185 = arith.constant 0 : i32
      %dma_start3A_186 = arith.constant 0 : i32
      %dma_start3A_187 = tpu.memref_slice %arg10[%dma_start3A_184, %dma_start3A_185, %dma_start3A_186] : memref<8x256x16xf32, #tpu.memory_space<vmem>> -> memref<1x256x16xf32, #tpu.memory_space<vmem>>
      %dma_start3A_188 = tpu.memref_squeeze %dma_start3A_187 : memref<1x256x16xf32, #tpu.memory_space<vmem>> -> memref<256x16xf32, #tpu.memory_space<vmem>>
      %dma_start3A_189 = tpu.memref_slice %arg8[%mul3A_183] : memref<10240xi32, #tpu.memory_space<vmem>> -> memref<256xi32, #tpu.memory_space<vmem>>
      %dma_start3A_190 = arith.constant 0 : i32
      %dma_start3A_191 = arith.constant 0 : i32
      %dma_start3A_192 = tpu.memref_slice %arg2[%dma_start3A_190, %dma_start3A_191] : memref<10240x16xf32, #tpu.memory_space<hbm>> -> memref<10240x16xf32, #tpu.memory_space<hbm>>
      tpu.enqueue_indirect_dma source(%dma_start3A_192 : memref<10240x16xf32, #tpu.memory_space<hbm>>) target(%dma_start3A_188 : memref<256x16xf32, #tpu.memory_space<vmem>>) offsets(%dma_start3A_189 : memref<256xi32, #tpu.memory_space<vmem>>) semaphore(%arg17 : memref<!tpu.dma_semaphore, #tpu.memory_space<semaphore_mem>>)
      %dma_wait3A_193 = arith.constant 2 : i32
      %dma_wait3A_194 = arith.constant 0 : i32
      %dma_wait3A_195 = arith.constant 0 : i32
      %dma_wait3A_196 = tpu.memref_slice %arg10[%dma_wait3A_193, %dma_wait3A_194, %dma_wait3A_195] : memref<8x256x16xf32, #tpu.memory_space<vmem>> -> memref<1x256x16xf32, #tpu.memory_space<vmem>>
      %dma_wait3A_197 = tpu.memref_squeeze %dma_wait3A_196 : memref<1x256x16xf32, #tpu.memory_space<vmem>> -> memref<256x16xf32, #tpu.memory_space<vmem>>
      %dma_wait3A_198 = arith.constant 0 : i32
      %dma_wait3A_199 = tpu.memref_slice %arg8[%dma_wait3A_198] : memref<10240xi32, #tpu.memory_space<vmem>> -> memref<256xi32, #tpu.memory_space<vmem>>
      %dma_wait3A_200 = arith.constant 0 : i32
      %dma_wait3A_201 = arith.constant 0 : i32
      %dma_wait3A_202 = tpu.memref_slice %arg2[%dma_wait3A_200, %dma_wait3A_201] : memref<10240x16xf32, #tpu.memory_space<hbm>> -> memref<10240x16xf32, #tpu.memory_space<hbm>>
      tpu.wait_indirect_dma semaphore(%arg14 : memref<!tpu.dma_semaphore, #tpu.memory_space<semaphore_mem>>) src(%dma_wait3A_202 : memref<10240x16xf32, #tpu.memory_space<hbm>>) dst(%dma_wait3A_197 : memref<256x16xf32, #tpu.memory_space<vmem>>)
      %add3A_203 = arith.constant 2 : i32
      %add3A_204 = arith.addi %mul3A_107, %add3A_203 : i32
      %mul3A_205 = arith.constant 256 : i32
      %mul3A_206 = arith.muli %add3A_204, %mul3A_205 : i32
      %dma_start3A_207 = arith.constant 2 : i32
      %dma_start3A_208 = arith.constant 0 : i32
      %dma_start3A_209 = arith.constant 0 : i32
      %dma_start3A_210 = tpu.memref_slice %arg10[%dma_start3A_207, %dma_start3A_208, %dma_start3A_209] : memref<8x256x16xf32, #tpu.memory_space<vmem>> -> memref<1x256x16xf32, #tpu.memory_space<vmem>>
      %dma_start3A_211 = tpu.memref_squeeze %dma_start3A_210 : memref<1x256x16xf32, #tpu.memory_space<vmem>> -> memref<256x16xf32, #tpu.memory_space<vmem>>
      %dma_start3A_212 = tpu.memref_slice %arg9[%mul3A_206] : memref<10240xi32, #tpu.memory_space<vmem>> -> memref<256xi32, #tpu.memory_space<vmem>>
      %dma_start3A_213 = arith.constant 0 : i32
      %dma_start3A_214 = arith.constant 0 : i32
      %dma_start3A_215 = tpu.memref_slice %arg11[%dma_start3A_213, %dma_start3A_214] : memref<10240x16xf32, #tpu.memory_space<vmem_shared>> -> memref<10240x16xf32, #tpu.memory_space<vmem_shared>>
      tpu.enqueue_indirect_dma source(%dma_start3A_211 : memref<256x16xf32, #tpu.memory_space<vmem>>) target(%dma_start3A_215 : memref<10240x16xf32, #tpu.memory_space<vmem_shared>>) offsets(%dma_start3A_212 : memref<256xi32, #tpu.memory_space<vmem>>) semaphore(%arg22 : memref<!tpu.dma_semaphore, #tpu.memory_space<semaphore_mem>>) {add = true}
      %gt3A_216 = arith.constant 0 : i32
      %gt3A_217 = arith.cmpi sgt, %scan3A_105, %gt3A_216 : i32
      %convert_element_type3A_218 = arith.extui %gt3A_217 : i1 to i32
      %cond3A_219 = arith.constant 0 : i32
      %cond3A_220 = arith.cmpi ne, %convert_element_type3A_218, %cond3A_219 : i32
      scf.if %cond3A_220 {
        %dma_wait3A_431 = arith.constant 6 : i32
        %dma_wait3A_432 = arith.constant 0 : i32
        %dma_wait3A_433 = arith.constant 0 : i32
        %dma_wait3A_434 = tpu.memref_slice %arg10[%dma_wait3A_431, %dma_wait3A_432, %dma_wait3A_433] : memref<8x256x16xf32, #tpu.memory_space<vmem>> -> memref<1x256x16xf32, #tpu.memory_space<vmem>>
        %dma_wait3A_435 = tpu.memref_squeeze %dma_wait3A_434 : memref<1x256x16xf32, #tpu.memory_space<vmem>> -> memref<256x16xf32, #tpu.memory_space<vmem>>
        %dma_wait3A_436 = arith.constant 0 : i32
        %dma_wait3A_437 = tpu.memref_slice %arg9[%dma_wait3A_436] : memref<10240xi32, #tpu.memory_space<vmem>> -> memref<256xi32, #tpu.memory_space<vmem>>
        %dma_wait3A_438 = arith.constant 0 : i32
        %dma_wait3A_439 = arith.constant 0 : i32
        %dma_wait3A_440 = tpu.memref_slice %arg11[%dma_wait3A_438, %dma_wait3A_439] : memref<10240x16xf32, #tpu.memory_space<vmem_shared>> -> memref<10240x16xf32, #tpu.memory_space<vmem_shared>>
        tpu.wait_indirect_dma semaphore(%arg26 : memref<!tpu.dma_semaphore, #tpu.memory_space<semaphore_mem>>) src(%dma_wait3A_435 : memref<256x16xf32, #tpu.memory_space<vmem>>) dst(%dma_wait3A_440 : memref<10240x16xf32, #tpu.memory_space<vmem_shared>>)
      } else {
      }
      %add3A_221 = arith.constant 2 : i32
      %add3A_222 = arith.addi %mul3A_107, %add3A_221 : i32
      %add3A_223 = arith.constant 4 : i32
      %add3A_224 = arith.addi %add3A_222, %add3A_223 : i32
      %mul3A_225 = arith.constant 256 : i32
      %mul3A_226 = arith.muli %add3A_224, %mul3A_225 : i32
      %dma_start3A_227 = arith.constant 6 : i32
      %dma_start3A_228 = arith.constant 0 : i32
      %dma_start3A_229 = arith.constant 0 : i32
      %dma_start3A_230 = tpu.memref_slice %arg10[%dma_start3A_227, %dma_start3A_228, %dma_start3A_229] : memref<8x256x16xf32, #tpu.memory_space<vmem>> -> memref<1x256x16xf32, #tpu.memory_space<vmem>>
      %dma_start3A_231 = tpu.memref_squeeze %dma_start3A_230 : memref<1x256x16xf32, #tpu.memory_space<vmem>> -> memref<256x16xf32, #tpu.memory_space<vmem>>
      %dma_start3A_232 = tpu.memref_slice %arg8[%mul3A_226] : memref<10240xi32, #tpu.memory_space<vmem>> -> memref<256xi32, #tpu.memory_space<vmem>>
      %dma_start3A_233 = arith.constant 0 : i32
      %dma_start3A_234 = arith.constant 0 : i32
      %dma_start3A_235 = tpu.memref_slice %arg2[%dma_start3A_233, %dma_start3A_234] : memref<10240x16xf32, #tpu.memory_space<hbm>> -> memref<10240x16xf32, #tpu.memory_space<hbm>>
      tpu.enqueue_indirect_dma source(%dma_start3A_235 : memref<10240x16xf32, #tpu.memory_space<hbm>>) target(%dma_start3A_231 : memref<256x16xf32, #tpu.memory_space<vmem>>) offsets(%dma_start3A_232 : memref<256xi32, #tpu.memory_space<vmem>>) semaphore(%arg18 : memref<!tpu.dma_semaphore, #tpu.memory_space<semaphore_mem>>)
      %dma_wait3A_236 = arith.constant 3 : i32
      %dma_wait3A_237 = arith.constant 0 : i32
      %dma_wait3A_238 = arith.constant 0 : i32
      %dma_wait3A_239 = tpu.memref_slice %arg10[%dma_wait3A_236, %dma_wait3A_237, %dma_wait3A_238] : memref<8x256x16xf32, #tpu.memory_space<vmem>> -> memref<1x256x16xf32, #tpu.memory_space<vmem>>
      %dma_wait3A_240 = tpu.memref_squeeze %dma_wait3A_239 : memref<1x256x16xf32, #tpu.memory_space<vmem>> -> memref<256x16xf32, #tpu.memory_space<vmem>>
      %dma_wait3A_241 = arith.constant 0 : i32
      %dma_wait3A_242 = tpu.memref_slice %arg8[%dma_wait3A_241] : memref<10240xi32, #tpu.memory_space<vmem>> -> memref<256xi32, #tpu.memory_space<vmem>>
      %dma_wait3A_243 = arith.constant 0 : i32
      %dma_wait3A_244 = arith.constant 0 : i32
      %dma_wait3A_245 = tpu.memref_slice %arg2[%dma_wait3A_243, %dma_wait3A_244] : memref<10240x16xf32, #tpu.memory_space<hbm>> -> memref<10240x16xf32, #tpu.memory_space<hbm>>
      tpu.wait_indirect_dma semaphore(%arg15 : memref<!tpu.dma_semaphore, #tpu.memory_space<semaphore_mem>>) src(%dma_wait3A_245 : memref<10240x16xf32, #tpu.memory_space<hbm>>) dst(%dma_wait3A_240 : memref<256x16xf32, #tpu.memory_space<vmem>>)
      %add3A_246 = arith.constant 3 : i32
      %add3A_247 = arith.addi %mul3A_107, %add3A_246 : i32
      %mul3A_248 = arith.constant 256 : i32
      %mul3A_249 = arith.muli %add3A_247, %mul3A_248 : i32
      %dma_start3A_250 = arith.constant 3 : i32
      %dma_start3A_251 = arith.constant 0 : i32
      %dma_start3A_252 = arith.constant 0 : i32
      %dma_start3A_253 = tpu.memref_slice %arg10[%dma_start3A_250, %dma_start3A_251, %dma_start3A_252] : memref<8x256x16xf32, #tpu.memory_space<vmem>> -> memref<1x256x16xf32, #tpu.memory_space<vmem>>
      %dma_start3A_254 = tpu.memref_squeeze %dma_start3A_253 : memref<1x256x16xf32, #tpu.memory_space<vmem>> -> memref<256x16xf32, #tpu.memory_space<vmem>>
      %dma_start3A_255 = tpu.memref_slice %arg9[%mul3A_249] : memref<10240xi32, #tpu.memory_space<vmem>> -> memref<256xi32, #tpu.memory_space<vmem>>
      %dma_start3A_256 = arith.constant 0 : i32
      %dma_start3A_257 = arith.constant 0 : i32
      %dma_start3A_258 = tpu.memref_slice %arg11[%dma_start3A_256, %dma_start3A_257] : memref<10240x16xf32, #tpu.memory_space<vmem_shared>> -> memref<10240x16xf32, #tpu.memory_space<vmem_shared>>
      tpu.enqueue_indirect_dma source(%dma_start3A_254 : memref<256x16xf32, #tpu.memory_space<vmem>>) target(%dma_start3A_258 : memref<10240x16xf32, #tpu.memory_space<vmem_shared>>) offsets(%dma_start3A_255 : memref<256xi32, #tpu.memory_space<vmem>>) semaphore(%arg23 : memref<!tpu.dma_semaphore, #tpu.memory_space<semaphore_mem>>) {add = true}
      %gt3A_259 = arith.constant 0 : i32
      %gt3A_260 = arith.cmpi sgt, %scan3A_105, %gt3A_259 : i32
      %convert_element_type3A_261 = arith.extui %gt3A_260 : i1 to i32
      %cond3A_262 = arith.constant 0 : i32
      %cond3A_263 = arith.cmpi ne, %convert_element_type3A_261, %cond3A_262 : i32
      scf.if %cond3A_263 {
        %dma_wait3A_431 = arith.constant 7 : i32
        %dma_wait3A_432 = arith.constant 0 : i32
        %dma_wait3A_433 = arith.constant 0 : i32
        %dma_wait3A_434 = tpu.memref_slice %arg10[%dma_wait3A_431, %dma_wait3A_432, %dma_wait3A_433] : memref<8x256x16xf32, #tpu.memory_space<vmem>> -> memref<1x256x16xf32, #tpu.memory_space<vmem>>
        %dma_wait3A_435 = tpu.memref_squeeze %dma_wait3A_434 : memref<1x256x16xf32, #tpu.memory_space<vmem>> -> memref<256x16xf32, #tpu.memory_space<vmem>>
        %dma_wait3A_436 = arith.constant 0 : i32
        %dma_wait3A_437 = tpu.memref_slice %arg9[%dma_wait3A_436] : memref<10240xi32, #tpu.memory_space<vmem>> -> memref<256xi32, #tpu.memory_space<vmem>>
        %dma_wait3A_438 = arith.constant 0 : i32
        %dma_wait3A_439 = arith.constant 0 : i32
        %dma_wait3A_440 = tpu.memref_slice %arg11[%dma_wait3A_438, %dma_wait3A_439] : memref<10240x16xf32, #tpu.memory_space<vmem_shared>> -> memref<10240x16xf32, #tpu.memory_space<vmem_shared>>
        tpu.wait_indirect_dma semaphore(%arg27 : memref<!tpu.dma_semaphore, #tpu.memory_space<semaphore_mem>>) src(%dma_wait3A_435 : memref<256x16xf32, #tpu.memory_space<vmem>>) dst(%dma_wait3A_440 : memref<10240x16xf32, #tpu.memory_space<vmem_shared>>)
      } else {
      }
      %add3A_264 = arith.constant 3 : i32
      %add3A_265 = arith.addi %mul3A_107, %add3A_264 : i32
      %add3A_266 = arith.constant 4 : i32
      %add3A_267 = arith.addi %add3A_265, %add3A_266 : i32
      %mul3A_268 = arith.constant 256 : i32
      %mul3A_269 = arith.muli %add3A_267, %mul3A_268 : i32
      %dma_start3A_270 = arith.constant 7 : i32
      %dma_start3A_271 = arith.constant 0 : i32
      %dma_start3A_272 = arith.constant 0 : i32
      %dma_start3A_273 = tpu.memref_slice %arg10[%dma_start3A_270, %dma_start3A_271, %dma_start3A_272] : memref<8x256x16xf32, #tpu.memory_space<vmem>> -> memref<1x256x16xf32, #tpu.memory_space<vmem>>
      %dma_start3A_274 = tpu.memref_squeeze %dma_start3A_273 : memref<1x256x16xf32, #tpu.memory_space<vmem>> -> memref<256x16xf32, #tpu.memory_space<vmem>>
      %dma_start3A_275 = tpu.memref_slice %arg8[%mul3A_269] : memref<10240xi32, #tpu.memory_space<vmem>> -> memref<256xi32, #tpu.memory_space<vmem>>
      %dma_start3A_276 = arith.constant 0 : i32
      %dma_start3A_277 = arith.constant 0 : i32
      %dma_start3A_278 = tpu.memref_slice %arg2[%dma_start3A_276, %dma_start3A_277] : memref<10240x16xf32, #tpu.memory_space<hbm>> -> memref<10240x16xf32, #tpu.memory_space<hbm>>
      tpu.enqueue_indirect_dma source(%dma_start3A_278 : memref<10240x16xf32, #tpu.memory_space<hbm>>) target(%dma_start3A_274 : memref<256x16xf32, #tpu.memory_space<vmem>>) offsets(%dma_start3A_275 : memref<256xi32, #tpu.memory_space<vmem>>) semaphore(%arg19 : memref<!tpu.dma_semaphore, #tpu.memory_space<semaphore_mem>>)
      %dma_wait3A_279 = arith.constant 4 : i32
      %dma_wait3A_280 = arith.constant 0 : i32
      %dma_wait3A_281 = arith.constant 0 : i32
      %dma_wait3A_282 = tpu.memref_slice %arg10[%dma_wait3A_279, %dma_wait3A_280, %dma_wait3A_281] : memref<8x256x16xf32, #tpu.memory_space<vmem>> -> memref<1x256x16xf32, #tpu.memory_space<vmem>>
      %dma_wait3A_283 = tpu.memref_squeeze %dma_wait3A_282 : memref<1x256x16xf32, #tpu.memory_space<vmem>> -> memref<256x16xf32, #tpu.memory_space<vmem>>
      %dma_wait3A_284 = arith.constant 0 : i32
      %dma_wait3A_285 = tpu.memref_slice %arg8[%dma_wait3A_284] : memref<10240xi32, #tpu.memory_space<vmem>> -> memref<256xi32, #tpu.memory_space<vmem>>
      %dma_wait3A_286 = arith.constant 0 : i32
      %dma_wait3A_287 = arith.constant 0 : i32
      %dma_wait3A_288 = tpu.memref_slice %arg2[%dma_wait3A_286, %dma_wait3A_287] : memref<10240x16xf32, #tpu.memory_space<hbm>> -> memref<10240x16xf32, #tpu.memory_space<hbm>>
      tpu.wait_indirect_dma semaphore(%arg16 : memref<!tpu.dma_semaphore, #tpu.memory_space<semaphore_mem>>) src(%dma_wait3A_288 : memref<10240x16xf32, #tpu.memory_space<hbm>>) dst(%dma_wait3A_283 : memref<256x16xf32, #tpu.memory_space<vmem>>)
      %add3A_289 = arith.constant 4 : i32
      %add3A_290 = arith.addi %mul3A_107, %add3A_289 : i32
      %mul3A_291 = arith.constant 256 : i32
      %mul3A_292 = arith.muli %add3A_290, %mul3A_291 : i32
      %dma_start3A_293 = arith.constant 4 : i32
      %dma_start3A_294 = arith.constant 0 : i32
      %dma_start3A_295 = arith.constant 0 : i32
      %dma_start3A_296 = tpu.memref_slice %arg10[%dma_start3A_293, %dma_start3A_294, %dma_start3A_295] : memref<8x256x16xf32, #tpu.memory_space<vmem>> -> memref<1x256x16xf32, #tpu.memory_space<vmem>>
      %dma_start3A_297 = tpu.memref_squeeze %dma_start3A_296 : memref<1x256x16xf32, #tpu.memory_space<vmem>> -> memref<256x16xf32, #tpu.memory_space<vmem>>
      %dma_start3A_298 = tpu.memref_slice %arg9[%mul3A_292] : memref<10240xi32, #tpu.memory_space<vmem>> -> memref<256xi32, #tpu.memory_space<vmem>>
      %dma_start3A_299 = arith.constant 0 : i32
      %dma_start3A_300 = arith.constant 0 : i32
      %dma_start3A_301 = tpu.memref_slice %arg11[%dma_start3A_299, %dma_start3A_300] : memref<10240x16xf32, #tpu.memory_space<vmem_shared>> -> memref<10240x16xf32, #tpu.memory_space<vmem_shared>>
      tpu.enqueue_indirect_dma source(%dma_start3A_297 : memref<256x16xf32, #tpu.memory_space<vmem>>) target(%dma_start3A_301 : memref<10240x16xf32, #tpu.memory_space<vmem_shared>>) offsets(%dma_start3A_298 : memref<256xi32, #tpu.memory_space<vmem>>) semaphore(%arg24 : memref<!tpu.dma_semaphore, #tpu.memory_space<semaphore_mem>>) {add = true}
      %dma_wait3A_302 = arith.constant 0 : i32
      %dma_wait3A_303 = arith.constant 0 : i32
      %dma_wait3A_304 = arith.constant 0 : i32
      %dma_wait3A_305 = tpu.memref_slice %arg10[%dma_wait3A_302, %dma_wait3A_303, %dma_wait3A_304] : memref<8x256x16xf32, #tpu.memory_space<vmem>> -> memref<1x256x16xf32, #tpu.memory_space<vmem>>
      %dma_wait3A_306 = tpu.memref_squeeze %dma_wait3A_305 : memref<1x256x16xf32, #tpu.memory_space<vmem>> -> memref<256x16xf32, #tpu.memory_space<vmem>>
      %dma_wait3A_307 = arith.constant 0 : i32
      %dma_wait3A_308 = tpu.memref_slice %arg9[%dma_wait3A_307] : memref<10240xi32, #tpu.memory_space<vmem>> -> memref<256xi32, #tpu.memory_space<vmem>>
      %dma_wait3A_309 = arith.constant 0 : i32
      %dma_wait3A_310 = arith.constant 0 : i32
      %dma_wait3A_311 = tpu.memref_slice %arg11[%dma_wait3A_309, %dma_wait3A_310] : memref<10240x16xf32, #tpu.memory_space<vmem_shared>> -> memref<10240x16xf32, #tpu.memory_space<vmem_shared>>
      tpu.wait_indirect_dma semaphore(%arg20 : memref<!tpu.dma_semaphore, #tpu.memory_space<semaphore_mem>>) src(%dma_wait3A_306 : memref<256x16xf32, #tpu.memory_space<vmem>>) dst(%dma_wait3A_311 : memref<10240x16xf32, #tpu.memory_space<vmem_shared>>)
      %lt3A_312 = arith.constant 4 : i32
      %lt3A_313 = arith.cmpi slt, %scan3A_105, %lt3A_312 : i32
      %convert_element_type3A_314 = arith.extui %lt3A_313 : i1 to i32
      %cond3A_315 = arith.constant 0 : i32
      %cond3A_316 = arith.cmpi ne, %convert_element_type3A_314, %cond3A_315 : i32
      scf.if %cond3A_316 {
        %add3A_431 = arith.constant 4 : i32
        %add3A_432 = arith.addi %mul3A_107, %add3A_431 : i32
        %add3A_433 = arith.constant 4 : i32
        %add3A_434 = arith.addi %add3A_432, %add3A_433 : i32
        %mul3A_435 = arith.constant 256 : i32
        %mul3A_436 = arith.muli %add3A_434, %mul3A_435 : i32
        %dma_start3A_437 = arith.constant 0 : i32
        %dma_start3A_438 = arith.constant 0 : i32
        %dma_start3A_439 = arith.constant 0 : i32
        %dma_start3A_440 = tpu.memref_slice %arg10[%dma_start3A_437, %dma_start3A_438, %dma_start3A_439] : memref<8x256x16xf32, #tpu.memory_space<vmem>> -> memref<1x256x16xf32, #tpu.memory_space<vmem>>
        %dma_start3A_441 = tpu.memref_squeeze %dma_start3A_440 : memref<1x256x16xf32, #tpu.memory_space<vmem>> -> memref<256x16xf32, #tpu.memory_space<vmem>>
        %dma_start3A_442 = tpu.memref_slice %arg8[%mul3A_436] : memref<10240xi32, #tpu.memory_space<vmem>> -> memref<256xi32, #tpu.memory_space<vmem>>
        %dma_start3A_443 = arith.constant 0 : i32
        %dma_start3A_444 = arith.constant 0 : i32
        %dma_start3A_445 = tpu.memref_slice %arg2[%dma_start3A_443, %dma_start3A_444] : memref<10240x16xf32, #tpu.memory_space<hbm>> -> memref<10240x16xf32, #tpu.memory_space<hbm>>
        tpu.enqueue_indirect_dma source(%dma_start3A_445 : memref<10240x16xf32, #tpu.memory_space<hbm>>) target(%dma_start3A_441 : memref<256x16xf32, #tpu.memory_space<vmem>>) offsets(%dma_start3A_442 : memref<256xi32, #tpu.memory_space<vmem>>) semaphore(%arg12 : memref<!tpu.dma_semaphore, #tpu.memory_space<semaphore_mem>>)
      } else {
      }
      %dma_wait3A_317 = arith.constant 5 : i32
      %dma_wait3A_318 = arith.constant 0 : i32
      %dma_wait3A_319 = arith.constant 0 : i32
      %dma_wait3A_320 = tpu.memref_slice %arg10[%dma_wait3A_317, %dma_wait3A_318, %dma_wait3A_319] : memref<8x256x16xf32, #tpu.memory_space<vmem>> -> memref<1x256x16xf32, #tpu.memory_space<vmem>>
      %dma_wait3A_321 = tpu.memref_squeeze %dma_wait3A_320 : memref<1x256x16xf32, #tpu.memory_space<vmem>> -> memref<256x16xf32, #tpu.memory_space<vmem>>
      %dma_wait3A_322 = arith.constant 0 : i32
      %dma_wait3A_323 = tpu.memref_slice %arg8[%dma_wait3A_322] : memref<10240xi32, #tpu.memory_space<vmem>> -> memref<256xi32, #tpu.memory_space<vmem>>
      %dma_wait3A_324 = arith.constant 0 : i32
      %dma_wait3A_325 = arith.constant 0 : i32
      %dma_wait3A_326 = tpu.memref_slice %arg2[%dma_wait3A_324, %dma_wait3A_325] : memref<10240x16xf32, #tpu.memory_space<hbm>> -> memref<10240x16xf32, #tpu.memory_space<hbm>>
      tpu.wait_indirect_dma semaphore(%arg17 : memref<!tpu.dma_semaphore, #tpu.memory_space<semaphore_mem>>) src(%dma_wait3A_326 : memref<10240x16xf32, #tpu.memory_space<hbm>>) dst(%dma_wait3A_321 : memref<256x16xf32, #tpu.memory_space<vmem>>)
      %add3A_327 = arith.constant 5 : i32
      %add3A_328 = arith.addi %mul3A_107, %add3A_327 : i32
      %mul3A_329 = arith.constant 256 : i32
      %mul3A_330 = arith.muli %add3A_328, %mul3A_329 : i32
      %dma_start3A_331 = arith.constant 5 : i32
      %dma_start3A_332 = arith.constant 0 : i32
      %dma_start3A_333 = arith.constant 0 : i32
      %dma_start3A_334 = tpu.memref_slice %arg10[%dma_start3A_331, %dma_start3A_332, %dma_start3A_333] : memref<8x256x16xf32, #tpu.memory_space<vmem>> -> memref<1x256x16xf32, #tpu.memory_space<vmem>>
      %dma_start3A_335 = tpu.memref_squeeze %dma_start3A_334 : memref<1x256x16xf32, #tpu.memory_space<vmem>> -> memref<256x16xf32, #tpu.memory_space<vmem>>
      %dma_start3A_336 = tpu.memref_slice %arg9[%mul3A_330] : memref<10240xi32, #tpu.memory_space<vmem>> -> memref<256xi32, #tpu.memory_space<vmem>>
      %dma_start3A_337 = arith.constant 0 : i32
      %dma_start3A_338 = arith.constant 0 : i32
      %dma_start3A_339 = tpu.memref_slice %arg11[%dma_start3A_337, %dma_start3A_338] : memref<10240x16xf32, #tpu.memory_space<vmem_shared>> -> memref<10240x16xf32, #tpu.memory_space<vmem_shared>>
      tpu.enqueue_indirect_dma source(%dma_start3A_335 : memref<256x16xf32, #tpu.memory_space<vmem>>) target(%dma_start3A_339 : memref<10240x16xf32, #tpu.memory_space<vmem_shared>>) offsets(%dma_start3A_336 : memref<256xi32, #tpu.memory_space<vmem>>) semaphore(%arg25 : memref<!tpu.dma_semaphore, #tpu.memory_space<semaphore_mem>>) {add = true}
      %dma_wait3A_340 = arith.constant 1 : i32
      %dma_wait3A_341 = arith.constant 0 : i32
      %dma_wait3A_342 = arith.constant 0 : i32
      %dma_wait3A_343 = tpu.memref_slice %arg10[%dma_wait3A_340, %dma_wait3A_341, %dma_wait3A_342] : memref<8x256x16xf32, #tpu.memory_space<vmem>> -> memref<1x256x16xf32, #tpu.memory_space<vmem>>
      %dma_wait3A_344 = tpu.memref_squeeze %dma_wait3A_343 : memref<1x256x16xf32, #tpu.memory_space<vmem>> -> memref<256x16xf32, #tpu.memory_space<vmem>>
      %dma_wait3A_345 = arith.constant 0 : i32
      %dma_wait3A_346 = tpu.memref_slice %arg9[%dma_wait3A_345] : memref<10240xi32, #tpu.memory_space<vmem>> -> memref<256xi32, #tpu.memory_space<vmem>>
      %dma_wait3A_347 = arith.constant 0 : i32
      %dma_wait3A_348 = arith.constant 0 : i32
      %dma_wait3A_349 = tpu.memref_slice %arg11[%dma_wait3A_347, %dma_wait3A_348] : memref<10240x16xf32, #tpu.memory_space<vmem_shared>> -> memref<10240x16xf32, #tpu.memory_space<vmem_shared>>
      tpu.wait_indirect_dma semaphore(%arg21 : memref<!tpu.dma_semaphore, #tpu.memory_space<semaphore_mem>>) src(%dma_wait3A_344 : memref<256x16xf32, #tpu.memory_space<vmem>>) dst(%dma_wait3A_349 : memref<10240x16xf32, #tpu.memory_space<vmem_shared>>)
      %lt3A_350 = arith.constant 4 : i32
      %lt3A_351 = arith.cmpi slt, %scan3A_105, %lt3A_350 : i32
      %convert_element_type3A_352 = arith.extui %lt3A_351 : i1 to i32
      %cond3A_353 = arith.constant 0 : i32
      %cond3A_354 = arith.cmpi ne, %convert_element_type3A_352, %cond3A_353 : i32
      scf.if %cond3A_354 {
        %add3A_431 = arith.constant 5 : i32
        %add3A_432 = arith.addi %mul3A_107, %add3A_431 : i32
        %add3A_433 = arith.constant 4 : i32
        %add3A_434 = arith.addi %add3A_432, %add3A_433 : i32
        %mul3A_435 = arith.constant 256 : i32
        %mul3A_436 = arith.muli %add3A_434, %mul3A_435 : i32
        %dma_start3A_437 = arith.constant 1 : i32
        %dma_start3A_438 = arith.constant 0 : i32
        %dma_start3A_439 = arith.constant 0 : i32
        %dma_start3A_440 = tpu.memref_slice %arg10[%dma_start3A_437, %dma_start3A_438, %dma_start3A_439] : memref<8x256x16xf32, #tpu.memory_space<vmem>> -> memref<1x256x16xf32, #tpu.memory_space<vmem>>
        %dma_start3A_441 = tpu.memref_squeeze %dma_start3A_440 : memref<1x256x16xf32, #tpu.memory_space<vmem>> -> memref<256x16xf32, #tpu.memory_space<vmem>>
        %dma_start3A_442 = tpu.memref_slice %arg8[%mul3A_436] : memref<10240xi32, #tpu.memory_space<vmem>> -> memref<256xi32, #tpu.memory_space<vmem>>
        %dma_start3A_443 = arith.constant 0 : i32
        %dma_start3A_444 = arith.constant 0 : i32
        %dma_start3A_445 = tpu.memref_slice %arg2[%dma_start3A_443, %dma_start3A_444] : memref<10240x16xf32, #tpu.memory_space<hbm>> -> memref<10240x16xf32, #tpu.memory_space<hbm>>
        tpu.enqueue_indirect_dma source(%dma_start3A_445 : memref<10240x16xf32, #tpu.memory_space<hbm>>) target(%dma_start3A_441 : memref<256x16xf32, #tpu.memory_space<vmem>>) offsets(%dma_start3A_442 : memref<256xi32, #tpu.memory_space<vmem>>) semaphore(%arg13 : memref<!tpu.dma_semaphore, #tpu.memory_space<semaphore_mem>>)
      } else {
      }
      %dma_wait3A_355 = arith.constant 6 : i32
      %dma_wait3A_356 = arith.constant 0 : i32
      %dma_wait3A_357 = arith.constant 0 : i32
      %dma_wait3A_358 = tpu.memref_slice %arg10[%dma_wait3A_355, %dma_wait3A_356, %dma_wait3A_357] : memref<8x256x16xf32, #tpu.memory_space<vmem>> -> memref<1x256x16xf32, #tpu.memory_space<vmem>>
      %dma_wait3A_359 = tpu.memref_squeeze %dma_wait3A_358 : memref<1x256x16xf32, #tpu.memory_space<vmem>> -> memref<256x16xf32, #tpu.memory_space<vmem>>
      %dma_wait3A_360 = arith.constant 0 : i32
      %dma_wait3A_361 = tpu.memref_slice %arg8[%dma_wait3A_360] : memref<10240xi32, #tpu.memory_space<vmem>> -> memref<256xi32, #tpu.memory_space<vmem>>
      %dma_wait3A_362 = arith.constant 0 : i32
      %dma_wait3A_363 = arith.constant 0 : i32
      %dma_wait3A_364 = tpu.memref_slice %arg2[%dma_wait3A_362, %dma_wait3A_363] : memref<10240x16xf32, #tpu.memory_space<hbm>> -> memref<10240x16xf32, #tpu.memory_space<hbm>>
      tpu.wait_indirect_dma semaphore(%arg18 : memref<!tpu.dma_semaphore, #tpu.memory_space<semaphore_mem>>) src(%dma_wait3A_364 : memref<10240x16xf32, #tpu.memory_space<hbm>>) dst(%dma_wait3A_359 : memref<256x16xf32, #tpu.memory_space<vmem>>)
      %add3A_365 = arith.constant 6 : i32
      %add3A_366 = arith.addi %mul3A_107, %add3A_365 : i32
      %mul3A_367 = arith.constant 256 : i32
      %mul3A_368 = arith.muli %add3A_366, %mul3A_367 : i32
      %dma_start3A_369 = arith.constant 6 : i32
      %dma_start3A_370 = arith.constant 0 : i32
      %dma_start3A_371 = arith.constant 0 : i32
      %dma_start3A_372 = tpu.memref_slice %arg10[%dma_start3A_369, %dma_start3A_370, %dma_start3A_371] : memref<8x256x16xf32, #tpu.memory_space<vmem>> -> memref<1x256x16xf32, #tpu.memory_space<vmem>>
      %dma_start3A_373 = tpu.memref_squeeze %dma_start3A_372 : memref<1x256x16xf32, #tpu.memory_space<vmem>> -> memref<256x16xf32, #tpu.memory_space<vmem>>
      %dma_start3A_374 = tpu.memref_slice %arg9[%mul3A_368] : memref<10240xi32, #tpu.memory_space<vmem>> -> memref<256xi32, #tpu.memory_space<vmem>>
      %dma_start3A_375 = arith.constant 0 : i32
      %dma_start3A_376 = arith.constant 0 : i32
      %dma_start3A_377 = tpu.memref_slice %arg11[%dma_start3A_375, %dma_start3A_376] : memref<10240x16xf32, #tpu.memory_space<vmem_shared>> -> memref<10240x16xf32, #tpu.memory_space<vmem_shared>>
      tpu.enqueue_indirect_dma source(%dma_start3A_373 : memref<256x16xf32, #tpu.memory_space<vmem>>) target(%dma_start3A_377 : memref<10240x16xf32, #tpu.memory_space<vmem_shared>>) offsets(%dma_start3A_374 : memref<256xi32, #tpu.memory_space<vmem>>) semaphore(%arg26 : memref<!tpu.dma_semaphore, #tpu.memory_space<semaphore_mem>>) {add = true}
      %dma_wait3A_378 = arith.constant 2 : i32
      %dma_wait3A_379 = arith.constant 0 : i32
      %dma_wait3A_380 = arith.constant 0 : i32
      %dma_wait3A_381 = tpu.memref_slice %arg10[%dma_wait3A_378, %dma_wait3A_379, %dma_wait3A_380] : memref<8x256x16xf32, #tpu.memory_space<vmem>> -> memref<1x256x16xf32, #tpu.memory_space<vmem>>
      %dma_wait3A_382 = tpu.memref_squeeze %dma_wait3A_381 : memref<1x256x16xf32, #tpu.memory_space<vmem>> -> memref<256x16xf32, #tpu.memory_space<vmem>>
      %dma_wait3A_383 = arith.constant 0 : i32
      %dma_wait3A_384 = tpu.memref_slice %arg9[%dma_wait3A_383] : memref<10240xi32, #tpu.memory_space<vmem>> -> memref<256xi32, #tpu.memory_space<vmem>>
      %dma_wait3A_385 = arith.constant 0 : i32
      %dma_wait3A_386 = arith.constant 0 : i32
      %dma_wait3A_387 = tpu.memref_slice %arg11[%dma_wait3A_385, %dma_wait3A_386] : memref<10240x16xf32, #tpu.memory_space<vmem_shared>> -> memref<10240x16xf32, #tpu.memory_space<vmem_shared>>
      tpu.wait_indirect_dma semaphore(%arg22 : memref<!tpu.dma_semaphore, #tpu.memory_space<semaphore_mem>>) src(%dma_wait3A_382 : memref<256x16xf32, #tpu.memory_space<vmem>>) dst(%dma_wait3A_387 : memref<10240x16xf32, #tpu.memory_space<vmem_shared>>)
      %lt3A_388 = arith.constant 4 : i32
      %lt3A_389 = arith.cmpi slt, %scan3A_105, %lt3A_388 : i32
      %convert_element_type3A_390 = arith.extui %lt3A_389 : i1 to i32
      %cond3A_391 = arith.constant 0 : i32
      %cond3A_392 = arith.cmpi ne, %convert_element_type3A_390, %cond3A_391 : i32
      scf.if %cond3A_392 {
        %add3A_431 = arith.constant 6 : i32
        %add3A_432 = arith.addi %mul3A_107, %add3A_431 : i32
        %add3A_433 = arith.constant 4 : i32
        %add3A_434 = arith.addi %add3A_432, %add3A_433 : i32
        %mul3A_435 = arith.constant 256 : i32
        %mul3A_436 = arith.muli %add3A_434, %mul3A_435 : i32
        %dma_start3A_437 = arith.constant 2 : i32
        %dma_start3A_438 = arith.constant 0 : i32
        %dma_start3A_439 = arith.constant 0 : i32
        %dma_start3A_440 = tpu.memref_slice %arg10[%dma_start3A_437, %dma_start3A_438, %dma_start3A_439] : memref<8x256x16xf32, #tpu.memory_space<vmem>> -> memref<1x256x16xf32, #tpu.memory_space<vmem>>
        %dma_start3A_441 = tpu.memref_squeeze %dma_start3A_440 : memref<1x256x16xf32, #tpu.memory_space<vmem>> -> memref<256x16xf32, #tpu.memory_space<vmem>>
        %dma_start3A_442 = tpu.memref_slice %arg8[%mul3A_436] : memref<10240xi32, #tpu.memory_space<vmem>> -> memref<256xi32, #tpu.memory_space<vmem>>
        %dma_start3A_443 = arith.constant 0 : i32
        %dma_start3A_444 = arith.constant 0 : i32
        %dma_start3A_445 = tpu.memref_slice %arg2[%dma_start3A_443, %dma_start3A_444] : memref<10240x16xf32, #tpu.memory_space<hbm>> -> memref<10240x16xf32, #tpu.memory_space<hbm>>
        tpu.enqueue_indirect_dma source(%dma_start3A_445 : memref<10240x16xf32, #tpu.memory_space<hbm>>) target(%dma_start3A_441 : memref<256x16xf32, #tpu.memory_space<vmem>>) offsets(%dma_start3A_442 : memref<256xi32, #tpu.memory_space<vmem>>) semaphore(%arg14 : memref<!tpu.dma_semaphore, #tpu.memory_space<semaphore_mem>>)
      } else {
      }
      %dma_wait3A_393 = arith.constant 7 : i32
      %dma_wait3A_394 = arith.constant 0 : i32
      %dma_wait3A_395 = arith.constant 0 : i32
      %dma_wait3A_396 = tpu.memref_slice %arg10[%dma_wait3A_393, %dma_wait3A_394, %dma_wait3A_395] : memref<8x256x16xf32, #tpu.memory_space<vmem>> -> memref<1x256x16xf32, #tpu.memory_space<vmem>>
      %dma_wait3A_397 = tpu.memref_squeeze %dma_wait3A_396 : memref<1x256x16xf32, #tpu.memory_space<vmem>> -> memref<256x16xf32, #tpu.memory_space<vmem>>
      %dma_wait3A_398 = arith.constant 0 : i32
      %dma_wait3A_399 = tpu.memref_slice %arg8[%dma_wait3A_398] : memref<10240xi32, #tpu.memory_space<vmem>> -> memref<256xi32, #tpu.memory_space<vmem>>
      %dma_wait3A_400 = arith.constant 0 : i32
      %dma_wait3A_401 = arith.constant 0 : i32
      %dma_wait3A_402 = tpu.memref_slice %arg2[%dma_wait3A_400, %dma_wait3A_401] : memref<10240x16xf32, #tpu.memory_space<hbm>> -> memref<10240x16xf32, #tpu.memory_space<hbm>>
      tpu.wait_indirect_dma semaphore(%arg19 : memref<!tpu.dma_semaphore, #tpu.memory_space<semaphore_mem>>) src(%dma_wait3A_402 : memref<10240x16xf32, #tpu.memory_space<hbm>>) dst(%dma_wait3A_397 : memref<256x16xf32, #tpu.memory_space<vmem>>)
      %add3A_403 = arith.constant 7 : i32
      %add3A_404 = arith.addi %mul3A_107, %add3A_403 : i32
      %mul3A_405 = arith.constant 256 : i32
      %mul3A_406 = arith.muli %add3A_404, %mul3A_405 : i32
      %dma_start3A_407 = arith.constant 7 : i32
      %dma_start3A_408 = arith.constant 0 : i32
      %dma_start3A_409 = arith.constant 0 : i32
      %dma_start3A_410 = tpu.memref_slice %arg10[%dma_start3A_407, %dma_start3A_408, %dma_start3A_409] : memref<8x256x16xf32, #tpu.memory_space<vmem>> -> memref<1x256x16xf32, #tpu.memory_space<vmem>>
      %dma_start3A_411 = tpu.memref_squeeze %dma_start3A_410 : memref<1x256x16xf32, #tpu.memory_space<vmem>> -> memref<256x16xf32, #tpu.memory_space<vmem>>
      %dma_start3A_412 = tpu.memref_slice %arg9[%mul3A_406] : memref<10240xi32, #tpu.memory_space<vmem>> -> memref<256xi32, #tpu.memory_space<vmem>>
      %dma_start3A_413 = arith.constant 0 : i32
      %dma_start3A_414 = arith.constant 0 : i32
      %dma_start3A_415 = tpu.memref_slice %arg11[%dma_start3A_413, %dma_start3A_414] : memref<10240x16xf32, #tpu.memory_space<vmem_shared>> -> memref<10240x16xf32, #tpu.memory_space<vmem_shared>>
      tpu.enqueue_indirect_dma source(%dma_start3A_411 : memref<256x16xf32, #tpu.memory_space<vmem>>) target(%dma_start3A_415 : memref<10240x16xf32, #tpu.memory_space<vmem_shared>>) offsets(%dma_start3A_412 : memref<256xi32, #tpu.memory_space<vmem>>) semaphore(%arg27 : memref<!tpu.dma_semaphore, #tpu.memory_space<semaphore_mem>>) {add = true}
      %dma_wait3A_416 = arith.constant 3 : i32
      %dma_wait3A_417 = arith.constant 0 : i32
      %dma_wait3A_418 = arith.constant 0 : i32
      %dma_wait3A_419 = tpu.memref_slice %arg10[%dma_wait3A_416, %dma_wait3A_417, %dma_wait3A_418] : memref<8x256x16xf32, #tpu.memory_space<vmem>> -> memref<1x256x16xf32, #tpu.memory_space<vmem>>
      %dma_wait3A_420 = tpu.memref_squeeze %dma_wait3A_419 : memref<1x256x16xf32, #tpu.memory_space<vmem>> -> memref<256x16xf32, #tpu.memory_space<vmem>>
      %dma_wait3A_421 = arith.constant 0 : i32
      %dma_wait3A_422 = tpu.memref_slice %arg9[%dma_wait3A_421] : memref<10240xi32, #tpu.memory_space<vmem>> -> memref<256xi32, #tpu.memory_space<vmem>>
      %dma_wait3A_423 = arith.constant 0 : i32
      %dma_wait3A_424 = arith.constant 0 : i32
      %dma_wait3A_425 = tpu.memref_slice %arg11[%dma_wait3A_423, %dma_wait3A_424] : memref<10240x16xf32, #tpu.memory_space<vmem_shared>> -> memref<10240x16xf32, #tpu.memory_space<vmem_shared>>
      tpu.wait_indirect_dma semaphore(%arg23 : memref<!tpu.dma_semaphore, #tpu.memory_space<semaphore_mem>>) src(%dma_wait3A_420 : memref<256x16xf32, #tpu.memory_space<vmem>>) dst(%dma_wait3A_425 : memref<10240x16xf32, #tpu.memory_space<vmem_shared>>)
      %lt3A_426 = arith.constant 4 : i32
      %lt3A_427 = arith.cmpi slt, %scan3A_105, %lt3A_426 : i32
      %convert_element_type3A_428 = arith.extui %lt3A_427 : i1 to i32
      %cond3A_429 = arith.constant 0 : i32
      %cond3A_430 = arith.cmpi ne, %convert_element_type3A_428, %cond3A_429 : i32
      scf.if %cond3A_430 {
        %add3A_431 = arith.constant 7 : i32
        %add3A_432 = arith.addi %mul3A_107, %add3A_431 : i32
        %add3A_433 = arith.constant 4 : i32
        %add3A_434 = arith.addi %add3A_432, %add3A_433 : i32
        %mul3A_435 = arith.constant 256 : i32
        %mul3A_436 = arith.muli %add3A_434, %mul3A_435 : i32
        %dma_start3A_437 = arith.constant 3 : i32
        %dma_start3A_438 = arith.constant 0 : i32
        %dma_start3A_439 = arith.constant 0 : i32
        %dma_start3A_440 = tpu.memref_slice %arg10[%dma_start3A_437, %dma_start3A_438, %dma_start3A_439] : memref<8x256x16xf32, #tpu.memory_space<vmem>> -> memref<1x256x16xf32, #tpu.memory_space<vmem>>
        %dma_start3A_441 = tpu.memref_squeeze %dma_start3A_440 : memref<1x256x16xf32, #tpu.memory_space<vmem>> -> memref<256x16xf32, #tpu.memory_space<vmem>>
        %dma_start3A_442 = tpu.memref_slice %arg8[%mul3A_436] : memref<10240xi32, #tpu.memory_space<vmem>> -> memref<256xi32, #tpu.memory_space<vmem>>
        %dma_start3A_443 = arith.constant 0 : i32
        %dma_start3A_444 = arith.constant 0 : i32
        %dma_start3A_445 = tpu.memref_slice %arg2[%dma_start3A_443, %dma_start3A_444] : memref<10240x16xf32, #tpu.memory_space<hbm>> -> memref<10240x16xf32, #tpu.memory_space<hbm>>
        tpu.enqueue_indirect_dma source(%dma_start3A_445 : memref<10240x16xf32, #tpu.memory_space<hbm>>) target(%dma_start3A_441 : memref<256x16xf32, #tpu.memory_space<vmem>>) offsets(%dma_start3A_442 : memref<256xi32, #tpu.memory_space<vmem>>) semaphore(%arg15 : memref<!tpu.dma_semaphore, #tpu.memory_space<semaphore_mem>>)
      } else {
      }
    }
    %scan3A_54 = arith.constant 5 : i32
    %dma_wait3A = arith.constant 4 : i32
    %dma_wait3A_55 = arith.constant 0 : i32
    %dma_wait3A_56 = arith.constant 0 : i32
    %dma_wait3A_57 = tpu.memref_slice %arg10[%dma_wait3A, %dma_wait3A_55, %dma_wait3A_56] : memref<8x256x16xf32, #tpu.memory_space<vmem>> -> memref<1x256x16xf32, #tpu.memory_space<vmem>>
    %dma_wait3A_58 = tpu.memref_squeeze %dma_wait3A_57 : memref<1x256x16xf32, #tpu.memory_space<vmem>> -> memref<256x16xf32, #tpu.memory_space<vmem>>
    %dma_wait3A_59 = arith.constant 0 : i32
    %dma_wait3A_60 = tpu.memref_slice %arg9[%dma_wait3A_59] : memref<10240xi32, #tpu.memory_space<vmem>> -> memref<256xi32, #tpu.memory_space<vmem>>
    %dma_wait3A_61 = arith.constant 0 : i32
    %dma_wait3A_62 = arith.constant 0 : i32
    %dma_wait3A_63 = tpu.memref_slice %arg11[%dma_wait3A_61, %dma_wait3A_62] : memref<10240x16xf32, #tpu.memory_space<vmem_shared>> -> memref<10240x16xf32, #tpu.memory_space<vmem_shared>>
    tpu.wait_indirect_dma semaphore(%arg24 : memref<!tpu.dma_semaphore, #tpu.memory_space<semaphore_mem>>) src(%dma_wait3A_58 : memref<256x16xf32, #tpu.memory_space<vmem>>) dst(%dma_wait3A_63 : memref<10240x16xf32, #tpu.memory_space<vmem_shared>>)
    %dma_wait3A_64 = arith.constant 5 : i32
    %dma_wait3A_65 = arith.constant 0 : i32
    %dma_wait3A_66 = arith.constant 0 : i32
    %dma_wait3A_67 = tpu.memref_slice %arg10[%dma_wait3A_64, %dma_wait3A_65, %dma_wait3A_66] : memref<8x256x16xf32, #tpu.memory_space<vmem>> -> memref<1x256x16xf32, #tpu.memory_space<vmem>>
    %dma_wait3A_68 = tpu.memref_squeeze %dma_wait3A_67 : memref<1x256x16xf32, #tpu.memory_space<vmem>> -> memref<256x16xf32, #tpu.memory_space<vmem>>
    %dma_wait3A_69 = arith.constant 0 : i32
    %dma_wait3A_70 = tpu.memref_slice %arg9[%dma_wait3A_69] : memref<10240xi32, #tpu.memory_space<vmem>> -> memref<256xi32, #tpu.memory_space<vmem>>
    %dma_wait3A_71 = arith.constant 0 : i32
    %dma_wait3A_72 = arith.constant 0 : i32
    %dma_wait3A_73 = tpu.memref_slice %arg11[%dma_wait3A_71, %dma_wait3A_72] : memref<10240x16xf32, #tpu.memory_space<vmem_shared>> -> memref<10240x16xf32, #tpu.memory_space<vmem_shared>>
    tpu.wait_indirect_dma semaphore(%arg25 : memref<!tpu.dma_semaphore, #tpu.memory_space<semaphore_mem>>) src(%dma_wait3A_68 : memref<256x16xf32, #tpu.memory_space<vmem>>) dst(%dma_wait3A_73 : memref<10240x16xf32, #tpu.memory_space<vmem_shared>>)
    %dma_wait3A_74 = arith.constant 6 : i32
    %dma_wait3A_75 = arith.constant 0 : i32
    %dma_wait3A_76 = arith.constant 0 : i32
    %dma_wait3A_77 = tpu.memref_slice %arg10[%dma_wait3A_74, %dma_wait3A_75, %dma_wait3A_76] : memref<8x256x16xf32, #tpu.memory_space<vmem>> -> memref<1x256x16xf32, #tpu.memory_space<vmem>>
    %dma_wait3A_78 = tpu.memref_squeeze %dma_wait3A_77 : memref<1x256x16xf32, #tpu.memory_space<vmem>> -> memref<256x16xf32, #tpu.memory_space<vmem>>
    %dma_wait3A_79 = arith.constant 0 : i32
    %dma_wait3A_80 = tpu.memref_slice %arg9[%dma_wait3A_79] : memref<10240xi32, #tpu.memory_space<vmem>> -> memref<256xi32, #tpu.memory_space<vmem>>
    %dma_wait3A_81 = arith.constant 0 : i32
    %dma_wait3A_82 = arith.constant 0 : i32
    %dma_wait3A_83 = tpu.memref_slice %arg11[%dma_wait3A_81, %dma_wait3A_82] : memref<10240x16xf32, #tpu.memory_space<vmem_shared>> -> memref<10240x16xf32, #tpu.memory_space<vmem_shared>>
    tpu.wait_indirect_dma semaphore(%arg26 : memref<!tpu.dma_semaphore, #tpu.memory_space<semaphore_mem>>) src(%dma_wait3A_78 : memref<256x16xf32, #tpu.memory_space<vmem>>) dst(%dma_wait3A_83 : memref<10240x16xf32, #tpu.memory_space<vmem_shared>>)
    %dma_wait3A_84 = arith.constant 7 : i32
    %dma_wait3A_85 = arith.constant 0 : i32
    %dma_wait3A_86 = arith.constant 0 : i32
    %dma_wait3A_87 = tpu.memref_slice %arg10[%dma_wait3A_84, %dma_wait3A_85, %dma_wait3A_86] : memref<8x256x16xf32, #tpu.memory_space<vmem>> -> memref<1x256x16xf32, #tpu.memory_space<vmem>>
    %dma_wait3A_88 = tpu.memref_squeeze %dma_wait3A_87 : memref<1x256x16xf32, #tpu.memory_space<vmem>> -> memref<256x16xf32, #tpu.memory_space<vmem>>
    %dma_wait3A_89 = arith.constant 0 : i32
    %dma_wait3A_90 = tpu.memref_slice %arg9[%dma_wait3A_89] : memref<10240xi32, #tpu.memory_space<vmem>> -> memref<256xi32, #tpu.memory_space<vmem>>
    %dma_wait3A_91 = arith.constant 0 : i32
    %dma_wait3A_92 = arith.constant 0 : i32
    %dma_wait3A_93 = tpu.memref_slice %arg11[%dma_wait3A_91, %dma_wait3A_92] : memref<10240x16xf32, #tpu.memory_space<vmem_shared>> -> memref<10240x16xf32, #tpu.memory_space<vmem_shared>>
    tpu.wait_indirect_dma semaphore(%arg27 : memref<!tpu.dma_semaphore, #tpu.memory_space<semaphore_mem>>) src(%dma_wait3A_88 : memref<256x16xf32, #tpu.memory_space<vmem>>) dst(%dma_wait3A_93 : memref<10240x16xf32, #tpu.memory_space<vmem_shared>>)
    %barrier3A_94 = arith.constant 0 : index
    tpu.barrier barrier_id(%barrier3A_94)
    %eq3A_95 = arith.constant 0 : i32
    %eq3A_96 = arith.cmpi eq, %arg0, %eq3A_95 : i32
    %convert_element_type3A_97 = arith.extui %eq3A_96 : i1 to i32
    %cond3A_98 = arith.constant 0 : i32
    %cond3A_99 = arith.cmpi ne, %convert_element_type3A_97, %cond3A_98 : i32
    scf.if %cond3A_99 {
      "tpu.region"() ({
        %run_scoped3A = tpu.sem_alloc : memref<!tpu.dma_semaphore, #tpu.memory_space<semaphore_mem>>
        %dma_start3A_105 = arith.constant 0 : i32
        %dma_start3A_106 = tpu.memref_slice %arg6[%multiple_of3A, %dma_start3A_105] : memref<10240x16xf32, #tpu.memory_space<hbm>> -> memref<640x16xf32, #tpu.memory_space<hbm>>
        %dma_start3A_107 = arith.constant 0 : i32
        %dma_start3A_108 = tpu.memref_slice %arg11[%multiple_of3A, %dma_start3A_107] : memref<10240x16xf32, #tpu.memory_space<vmem_shared>> -> memref<640x16xf32, #tpu.memory_space<vmem_shared>>
        tpu.enqueue_dma source(%dma_start3A_108 : memref<640x16xf32, #tpu.memory_space<vmem_shared>>) target(%dma_start3A_106 : memref<640x16xf32, #tpu.memory_space<hbm>>) target_semaphore(%run_scoped3A : memref<!tpu.dma_semaphore, #tpu.memory_space<semaphore_mem>>)
        %dma_wait3A_109 = arith.constant 0 : i32
        %dma_wait3A_110 = tpu.memref_slice %arg6[%multiple_of3A, %dma_wait3A_109] : memref<10240x16xf32, #tpu.memory_space<hbm>> -> memref<640x16xf32, #tpu.memory_space<hbm>>
        %dma_wait3A_111 = arith.constant 0 : i32
        %dma_wait3A_112 = tpu.memref_slice %arg11[%multiple_of3A, %dma_wait3A_111] : memref<10240x16xf32, #tpu.memory_space<vmem_shared>> -> memref<640x16xf32, #tpu.memory_space<vmem_shared>>
        tpu.wait_dma2 semaphore(%run_scoped3A : memref<!tpu.dma_semaphore, #tpu.memory_space<semaphore_mem>>) src(%dma_wait3A_112 : memref<640x16xf32, #tpu.memory_space<vmem_shared>>) dst(%dma_wait3A_110 : memref<640x16xf32, #tpu.memory_space<hbm>>)
        tpu.yield
      }) : () -> ()
    } else {
    }
    %eq3A_100 = arith.constant 1 : i32
    %eq3A_101 = arith.cmpi eq, %arg0, %eq3A_100 : i32
    %convert_element_type3A_102 = arith.extui %eq3A_101 : i1 to i32
    %cond3A_103 = arith.constant 0 : i32
    %cond3A_104 = arith.cmpi ne, %convert_element_type3A_102, %cond3A_103 : i32
    scf.if %cond3A_104 {
      "tpu.region"() ({
        %run_scoped3A = tpu.sem_alloc : memref<!tpu.dma_semaphore, #tpu.memory_space<semaphore_mem>>
        %dma_start3A_105 = arith.constant 0 : i32
        %dma_start3A_106 = tpu.memref_slice %arg7[%multiple_of3A, %dma_start3A_105] : memref<10240x16xf32, #tpu.memory_space<hbm>> -> memref<640x16xf32, #tpu.memory_space<hbm>>
        %dma_start3A_107 = arith.constant 0 : i32
        %dma_start3A_108 = tpu.memref_slice %arg11[%multiple_of3A, %dma_start3A_107] : memref<10240x16xf32, #tpu.memory_space<vmem_shared>> -> memref<640x16xf32, #tpu.memory_space<vmem_shared>>
        tpu.enqueue_dma source(%dma_start3A_108 : memref<640x16xf32, #tpu.memory_space<vmem_shared>>) target(%dma_start3A_106 : memref<640x16xf32, #tpu.memory_space<hbm>>) target_semaphore(%run_scoped3A : memref<!tpu.dma_semaphore, #tpu.memory_space<semaphore_mem>>)
        %dma_wait3A_109 = arith.constant 0 : i32
        %dma_wait3A_110 = tpu.memref_slice %arg7[%multiple_of3A, %dma_wait3A_109] : memref<10240x16xf32, #tpu.memory_space<hbm>> -> memref<640x16xf32, #tpu.memory_space<hbm>>
        %dma_wait3A_111 = arith.constant 0 : i32
        %dma_wait3A_112 = tpu.memref_slice %arg11[%multiple_of3A, %dma_wait3A_111] : memref<10240x16xf32, #tpu.memory_space<vmem_shared>> -> memref<640x16xf32, #tpu.memory_space<vmem_shared>>
        tpu.wait_dma2 semaphore(%run_scoped3A : memref<!tpu.dma_semaphore, #tpu.memory_space<semaphore_mem>>) src(%dma_wait3A_112 : memref<640x16xf32, #tpu.memory_space<vmem_shared>>) dst(%dma_wait3A_110 : memref<640x16xf32, #tpu.memory_space<hbm>>)
        tpu.yield
      }) : () -> ()
    } else {
    }
    return
  }
}

#map = affine_map<(d0, d1) -> (0, 0)>
#map1 = affine_map<(d0, d1) -> (0)>
module attributes {stable_mosaic.version = 14 : i64} {
  func.func @agg(%arg0: i32, %arg1: i32, %arg2: memref<256x16xf32, #tpu.memory_space<hbm>>, %arg3: memref<640000xi32, #tpu.memory_space<hbm>>, %arg4: memref<7680xi32, #tpu.memory_space<hbm>>, %arg5: memref<640x16xf32, #tpu.memory_space<hbm>>, %arg6: memref<10240x16xf32, #tpu.memory_space<hbm>>, %arg7: memref<10240x16xf32, #tpu.memory_space<hbm>>, %arg8: memref<10240x32xf32, #tpu.memory_space<hbm>>, %arg9: memref<10240x32xf32, #tpu.memory_space<hbm>>, %arg10: memref<10240xi32, #tpu.memory_space<vmem>>, %arg11: memref<10240xi32, #tpu.memory_space<vmem>>, %arg12: memref<8x256x16xf32, #tpu.memory_space<vmem>>, %arg13: memref<10240x16xf32, #tpu.memory_space<vmem_shared>>, %arg14: memref<640x16xf32, #tpu.memory_space<vmem>>, %arg15: memref<640x32xf32, #tpu.memory_space<vmem>>, %arg16: memref<!tpu.dma_semaphore, #tpu.memory_space<semaphore_mem>>, %arg17: memref<!tpu.dma_semaphore, #tpu.memory_space<semaphore_mem>>, %arg18: memref<!tpu.dma_semaphore, #tpu.memory_space<semaphore_mem>>, %arg19: memref<!tpu.dma_semaphore, #tpu.memory_space<semaphore_mem>>, %arg20: memref<!tpu.dma_semaphore, #tpu.memory_space<semaphore_mem>>, %arg21: memref<!tpu.dma_semaphore, #tpu.memory_space<semaphore_mem>>, %arg22: memref<!tpu.dma_semaphore, #tpu.memory_space<semaphore_mem>>, %arg23: memref<!tpu.dma_semaphore, #tpu.memory_space<semaphore_mem>>, %arg24: memref<!tpu.dma_semaphore, #tpu.memory_space<semaphore_mem>>, %arg25: memref<!tpu.dma_semaphore, #tpu.memory_space<semaphore_mem>>, %arg26: memref<!tpu.dma_semaphore, #tpu.memory_space<semaphore_mem>>, %arg27: memref<!tpu.dma_semaphore, #tpu.memory_space<semaphore_mem>>, %arg28: memref<!tpu.dma_semaphore, #tpu.memory_space<semaphore_mem>>, %arg29: memref<!tpu.dma_semaphore, #tpu.memory_space<semaphore_mem>>, %arg30: memref<!tpu.dma_semaphore, #tpu.memory_space<semaphore_mem>>, %arg31: memref<!tpu.dma_semaphore, #tpu.memory_space<semaphore_mem>>) attributes {dimension_semantics = [#tpu.dimension_semantics<core_parallel>, #tpu.dimension_semantics<subcore_parallel>], iteration_bounds = array<i64: 2, 16>, scalar_prefetch = 0 : i64, scratch_operands = 22 : i64, tpu.core_type = #tpu.core_type<sc_vector_subcore>, window_params = [{transform_indices = #map}, {transform_indices = #map1}, {transform_indices = #map1}, {transform_indices = #map}, {transform_indices = #map}, {transform_indices = #map}, {transform_indices = #map}, {transform_indices = #map}]} {
    %mul3A = arith.constant 2 : i32
    %mul3A_0 = arith.muli %arg1, %mul3A : i32
    %add3A = arith.addi %mul3A_0, %arg0 : i32
    %mul3A_1 = arith.constant 640 : i32
    %mul3A_2 = arith.muli %arg1, %mul3A_1 : i32
    %multiple_of3A = tpu.assume_multiple %mul3A_2, 640 : i32
    "tpu.region"() ({
      %run_scoped3A_71 = tpu.sem_alloc : memref<!tpu.dma_semaphore, #tpu.memory_space<semaphore_mem>>
      %dma_start3A = arith.constant 0 : i32
      %dma_start3A_72 = tpu.memref_slice %arg13[%multiple_of3A, %dma_start3A] : memref<10240x16xf32, #tpu.memory_space<vmem_shared>> -> memref<640x16xf32, #tpu.memory_space<vmem_shared>>
      %dma_start3A_73 = arith.constant 0 : i32
      %dma_start3A_74 = arith.constant 0 : i32
      %dma_start3A_75 = tpu.memref_slice %arg5[%dma_start3A_73, %dma_start3A_74] : memref<640x16xf32, #tpu.memory_space<hbm>> -> memref<640x16xf32, #tpu.memory_space<hbm>>
      tpu.enqueue_dma source(%dma_start3A_75 : memref<640x16xf32, #tpu.memory_space<hbm>>) target(%dma_start3A_72 : memref<640x16xf32, #tpu.memory_space<vmem_shared>>) target_semaphore(%run_scoped3A_71 : memref<!tpu.dma_semaphore, #tpu.memory_space<semaphore_mem>>)
      %dma_wait3A_76 = arith.constant 0 : i32
      %dma_wait3A_77 = tpu.memref_slice %arg13[%multiple_of3A, %dma_wait3A_76] : memref<10240x16xf32, #tpu.memory_space<vmem_shared>> -> memref<640x16xf32, #tpu.memory_space<vmem_shared>>
      %dma_wait3A_78 = arith.constant 0 : i32
      %dma_wait3A_79 = arith.constant 0 : i32
      %dma_wait3A_80 = tpu.memref_slice %arg5[%dma_wait3A_78, %dma_wait3A_79] : memref<640x16xf32, #tpu.memory_space<hbm>> -> memref<640x16xf32, #tpu.memory_space<hbm>>
      tpu.wait_dma2 semaphore(%run_scoped3A_71 : memref<!tpu.dma_semaphore, #tpu.memory_space<semaphore_mem>>) src(%dma_wait3A_80 : memref<640x16xf32, #tpu.memory_space<hbm>>) dst(%dma_wait3A_77 : memref<640x16xf32, #tpu.memory_space<vmem_shared>>)
      tpu.yield
    }) : () -> ()
    %mul3A_3 = arith.constant 10240 : i32
    %mul3A_4 = arith.muli %add3A, %mul3A_3 : i32
    %multiple_of3A_5 = tpu.assume_multiple %mul3A_4, 256 : i32
    %lt3A = arith.constant 31 : i32
    %lt3A_6 = arith.cmpi slt, %add3A, %lt3A : i32
    %convert_element_type3A = arith.extui %lt3A_6 : i1 to i32
    %cond3A = arith.constant 0 : i32
    %cond3A_7 = arith.cmpi ne, %convert_element_type3A, %cond3A : i32
    scf.if %cond3A_7 {
      %add3A_71 = arith.constant 320000 : i32
      %add3A_72 = arith.addi %add3A_71, %multiple_of3A_5 : i32
      "tpu.region"() ({
        %run_scoped3A_73 = tpu.sem_alloc : memref<!tpu.dma_semaphore, #tpu.memory_space<semaphore_mem>>
        %dma_start3A = tpu.memref_slice %arg3[%add3A_72] : memref<640000xi32, #tpu.memory_space<hbm>> -> memref<10240xi32, #tpu.memory_space<hbm>>
        %dma_start3A_74 = tpu.memref_slice %arg3[%add3A_72] : memref<640000xi32, #tpu.memory_space<hbm>> -> memref<10240xi32, #tpu.memory_space<hbm>>
        tpu.enqueue_dma source(%dma_start3A_74 : memref<10240xi32, #tpu.memory_space<hbm>>) target(%arg11 : memref<10240xi32, #tpu.memory_space<vmem>>) target_semaphore(%run_scoped3A_73 : memref<!tpu.dma_semaphore, #tpu.memory_space<semaphore_mem>>)
        %dma_wait3A_75 = tpu.memref_slice %arg3[%add3A_72] : memref<640000xi32, #tpu.memory_space<hbm>> -> memref<10240xi32, #tpu.memory_space<hbm>>
        %dma_wait3A_76 = tpu.memref_slice %arg3[%add3A_72] : memref<640000xi32, #tpu.memory_space<hbm>> -> memref<10240xi32, #tpu.memory_space<hbm>>
        tpu.wait_dma2 semaphore(%run_scoped3A_73 : memref<!tpu.dma_semaphore, #tpu.memory_space<semaphore_mem>>) src(%dma_wait3A_76 : memref<10240xi32, #tpu.memory_space<hbm>>) dst(%arg11 : memref<10240xi32, #tpu.memory_space<vmem>>)
        tpu.yield
      }) : () -> ()
    } else {
    }
    %eq3A = arith.constant 31 : i32
    %eq3A_8 = arith.cmpi eq, %add3A, %eq3A : i32
    %convert_element_type3A_9 = arith.extui %eq3A_8 : i1 to i32
    %cond3A_10 = arith.constant 0 : i32
    %cond3A_11 = arith.cmpi ne, %convert_element_type3A_9, %cond3A_10 : i32
    scf.if %cond3A_11 {
      "tpu.region"() ({
        %run_scoped3A_71 = tpu.sem_alloc : memref<!tpu.dma_semaphore, #tpu.memory_space<semaphore_mem>>
        %dma_start3A = arith.constant 0 : i32
        %dma_start3A_72 = tpu.memref_slice %arg11[%dma_start3A] : memref<10240xi32, #tpu.memory_space<vmem>> -> memref<2560xi32, #tpu.memory_space<vmem>>
        %dma_start3A_73 = arith.constant 637440 : i32
        %dma_start3A_74 = tpu.memref_slice %arg3[%dma_start3A_73] : memref<640000xi32, #tpu.memory_space<hbm>> -> memref<2560xi32, #tpu.memory_space<hbm>>
        %dma_start3A_75 = arith.constant 0 : i32
        %dma_start3A_76 = tpu.memref_slice %arg11[%dma_start3A_75] : memref<10240xi32, #tpu.memory_space<vmem>> -> memref<2560xi32, #tpu.memory_space<vmem>>
        %dma_start3A_77 = arith.constant 637440 : i32
        %dma_start3A_78 = tpu.memref_slice %arg3[%dma_start3A_77] : memref<640000xi32, #tpu.memory_space<hbm>> -> memref<2560xi32, #tpu.memory_space<hbm>>
        tpu.enqueue_dma source(%dma_start3A_78 : memref<2560xi32, #tpu.memory_space<hbm>>) target(%dma_start3A_76 : memref<2560xi32, #tpu.memory_space<vmem>>) target_semaphore(%run_scoped3A_71 : memref<!tpu.dma_semaphore, #tpu.memory_space<semaphore_mem>>)
        %dma_wait3A_79 = arith.constant 0 : i32
        %dma_wait3A_80 = tpu.memref_slice %arg11[%dma_wait3A_79] : memref<10240xi32, #tpu.memory_space<vmem>> -> memref<2560xi32, #tpu.memory_space<vmem>>
        %dma_wait3A_81 = arith.constant 637440 : i32
        %dma_wait3A_82 = tpu.memref_slice %arg3[%dma_wait3A_81] : memref<640000xi32, #tpu.memory_space<hbm>> -> memref<2560xi32, #tpu.memory_space<hbm>>
        %dma_wait3A_83 = arith.constant 0 : i32
        %dma_wait3A_84 = tpu.memref_slice %arg11[%dma_wait3A_83] : memref<10240xi32, #tpu.memory_space<vmem>> -> memref<2560xi32, #tpu.memory_space<vmem>>
        %dma_wait3A_85 = arith.constant 637440 : i32
        %dma_wait3A_86 = tpu.memref_slice %arg3[%dma_wait3A_85] : memref<640000xi32, #tpu.memory_space<hbm>> -> memref<2560xi32, #tpu.memory_space<hbm>>
        tpu.wait_dma2 semaphore(%run_scoped3A_71 : memref<!tpu.dma_semaphore, #tpu.memory_space<semaphore_mem>>) src(%dma_wait3A_86 : memref<2560xi32, #tpu.memory_space<hbm>>) dst(%dma_wait3A_84 : memref<2560xi32, #tpu.memory_space<vmem>>)
        tpu.yield
      }) : () -> ()
      "tpu.region"() ({
        %run_scoped3A_71 = tpu.sem_alloc : memref<!tpu.dma_semaphore, #tpu.memory_space<semaphore_mem>>
        %dma_start3A = arith.constant 2560 : i32
        %dma_start3A_72 = tpu.memref_slice %arg11[%dma_start3A] : memref<10240xi32, #tpu.memory_space<vmem>> -> memref<7680xi32, #tpu.memory_space<vmem>>
        %dma_start3A_73 = arith.constant 2560 : i32
        %dma_start3A_74 = tpu.memref_slice %arg11[%dma_start3A_73] : memref<10240xi32, #tpu.memory_space<vmem>> -> memref<7680xi32, #tpu.memory_space<vmem>>
        tpu.enqueue_dma source(%arg4 : memref<7680xi32, #tpu.memory_space<hbm>>) target(%dma_start3A_74 : memref<7680xi32, #tpu.memory_space<vmem>>) target_semaphore(%run_scoped3A_71 : memref<!tpu.dma_semaphore, #tpu.memory_space<semaphore_mem>>)
        %dma_wait3A_75 = arith.constant 2560 : i32
        %dma_wait3A_76 = tpu.memref_slice %arg11[%dma_wait3A_75] : memref<10240xi32, #tpu.memory_space<vmem>> -> memref<7680xi32, #tpu.memory_space<vmem>>
        %dma_wait3A_77 = arith.constant 2560 : i32
        %dma_wait3A_78 = tpu.memref_slice %arg11[%dma_wait3A_77] : memref<10240xi32, #tpu.memory_space<vmem>> -> memref<7680xi32, #tpu.memory_space<vmem>>
        tpu.wait_dma2 semaphore(%run_scoped3A_71 : memref<!tpu.dma_semaphore, #tpu.memory_space<semaphore_mem>>) src(%arg4 : memref<7680xi32, #tpu.memory_space<hbm>>) dst(%dma_wait3A_78 : memref<7680xi32, #tpu.memory_space<vmem>>)
        tpu.yield
      }) : () -> ()
    } else {
    }
    %run_scoped3A = arith.constant 0 : i32
    "tpu.region"() ({
      %run_scoped3A_71 = tpu.sem_alloc : memref<!tpu.dma_semaphore, #tpu.memory_space<semaphore_mem>>
      %dma_start3A = arith.constant 0 : i32
      %dma_start3A_72 = arith.constant 0 : i32
      %dma_start3A_73 = tpu.memref_slice %arg12[%run_scoped3A, %dma_start3A, %dma_start3A_72] : memref<8x256x16xf32, #tpu.memory_space<vmem>> -> memref<1x256x16xf32, #tpu.memory_space<vmem>>
      %dma_start3A_74 = tpu.memref_squeeze %dma_start3A_73 : memref<1x256x16xf32, #tpu.memory_space<vmem>> -> memref<256x16xf32, #tpu.memory_space<vmem>>
      %dma_start3A_75 = arith.constant 0 : i32
      %dma_start3A_76 = arith.constant 0 : i32
      %dma_start3A_77 = tpu.memref_slice %arg12[%run_scoped3A, %dma_start3A_75, %dma_start3A_76] : memref<8x256x16xf32, #tpu.memory_space<vmem>> -> memref<1x256x16xf32, #tpu.memory_space<vmem>>
      %dma_start3A_78 = tpu.memref_squeeze %dma_start3A_77 : memref<1x256x16xf32, #tpu.memory_space<vmem>> -> memref<256x16xf32, #tpu.memory_space<vmem>>
      tpu.enqueue_dma source(%arg2 : memref<256x16xf32, #tpu.memory_space<hbm>>) target(%dma_start3A_78 : memref<256x16xf32, #tpu.memory_space<vmem>>) target_semaphore(%run_scoped3A_71 : memref<!tpu.dma_semaphore, #tpu.memory_space<semaphore_mem>>)
      %dma_wait3A_79 = arith.constant 0 : i32
      %dma_wait3A_80 = arith.constant 0 : i32
      %dma_wait3A_81 = tpu.memref_slice %arg12[%run_scoped3A, %dma_wait3A_79, %dma_wait3A_80] : memref<8x256x16xf32, #tpu.memory_space<vmem>> -> memref<1x256x16xf32, #tpu.memory_space<vmem>>
      %dma_wait3A_82 = tpu.memref_squeeze %dma_wait3A_81 : memref<1x256x16xf32, #tpu.memory_space<vmem>> -> memref<256x16xf32, #tpu.memory_space<vmem>>
      %dma_wait3A_83 = arith.constant 0 : i32
      %dma_wait3A_84 = arith.constant 0 : i32
      %dma_wait3A_85 = tpu.memref_slice %arg12[%run_scoped3A, %dma_wait3A_83, %dma_wait3A_84] : memref<8x256x16xf32, #tpu.memory_space<vmem>> -> memref<1x256x16xf32, #tpu.memory_space<vmem>>
      %dma_wait3A_86 = tpu.memref_squeeze %dma_wait3A_85 : memref<1x256x16xf32, #tpu.memory_space<vmem>> -> memref<256x16xf32, #tpu.memory_space<vmem>>
      tpu.wait_dma2 semaphore(%run_scoped3A_71 : memref<!tpu.dma_semaphore, #tpu.memory_space<semaphore_mem>>) src(%arg2 : memref<256x16xf32, #tpu.memory_space<hbm>>) dst(%dma_wait3A_86 : memref<256x16xf32, #tpu.memory_space<vmem>>)
      tpu.yield
    }) : () -> ()
    %barrier3A = arith.constant 0 : index
    tpu.barrier barrier_id(%barrier3A)
    %scan3A = arith.constant 0 : i32
    %scan3A_12 = arith.constant 5 : i32
    %scan3A_13 = arith.addi %scan3A, %scan3A_12 : i32
    %scan3A_14 = arith.constant 1 : i32
    scf.for %scan3A_71 = %scan3A to %scan3A_13 step %scan3A_14  : i32 {
      %mul3A_72 = arith.constant 8 : i32
      %mul3A_73 = arith.muli %mul3A_72, %scan3A_71 : i32
      %add3A_74 = arith.constant 0 : i32
      %add3A_75 = arith.addi %mul3A_73, %add3A_74 : i32
      %mul3A_76 = arith.constant 256 : i32
      %mul3A_77 = arith.muli %add3A_75, %mul3A_76 : i32
      %dma_start3A = arith.constant 0 : i32
      %dma_start3A_78 = arith.constant 0 : i32
      %dma_start3A_79 = arith.constant 0 : i32
      %dma_start3A_80 = tpu.memref_slice %arg12[%dma_start3A, %dma_start3A_78, %dma_start3A_79] : memref<8x256x16xf32, #tpu.memory_space<vmem>> -> memref<1x256x16xf32, #tpu.memory_space<vmem>>
      %dma_start3A_81 = tpu.memref_squeeze %dma_start3A_80 : memref<1x256x16xf32, #tpu.memory_space<vmem>> -> memref<256x16xf32, #tpu.memory_space<vmem>>
      %dma_start3A_82 = tpu.memref_slice %arg11[%mul3A_77] : memref<10240xi32, #tpu.memory_space<vmem>> -> memref<256xi32, #tpu.memory_space<vmem>>
      %dma_start3A_83 = arith.constant 0 : i32
      %dma_start3A_84 = arith.constant 0 : i32
      %dma_start3A_85 = tpu.memref_slice %arg13[%dma_start3A_83, %dma_start3A_84] : memref<10240x16xf32, #tpu.memory_space<vmem_shared>> -> memref<10240x16xf32, #tpu.memory_space<vmem_shared>>
      tpu.enqueue_indirect_dma source(%dma_start3A_81 : memref<256x16xf32, #tpu.memory_space<vmem>>) target(%dma_start3A_85 : memref<10240x16xf32, #tpu.memory_space<vmem_shared>>) offsets(%dma_start3A_82 : memref<256xi32, #tpu.memory_space<vmem>>) semaphore(%arg24 : memref<!tpu.dma_semaphore, #tpu.memory_space<semaphore_mem>>) {add = true}
      %gt3A = arith.constant 0 : i32
      %gt3A_86 = arith.cmpi sgt, %scan3A_71, %gt3A : i32
      %convert_element_type3A_87 = arith.extui %gt3A_86 : i1 to i32
      %cond3A_88 = arith.constant 0 : i32
      %cond3A_89 = arith.cmpi ne, %convert_element_type3A_87, %cond3A_88 : i32
      scf.if %cond3A_89 {
        %dma_wait3A_236 = arith.constant 0 : i32
        %dma_wait3A_237 = arith.constant 0 : i32
        %dma_wait3A_238 = arith.constant 0 : i32
        %dma_wait3A_239 = tpu.memref_slice %arg12[%dma_wait3A_236, %dma_wait3A_237, %dma_wait3A_238] : memref<8x256x16xf32, #tpu.memory_space<vmem>> -> memref<1x256x16xf32, #tpu.memory_space<vmem>>
        %dma_wait3A_240 = tpu.memref_squeeze %dma_wait3A_239 : memref<1x256x16xf32, #tpu.memory_space<vmem>> -> memref<256x16xf32, #tpu.memory_space<vmem>>
        %dma_wait3A_241 = arith.constant 0 : i32
        %dma_wait3A_242 = tpu.memref_slice %arg11[%dma_wait3A_241] : memref<10240xi32, #tpu.memory_space<vmem>> -> memref<256xi32, #tpu.memory_space<vmem>>
        %dma_wait3A_243 = arith.constant 0 : i32
        %dma_wait3A_244 = arith.constant 0 : i32
        %dma_wait3A_245 = tpu.memref_slice %arg13[%dma_wait3A_243, %dma_wait3A_244] : memref<10240x16xf32, #tpu.memory_space<vmem_shared>> -> memref<10240x16xf32, #tpu.memory_space<vmem_shared>>
        tpu.wait_indirect_dma semaphore(%arg28 : memref<!tpu.dma_semaphore, #tpu.memory_space<semaphore_mem>>) src(%dma_wait3A_240 : memref<256x16xf32, #tpu.memory_space<vmem>>) dst(%dma_wait3A_245 : memref<10240x16xf32, #tpu.memory_space<vmem_shared>>)
      } else {
      }
      %add3A_90 = arith.constant 1 : i32
      %add3A_91 = arith.addi %mul3A_73, %add3A_90 : i32
      %mul3A_92 = arith.constant 256 : i32
      %mul3A_93 = arith.muli %add3A_91, %mul3A_92 : i32
      %dma_start3A_94 = arith.constant 0 : i32
      %dma_start3A_95 = arith.constant 0 : i32
      %dma_start3A_96 = arith.constant 0 : i32
      %dma_start3A_97 = tpu.memref_slice %arg12[%dma_start3A_94, %dma_start3A_95, %dma_start3A_96] : memref<8x256x16xf32, #tpu.memory_space<vmem>> -> memref<1x256x16xf32, #tpu.memory_space<vmem>>
      %dma_start3A_98 = tpu.memref_squeeze %dma_start3A_97 : memref<1x256x16xf32, #tpu.memory_space<vmem>> -> memref<256x16xf32, #tpu.memory_space<vmem>>
      %dma_start3A_99 = tpu.memref_slice %arg11[%mul3A_93] : memref<10240xi32, #tpu.memory_space<vmem>> -> memref<256xi32, #tpu.memory_space<vmem>>
      %dma_start3A_100 = arith.constant 0 : i32
      %dma_start3A_101 = arith.constant 0 : i32
      %dma_start3A_102 = tpu.memref_slice %arg13[%dma_start3A_100, %dma_start3A_101] : memref<10240x16xf32, #tpu.memory_space<vmem_shared>> -> memref<10240x16xf32, #tpu.memory_space<vmem_shared>>
      tpu.enqueue_indirect_dma source(%dma_start3A_98 : memref<256x16xf32, #tpu.memory_space<vmem>>) target(%dma_start3A_102 : memref<10240x16xf32, #tpu.memory_space<vmem_shared>>) offsets(%dma_start3A_99 : memref<256xi32, #tpu.memory_space<vmem>>) semaphore(%arg25 : memref<!tpu.dma_semaphore, #tpu.memory_space<semaphore_mem>>) {add = true}
      %gt3A_103 = arith.constant 0 : i32
      %gt3A_104 = arith.cmpi sgt, %scan3A_71, %gt3A_103 : i32
      %convert_element_type3A_105 = arith.extui %gt3A_104 : i1 to i32
      %cond3A_106 = arith.constant 0 : i32
      %cond3A_107 = arith.cmpi ne, %convert_element_type3A_105, %cond3A_106 : i32
      scf.if %cond3A_107 {
        %dma_wait3A_236 = arith.constant 0 : i32
        %dma_wait3A_237 = arith.constant 0 : i32
        %dma_wait3A_238 = arith.constant 0 : i32
        %dma_wait3A_239 = tpu.memref_slice %arg12[%dma_wait3A_236, %dma_wait3A_237, %dma_wait3A_238] : memref<8x256x16xf32, #tpu.memory_space<vmem>> -> memref<1x256x16xf32, #tpu.memory_space<vmem>>
        %dma_wait3A_240 = tpu.memref_squeeze %dma_wait3A_239 : memref<1x256x16xf32, #tpu.memory_space<vmem>> -> memref<256x16xf32, #tpu.memory_space<vmem>>
        %dma_wait3A_241 = arith.constant 0 : i32
        %dma_wait3A_242 = tpu.memref_slice %arg11[%dma_wait3A_241] : memref<10240xi32, #tpu.memory_space<vmem>> -> memref<256xi32, #tpu.memory_space<vmem>>
        %dma_wait3A_243 = arith.constant 0 : i32
        %dma_wait3A_244 = arith.constant 0 : i32
        %dma_wait3A_245 = tpu.memref_slice %arg13[%dma_wait3A_243, %dma_wait3A_244] : memref<10240x16xf32, #tpu.memory_space<vmem_shared>> -> memref<10240x16xf32, #tpu.memory_space<vmem_shared>>
        tpu.wait_indirect_dma semaphore(%arg29 : memref<!tpu.dma_semaphore, #tpu.memory_space<semaphore_mem>>) src(%dma_wait3A_240 : memref<256x16xf32, #tpu.memory_space<vmem>>) dst(%dma_wait3A_245 : memref<10240x16xf32, #tpu.memory_space<vmem_shared>>)
      } else {
      }
      %add3A_108 = arith.constant 2 : i32
      %add3A_109 = arith.addi %mul3A_73, %add3A_108 : i32
      %mul3A_110 = arith.constant 256 : i32
      %mul3A_111 = arith.muli %add3A_109, %mul3A_110 : i32
      %dma_start3A_112 = arith.constant 0 : i32
      %dma_start3A_113 = arith.constant 0 : i32
      %dma_start3A_114 = arith.constant 0 : i32
      %dma_start3A_115 = tpu.memref_slice %arg12[%dma_start3A_112, %dma_start3A_113, %dma_start3A_114] : memref<8x256x16xf32, #tpu.memory_space<vmem>> -> memref<1x256x16xf32, #tpu.memory_space<vmem>>
      %dma_start3A_116 = tpu.memref_squeeze %dma_start3A_115 : memref<1x256x16xf32, #tpu.memory_space<vmem>> -> memref<256x16xf32, #tpu.memory_space<vmem>>
      %dma_start3A_117 = tpu.memref_slice %arg11[%mul3A_111] : memref<10240xi32, #tpu.memory_space<vmem>> -> memref<256xi32, #tpu.memory_space<vmem>>
      %dma_start3A_118 = arith.constant 0 : i32
      %dma_start3A_119 = arith.constant 0 : i32
      %dma_start3A_120 = tpu.memref_slice %arg13[%dma_start3A_118, %dma_start3A_119] : memref<10240x16xf32, #tpu.memory_space<vmem_shared>> -> memref<10240x16xf32, #tpu.memory_space<vmem_shared>>
      tpu.enqueue_indirect_dma source(%dma_start3A_116 : memref<256x16xf32, #tpu.memory_space<vmem>>) target(%dma_start3A_120 : memref<10240x16xf32, #tpu.memory_space<vmem_shared>>) offsets(%dma_start3A_117 : memref<256xi32, #tpu.memory_space<vmem>>) semaphore(%arg26 : memref<!tpu.dma_semaphore, #tpu.memory_space<semaphore_mem>>) {add = true}
      %gt3A_121 = arith.constant 0 : i32
      %gt3A_122 = arith.cmpi sgt, %scan3A_71, %gt3A_121 : i32
      %convert_element_type3A_123 = arith.extui %gt3A_122 : i1 to i32
      %cond3A_124 = arith.constant 0 : i32
      %cond3A_125 = arith.cmpi ne, %convert_element_type3A_123, %cond3A_124 : i32
      scf.if %cond3A_125 {
        %dma_wait3A_236 = arith.constant 0 : i32
        %dma_wait3A_237 = arith.constant 0 : i32
        %dma_wait3A_238 = arith.constant 0 : i32
        %dma_wait3A_239 = tpu.memref_slice %arg12[%dma_wait3A_236, %dma_wait3A_237, %dma_wait3A_238] : memref<8x256x16xf32, #tpu.memory_space<vmem>> -> memref<1x256x16xf32, #tpu.memory_space<vmem>>
        %dma_wait3A_240 = tpu.memref_squeeze %dma_wait3A_239 : memref<1x256x16xf32, #tpu.memory_space<vmem>> -> memref<256x16xf32, #tpu.memory_space<vmem>>
        %dma_wait3A_241 = arith.constant 0 : i32
        %dma_wait3A_242 = tpu.memref_slice %arg11[%dma_wait3A_241] : memref<10240xi32, #tpu.memory_space<vmem>> -> memref<256xi32, #tpu.memory_space<vmem>>
        %dma_wait3A_243 = arith.constant 0 : i32
        %dma_wait3A_244 = arith.constant 0 : i32
        %dma_wait3A_245 = tpu.memref_slice %arg13[%dma_wait3A_243, %dma_wait3A_244] : memref<10240x16xf32, #tpu.memory_space<vmem_shared>> -> memref<10240x16xf32, #tpu.memory_space<vmem_shared>>
        tpu.wait_indirect_dma semaphore(%arg30 : memref<!tpu.dma_semaphore, #tpu.memory_space<semaphore_mem>>) src(%dma_wait3A_240 : memref<256x16xf32, #tpu.memory_space<vmem>>) dst(%dma_wait3A_245 : memref<10240x16xf32, #tpu.memory_space<vmem_shared>>)
      } else {
      }
      %add3A_126 = arith.constant 3 : i32
      %add3A_127 = arith.addi %mul3A_73, %add3A_126 : i32
      %mul3A_128 = arith.constant 256 : i32
      %mul3A_129 = arith.muli %add3A_127, %mul3A_128 : i32
      %dma_start3A_130 = arith.constant 0 : i32
      %dma_start3A_131 = arith.constant 0 : i32
      %dma_start3A_132 = arith.constant 0 : i32
      %dma_start3A_133 = tpu.memref_slice %arg12[%dma_start3A_130, %dma_start3A_131, %dma_start3A_132] : memref<8x256x16xf32, #tpu.memory_space<vmem>> -> memref<1x256x16xf32, #tpu.memory_space<vmem>>
      %dma_start3A_134 = tpu.memref_squeeze %dma_start3A_133 : memref<1x256x16xf32, #tpu.memory_space<vmem>> -> memref<256x16xf32, #tpu.memory_space<vmem>>
      %dma_start3A_135 = tpu.memref_slice %arg11[%mul3A_129] : memref<10240xi32, #tpu.memory_space<vmem>> -> memref<256xi32, #tpu.memory_space<vmem>>
      %dma_start3A_136 = arith.constant 0 : i32
      %dma_start3A_137 = arith.constant 0 : i32
      %dma_start3A_138 = tpu.memref_slice %arg13[%dma_start3A_136, %dma_start3A_137] : memref<10240x16xf32, #tpu.memory_space<vmem_shared>> -> memref<10240x16xf32, #tpu.memory_space<vmem_shared>>
      tpu.enqueue_indirect_dma source(%dma_start3A_134 : memref<256x16xf32, #tpu.memory_space<vmem>>) target(%dma_start3A_138 : memref<10240x16xf32, #tpu.memory_space<vmem_shared>>) offsets(%dma_start3A_135 : memref<256xi32, #tpu.memory_space<vmem>>) semaphore(%arg27 : memref<!tpu.dma_semaphore, #tpu.memory_space<semaphore_mem>>) {add = true}
      %gt3A_139 = arith.constant 0 : i32
      %gt3A_140 = arith.cmpi sgt, %scan3A_71, %gt3A_139 : i32
      %convert_element_type3A_141 = arith.extui %gt3A_140 : i1 to i32
      %cond3A_142 = arith.constant 0 : i32
      %cond3A_143 = arith.cmpi ne, %convert_element_type3A_141, %cond3A_142 : i32
      scf.if %cond3A_143 {
        %dma_wait3A_236 = arith.constant 0 : i32
        %dma_wait3A_237 = arith.constant 0 : i32
        %dma_wait3A_238 = arith.constant 0 : i32
        %dma_wait3A_239 = tpu.memref_slice %arg12[%dma_wait3A_236, %dma_wait3A_237, %dma_wait3A_238] : memref<8x256x16xf32, #tpu.memory_space<vmem>> -> memref<1x256x16xf32, #tpu.memory_space<vmem>>
        %dma_wait3A_240 = tpu.memref_squeeze %dma_wait3A_239 : memref<1x256x16xf32, #tpu.memory_space<vmem>> -> memref<256x16xf32, #tpu.memory_space<vmem>>
        %dma_wait3A_241 = arith.constant 0 : i32
        %dma_wait3A_242 = tpu.memref_slice %arg11[%dma_wait3A_241] : memref<10240xi32, #tpu.memory_space<vmem>> -> memref<256xi32, #tpu.memory_space<vmem>>
        %dma_wait3A_243 = arith.constant 0 : i32
        %dma_wait3A_244 = arith.constant 0 : i32
        %dma_wait3A_245 = tpu.memref_slice %arg13[%dma_wait3A_243, %dma_wait3A_244] : memref<10240x16xf32, #tpu.memory_space<vmem_shared>> -> memref<10240x16xf32, #tpu.memory_space<vmem_shared>>
        tpu.wait_indirect_dma semaphore(%arg31 : memref<!tpu.dma_semaphore, #tpu.memory_space<semaphore_mem>>) src(%dma_wait3A_240 : memref<256x16xf32, #tpu.memory_space<vmem>>) dst(%dma_wait3A_245 : memref<10240x16xf32, #tpu.memory_space<vmem_shared>>)
      } else {
      }
      %add3A_144 = arith.constant 4 : i32
      %add3A_145 = arith.addi %mul3A_73, %add3A_144 : i32
      %mul3A_146 = arith.constant 256 : i32
      %mul3A_147 = arith.muli %add3A_145, %mul3A_146 : i32
      %dma_start3A_148 = arith.constant 0 : i32
      %dma_start3A_149 = arith.constant 0 : i32
      %dma_start3A_150 = arith.constant 0 : i32
      %dma_start3A_151 = tpu.memref_slice %arg12[%dma_start3A_148, %dma_start3A_149, %dma_start3A_150] : memref<8x256x16xf32, #tpu.memory_space<vmem>> -> memref<1x256x16xf32, #tpu.memory_space<vmem>>
      %dma_start3A_152 = tpu.memref_squeeze %dma_start3A_151 : memref<1x256x16xf32, #tpu.memory_space<vmem>> -> memref<256x16xf32, #tpu.memory_space<vmem>>
      %dma_start3A_153 = tpu.memref_slice %arg11[%mul3A_147] : memref<10240xi32, #tpu.memory_space<vmem>> -> memref<256xi32, #tpu.memory_space<vmem>>
      %dma_start3A_154 = arith.constant 0 : i32
      %dma_start3A_155 = arith.constant 0 : i32
      %dma_start3A_156 = tpu.memref_slice %arg13[%dma_start3A_154, %dma_start3A_155] : memref<10240x16xf32, #tpu.memory_space<vmem_shared>> -> memref<10240x16xf32, #tpu.memory_space<vmem_shared>>
      tpu.enqueue_indirect_dma source(%dma_start3A_152 : memref<256x16xf32, #tpu.memory_space<vmem>>) target(%dma_start3A_156 : memref<10240x16xf32, #tpu.memory_space<vmem_shared>>) offsets(%dma_start3A_153 : memref<256xi32, #tpu.memory_space<vmem>>) semaphore(%arg28 : memref<!tpu.dma_semaphore, #tpu.memory_space<semaphore_mem>>) {add = true}
      %dma_wait3A_157 = arith.constant 0 : i32
      %dma_wait3A_158 = arith.constant 0 : i32
      %dma_wait3A_159 = arith.constant 0 : i32
      %dma_wait3A_160 = tpu.memref_slice %arg12[%dma_wait3A_157, %dma_wait3A_158, %dma_wait3A_159] : memref<8x256x16xf32, #tpu.memory_space<vmem>> -> memref<1x256x16xf32, #tpu.memory_space<vmem>>
      %dma_wait3A_161 = tpu.memref_squeeze %dma_wait3A_160 : memref<1x256x16xf32, #tpu.memory_space<vmem>> -> memref<256x16xf32, #tpu.memory_space<vmem>>
      %dma_wait3A_162 = arith.constant 0 : i32
      %dma_wait3A_163 = tpu.memref_slice %arg11[%dma_wait3A_162] : memref<10240xi32, #tpu.memory_space<vmem>> -> memref<256xi32, #tpu.memory_space<vmem>>
      %dma_wait3A_164 = arith.constant 0 : i32
      %dma_wait3A_165 = arith.constant 0 : i32
      %dma_wait3A_166 = tpu.memref_slice %arg13[%dma_wait3A_164, %dma_wait3A_165] : memref<10240x16xf32, #tpu.memory_space<vmem_shared>> -> memref<10240x16xf32, #tpu.memory_space<vmem_shared>>
      tpu.wait_indirect_dma semaphore(%arg24 : memref<!tpu.dma_semaphore, #tpu.memory_space<semaphore_mem>>) src(%dma_wait3A_161 : memref<256x16xf32, #tpu.memory_space<vmem>>) dst(%dma_wait3A_166 : memref<10240x16xf32, #tpu.memory_space<vmem_shared>>)
      %add3A_167 = arith.constant 5 : i32
      %add3A_168 = arith.addi %mul3A_73, %add3A_167 : i32
      %mul3A_169 = arith.constant 256 : i32
      %mul3A_170 = arith.muli %add3A_168, %mul3A_169 : i32
      %dma_start3A_171 = arith.constant 0 : i32
      %dma_start3A_172 = arith.constant 0 : i32
      %dma_start3A_173 = arith.constant 0 : i32
      %dma_start3A_174 = tpu.memref_slice %arg12[%dma_start3A_171, %dma_start3A_172, %dma_start3A_173] : memref<8x256x16xf32, #tpu.memory_space<vmem>> -> memref<1x256x16xf32, #tpu.memory_space<vmem>>
      %dma_start3A_175 = tpu.memref_squeeze %dma_start3A_174 : memref<1x256x16xf32, #tpu.memory_space<vmem>> -> memref<256x16xf32, #tpu.memory_space<vmem>>
      %dma_start3A_176 = tpu.memref_slice %arg11[%mul3A_170] : memref<10240xi32, #tpu.memory_space<vmem>> -> memref<256xi32, #tpu.memory_space<vmem>>
      %dma_start3A_177 = arith.constant 0 : i32
      %dma_start3A_178 = arith.constant 0 : i32
      %dma_start3A_179 = tpu.memref_slice %arg13[%dma_start3A_177, %dma_start3A_178] : memref<10240x16xf32, #tpu.memory_space<vmem_shared>> -> memref<10240x16xf32, #tpu.memory_space<vmem_shared>>
      tpu.enqueue_indirect_dma source(%dma_start3A_175 : memref<256x16xf32, #tpu.memory_space<vmem>>) target(%dma_start3A_179 : memref<10240x16xf32, #tpu.memory_space<vmem_shared>>) offsets(%dma_start3A_176 : memref<256xi32, #tpu.memory_space<vmem>>) semaphore(%arg29 : memref<!tpu.dma_semaphore, #tpu.memory_space<semaphore_mem>>) {add = true}
      %dma_wait3A_180 = arith.constant 0 : i32
      %dma_wait3A_181 = arith.constant 0 : i32
      %dma_wait3A_182 = arith.constant 0 : i32
      %dma_wait3A_183 = tpu.memref_slice %arg12[%dma_wait3A_180, %dma_wait3A_181, %dma_wait3A_182] : memref<8x256x16xf32, #tpu.memory_space<vmem>> -> memref<1x256x16xf32, #tpu.memory_space<vmem>>
      %dma_wait3A_184 = tpu.memref_squeeze %dma_wait3A_183 : memref<1x256x16xf32, #tpu.memory_space<vmem>> -> memref<256x16xf32, #tpu.memory_space<vmem>>
      %dma_wait3A_185 = arith.constant 0 : i32
      %dma_wait3A_186 = tpu.memref_slice %arg11[%dma_wait3A_185] : memref<10240xi32, #tpu.memory_space<vmem>> -> memref<256xi32, #tpu.memory_space<vmem>>
      %dma_wait3A_187 = arith.constant 0 : i32
      %dma_wait3A_188 = arith.constant 0 : i32
      %dma_wait3A_189 = tpu.memref_slice %arg13[%dma_wait3A_187, %dma_wait3A_188] : memref<10240x16xf32, #tpu.memory_space<vmem_shared>> -> memref<10240x16xf32, #tpu.memory_space<vmem_shared>>
      tpu.wait_indirect_dma semaphore(%arg25 : memref<!tpu.dma_semaphore, #tpu.memory_space<semaphore_mem>>) src(%dma_wait3A_184 : memref<256x16xf32, #tpu.memory_space<vmem>>) dst(%dma_wait3A_189 : memref<10240x16xf32, #tpu.memory_space<vmem_shared>>)
      %add3A_190 = arith.constant 6 : i32
      %add3A_191 = arith.addi %mul3A_73, %add3A_190 : i32
      %mul3A_192 = arith.constant 256 : i32
      %mul3A_193 = arith.muli %add3A_191, %mul3A_192 : i32
      %dma_start3A_194 = arith.constant 0 : i32
      %dma_start3A_195 = arith.constant 0 : i32
      %dma_start3A_196 = arith.constant 0 : i32
      %dma_start3A_197 = tpu.memref_slice %arg12[%dma_start3A_194, %dma_start3A_195, %dma_start3A_196] : memref<8x256x16xf32, #tpu.memory_space<vmem>> -> memref<1x256x16xf32, #tpu.memory_space<vmem>>
      %dma_start3A_198 = tpu.memref_squeeze %dma_start3A_197 : memref<1x256x16xf32, #tpu.memory_space<vmem>> -> memref<256x16xf32, #tpu.memory_space<vmem>>
      %dma_start3A_199 = tpu.memref_slice %arg11[%mul3A_193] : memref<10240xi32, #tpu.memory_space<vmem>> -> memref<256xi32, #tpu.memory_space<vmem>>
      %dma_start3A_200 = arith.constant 0 : i32
      %dma_start3A_201 = arith.constant 0 : i32
      %dma_start3A_202 = tpu.memref_slice %arg13[%dma_start3A_200, %dma_start3A_201] : memref<10240x16xf32, #tpu.memory_space<vmem_shared>> -> memref<10240x16xf32, #tpu.memory_space<vmem_shared>>
      tpu.enqueue_indirect_dma source(%dma_start3A_198 : memref<256x16xf32, #tpu.memory_space<vmem>>) target(%dma_start3A_202 : memref<10240x16xf32, #tpu.memory_space<vmem_shared>>) offsets(%dma_start3A_199 : memref<256xi32, #tpu.memory_space<vmem>>) semaphore(%arg30 : memref<!tpu.dma_semaphore, #tpu.memory_space<semaphore_mem>>) {add = true}
      %dma_wait3A_203 = arith.constant 0 : i32
      %dma_wait3A_204 = arith.constant 0 : i32
      %dma_wait3A_205 = arith.constant 0 : i32
      %dma_wait3A_206 = tpu.memref_slice %arg12[%dma_wait3A_203, %dma_wait3A_204, %dma_wait3A_205] : memref<8x256x16xf32, #tpu.memory_space<vmem>> -> memref<1x256x16xf32, #tpu.memory_space<vmem>>
      %dma_wait3A_207 = tpu.memref_squeeze %dma_wait3A_206 : memref<1x256x16xf32, #tpu.memory_space<vmem>> -> memref<256x16xf32, #tpu.memory_space<vmem>>
      %dma_wait3A_208 = arith.constant 0 : i32
      %dma_wait3A_209 = tpu.memref_slice %arg11[%dma_wait3A_208] : memref<10240xi32, #tpu.memory_space<vmem>> -> memref<256xi32, #tpu.memory_space<vmem>>
      %dma_wait3A_210 = arith.constant 0 : i32
      %dma_wait3A_211 = arith.constant 0 : i32
      %dma_wait3A_212 = tpu.memref_slice %arg13[%dma_wait3A_210, %dma_wait3A_211] : memref<10240x16xf32, #tpu.memory_space<vmem_shared>> -> memref<10240x16xf32, #tpu.memory_space<vmem_shared>>
      tpu.wait_indirect_dma semaphore(%arg26 : memref<!tpu.dma_semaphore, #tpu.memory_space<semaphore_mem>>) src(%dma_wait3A_207 : memref<256x16xf32, #tpu.memory_space<vmem>>) dst(%dma_wait3A_212 : memref<10240x16xf32, #tpu.memory_space<vmem_shared>>)
      %add3A_213 = arith.constant 7 : i32
      %add3A_214 = arith.addi %mul3A_73, %add3A_213 : i32
      %mul3A_215 = arith.constant 256 : i32
      %mul3A_216 = arith.muli %add3A_214, %mul3A_215 : i32
      %dma_start3A_217 = arith.constant 0 : i32
      %dma_start3A_218 = arith.constant 0 : i32
      %dma_start3A_219 = arith.constant 0 : i32
      %dma_start3A_220 = tpu.memref_slice %arg12[%dma_start3A_217, %dma_start3A_218, %dma_start3A_219] : memref<8x256x16xf32, #tpu.memory_space<vmem>> -> memref<1x256x16xf32, #tpu.memory_space<vmem>>
      %dma_start3A_221 = tpu.memref_squeeze %dma_start3A_220 : memref<1x256x16xf32, #tpu.memory_space<vmem>> -> memref<256x16xf32, #tpu.memory_space<vmem>>
      %dma_start3A_222 = tpu.memref_slice %arg11[%mul3A_216] : memref<10240xi32, #tpu.memory_space<vmem>> -> memref<256xi32, #tpu.memory_space<vmem>>
      %dma_start3A_223 = arith.constant 0 : i32
      %dma_start3A_224 = arith.constant 0 : i32
      %dma_start3A_225 = tpu.memref_slice %arg13[%dma_start3A_223, %dma_start3A_224] : memref<10240x16xf32, #tpu.memory_space<vmem_shared>> -> memref<10240x16xf32, #tpu.memory_space<vmem_shared>>
      tpu.enqueue_indirect_dma source(%dma_start3A_221 : memref<256x16xf32, #tpu.memory_space<vmem>>) target(%dma_start3A_225 : memref<10240x16xf32, #tpu.memory_space<vmem_shared>>) offsets(%dma_start3A_222 : memref<256xi32, #tpu.memory_space<vmem>>) semaphore(%arg31 : memref<!tpu.dma_semaphore, #tpu.memory_space<semaphore_mem>>) {add = true}
      %dma_wait3A_226 = arith.constant 0 : i32
      %dma_wait3A_227 = arith.constant 0 : i32
      %dma_wait3A_228 = arith.constant 0 : i32
      %dma_wait3A_229 = tpu.memref_slice %arg12[%dma_wait3A_226, %dma_wait3A_227, %dma_wait3A_228] : memref<8x256x16xf32, #tpu.memory_space<vmem>> -> memref<1x256x16xf32, #tpu.memory_space<vmem>>
      %dma_wait3A_230 = tpu.memref_squeeze %dma_wait3A_229 : memref<1x256x16xf32, #tpu.memory_space<vmem>> -> memref<256x16xf32, #tpu.memory_space<vmem>>
      %dma_wait3A_231 = arith.constant 0 : i32
      %dma_wait3A_232 = tpu.memref_slice %arg11[%dma_wait3A_231] : memref<10240xi32, #tpu.memory_space<vmem>> -> memref<256xi32, #tpu.memory_space<vmem>>
      %dma_wait3A_233 = arith.constant 0 : i32
      %dma_wait3A_234 = arith.constant 0 : i32
      %dma_wait3A_235 = tpu.memref_slice %arg13[%dma_wait3A_233, %dma_wait3A_234] : memref<10240x16xf32, #tpu.memory_space<vmem_shared>> -> memref<10240x16xf32, #tpu.memory_space<vmem_shared>>
      tpu.wait_indirect_dma semaphore(%arg27 : memref<!tpu.dma_semaphore, #tpu.memory_space<semaphore_mem>>) src(%dma_wait3A_230 : memref<256x16xf32, #tpu.memory_space<vmem>>) dst(%dma_wait3A_235 : memref<10240x16xf32, #tpu.memory_space<vmem_shared>>)
    }
    %scan3A_15 = arith.constant 5 : i32
    %dma_wait3A = arith.constant 0 : i32
    %dma_wait3A_16 = arith.constant 0 : i32
    %dma_wait3A_17 = arith.constant 0 : i32
    %dma_wait3A_18 = tpu.memref_slice %arg12[%dma_wait3A, %dma_wait3A_16, %dma_wait3A_17] : memref<8x256x16xf32, #tpu.memory_space<vmem>> -> memref<1x256x16xf32, #tpu.memory_space<vmem>>
    %dma_wait3A_19 = tpu.memref_squeeze %dma_wait3A_18 : memref<1x256x16xf32, #tpu.memory_space<vmem>> -> memref<256x16xf32, #tpu.memory_space<vmem>>
    %dma_wait3A_20 = arith.constant 0 : i32
    %dma_wait3A_21 = tpu.memref_slice %arg11[%dma_wait3A_20] : memref<10240xi32, #tpu.memory_space<vmem>> -> memref<256xi32, #tpu.memory_space<vmem>>
    %dma_wait3A_22 = arith.constant 0 : i32
    %dma_wait3A_23 = arith.constant 0 : i32
    %dma_wait3A_24 = tpu.memref_slice %arg13[%dma_wait3A_22, %dma_wait3A_23] : memref<10240x16xf32, #tpu.memory_space<vmem_shared>> -> memref<10240x16xf32, #tpu.memory_space<vmem_shared>>
    tpu.wait_indirect_dma semaphore(%arg28 : memref<!tpu.dma_semaphore, #tpu.memory_space<semaphore_mem>>) src(%dma_wait3A_19 : memref<256x16xf32, #tpu.memory_space<vmem>>) dst(%dma_wait3A_24 : memref<10240x16xf32, #tpu.memory_space<vmem_shared>>)
    %dma_wait3A_25 = arith.constant 0 : i32
    %dma_wait3A_26 = arith.constant 0 : i32
    %dma_wait3A_27 = arith.constant 0 : i32
    %dma_wait3A_28 = tpu.memref_slice %arg12[%dma_wait3A_25, %dma_wait3A_26, %dma_wait3A_27] : memref<8x256x16xf32, #tpu.memory_space<vmem>> -> memref<1x256x16xf32, #tpu.memory_space<vmem>>
    %dma_wait3A_29 = tpu.memref_squeeze %dma_wait3A_28 : memref<1x256x16xf32, #tpu.memory_space<vmem>> -> memref<256x16xf32, #tpu.memory_space<vmem>>
    %dma_wait3A_30 = arith.constant 0 : i32
    %dma_wait3A_31 = tpu.memref_slice %arg11[%dma_wait3A_30] : memref<10240xi32, #tpu.memory_space<vmem>> -> memref<256xi32, #tpu.memory_space<vmem>>
    %dma_wait3A_32 = arith.constant 0 : i32
    %dma_wait3A_33 = arith.constant 0 : i32
    %dma_wait3A_34 = tpu.memref_slice %arg13[%dma_wait3A_32, %dma_wait3A_33] : memref<10240x16xf32, #tpu.memory_space<vmem_shared>> -> memref<10240x16xf32, #tpu.memory_space<vmem_shared>>
    tpu.wait_indirect_dma semaphore(%arg29 : memref<!tpu.dma_semaphore, #tpu.memory_space<semaphore_mem>>) src(%dma_wait3A_29 : memref<256x16xf32, #tpu.memory_space<vmem>>) dst(%dma_wait3A_34 : memref<10240x16xf32, #tpu.memory_space<vmem_shared>>)
    %dma_wait3A_35 = arith.constant 0 : i32
    %dma_wait3A_36 = arith.constant 0 : i32
    %dma_wait3A_37 = arith.constant 0 : i32
    %dma_wait3A_38 = tpu.memref_slice %arg12[%dma_wait3A_35, %dma_wait3A_36, %dma_wait3A_37] : memref<8x256x16xf32, #tpu.memory_space<vmem>> -> memref<1x256x16xf32, #tpu.memory_space<vmem>>
    %dma_wait3A_39 = tpu.memref_squeeze %dma_wait3A_38 : memref<1x256x16xf32, #tpu.memory_space<vmem>> -> memref<256x16xf32, #tpu.memory_space<vmem>>
    %dma_wait3A_40 = arith.constant 0 : i32
    %dma_wait3A_41 = tpu.memref_slice %arg11[%dma_wait3A_40] : memref<10240xi32, #tpu.memory_space<vmem>> -> memref<256xi32, #tpu.memory_space<vmem>>
    %dma_wait3A_42 = arith.constant 0 : i32
    %dma_wait3A_43 = arith.constant 0 : i32
    %dma_wait3A_44 = tpu.memref_slice %arg13[%dma_wait3A_42, %dma_wait3A_43] : memref<10240x16xf32, #tpu.memory_space<vmem_shared>> -> memref<10240x16xf32, #tpu.memory_space<vmem_shared>>
    tpu.wait_indirect_dma semaphore(%arg30 : memref<!tpu.dma_semaphore, #tpu.memory_space<semaphore_mem>>) src(%dma_wait3A_39 : memref<256x16xf32, #tpu.memory_space<vmem>>) dst(%dma_wait3A_44 : memref<10240x16xf32, #tpu.memory_space<vmem_shared>>)
    %dma_wait3A_45 = arith.constant 0 : i32
    %dma_wait3A_46 = arith.constant 0 : i32
    %dma_wait3A_47 = arith.constant 0 : i32
    %dma_wait3A_48 = tpu.memref_slice %arg12[%dma_wait3A_45, %dma_wait3A_46, %dma_wait3A_47] : memref<8x256x16xf32, #tpu.memory_space<vmem>> -> memref<1x256x16xf32, #tpu.memory_space<vmem>>
    %dma_wait3A_49 = tpu.memref_squeeze %dma_wait3A_48 : memref<1x256x16xf32, #tpu.memory_space<vmem>> -> memref<256x16xf32, #tpu.memory_space<vmem>>
    %dma_wait3A_50 = arith.constant 0 : i32
    %dma_wait3A_51 = tpu.memref_slice %arg11[%dma_wait3A_50] : memref<10240xi32, #tpu.memory_space<vmem>> -> memref<256xi32, #tpu.memory_space<vmem>>
    %dma_wait3A_52 = arith.constant 0 : i32
    %dma_wait3A_53 = arith.constant 0 : i32
    %dma_wait3A_54 = tpu.memref_slice %arg13[%dma_wait3A_52, %dma_wait3A_53] : memref<10240x16xf32, #tpu.memory_space<vmem_shared>> -> memref<10240x16xf32, #tpu.memory_space<vmem_shared>>
    tpu.wait_indirect_dma semaphore(%arg31 : memref<!tpu.dma_semaphore, #tpu.memory_space<semaphore_mem>>) src(%dma_wait3A_49 : memref<256x16xf32, #tpu.memory_space<vmem>>) dst(%dma_wait3A_54 : memref<10240x16xf32, #tpu.memory_space<vmem_shared>>)
    %barrier3A_55 = arith.constant 0 : index
    tpu.barrier barrier_id(%barrier3A_55)
    "tpu.region"() ({
      %run_scoped3A_71 = tpu.sem_alloc : memref<!tpu.dma_semaphore, #tpu.memory_space<semaphore_mem>>
      %dma_start3A = arith.constant 0 : i32
      %dma_start3A_72 = tpu.memref_slice %arg13[%multiple_of3A, %dma_start3A] : memref<10240x16xf32, #tpu.memory_space<vmem_shared>> -> memref<640x16xf32, #tpu.memory_space<vmem_shared>>
      %dma_start3A_73 = arith.constant 0 : i32
      %dma_start3A_74 = tpu.memref_slice %arg13[%multiple_of3A, %dma_start3A_73] : memref<10240x16xf32, #tpu.memory_space<vmem_shared>> -> memref<640x16xf32, #tpu.memory_space<vmem_shared>>
      tpu.enqueue_dma source(%dma_start3A_74 : memref<640x16xf32, #tpu.memory_space<vmem_shared>>) target(%arg14 : memref<640x16xf32, #tpu.memory_space<vmem>>) target_semaphore(%run_scoped3A_71 : memref<!tpu.dma_semaphore, #tpu.memory_space<semaphore_mem>>)
      %dma_wait3A_75 = arith.constant 0 : i32
      %dma_wait3A_76 = tpu.memref_slice %arg13[%multiple_of3A, %dma_wait3A_75] : memref<10240x16xf32, #tpu.memory_space<vmem_shared>> -> memref<640x16xf32, #tpu.memory_space<vmem_shared>>
      %dma_wait3A_77 = arith.constant 0 : i32
      %dma_wait3A_78 = tpu.memref_slice %arg13[%multiple_of3A, %dma_wait3A_77] : memref<10240x16xf32, #tpu.memory_space<vmem_shared>> -> memref<640x16xf32, #tpu.memory_space<vmem_shared>>
      tpu.wait_dma2 semaphore(%run_scoped3A_71 : memref<!tpu.dma_semaphore, #tpu.memory_space<semaphore_mem>>) src(%dma_wait3A_78 : memref<640x16xf32, #tpu.memory_space<vmem_shared>>) dst(%arg14 : memref<640x16xf32, #tpu.memory_space<vmem>>)
      tpu.yield
    }) : () -> ()
    %scan3A_56 = arith.constant 0 : i32
    %scan3A_57 = arith.constant 640 : i32
    %scan3A_58 = arith.addi %scan3A_56, %scan3A_57 : i32
    %scan3A_59 = arith.constant 1 : i32
    scf.for %scan3A_71 = %scan3A_56 to %scan3A_58 step %scan3A_59  : i32 {
      %get3A = arith.index_cast %scan3A_71 : i32 to index
      %get3A_72 = arith.constant 0 : index
      %get3A_73 = tpu.vector_load %arg14[%get3A, %get3A_72] {strides = array<i32>} : memref<640x16xf32, #tpu.memory_space<vmem>>, vector<1x16xf32>,
      %get3A_74 = vector.shape_cast %get3A_73 : vector<1x16xf32> to vector<16xf32>
      %swap3A = arith.index_cast %scan3A_71 : i32 to index
      %swap3A_75 = arith.constant 0 : index
      %swap3A_76 = tpu.vector_load %arg15[%swap3A, %swap3A_75] {strides = array<i32>} : memref<640x32xf32, #tpu.memory_space<vmem>>, vector<1x16xf32>,
      %swap3A_77 = vector.shape_cast %swap3A_76 : vector<1x16xf32> to vector<16xf32>
      %swap3A_78 = vector.shape_cast %get3A_74 : vector<16xf32> to vector<1x16xf32>
      tpu.vector_store %arg15[%swap3A, %swap3A_75], %swap3A_78 {strides = array<i32>} : memref<640x32xf32, #tpu.memory_space<vmem>>, vector<1x16xf32>,
      %swap3A_79 = arith.index_cast %scan3A_71 : i32 to index
      %swap3A_80 = arith.constant 16 : index
      %swap3A_81 = tpu.vector_load %arg15[%swap3A_79, %swap3A_80] {strides = array<i32>} : memref<640x32xf32, #tpu.memory_space<vmem>>, vector<1x16xf32>,
      %swap3A_82 = vector.shape_cast %swap3A_81 : vector<1x16xf32> to vector<16xf32>
      %swap3A_83 = vector.shape_cast %get3A_74 : vector<16xf32> to vector<1x16xf32>
      tpu.vector_store %arg15[%swap3A_79, %swap3A_80], %swap3A_83 {strides = array<i32>} : memref<640x32xf32, #tpu.memory_space<vmem>>, vector<1x16xf32>,
    }
    %scan3A_60 = arith.constant 640 : i32
    %eq3A_61 = arith.constant 0 : i32
    %eq3A_62 = arith.cmpi eq, %arg0, %eq3A_61 : i32
    %convert_element_type3A_63 = arith.extui %eq3A_62 : i1 to i32
    %cond3A_64 = arith.constant 0 : i32
    %cond3A_65 = arith.cmpi ne, %convert_element_type3A_63, %cond3A_64 : i32
    scf.if %cond3A_65 {
      "tpu.region"() ({
        %run_scoped3A_71 = tpu.sem_alloc : memref<!tpu.dma_semaphore, #tpu.memory_space<semaphore_mem>>
        %dma_start3A = arith.constant 0 : i32
        %dma_start3A_72 = tpu.memref_slice %arg6[%multiple_of3A, %dma_start3A] : memref<10240x16xf32, #tpu.memory_space<hbm>> -> memref<640x16xf32, #tpu.memory_space<hbm>>
        %dma_start3A_73 = arith.constant 0 : i32
        %dma_start3A_74 = tpu.memref_slice %arg6[%multiple_of3A, %dma_start3A_73] : memref<10240x16xf32, #tpu.memory_space<hbm>> -> memref<640x16xf32, #tpu.memory_space<hbm>>
        tpu.enqueue_dma source(%arg14 : memref<640x16xf32, #tpu.memory_space<vmem>>) target(%dma_start3A_74 : memref<640x16xf32, #tpu.memory_space<hbm>>) target_semaphore(%run_scoped3A_71 : memref<!tpu.dma_semaphore, #tpu.memory_space<semaphore_mem>>)
        %dma_wait3A_75 = arith.constant 0 : i32
        %dma_wait3A_76 = tpu.memref_slice %arg6[%multiple_of3A, %dma_wait3A_75] : memref<10240x16xf32, #tpu.memory_space<hbm>> -> memref<640x16xf32, #tpu.memory_space<hbm>>
        %dma_wait3A_77 = arith.constant 0 : i32
        %dma_wait3A_78 = tpu.memref_slice %arg6[%multiple_of3A, %dma_wait3A_77] : memref<10240x16xf32, #tpu.memory_space<hbm>> -> memref<640x16xf32, #tpu.memory_space<hbm>>
        tpu.wait_dma2 semaphore(%run_scoped3A_71 : memref<!tpu.dma_semaphore, #tpu.memory_space<semaphore_mem>>) src(%arg14 : memref<640x16xf32, #tpu.memory_space<vmem>>) dst(%dma_wait3A_78 : memref<640x16xf32, #tpu.memory_space<hbm>>)
        tpu.yield
      }) : () -> ()
      "tpu.region"() ({
        %run_scoped3A_71 = tpu.sem_alloc : memref<!tpu.dma_semaphore, #tpu.memory_space<semaphore_mem>>
        %dma_start3A = arith.constant 0 : i32
        %dma_start3A_72 = tpu.memref_slice %arg8[%multiple_of3A, %dma_start3A] : memref<10240x32xf32, #tpu.memory_space<hbm>> -> memref<640x32xf32, #tpu.memory_space<hbm>>
        %dma_start3A_73 = arith.constant 0 : i32
        %dma_start3A_74 = tpu.memref_slice %arg8[%multiple_of3A, %dma_start3A_73] : memref<10240x32xf32, #tpu.memory_space<hbm>> -> memref<640x32xf32, #tpu.memory_space<hbm>>
        tpu.enqueue_dma source(%arg15 : memref<640x32xf32, #tpu.memory_space<vmem>>) target(%dma_start3A_74 : memref<640x32xf32, #tpu.memory_space<hbm>>) target_semaphore(%run_scoped3A_71 : memref<!tpu.dma_semaphore, #tpu.memory_space<semaphore_mem>>)
        %dma_wait3A_75 = arith.constant 0 : i32
        %dma_wait3A_76 = tpu.memref_slice %arg8[%multiple_of3A, %dma_wait3A_75] : memref<10240x32xf32, #tpu.memory_space<hbm>> -> memref<640x32xf32, #tpu.memory_space<hbm>>
        %dma_wait3A_77 = arith.constant 0 : i32
        %dma_wait3A_78 = tpu.memref_slice %arg8[%multiple_of3A, %dma_wait3A_77] : memref<10240x32xf32, #tpu.memory_space<hbm>> -> memref<640x32xf32, #tpu.memory_space<hbm>>
        tpu.wait_dma2 semaphore(%run_scoped3A_71 : memref<!tpu.dma_semaphore, #tpu.memory_space<semaphore_mem>>) src(%arg15 : memref<640x32xf32, #tpu.memory_space<vmem>>) dst(%dma_wait3A_78 : memref<640x32xf32, #tpu.memory_space<hbm>>)
        tpu.yield
      }) : () -> ()
    } else {
    }
    %eq3A_66 = arith.constant 1 : i32
    %eq3A_67 = arith.cmpi eq, %arg0, %eq3A_66 : i32
    %convert_element_type3A_68 = arith.extui %eq3A_67 : i1 to i32
    %cond3A_69 = arith.constant 0 : i32
    %cond3A_70 = arith.cmpi ne, %convert_element_type3A_68, %cond3A_69 : i32
    scf.if %cond3A_70 {
      "tpu.region"() ({
        %run_scoped3A_71 = tpu.sem_alloc : memref<!tpu.dma_semaphore, #tpu.memory_space<semaphore_mem>>
        %dma_start3A = arith.constant 0 : i32
        %dma_start3A_72 = tpu.memref_slice %arg7[%multiple_of3A, %dma_start3A] : memref<10240x16xf32, #tpu.memory_space<hbm>> -> memref<640x16xf32, #tpu.memory_space<hbm>>
        %dma_start3A_73 = arith.constant 0 : i32
        %dma_start3A_74 = tpu.memref_slice %arg7[%multiple_of3A, %dma_start3A_73] : memref<10240x16xf32, #tpu.memory_space<hbm>> -> memref<640x16xf32, #tpu.memory_space<hbm>>
        tpu.enqueue_dma source(%arg14 : memref<640x16xf32, #tpu.memory_space<vmem>>) target(%dma_start3A_74 : memref<640x16xf32, #tpu.memory_space<hbm>>) target_semaphore(%run_scoped3A_71 : memref<!tpu.dma_semaphore, #tpu.memory_space<semaphore_mem>>)
        %dma_wait3A_75 = arith.constant 0 : i32
        %dma_wait3A_76 = tpu.memref_slice %arg7[%multiple_of3A, %dma_wait3A_75] : memref<10240x16xf32, #tpu.memory_space<hbm>> -> memref<640x16xf32, #tpu.memory_space<hbm>>
        %dma_wait3A_77 = arith.constant 0 : i32
        %dma_wait3A_78 = tpu.memref_slice %arg7[%multiple_of3A, %dma_wait3A_77] : memref<10240x16xf32, #tpu.memory_space<hbm>> -> memref<640x16xf32, #tpu.memory_space<hbm>>
        tpu.wait_dma2 semaphore(%run_scoped3A_71 : memref<!tpu.dma_semaphore, #tpu.memory_space<semaphore_mem>>) src(%arg14 : memref<640x16xf32, #tpu.memory_space<vmem>>) dst(%dma_wait3A_78 : memref<640x16xf32, #tpu.memory_space<hbm>>)
        tpu.yield
      }) : () -> ()
      "tpu.region"() ({
        %run_scoped3A_71 = tpu.sem_alloc : memref<!tpu.dma_semaphore, #tpu.memory_space<semaphore_mem>>
        %dma_start3A = arith.constant 0 : i32
        %dma_start3A_72 = tpu.memref_slice %arg9[%multiple_of3A, %dma_start3A] : memref<10240x32xf32, #tpu.memory_space<hbm>> -> memref<640x32xf32, #tpu.memory_space<hbm>>
        %dma_start3A_73 = arith.constant 0 : i32
        %dma_start3A_74 = tpu.memref_slice %arg9[%multiple_of3A, %dma_start3A_73] : memref<10240x32xf32, #tpu.memory_space<hbm>> -> memref<640x32xf32, #tpu.memory_space<hbm>>
        tpu.enqueue_dma source(%arg15 : memref<640x32xf32, #tpu.memory_space<vmem>>) target(%dma_start3A_74 : memref<640x32xf32, #tpu.memory_space<hbm>>) target_semaphore(%run_scoped3A_71 : memref<!tpu.dma_semaphore, #tpu.memory_space<semaphore_mem>>)
        %dma_wait3A_75 = arith.constant 0 : i32
        %dma_wait3A_76 = tpu.memref_slice %arg9[%multiple_of3A, %dma_wait3A_75] : memref<10240x32xf32, #tpu.memory_space<hbm>> -> memref<640x32xf32, #tpu.memory_space<hbm>>
        %dma_wait3A_77 = arith.constant 0 : i32
        %dma_wait3A_78 = tpu.memref_slice %arg9[%multiple_of3A, %dma_wait3A_77] : memref<10240x32xf32, #tpu.memory_space<hbm>> -> memref<640x32xf32, #tpu.memory_space<hbm>>
        tpu.wait_dma2 semaphore(%run_scoped3A_71 : memref<!tpu.dma_semaphore, #tpu.memory_space<semaphore_mem>>) src(%arg15 : memref<640x32xf32, #tpu.memory_space<vmem>>) dst(%dma_wait3A_78 : memref<640x32xf32, #tpu.memory_space<hbm>>)
        tpu.yield
      }) : () -> ()
    } else {
    }
    return
  }
}

#map = affine_map<(d0, d1) -> (0, 0)>
#map1 = affine_map<(d0, d1) -> (0)>
module attributes {stable_mosaic.version = 14 : i64} {
  func.func @agg(%arg0: i32, %arg1: i32, %arg2: memref<10240x32xf32, #tpu.memory_space<hbm>>, %arg3: memref<640000xi32, #tpu.memory_space<hbm>>, %arg4: memref<7680xi32, #tpu.memory_space<hbm>>, %arg5: memref<640x32xf32, #tpu.memory_space<hbm>>, %arg6: memref<10240x32xf32, #tpu.memory_space<hbm>>, %arg7: memref<10240x32xf32, #tpu.memory_space<hbm>>, %arg8: memref<10240xi32, #tpu.memory_space<vmem>>, %arg9: memref<10240xi32, #tpu.memory_space<vmem>>, %arg10: memref<8x256x32xf32, #tpu.memory_space<vmem>>, %arg11: memref<10240x32xf32, #tpu.memory_space<vmem_shared>>, %arg12: memref<!tpu.dma_semaphore, #tpu.memory_space<semaphore_mem>>, %arg13: memref<!tpu.dma_semaphore, #tpu.memory_space<semaphore_mem>>, %arg14: memref<!tpu.dma_semaphore, #tpu.memory_space<semaphore_mem>>, %arg15: memref<!tpu.dma_semaphore, #tpu.memory_space<semaphore_mem>>, %arg16: memref<!tpu.dma_semaphore, #tpu.memory_space<semaphore_mem>>, %arg17: memref<!tpu.dma_semaphore, #tpu.memory_space<semaphore_mem>>, %arg18: memref<!tpu.dma_semaphore, #tpu.memory_space<semaphore_mem>>, %arg19: memref<!tpu.dma_semaphore, #tpu.memory_space<semaphore_mem>>, %arg20: memref<!tpu.dma_semaphore, #tpu.memory_space<semaphore_mem>>, %arg21: memref<!tpu.dma_semaphore, #tpu.memory_space<semaphore_mem>>, %arg22: memref<!tpu.dma_semaphore, #tpu.memory_space<semaphore_mem>>, %arg23: memref<!tpu.dma_semaphore, #tpu.memory_space<semaphore_mem>>, %arg24: memref<!tpu.dma_semaphore, #tpu.memory_space<semaphore_mem>>, %arg25: memref<!tpu.dma_semaphore, #tpu.memory_space<semaphore_mem>>, %arg26: memref<!tpu.dma_semaphore, #tpu.memory_space<semaphore_mem>>, %arg27: memref<!tpu.dma_semaphore, #tpu.memory_space<semaphore_mem>>) attributes {dimension_semantics = [#tpu.dimension_semantics<core_parallel>, #tpu.dimension_semantics<subcore_parallel>], iteration_bounds = array<i64: 2, 16>, scalar_prefetch = 0 : i64, scratch_operands = 20 : i64, tpu.core_type = #tpu.core_type<sc_vector_subcore>, window_params = [{transform_indices = #map}, {transform_indices = #map1}, {transform_indices = #map1}, {transform_indices = #map}, {transform_indices = #map}, {transform_indices = #map}]} {
    %mul3A = arith.constant 2 : i32
    %mul3A_0 = arith.muli %arg1, %mul3A : i32
    %add3A = arith.addi %mul3A_0, %arg0 : i32
    %mul3A_1 = arith.constant 640 : i32
    %mul3A_2 = arith.muli %arg1, %mul3A_1 : i32
    %multiple_of3A = tpu.assume_multiple %mul3A_2, 640 : i32
    "tpu.region"() ({
      %run_scoped3A = tpu.sem_alloc : memref<!tpu.dma_semaphore, #tpu.memory_space<semaphore_mem>>
      %dma_start3A_105 = arith.constant 0 : i32
      %dma_start3A_106 = tpu.memref_slice %arg11[%multiple_of3A, %dma_start3A_105] : memref<10240x32xf32, #tpu.memory_space<vmem_shared>> -> memref<640x32xf32, #tpu.memory_space<vmem_shared>>
      %dma_start3A_107 = arith.constant 0 : i32
      %dma_start3A_108 = arith.constant 0 : i32
      %dma_start3A_109 = tpu.memref_slice %arg5[%dma_start3A_107, %dma_start3A_108] : memref<640x32xf32, #tpu.memory_space<hbm>> -> memref<640x32xf32, #tpu.memory_space<hbm>>
      tpu.enqueue_dma source(%dma_start3A_109 : memref<640x32xf32, #tpu.memory_space<hbm>>) target(%dma_start3A_106 : memref<640x32xf32, #tpu.memory_space<vmem_shared>>) target_semaphore(%run_scoped3A : memref<!tpu.dma_semaphore, #tpu.memory_space<semaphore_mem>>)
      %dma_wait3A_110 = arith.constant 0 : i32
      %dma_wait3A_111 = tpu.memref_slice %arg11[%multiple_of3A, %dma_wait3A_110] : memref<10240x32xf32, #tpu.memory_space<vmem_shared>> -> memref<640x32xf32, #tpu.memory_space<vmem_shared>>
      %dma_wait3A_112 = arith.constant 0 : i32
      %dma_wait3A_113 = arith.constant 0 : i32
      %dma_wait3A_114 = tpu.memref_slice %arg5[%dma_wait3A_112, %dma_wait3A_113] : memref<640x32xf32, #tpu.memory_space<hbm>> -> memref<640x32xf32, #tpu.memory_space<hbm>>
      tpu.wait_dma2 semaphore(%run_scoped3A : memref<!tpu.dma_semaphore, #tpu.memory_space<semaphore_mem>>) src(%dma_wait3A_114 : memref<640x32xf32, #tpu.memory_space<hbm>>) dst(%dma_wait3A_111 : memref<640x32xf32, #tpu.memory_space<vmem_shared>>)
      tpu.yield
    }) : () -> ()
    %mul3A_3 = arith.constant 10240 : i32
    %mul3A_4 = arith.muli %add3A, %mul3A_3 : i32
    %multiple_of3A_5 = tpu.assume_multiple %mul3A_4, 256 : i32
    %lt3A = arith.constant 31 : i32
    %lt3A_6 = arith.cmpi slt, %add3A, %lt3A : i32
    %convert_element_type3A = arith.extui %lt3A_6 : i1 to i32
    %cond3A = arith.constant 0 : i32
    %cond3A_7 = arith.cmpi ne, %convert_element_type3A, %cond3A : i32
    scf.if %cond3A_7 {
      "tpu.region"() ({
        %run_scoped3A = tpu.sem_alloc : memref<!tpu.dma_semaphore, #tpu.memory_space<semaphore_mem>>
        %dma_start3A_107 = tpu.memref_slice %arg3[%multiple_of3A_5] : memref<640000xi32, #tpu.memory_space<hbm>> -> memref<10240xi32, #tpu.memory_space<hbm>>
        %dma_start3A_108 = tpu.memref_slice %arg3[%multiple_of3A_5] : memref<640000xi32, #tpu.memory_space<hbm>> -> memref<10240xi32, #tpu.memory_space<hbm>>
        tpu.enqueue_dma source(%dma_start3A_108 : memref<10240xi32, #tpu.memory_space<hbm>>) target(%arg8 : memref<10240xi32, #tpu.memory_space<vmem>>) target_semaphore(%run_scoped3A : memref<!tpu.dma_semaphore, #tpu.memory_space<semaphore_mem>>)
        %dma_wait3A_109 = tpu.memref_slice %arg3[%multiple_of3A_5] : memref<640000xi32, #tpu.memory_space<hbm>> -> memref<10240xi32, #tpu.memory_space<hbm>>
        %dma_wait3A_110 = tpu.memref_slice %arg3[%multiple_of3A_5] : memref<640000xi32, #tpu.memory_space<hbm>> -> memref<10240xi32, #tpu.memory_space<hbm>>
        tpu.wait_dma2 semaphore(%run_scoped3A : memref<!tpu.dma_semaphore, #tpu.memory_space<semaphore_mem>>) src(%dma_wait3A_110 : memref<10240xi32, #tpu.memory_space<hbm>>) dst(%arg8 : memref<10240xi32, #tpu.memory_space<vmem>>)
        tpu.yield
      }) : () -> ()
      %add3A_105 = arith.constant 320000 : i32
      %add3A_106 = arith.addi %add3A_105, %multiple_of3A_5 : i32
      "tpu.region"() ({
        %run_scoped3A = tpu.sem_alloc : memref<!tpu.dma_semaphore, #tpu.memory_space<semaphore_mem>>
        %dma_start3A_107 = tpu.memref_slice %arg3[%add3A_106] : memref<640000xi32, #tpu.memory_space<hbm>> -> memref<10240xi32, #tpu.memory_space<hbm>>
        %dma_start3A_108 = tpu.memref_slice %arg3[%add3A_106] : memref<640000xi32, #tpu.memory_space<hbm>> -> memref<10240xi32, #tpu.memory_space<hbm>>
        tpu.enqueue_dma source(%dma_start3A_108 : memref<10240xi32, #tpu.memory_space<hbm>>) target(%arg9 : memref<10240xi32, #tpu.memory_space<vmem>>) target_semaphore(%run_scoped3A : memref<!tpu.dma_semaphore, #tpu.memory_space<semaphore_mem>>)
        %dma_wait3A_109 = tpu.memref_slice %arg3[%add3A_106] : memref<640000xi32, #tpu.memory_space<hbm>> -> memref<10240xi32, #tpu.memory_space<hbm>>
        %dma_wait3A_110 = tpu.memref_slice %arg3[%add3A_106] : memref<640000xi32, #tpu.memory_space<hbm>> -> memref<10240xi32, #tpu.memory_space<hbm>>
        tpu.wait_dma2 semaphore(%run_scoped3A : memref<!tpu.dma_semaphore, #tpu.memory_space<semaphore_mem>>) src(%dma_wait3A_110 : memref<10240xi32, #tpu.memory_space<hbm>>) dst(%arg9 : memref<10240xi32, #tpu.memory_space<vmem>>)
        tpu.yield
      }) : () -> ()
    } else {
    }
    %eq3A = arith.constant 31 : i32
    %eq3A_8 = arith.cmpi eq, %add3A, %eq3A : i32
    %convert_element_type3A_9 = arith.extui %eq3A_8 : i1 to i32
    %cond3A_10 = arith.constant 0 : i32
    %cond3A_11 = arith.cmpi ne, %convert_element_type3A_9, %cond3A_10 : i32
    scf.if %cond3A_11 {
      "tpu.region"() ({
        %run_scoped3A = tpu.sem_alloc : memref<!tpu.dma_semaphore, #tpu.memory_space<semaphore_mem>>
        %dma_start3A_105 = arith.constant 0 : i32
        %dma_start3A_106 = tpu.memref_slice %arg8[%dma_start3A_105] : memref<10240xi32, #tpu.memory_space<vmem>> -> memref<2560xi32, #tpu.memory_space<vmem>>
        %dma_start3A_107 = arith.constant 317440 : i32
        %dma_start3A_108 = tpu.memref_slice %arg3[%dma_start3A_107] : memref<640000xi32, #tpu.memory_space<hbm>> -> memref<2560xi32, #tpu.memory_space<hbm>>
        %dma_start3A_109 = arith.constant 0 : i32
        %dma_start3A_110 = tpu.memref_slice %arg8[%dma_start3A_109] : memref<10240xi32, #tpu.memory_space<vmem>> -> memref<2560xi32, #tpu.memory_space<vmem>>
        %dma_start3A_111 = arith.constant 317440 : i32
        %dma_start3A_112 = tpu.memref_slice %arg3[%dma_start3A_111] : memref<640000xi32, #tpu.memory_space<hbm>> -> memref<2560xi32, #tpu.memory_space<hbm>>
        tpu.enqueue_dma source(%dma_start3A_112 : memref<2560xi32, #tpu.memory_space<hbm>>) target(%dma_start3A_110 : memref<2560xi32, #tpu.memory_space<vmem>>) target_semaphore(%run_scoped3A : memref<!tpu.dma_semaphore, #tpu.memory_space<semaphore_mem>>)
        %dma_wait3A_113 = arith.constant 0 : i32
        %dma_wait3A_114 = tpu.memref_slice %arg8[%dma_wait3A_113] : memref<10240xi32, #tpu.memory_space<vmem>> -> memref<2560xi32, #tpu.memory_space<vmem>>
        %dma_wait3A_115 = arith.constant 317440 : i32
        %dma_wait3A_116 = tpu.memref_slice %arg3[%dma_wait3A_115] : memref<640000xi32, #tpu.memory_space<hbm>> -> memref<2560xi32, #tpu.memory_space<hbm>>
        %dma_wait3A_117 = arith.constant 0 : i32
        %dma_wait3A_118 = tpu.memref_slice %arg8[%dma_wait3A_117] : memref<10240xi32, #tpu.memory_space<vmem>> -> memref<2560xi32, #tpu.memory_space<vmem>>
        %dma_wait3A_119 = arith.constant 317440 : i32
        %dma_wait3A_120 = tpu.memref_slice %arg3[%dma_wait3A_119] : memref<640000xi32, #tpu.memory_space<hbm>> -> memref<2560xi32, #tpu.memory_space<hbm>>
        tpu.wait_dma2 semaphore(%run_scoped3A : memref<!tpu.dma_semaphore, #tpu.memory_space<semaphore_mem>>) src(%dma_wait3A_120 : memref<2560xi32, #tpu.memory_space<hbm>>) dst(%dma_wait3A_118 : memref<2560xi32, #tpu.memory_space<vmem>>)
        tpu.yield
      }) : () -> ()
      "tpu.region"() ({
        %run_scoped3A = tpu.sem_alloc : memref<!tpu.dma_semaphore, #tpu.memory_space<semaphore_mem>>
        %dma_start3A_105 = arith.constant 2560 : i32
        %dma_start3A_106 = tpu.memref_slice %arg8[%dma_start3A_105] : memref<10240xi32, #tpu.memory_space<vmem>> -> memref<7680xi32, #tpu.memory_space<vmem>>
        %dma_start3A_107 = arith.constant 2560 : i32
        %dma_start3A_108 = tpu.memref_slice %arg8[%dma_start3A_107] : memref<10240xi32, #tpu.memory_space<vmem>> -> memref<7680xi32, #tpu.memory_space<vmem>>
        tpu.enqueue_dma source(%arg4 : memref<7680xi32, #tpu.memory_space<hbm>>) target(%dma_start3A_108 : memref<7680xi32, #tpu.memory_space<vmem>>) target_semaphore(%run_scoped3A : memref<!tpu.dma_semaphore, #tpu.memory_space<semaphore_mem>>)
        %dma_wait3A_109 = arith.constant 2560 : i32
        %dma_wait3A_110 = tpu.memref_slice %arg8[%dma_wait3A_109] : memref<10240xi32, #tpu.memory_space<vmem>> -> memref<7680xi32, #tpu.memory_space<vmem>>
        %dma_wait3A_111 = arith.constant 2560 : i32
        %dma_wait3A_112 = tpu.memref_slice %arg8[%dma_wait3A_111] : memref<10240xi32, #tpu.memory_space<vmem>> -> memref<7680xi32, #tpu.memory_space<vmem>>
        tpu.wait_dma2 semaphore(%run_scoped3A : memref<!tpu.dma_semaphore, #tpu.memory_space<semaphore_mem>>) src(%arg4 : memref<7680xi32, #tpu.memory_space<hbm>>) dst(%dma_wait3A_112 : memref<7680xi32, #tpu.memory_space<vmem>>)
        tpu.yield
      }) : () -> ()
      "tpu.region"() ({
        %run_scoped3A = tpu.sem_alloc : memref<!tpu.dma_semaphore, #tpu.memory_space<semaphore_mem>>
        %dma_start3A_105 = arith.constant 0 : i32
        %dma_start3A_106 = tpu.memref_slice %arg9[%dma_start3A_105] : memref<10240xi32, #tpu.memory_space<vmem>> -> memref<2560xi32, #tpu.memory_space<vmem>>
        %dma_start3A_107 = arith.constant 637440 : i32
        %dma_start3A_108 = tpu.memref_slice %arg3[%dma_start3A_107] : memref<640000xi32, #tpu.memory_space<hbm>> -> memref<2560xi32, #tpu.memory_space<hbm>>
        %dma_start3A_109 = arith.constant 0 : i32
        %dma_start3A_110 = tpu.memref_slice %arg9[%dma_start3A_109] : memref<10240xi32, #tpu.memory_space<vmem>> -> memref<2560xi32, #tpu.memory_space<vmem>>
        %dma_start3A_111 = arith.constant 637440 : i32
        %dma_start3A_112 = tpu.memref_slice %arg3[%dma_start3A_111] : memref<640000xi32, #tpu.memory_space<hbm>> -> memref<2560xi32, #tpu.memory_space<hbm>>
        tpu.enqueue_dma source(%dma_start3A_112 : memref<2560xi32, #tpu.memory_space<hbm>>) target(%dma_start3A_110 : memref<2560xi32, #tpu.memory_space<vmem>>) target_semaphore(%run_scoped3A : memref<!tpu.dma_semaphore, #tpu.memory_space<semaphore_mem>>)
        %dma_wait3A_113 = arith.constant 0 : i32
        %dma_wait3A_114 = tpu.memref_slice %arg9[%dma_wait3A_113] : memref<10240xi32, #tpu.memory_space<vmem>> -> memref<2560xi32, #tpu.memory_space<vmem>>
        %dma_wait3A_115 = arith.constant 637440 : i32
        %dma_wait3A_116 = tpu.memref_slice %arg3[%dma_wait3A_115] : memref<640000xi32, #tpu.memory_space<hbm>> -> memref<2560xi32, #tpu.memory_space<hbm>>
        %dma_wait3A_117 = arith.constant 0 : i32
        %dma_wait3A_118 = tpu.memref_slice %arg9[%dma_wait3A_117] : memref<10240xi32, #tpu.memory_space<vmem>> -> memref<2560xi32, #tpu.memory_space<vmem>>
        %dma_wait3A_119 = arith.constant 637440 : i32
        %dma_wait3A_120 = tpu.memref_slice %arg3[%dma_wait3A_119] : memref<640000xi32, #tpu.memory_space<hbm>> -> memref<2560xi32, #tpu.memory_space<hbm>>
        tpu.wait_dma2 semaphore(%run_scoped3A : memref<!tpu.dma_semaphore, #tpu.memory_space<semaphore_mem>>) src(%dma_wait3A_120 : memref<2560xi32, #tpu.memory_space<hbm>>) dst(%dma_wait3A_118 : memref<2560xi32, #tpu.memory_space<vmem>>)
        tpu.yield
      }) : () -> ()
      "tpu.region"() ({
        %run_scoped3A = tpu.sem_alloc : memref<!tpu.dma_semaphore, #tpu.memory_space<semaphore_mem>>
        %dma_start3A_105 = arith.constant 2560 : i32
        %dma_start3A_106 = tpu.memref_slice %arg9[%dma_start3A_105] : memref<10240xi32, #tpu.memory_space<vmem>> -> memref<7680xi32, #tpu.memory_space<vmem>>
        %dma_start3A_107 = arith.constant 2560 : i32
        %dma_start3A_108 = tpu.memref_slice %arg9[%dma_start3A_107] : memref<10240xi32, #tpu.memory_space<vmem>> -> memref<7680xi32, #tpu.memory_space<vmem>>
        tpu.enqueue_dma source(%arg4 : memref<7680xi32, #tpu.memory_space<hbm>>) target(%dma_start3A_108 : memref<7680xi32, #tpu.memory_space<vmem>>) target_semaphore(%run_scoped3A : memref<!tpu.dma_semaphore, #tpu.memory_space<semaphore_mem>>)
        %dma_wait3A_109 = arith.constant 2560 : i32
        %dma_wait3A_110 = tpu.memref_slice %arg9[%dma_wait3A_109] : memref<10240xi32, #tpu.memory_space<vmem>> -> memref<7680xi32, #tpu.memory_space<vmem>>
        %dma_wait3A_111 = arith.constant 2560 : i32
        %dma_wait3A_112 = tpu.memref_slice %arg9[%dma_wait3A_111] : memref<10240xi32, #tpu.memory_space<vmem>> -> memref<7680xi32, #tpu.memory_space<vmem>>
        tpu.wait_dma2 semaphore(%run_scoped3A : memref<!tpu.dma_semaphore, #tpu.memory_space<semaphore_mem>>) src(%arg4 : memref<7680xi32, #tpu.memory_space<hbm>>) dst(%dma_wait3A_112 : memref<7680xi32, #tpu.memory_space<vmem>>)
        tpu.yield
      }) : () -> ()
    } else {
    }
    %barrier3A = arith.constant 0 : index
    tpu.barrier barrier_id(%barrier3A)
    %dma_start3A = arith.constant 0 : i32
    %dma_start3A_12 = arith.constant 0 : i32
    %dma_start3A_13 = arith.constant 0 : i32
    %dma_start3A_14 = tpu.memref_slice %arg10[%dma_start3A, %dma_start3A_12, %dma_start3A_13] : memref<8x256x32xf32, #tpu.memory_space<vmem>> -> memref<1x256x32xf32, #tpu.memory_space<vmem>>
    %dma_start3A_15 = tpu.memref_squeeze %dma_start3A_14 : memref<1x256x32xf32, #tpu.memory_space<vmem>> -> memref<256x32xf32, #tpu.memory_space<vmem>>
    %dma_start3A_16 = arith.constant 0 : i32
    %dma_start3A_17 = tpu.memref_slice %arg8[%dma_start3A_16] : memref<10240xi32, #tpu.memory_space<vmem>> -> memref<256xi32, #tpu.memory_space<vmem>>
    %dma_start3A_18 = arith.constant 0 : i32
    %dma_start3A_19 = arith.constant 0 : i32
    %dma_start3A_20 = tpu.memref_slice %arg2[%dma_start3A_18, %dma_start3A_19] : memref<10240x32xf32, #tpu.memory_space<hbm>> -> memref<10240x32xf32, #tpu.memory_space<hbm>>
    tpu.enqueue_indirect_dma source(%dma_start3A_20 : memref<10240x32xf32, #tpu.memory_space<hbm>>) target(%dma_start3A_15 : memref<256x32xf32, #tpu.memory_space<vmem>>) offsets(%dma_start3A_17 : memref<256xi32, #tpu.memory_space<vmem>>) semaphore(%arg12 : memref<!tpu.dma_semaphore, #tpu.memory_space<semaphore_mem>>)
    %dma_start3A_21 = arith.constant 1 : i32
    %dma_start3A_22 = arith.constant 0 : i32
    %dma_start3A_23 = arith.constant 0 : i32
    %dma_start3A_24 = tpu.memref_slice %arg10[%dma_start3A_21, %dma_start3A_22, %dma_start3A_23] : memref<8x256x32xf32, #tpu.memory_space<vmem>> -> memref<1x256x32xf32, #tpu.memory_space<vmem>>
    %dma_start3A_25 = tpu.memref_squeeze %dma_start3A_24 : memref<1x256x32xf32, #tpu.memory_space<vmem>> -> memref<256x32xf32, #tpu.memory_space<vmem>>
    %dma_start3A_26 = arith.constant 256 : i32
    %dma_start3A_27 = tpu.memref_slice %arg8[%dma_start3A_26] : memref<10240xi32, #tpu.memory_space<vmem>> -> memref<256xi32, #tpu.memory_space<vmem>>
    %dma_start3A_28 = arith.constant 0 : i32
    %dma_start3A_29 = arith.constant 0 : i32
    %dma_start3A_30 = tpu.memref_slice %arg2[%dma_start3A_28, %dma_start3A_29] : memref<10240x32xf32, #tpu.memory_space<hbm>> -> memref<10240x32xf32, #tpu.memory_space<hbm>>
    tpu.enqueue_indirect_dma source(%dma_start3A_30 : memref<10240x32xf32, #tpu.memory_space<hbm>>) target(%dma_start3A_25 : memref<256x32xf32, #tpu.memory_space<vmem>>) offsets(%dma_start3A_27 : memref<256xi32, #tpu.memory_space<vmem>>) semaphore(%arg13 : memref<!tpu.dma_semaphore, #tpu.memory_space<semaphore_mem>>)
    %dma_start3A_31 = arith.constant 2 : i32
    %dma_start3A_32 = arith.constant 0 : i32
    %dma_start3A_33 = arith.constant 0 : i32
    %dma_start3A_34 = tpu.memref_slice %arg10[%dma_start3A_31, %dma_start3A_32, %dma_start3A_33] : memref<8x256x32xf32, #tpu.memory_space<vmem>> -> memref<1x256x32xf32, #tpu.memory_space<vmem>>
    %dma_start3A_35 = tpu.memref_squeeze %dma_start3A_34 : memref<1x256x32xf32, #tpu.memory_space<vmem>> -> memref<256x32xf32, #tpu.memory_space<vmem>>
    %dma_start3A_36 = arith.constant 512 : i32
    %dma_start3A_37 = tpu.memref_slice %arg8[%dma_start3A_36] : memref<10240xi32, #tpu.memory_space<vmem>> -> memref<256xi32, #tpu.memory_space<vmem>>
    %dma_start3A_38 = arith.constant 0 : i32
    %dma_start3A_39 = arith.constant 0 : i32
    %dma_start3A_40 = tpu.memref_slice %arg2[%dma_start3A_38, %dma_start3A_39] : memref<10240x32xf32, #tpu.memory_space<hbm>> -> memref<10240x32xf32, #tpu.memory_space<hbm>>
    tpu.enqueue_indirect_dma source(%dma_start3A_40 : memref<10240x32xf32, #tpu.memory_space<hbm>>) target(%dma_start3A_35 : memref<256x32xf32, #tpu.memory_space<vmem>>) offsets(%dma_start3A_37 : memref<256xi32, #tpu.memory_space<vmem>>) semaphore(%arg14 : memref<!tpu.dma_semaphore, #tpu.memory_space<semaphore_mem>>)
    %dma_start3A_41 = arith.constant 3 : i32
    %dma_start3A_42 = arith.constant 0 : i32
    %dma_start3A_43 = arith.constant 0 : i32
    %dma_start3A_44 = tpu.memref_slice %arg10[%dma_start3A_41, %dma_start3A_42, %dma_start3A_43] : memref<8x256x32xf32, #tpu.memory_space<vmem>> -> memref<1x256x32xf32, #tpu.memory_space<vmem>>
    %dma_start3A_45 = tpu.memref_squeeze %dma_start3A_44 : memref<1x256x32xf32, #tpu.memory_space<vmem>> -> memref<256x32xf32, #tpu.memory_space<vmem>>
    %dma_start3A_46 = arith.constant 768 : i32
    %dma_start3A_47 = tpu.memref_slice %arg8[%dma_start3A_46] : memref<10240xi32, #tpu.memory_space<vmem>> -> memref<256xi32, #tpu.memory_space<vmem>>
    %dma_start3A_48 = arith.constant 0 : i32
    %dma_start3A_49 = arith.constant 0 : i32
    %dma_start3A_50 = tpu.memref_slice %arg2[%dma_start3A_48, %dma_start3A_49] : memref<10240x32xf32, #tpu.memory_space<hbm>> -> memref<10240x32xf32, #tpu.memory_space<hbm>>
    tpu.enqueue_indirect_dma source(%dma_start3A_50 : memref<10240x32xf32, #tpu.memory_space<hbm>>) target(%dma_start3A_45 : memref<256x32xf32, #tpu.memory_space<vmem>>) offsets(%dma_start3A_47 : memref<256xi32, #tpu.memory_space<vmem>>) semaphore(%arg15 : memref<!tpu.dma_semaphore, #tpu.memory_space<semaphore_mem>>)
    %scan3A = arith.constant 0 : i32
    %scan3A_51 = arith.constant 5 : i32
    %scan3A_52 = arith.addi %scan3A, %scan3A_51 : i32
    %scan3A_53 = arith.constant 1 : i32
    scf.for %scan3A_105 = %scan3A to %scan3A_52 step %scan3A_53  : i32 {
      %mul3A_106 = arith.constant 8 : i32
      %mul3A_107 = arith.muli %mul3A_106, %scan3A_105 : i32
      %dma_wait3A_108 = arith.constant 0 : i32
      %dma_wait3A_109 = arith.constant 0 : i32
      %dma_wait3A_110 = arith.constant 0 : i32
      %dma_wait3A_111 = tpu.memref_slice %arg10[%dma_wait3A_108, %dma_wait3A_109, %dma_wait3A_110] : memref<8x256x32xf32, #tpu.memory_space<vmem>> -> memref<1x256x32xf32, #tpu.memory_space<vmem>>
      %dma_wait3A_112 = tpu.memref_squeeze %dma_wait3A_111 : memref<1x256x32xf32, #tpu.memory_space<vmem>> -> memref<256x32xf32, #tpu.memory_space<vmem>>
      %dma_wait3A_113 = arith.constant 0 : i32
      %dma_wait3A_114 = tpu.memref_slice %arg8[%dma_wait3A_113] : memref<10240xi32, #tpu.memory_space<vmem>> -> memref<256xi32, #tpu.memory_space<vmem>>
      %dma_wait3A_115 = arith.constant 0 : i32
      %dma_wait3A_116 = arith.constant 0 : i32
      %dma_wait3A_117 = tpu.memref_slice %arg2[%dma_wait3A_115, %dma_wait3A_116] : memref<10240x32xf32, #tpu.memory_space<hbm>> -> memref<10240x32xf32, #tpu.memory_space<hbm>>
      tpu.wait_indirect_dma semaphore(%arg12 : memref<!tpu.dma_semaphore, #tpu.memory_space<semaphore_mem>>) src(%dma_wait3A_117 : memref<10240x32xf32, #tpu.memory_space<hbm>>) dst(%dma_wait3A_112 : memref<256x32xf32, #tpu.memory_space<vmem>>)
      %add3A_118 = arith.constant 0 : i32
      %add3A_119 = arith.addi %mul3A_107, %add3A_118 : i32
      %mul3A_120 = arith.constant 256 : i32
      %mul3A_121 = arith.muli %add3A_119, %mul3A_120 : i32
      %dma_start3A_122 = arith.constant 0 : i32
      %dma_start3A_123 = arith.constant 0 : i32
      %dma_start3A_124 = arith.constant 0 : i32
      %dma_start3A_125 = tpu.memref_slice %arg10[%dma_start3A_122, %dma_start3A_123, %dma_start3A_124] : memref<8x256x32xf32, #tpu.memory_space<vmem>> -> memref<1x256x32xf32, #tpu.memory_space<vmem>>
      %dma_start3A_126 = tpu.memref_squeeze %dma_start3A_125 : memref<1x256x32xf32, #tpu.memory_space<vmem>> -> memref<256x32xf32, #tpu.memory_space<vmem>>
      %dma_start3A_127 = tpu.memref_slice %arg9[%mul3A_121] : memref<10240xi32, #tpu.memory_space<vmem>> -> memref<256xi32, #tpu.memory_space<vmem>>
      %dma_start3A_128 = arith.constant 0 : i32
      %dma_start3A_129 = arith.constant 0 : i32
      %dma_start3A_130 = tpu.memref_slice %arg11[%dma_start3A_128, %dma_start3A_129] : memref<10240x32xf32, #tpu.memory_space<vmem_shared>> -> memref<10240x32xf32, #tpu.memory_space<vmem_shared>>
      tpu.enqueue_indirect_dma source(%dma_start3A_126 : memref<256x32xf32, #tpu.memory_space<vmem>>) target(%dma_start3A_130 : memref<10240x32xf32, #tpu.memory_space<vmem_shared>>) offsets(%dma_start3A_127 : memref<256xi32, #tpu.memory_space<vmem>>) semaphore(%arg20 : memref<!tpu.dma_semaphore, #tpu.memory_space<semaphore_mem>>) {add = true}
      %gt3A = arith.constant 0 : i32
      %gt3A_131 = arith.cmpi sgt, %scan3A_105, %gt3A : i32
      %convert_element_type3A_132 = arith.extui %gt3A_131 : i1 to i32
      %cond3A_133 = arith.constant 0 : i32
      %cond3A_134 = arith.cmpi ne, %convert_element_type3A_132, %cond3A_133 : i32
      scf.if %cond3A_134 {
        %dma_wait3A_431 = arith.constant 4 : i32
        %dma_wait3A_432 = arith.constant 0 : i32
        %dma_wait3A_433 = arith.constant 0 : i32
        %dma_wait3A_434 = tpu.memref_slice %arg10[%dma_wait3A_431, %dma_wait3A_432, %dma_wait3A_433] : memref<8x256x32xf32, #tpu.memory_space<vmem>> -> memref<1x256x32xf32, #tpu.memory_space<vmem>>
        %dma_wait3A_435 = tpu.memref_squeeze %dma_wait3A_434 : memref<1x256x32xf32, #tpu.memory_space<vmem>> -> memref<256x32xf32, #tpu.memory_space<vmem>>
        %dma_wait3A_436 = arith.constant 0 : i32
        %dma_wait3A_437 = tpu.memref_slice %arg9[%dma_wait3A_436] : memref<10240xi32, #tpu.memory_space<vmem>> -> memref<256xi32, #tpu.memory_space<vmem>>
        %dma_wait3A_438 = arith.constant 0 : i32
        %dma_wait3A_439 = arith.constant 0 : i32
        %dma_wait3A_440 = tpu.memref_slice %arg11[%dma_wait3A_438, %dma_wait3A_439] : memref<10240x32xf32, #tpu.memory_space<vmem_shared>> -> memref<10240x32xf32, #tpu.memory_space<vmem_shared>>
        tpu.wait_indirect_dma semaphore(%arg24 : memref<!tpu.dma_semaphore, #tpu.memory_space<semaphore_mem>>) src(%dma_wait3A_435 : memref<256x32xf32, #tpu.memory_space<vmem>>) dst(%dma_wait3A_440 : memref<10240x32xf32, #tpu.memory_space<vmem_shared>>)
      } else {
      }
      %add3A_135 = arith.constant 0 : i32
      %add3A_136 = arith.addi %mul3A_107, %add3A_135 : i32
      %add3A_137 = arith.constant 4 : i32
      %add3A_138 = arith.addi %add3A_136, %add3A_137 : i32
      %mul3A_139 = arith.constant 256 : i32
      %mul3A_140 = arith.muli %add3A_138, %mul3A_139 : i32
      %dma_start3A_141 = arith.constant 4 : i32
      %dma_start3A_142 = arith.constant 0 : i32
      %dma_start3A_143 = arith.constant 0 : i32
      %dma_start3A_144 = tpu.memref_slice %arg10[%dma_start3A_141, %dma_start3A_142, %dma_start3A_143] : memref<8x256x32xf32, #tpu.memory_space<vmem>> -> memref<1x256x32xf32, #tpu.memory_space<vmem>>
      %dma_start3A_145 = tpu.memref_squeeze %dma_start3A_144 : memref<1x256x32xf32, #tpu.memory_space<vmem>> -> memref<256x32xf32, #tpu.memory_space<vmem>>
      %dma_start3A_146 = tpu.memref_slice %arg8[%mul3A_140] : memref<10240xi32, #tpu.memory_space<vmem>> -> memref<256xi32, #tpu.memory_space<vmem>>
      %dma_start3A_147 = arith.constant 0 : i32
      %dma_start3A_148 = arith.constant 0 : i32
      %dma_start3A_149 = tpu.memref_slice %arg2[%dma_start3A_147, %dma_start3A_148] : memref<10240x32xf32, #tpu.memory_space<hbm>> -> memref<10240x32xf32, #tpu.memory_space<hbm>>
      tpu.enqueue_indirect_dma source(%dma_start3A_149 : memref<10240x32xf32, #tpu.memory_space<hbm>>) target(%dma_start3A_145 : memref<256x32xf32, #tpu.memory_space<vmem>>) offsets(%dma_start3A_146 : memref<256xi32, #tpu.memory_space<vmem>>) semaphore(%arg16 : memref<!tpu.dma_semaphore, #tpu.memory_space<semaphore_mem>>)
      %dma_wait3A_150 = arith.constant 1 : i32
      %dma_wait3A_151 = arith.constant 0 : i32
      %dma_wait3A_152 = arith.constant 0 : i32
      %dma_wait3A_153 = tpu.memref_slice %arg10[%dma_wait3A_150, %dma_wait3A_151, %dma_wait3A_152] : memref<8x256x32xf32, #tpu.memory_space<vmem>> -> memref<1x256x32xf32, #tpu.memory_space<vmem>>
      %dma_wait3A_154 = tpu.memref_squeeze %dma_wait3A_153 : memref<1x256x32xf32, #tpu.memory_space<vmem>> -> memref<256x32xf32, #tpu.memory_space<vmem>>
      %dma_wait3A_155 = arith.constant 0 : i32
      %dma_wait3A_156 = tpu.memref_slice %arg8[%dma_wait3A_155] : memref<10240xi32, #tpu.memory_space<vmem>> -> memref<256xi32, #tpu.memory_space<vmem>>
      %dma_wait3A_157 = arith.constant 0 : i32
      %dma_wait3A_158 = arith.constant 0 : i32
      %dma_wait3A_159 = tpu.memref_slice %arg2[%dma_wait3A_157, %dma_wait3A_158] : memref<10240x32xf32, #tpu.memory_space<hbm>> -> memref<10240x32xf32, #tpu.memory_space<hbm>>
      tpu.wait_indirect_dma semaphore(%arg13 : memref<!tpu.dma_semaphore, #tpu.memory_space<semaphore_mem>>) src(%dma_wait3A_159 : memref<10240x32xf32, #tpu.memory_space<hbm>>) dst(%dma_wait3A_154 : memref<256x32xf32, #tpu.memory_space<vmem>>)
      %add3A_160 = arith.constant 1 : i32
      %add3A_161 = arith.addi %mul3A_107, %add3A_160 : i32
      %mul3A_162 = arith.constant 256 : i32
      %mul3A_163 = arith.muli %add3A_161, %mul3A_162 : i32
      %dma_start3A_164 = arith.constant 1 : i32
      %dma_start3A_165 = arith.constant 0 : i32
      %dma_start3A_166 = arith.constant 0 : i32
      %dma_start3A_167 = tpu.memref_slice %arg10[%dma_start3A_164, %dma_start3A_165, %dma_start3A_166] : memref<8x256x32xf32, #tpu.memory_space<vmem>> -> memref<1x256x32xf32, #tpu.memory_space<vmem>>
      %dma_start3A_168 = tpu.memref_squeeze %dma_start3A_167 : memref<1x256x32xf32, #tpu.memory_space<vmem>> -> memref<256x32xf32, #tpu.memory_space<vmem>>
      %dma_start3A_169 = tpu.memref_slice %arg9[%mul3A_163] : memref<10240xi32, #tpu.memory_space<vmem>> -> memref<256xi32, #tpu.memory_space<vmem>>
      %dma_start3A_170 = arith.constant 0 : i32
      %dma_start3A_171 = arith.constant 0 : i32
      %dma_start3A_172 = tpu.memref_slice %arg11[%dma_start3A_170, %dma_start3A_171] : memref<10240x32xf32, #tpu.memory_space<vmem_shared>> -> memref<10240x32xf32, #tpu.memory_space<vmem_shared>>
      tpu.enqueue_indirect_dma source(%dma_start3A_168 : memref<256x32xf32, #tpu.memory_space<vmem>>) target(%dma_start3A_172 : memref<10240x32xf32, #tpu.memory_space<vmem_shared>>) offsets(%dma_start3A_169 : memref<256xi32, #tpu.memory_space<vmem>>) semaphore(%arg21 : memref<!tpu.dma_semaphore, #tpu.memory_space<semaphore_mem>>) {add = true}
      %gt3A_173 = arith.constant 0 : i32
      %gt3A_174 = arith.cmpi sgt, %scan3A_105, %gt3A_173 : i32
      %convert_element_type3A_175 = arith.extui %gt3A_174 : i1 to i32
      %cond3A_176 = arith.constant 0 : i32
      %cond3A_177 = arith.cmpi ne, %convert_element_type3A_175, %cond3A_176 : i32
      scf.if %cond3A_177 {
        %dma_wait3A_431 = arith.constant 5 : i32
        %dma_wait3A_432 = arith.constant 0 : i32
        %dma_wait3A_433 = arith.constant 0 : i32
        %dma_wait3A_434 = tpu.memref_slice %arg10[%dma_wait3A_431, %dma_wait3A_432, %dma_wait3A_433] : memref<8x256x32xf32, #tpu.memory_space<vmem>> -> memref<1x256x32xf32, #tpu.memory_space<vmem>>
        %dma_wait3A_435 = tpu.memref_squeeze %dma_wait3A_434 : memref<1x256x32xf32, #tpu.memory_space<vmem>> -> memref<256x32xf32, #tpu.memory_space<vmem>>
        %dma_wait3A_436 = arith.constant 0 : i32
        %dma_wait3A_437 = tpu.memref_slice %arg9[%dma_wait3A_436] : memref<10240xi32, #tpu.memory_space<vmem>> -> memref<256xi32, #tpu.memory_space<vmem>>
        %dma_wait3A_438 = arith.constant 0 : i32
        %dma_wait3A_439 = arith.constant 0 : i32
        %dma_wait3A_440 = tpu.memref_slice %arg11[%dma_wait3A_438, %dma_wait3A_439] : memref<10240x32xf32, #tpu.memory_space<vmem_shared>> -> memref<10240x32xf32, #tpu.memory_space<vmem_shared>>
        tpu.wait_indirect_dma semaphore(%arg25 : memref<!tpu.dma_semaphore, #tpu.memory_space<semaphore_mem>>) src(%dma_wait3A_435 : memref<256x32xf32, #tpu.memory_space<vmem>>) dst(%dma_wait3A_440 : memref<10240x32xf32, #tpu.memory_space<vmem_shared>>)
      } else {
      }
      %add3A_178 = arith.constant 1 : i32
      %add3A_179 = arith.addi %mul3A_107, %add3A_178 : i32
      %add3A_180 = arith.constant 4 : i32
      %add3A_181 = arith.addi %add3A_179, %add3A_180 : i32
      %mul3A_182 = arith.constant 256 : i32
      %mul3A_183 = arith.muli %add3A_181, %mul3A_182 : i32
      %dma_start3A_184 = arith.constant 5 : i32
      %dma_start3A_185 = arith.constant 0 : i32
      %dma_start3A_186 = arith.constant 0 : i32
      %dma_start3A_187 = tpu.memref_slice %arg10[%dma_start3A_184, %dma_start3A_185, %dma_start3A_186] : memref<8x256x32xf32, #tpu.memory_space<vmem>> -> memref<1x256x32xf32, #tpu.memory_space<vmem>>
      %dma_start3A_188 = tpu.memref_squeeze %dma_start3A_187 : memref<1x256x32xf32, #tpu.memory_space<vmem>> -> memref<256x32xf32, #tpu.memory_space<vmem>>
      %dma_start3A_189 = tpu.memref_slice %arg8[%mul3A_183] : memref<10240xi32, #tpu.memory_space<vmem>> -> memref<256xi32, #tpu.memory_space<vmem>>
      %dma_start3A_190 = arith.constant 0 : i32
      %dma_start3A_191 = arith.constant 0 : i32
      %dma_start3A_192 = tpu.memref_slice %arg2[%dma_start3A_190, %dma_start3A_191] : memref<10240x32xf32, #tpu.memory_space<hbm>> -> memref<10240x32xf32, #tpu.memory_space<hbm>>
      tpu.enqueue_indirect_dma source(%dma_start3A_192 : memref<10240x32xf32, #tpu.memory_space<hbm>>) target(%dma_start3A_188 : memref<256x32xf32, #tpu.memory_space<vmem>>) offsets(%dma_start3A_189 : memref<256xi32, #tpu.memory_space<vmem>>) semaphore(%arg17 : memref<!tpu.dma_semaphore, #tpu.memory_space<semaphore_mem>>)
      %dma_wait3A_193 = arith.constant 2 : i32
      %dma_wait3A_194 = arith.constant 0 : i32
      %dma_wait3A_195 = arith.constant 0 : i32
      %dma_wait3A_196 = tpu.memref_slice %arg10[%dma_wait3A_193, %dma_wait3A_194, %dma_wait3A_195] : memref<8x256x32xf32, #tpu.memory_space<vmem>> -> memref<1x256x32xf32, #tpu.memory_space<vmem>>
      %dma_wait3A_197 = tpu.memref_squeeze %dma_wait3A_196 : memref<1x256x32xf32, #tpu.memory_space<vmem>> -> memref<256x32xf32, #tpu.memory_space<vmem>>
      %dma_wait3A_198 = arith.constant 0 : i32
      %dma_wait3A_199 = tpu.memref_slice %arg8[%dma_wait3A_198] : memref<10240xi32, #tpu.memory_space<vmem>> -> memref<256xi32, #tpu.memory_space<vmem>>
      %dma_wait3A_200 = arith.constant 0 : i32
      %dma_wait3A_201 = arith.constant 0 : i32
      %dma_wait3A_202 = tpu.memref_slice %arg2[%dma_wait3A_200, %dma_wait3A_201] : memref<10240x32xf32, #tpu.memory_space<hbm>> -> memref<10240x32xf32, #tpu.memory_space<hbm>>
      tpu.wait_indirect_dma semaphore(%arg14 : memref<!tpu.dma_semaphore, #tpu.memory_space<semaphore_mem>>) src(%dma_wait3A_202 : memref<10240x32xf32, #tpu.memory_space<hbm>>) dst(%dma_wait3A_197 : memref<256x32xf32, #tpu.memory_space<vmem>>)
      %add3A_203 = arith.constant 2 : i32
      %add3A_204 = arith.addi %mul3A_107, %add3A_203 : i32
      %mul3A_205 = arith.constant 256 : i32
      %mul3A_206 = arith.muli %add3A_204, %mul3A_205 : i32
      %dma_start3A_207 = arith.constant 2 : i32
      %dma_start3A_208 = arith.constant 0 : i32
      %dma_start3A_209 = arith.constant 0 : i32
      %dma_start3A_210 = tpu.memref_slice %arg10[%dma_start3A_207, %dma_start3A_208, %dma_start3A_209] : memref<8x256x32xf32, #tpu.memory_space<vmem>> -> memref<1x256x32xf32, #tpu.memory_space<vmem>>
      %dma_start3A_211 = tpu.memref_squeeze %dma_start3A_210 : memref<1x256x32xf32, #tpu.memory_space<vmem>> -> memref<256x32xf32, #tpu.memory_space<vmem>>
      %dma_start3A_212 = tpu.memref_slice %arg9[%mul3A_206] : memref<10240xi32, #tpu.memory_space<vmem>> -> memref<256xi32, #tpu.memory_space<vmem>>
      %dma_start3A_213 = arith.constant 0 : i32
      %dma_start3A_214 = arith.constant 0 : i32
      %dma_start3A_215 = tpu.memref_slice %arg11[%dma_start3A_213, %dma_start3A_214] : memref<10240x32xf32, #tpu.memory_space<vmem_shared>> -> memref<10240x32xf32, #tpu.memory_space<vmem_shared>>
      tpu.enqueue_indirect_dma source(%dma_start3A_211 : memref<256x32xf32, #tpu.memory_space<vmem>>) target(%dma_start3A_215 : memref<10240x32xf32, #tpu.memory_space<vmem_shared>>) offsets(%dma_start3A_212 : memref<256xi32, #tpu.memory_space<vmem>>) semaphore(%arg22 : memref<!tpu.dma_semaphore, #tpu.memory_space<semaphore_mem>>) {add = true}
      %gt3A_216 = arith.constant 0 : i32
      %gt3A_217 = arith.cmpi sgt, %scan3A_105, %gt3A_216 : i32
      %convert_element_type3A_218 = arith.extui %gt3A_217 : i1 to i32
      %cond3A_219 = arith.constant 0 : i32
      %cond3A_220 = arith.cmpi ne, %convert_element_type3A_218, %cond3A_219 : i32
      scf.if %cond3A_220 {
        %dma_wait3A_431 = arith.constant 6 : i32
        %dma_wait3A_432 = arith.constant 0 : i32
        %dma_wait3A_433 = arith.constant 0 : i32
        %dma_wait3A_434 = tpu.memref_slice %arg10[%dma_wait3A_431, %dma_wait3A_432, %dma_wait3A_433] : memref<8x256x32xf32, #tpu.memory_space<vmem>> -> memref<1x256x32xf32, #tpu.memory_space<vmem>>
        %dma_wait3A_435 = tpu.memref_squeeze %dma_wait3A_434 : memref<1x256x32xf32, #tpu.memory_space<vmem>> -> memref<256x32xf32, #tpu.memory_space<vmem>>
        %dma_wait3A_436 = arith.constant 0 : i32
        %dma_wait3A_437 = tpu.memref_slice %arg9[%dma_wait3A_436] : memref<10240xi32, #tpu.memory_space<vmem>> -> memref<256xi32, #tpu.memory_space<vmem>>
        %dma_wait3A_438 = arith.constant 0 : i32
        %dma_wait3A_439 = arith.constant 0 : i32
        %dma_wait3A_440 = tpu.memref_slice %arg11[%dma_wait3A_438, %dma_wait3A_439] : memref<10240x32xf32, #tpu.memory_space<vmem_shared>> -> memref<10240x32xf32, #tpu.memory_space<vmem_shared>>
        tpu.wait_indirect_dma semaphore(%arg26 : memref<!tpu.dma_semaphore, #tpu.memory_space<semaphore_mem>>) src(%dma_wait3A_435 : memref<256x32xf32, #tpu.memory_space<vmem>>) dst(%dma_wait3A_440 : memref<10240x32xf32, #tpu.memory_space<vmem_shared>>)
      } else {
      }
      %add3A_221 = arith.constant 2 : i32
      %add3A_222 = arith.addi %mul3A_107, %add3A_221 : i32
      %add3A_223 = arith.constant 4 : i32
      %add3A_224 = arith.addi %add3A_222, %add3A_223 : i32
      %mul3A_225 = arith.constant 256 : i32
      %mul3A_226 = arith.muli %add3A_224, %mul3A_225 : i32
      %dma_start3A_227 = arith.constant 6 : i32
      %dma_start3A_228 = arith.constant 0 : i32
      %dma_start3A_229 = arith.constant 0 : i32
      %dma_start3A_230 = tpu.memref_slice %arg10[%dma_start3A_227, %dma_start3A_228, %dma_start3A_229] : memref<8x256x32xf32, #tpu.memory_space<vmem>> -> memref<1x256x32xf32, #tpu.memory_space<vmem>>
      %dma_start3A_231 = tpu.memref_squeeze %dma_start3A_230 : memref<1x256x32xf32, #tpu.memory_space<vmem>> -> memref<256x32xf32, #tpu.memory_space<vmem>>
      %dma_start3A_232 = tpu.memref_slice %arg8[%mul3A_226] : memref<10240xi32, #tpu.memory_space<vmem>> -> memref<256xi32, #tpu.memory_space<vmem>>
      %dma_start3A_233 = arith.constant 0 : i32
      %dma_start3A_234 = arith.constant 0 : i32
      %dma_start3A_235 = tpu.memref_slice %arg2[%dma_start3A_233, %dma_start3A_234] : memref<10240x32xf32, #tpu.memory_space<hbm>> -> memref<10240x32xf32, #tpu.memory_space<hbm>>
      tpu.enqueue_indirect_dma source(%dma_start3A_235 : memref<10240x32xf32, #tpu.memory_space<hbm>>) target(%dma_start3A_231 : memref<256x32xf32, #tpu.memory_space<vmem>>) offsets(%dma_start3A_232 : memref<256xi32, #tpu.memory_space<vmem>>) semaphore(%arg18 : memref<!tpu.dma_semaphore, #tpu.memory_space<semaphore_mem>>)
      %dma_wait3A_236 = arith.constant 3 : i32
      %dma_wait3A_237 = arith.constant 0 : i32
      %dma_wait3A_238 = arith.constant 0 : i32
      %dma_wait3A_239 = tpu.memref_slice %arg10[%dma_wait3A_236, %dma_wait3A_237, %dma_wait3A_238] : memref<8x256x32xf32, #tpu.memory_space<vmem>> -> memref<1x256x32xf32, #tpu.memory_space<vmem>>
      %dma_wait3A_240 = tpu.memref_squeeze %dma_wait3A_239 : memref<1x256x32xf32, #tpu.memory_space<vmem>> -> memref<256x32xf32, #tpu.memory_space<vmem>>
      %dma_wait3A_241 = arith.constant 0 : i32
      %dma_wait3A_242 = tpu.memref_slice %arg8[%dma_wait3A_241] : memref<10240xi32, #tpu.memory_space<vmem>> -> memref<256xi32, #tpu.memory_space<vmem>>
      %dma_wait3A_243 = arith.constant 0 : i32
      %dma_wait3A_244 = arith.constant 0 : i32
      %dma_wait3A_245 = tpu.memref_slice %arg2[%dma_wait3A_243, %dma_wait3A_244] : memref<10240x32xf32, #tpu.memory_space<hbm>> -> memref<10240x32xf32, #tpu.memory_space<hbm>>
      tpu.wait_indirect_dma semaphore(%arg15 : memref<!tpu.dma_semaphore, #tpu.memory_space<semaphore_mem>>) src(%dma_wait3A_245 : memref<10240x32xf32, #tpu.memory_space<hbm>>) dst(%dma_wait3A_240 : memref<256x32xf32, #tpu.memory_space<vmem>>)
      %add3A_246 = arith.constant 3 : i32
      %add3A_247 = arith.addi %mul3A_107, %add3A_246 : i32
      %mul3A_248 = arith.constant 256 : i32
      %mul3A_249 = arith.muli %add3A_247, %mul3A_248 : i32
      %dma_start3A_250 = arith.constant 3 : i32
      %dma_start3A_251 = arith.constant 0 : i32
      %dma_start3A_252 = arith.constant 0 : i32
      %dma_start3A_253 = tpu.memref_slice %arg10[%dma_start3A_250, %dma_start3A_251, %dma_start3A_252] : memref<8x256x32xf32, #tpu.memory_space<vmem>> -> memref<1x256x32xf32, #tpu.memory_space<vmem>>
      %dma_start3A_254 = tpu.memref_squeeze %dma_start3A_253 : memref<1x256x32xf32, #tpu.memory_space<vmem>> -> memref<256x32xf32, #tpu.memory_space<vmem>>
      %dma_start3A_255 = tpu.memref_slice %arg9[%mul3A_249] : memref<10240xi32, #tpu.memory_space<vmem>> -> memref<256xi32, #tpu.memory_space<vmem>>
      %dma_start3A_256 = arith.constant 0 : i32
      %dma_start3A_257 = arith.constant 0 : i32
      %dma_start3A_258 = tpu.memref_slice %arg11[%dma_start3A_256, %dma_start3A_257] : memref<10240x32xf32, #tpu.memory_space<vmem_shared>> -> memref<10240x32xf32, #tpu.memory_space<vmem_shared>>
      tpu.enqueue_indirect_dma source(%dma_start3A_254 : memref<256x32xf32, #tpu.memory_space<vmem>>) target(%dma_start3A_258 : memref<10240x32xf32, #tpu.memory_space<vmem_shared>>) offsets(%dma_start3A_255 : memref<256xi32, #tpu.memory_space<vmem>>) semaphore(%arg23 : memref<!tpu.dma_semaphore, #tpu.memory_space<semaphore_mem>>) {add = true}
      %gt3A_259 = arith.constant 0 : i32
      %gt3A_260 = arith.cmpi sgt, %scan3A_105, %gt3A_259 : i32
      %convert_element_type3A_261 = arith.extui %gt3A_260 : i1 to i32
      %cond3A_262 = arith.constant 0 : i32
      %cond3A_263 = arith.cmpi ne, %convert_element_type3A_261, %cond3A_262 : i32
      scf.if %cond3A_263 {
        %dma_wait3A_431 = arith.constant 7 : i32
        %dma_wait3A_432 = arith.constant 0 : i32
        %dma_wait3A_433 = arith.constant 0 : i32
        %dma_wait3A_434 = tpu.memref_slice %arg10[%dma_wait3A_431, %dma_wait3A_432, %dma_wait3A_433] : memref<8x256x32xf32, #tpu.memory_space<vmem>> -> memref<1x256x32xf32, #tpu.memory_space<vmem>>
        %dma_wait3A_435 = tpu.memref_squeeze %dma_wait3A_434 : memref<1x256x32xf32, #tpu.memory_space<vmem>> -> memref<256x32xf32, #tpu.memory_space<vmem>>
        %dma_wait3A_436 = arith.constant 0 : i32
        %dma_wait3A_437 = tpu.memref_slice %arg9[%dma_wait3A_436] : memref<10240xi32, #tpu.memory_space<vmem>> -> memref<256xi32, #tpu.memory_space<vmem>>
        %dma_wait3A_438 = arith.constant 0 : i32
        %dma_wait3A_439 = arith.constant 0 : i32
        %dma_wait3A_440 = tpu.memref_slice %arg11[%dma_wait3A_438, %dma_wait3A_439] : memref<10240x32xf32, #tpu.memory_space<vmem_shared>> -> memref<10240x32xf32, #tpu.memory_space<vmem_shared>>
        tpu.wait_indirect_dma semaphore(%arg27 : memref<!tpu.dma_semaphore, #tpu.memory_space<semaphore_mem>>) src(%dma_wait3A_435 : memref<256x32xf32, #tpu.memory_space<vmem>>) dst(%dma_wait3A_440 : memref<10240x32xf32, #tpu.memory_space<vmem_shared>>)
      } else {
      }
      %add3A_264 = arith.constant 3 : i32
      %add3A_265 = arith.addi %mul3A_107, %add3A_264 : i32
      %add3A_266 = arith.constant 4 : i32
      %add3A_267 = arith.addi %add3A_265, %add3A_266 : i32
      %mul3A_268 = arith.constant 256 : i32
      %mul3A_269 = arith.muli %add3A_267, %mul3A_268 : i32
      %dma_start3A_270 = arith.constant 7 : i32
      %dma_start3A_271 = arith.constant 0 : i32
      %dma_start3A_272 = arith.constant 0 : i32
      %dma_start3A_273 = tpu.memref_slice %arg10[%dma_start3A_270, %dma_start3A_271, %dma_start3A_272] : memref<8x256x32xf32, #tpu.memory_space<vmem>> -> memref<1x256x32xf32, #tpu.memory_space<vmem>>
      %dma_start3A_274 = tpu.memref_squeeze %dma_start3A_273 : memref<1x256x32xf32, #tpu.memory_space<vmem>> -> memref<256x32xf32, #tpu.memory_space<vmem>>
      %dma_start3A_275 = tpu.memref_slice %arg8[%mul3A_269] : memref<10240xi32, #tpu.memory_space<vmem>> -> memref<256xi32, #tpu.memory_space<vmem>>
      %dma_start3A_276 = arith.constant 0 : i32
      %dma_start3A_277 = arith.constant 0 : i32
      %dma_start3A_278 = tpu.memref_slice %arg2[%dma_start3A_276, %dma_start3A_277] : memref<10240x32xf32, #tpu.memory_space<hbm>> -> memref<10240x32xf32, #tpu.memory_space<hbm>>
      tpu.enqueue_indirect_dma source(%dma_start3A_278 : memref<10240x32xf32, #tpu.memory_space<hbm>>) target(%dma_start3A_274 : memref<256x32xf32, #tpu.memory_space<vmem>>) offsets(%dma_start3A_275 : memref<256xi32, #tpu.memory_space<vmem>>) semaphore(%arg19 : memref<!tpu.dma_semaphore, #tpu.memory_space<semaphore_mem>>)
      %dma_wait3A_279 = arith.constant 4 : i32
      %dma_wait3A_280 = arith.constant 0 : i32
      %dma_wait3A_281 = arith.constant 0 : i32
      %dma_wait3A_282 = tpu.memref_slice %arg10[%dma_wait3A_279, %dma_wait3A_280, %dma_wait3A_281] : memref<8x256x32xf32, #tpu.memory_space<vmem>> -> memref<1x256x32xf32, #tpu.memory_space<vmem>>
      %dma_wait3A_283 = tpu.memref_squeeze %dma_wait3A_282 : memref<1x256x32xf32, #tpu.memory_space<vmem>> -> memref<256x32xf32, #tpu.memory_space<vmem>>
      %dma_wait3A_284 = arith.constant 0 : i32
      %dma_wait3A_285 = tpu.memref_slice %arg8[%dma_wait3A_284] : memref<10240xi32, #tpu.memory_space<vmem>> -> memref<256xi32, #tpu.memory_space<vmem>>
      %dma_wait3A_286 = arith.constant 0 : i32
      %dma_wait3A_287 = arith.constant 0 : i32
      %dma_wait3A_288 = tpu.memref_slice %arg2[%dma_wait3A_286, %dma_wait3A_287] : memref<10240x32xf32, #tpu.memory_space<hbm>> -> memref<10240x32xf32, #tpu.memory_space<hbm>>
      tpu.wait_indirect_dma semaphore(%arg16 : memref<!tpu.dma_semaphore, #tpu.memory_space<semaphore_mem>>) src(%dma_wait3A_288 : memref<10240x32xf32, #tpu.memory_space<hbm>>) dst(%dma_wait3A_283 : memref<256x32xf32, #tpu.memory_space<vmem>>)
      %add3A_289 = arith.constant 4 : i32
      %add3A_290 = arith.addi %mul3A_107, %add3A_289 : i32
      %mul3A_291 = arith.constant 256 : i32
      %mul3A_292 = arith.muli %add3A_290, %mul3A_291 : i32
      %dma_start3A_293 = arith.constant 4 : i32
      %dma_start3A_294 = arith.constant 0 : i32
      %dma_start3A_295 = arith.constant 0 : i32
      %dma_start3A_296 = tpu.memref_slice %arg10[%dma_start3A_293, %dma_start3A_294, %dma_start3A_295] : memref<8x256x32xf32, #tpu.memory_space<vmem>> -> memref<1x256x32xf32, #tpu.memory_space<vmem>>
      %dma_start3A_297 = tpu.memref_squeeze %dma_start3A_296 : memref<1x256x32xf32, #tpu.memory_space<vmem>> -> memref<256x32xf32, #tpu.memory_space<vmem>>
      %dma_start3A_298 = tpu.memref_slice %arg9[%mul3A_292] : memref<10240xi32, #tpu.memory_space<vmem>> -> memref<256xi32, #tpu.memory_space<vmem>>
      %dma_start3A_299 = arith.constant 0 : i32
      %dma_start3A_300 = arith.constant 0 : i32
      %dma_start3A_301 = tpu.memref_slice %arg11[%dma_start3A_299, %dma_start3A_300] : memref<10240x32xf32, #tpu.memory_space<vmem_shared>> -> memref<10240x32xf32, #tpu.memory_space<vmem_shared>>
      tpu.enqueue_indirect_dma source(%dma_start3A_297 : memref<256x32xf32, #tpu.memory_space<vmem>>) target(%dma_start3A_301 : memref<10240x32xf32, #tpu.memory_space<vmem_shared>>) offsets(%dma_start3A_298 : memref<256xi32, #tpu.memory_space<vmem>>) semaphore(%arg24 : memref<!tpu.dma_semaphore, #tpu.memory_space<semaphore_mem>>) {add = true}
      %dma_wait3A_302 = arith.constant 0 : i32
      %dma_wait3A_303 = arith.constant 0 : i32
      %dma_wait3A_304 = arith.constant 0 : i32
      %dma_wait3A_305 = tpu.memref_slice %arg10[%dma_wait3A_302, %dma_wait3A_303, %dma_wait3A_304] : memref<8x256x32xf32, #tpu.memory_space<vmem>> -> memref<1x256x32xf32, #tpu.memory_space<vmem>>
      %dma_wait3A_306 = tpu.memref_squeeze %dma_wait3A_305 : memref<1x256x32xf32, #tpu.memory_space<vmem>> -> memref<256x32xf32, #tpu.memory_space<vmem>>
      %dma_wait3A_307 = arith.constant 0 : i32
      %dma_wait3A_308 = tpu.memref_slice %arg9[%dma_wait3A_307] : memref<10240xi32, #tpu.memory_space<vmem>> -> memref<256xi32, #tpu.memory_space<vmem>>
      %dma_wait3A_309 = arith.constant 0 : i32
      %dma_wait3A_310 = arith.constant 0 : i32
      %dma_wait3A_311 = tpu.memref_slice %arg11[%dma_wait3A_309, %dma_wait3A_310] : memref<10240x32xf32, #tpu.memory_space<vmem_shared>> -> memref<10240x32xf32, #tpu.memory_space<vmem_shared>>
      tpu.wait_indirect_dma semaphore(%arg20 : memref<!tpu.dma_semaphore, #tpu.memory_space<semaphore_mem>>) src(%dma_wait3A_306 : memref<256x32xf32, #tpu.memory_space<vmem>>) dst(%dma_wait3A_311 : memref<10240x32xf32, #tpu.memory_space<vmem_shared>>)
      %lt3A_312 = arith.constant 4 : i32
      %lt3A_313 = arith.cmpi slt, %scan3A_105, %lt3A_312 : i32
      %convert_element_type3A_314 = arith.extui %lt3A_313 : i1 to i32
      %cond3A_315 = arith.constant 0 : i32
      %cond3A_316 = arith.cmpi ne, %convert_element_type3A_314, %cond3A_315 : i32
      scf.if %cond3A_316 {
        %add3A_431 = arith.constant 4 : i32
        %add3A_432 = arith.addi %mul3A_107, %add3A_431 : i32
        %add3A_433 = arith.constant 4 : i32
        %add3A_434 = arith.addi %add3A_432, %add3A_433 : i32
        %mul3A_435 = arith.constant 256 : i32
        %mul3A_436 = arith.muli %add3A_434, %mul3A_435 : i32
        %dma_start3A_437 = arith.constant 0 : i32
        %dma_start3A_438 = arith.constant 0 : i32
        %dma_start3A_439 = arith.constant 0 : i32
        %dma_start3A_440 = tpu.memref_slice %arg10[%dma_start3A_437, %dma_start3A_438, %dma_start3A_439] : memref<8x256x32xf32, #tpu.memory_space<vmem>> -> memref<1x256x32xf32, #tpu.memory_space<vmem>>
        %dma_start3A_441 = tpu.memref_squeeze %dma_start3A_440 : memref<1x256x32xf32, #tpu.memory_space<vmem>> -> memref<256x32xf32, #tpu.memory_space<vmem>>
        %dma_start3A_442 = tpu.memref_slice %arg8[%mul3A_436] : memref<10240xi32, #tpu.memory_space<vmem>> -> memref<256xi32, #tpu.memory_space<vmem>>
        %dma_start3A_443 = arith.constant 0 : i32
        %dma_start3A_444 = arith.constant 0 : i32
        %dma_start3A_445 = tpu.memref_slice %arg2[%dma_start3A_443, %dma_start3A_444] : memref<10240x32xf32, #tpu.memory_space<hbm>> -> memref<10240x32xf32, #tpu.memory_space<hbm>>
        tpu.enqueue_indirect_dma source(%dma_start3A_445 : memref<10240x32xf32, #tpu.memory_space<hbm>>) target(%dma_start3A_441 : memref<256x32xf32, #tpu.memory_space<vmem>>) offsets(%dma_start3A_442 : memref<256xi32, #tpu.memory_space<vmem>>) semaphore(%arg12 : memref<!tpu.dma_semaphore, #tpu.memory_space<semaphore_mem>>)
      } else {
      }
      %dma_wait3A_317 = arith.constant 5 : i32
      %dma_wait3A_318 = arith.constant 0 : i32
      %dma_wait3A_319 = arith.constant 0 : i32
      %dma_wait3A_320 = tpu.memref_slice %arg10[%dma_wait3A_317, %dma_wait3A_318, %dma_wait3A_319] : memref<8x256x32xf32, #tpu.memory_space<vmem>> -> memref<1x256x32xf32, #tpu.memory_space<vmem>>
      %dma_wait3A_321 = tpu.memref_squeeze %dma_wait3A_320 : memref<1x256x32xf32, #tpu.memory_space<vmem>> -> memref<256x32xf32, #tpu.memory_space<vmem>>
      %dma_wait3A_322 = arith.constant 0 : i32
      %dma_wait3A_323 = tpu.memref_slice %arg8[%dma_wait3A_322] : memref<10240xi32, #tpu.memory_space<vmem>> -> memref<256xi32, #tpu.memory_space<vmem>>
      %dma_wait3A_324 = arith.constant 0 : i32
      %dma_wait3A_325 = arith.constant 0 : i32
      %dma_wait3A_326 = tpu.memref_slice %arg2[%dma_wait3A_324, %dma_wait3A_325] : memref<10240x32xf32, #tpu.memory_space<hbm>> -> memref<10240x32xf32, #tpu.memory_space<hbm>>
      tpu.wait_indirect_dma semaphore(%arg17 : memref<!tpu.dma_semaphore, #tpu.memory_space<semaphore_mem>>) src(%dma_wait3A_326 : memref<10240x32xf32, #tpu.memory_space<hbm>>) dst(%dma_wait3A_321 : memref<256x32xf32, #tpu.memory_space<vmem>>)
      %add3A_327 = arith.constant 5 : i32
      %add3A_328 = arith.addi %mul3A_107, %add3A_327 : i32
      %mul3A_329 = arith.constant 256 : i32
      %mul3A_330 = arith.muli %add3A_328, %mul3A_329 : i32
      %dma_start3A_331 = arith.constant 5 : i32
      %dma_start3A_332 = arith.constant 0 : i32
      %dma_start3A_333 = arith.constant 0 : i32
      %dma_start3A_334 = tpu.memref_slice %arg10[%dma_start3A_331, %dma_start3A_332, %dma_start3A_333] : memref<8x256x32xf32, #tpu.memory_space<vmem>> -> memref<1x256x32xf32, #tpu.memory_space<vmem>>
      %dma_start3A_335 = tpu.memref_squeeze %dma_start3A_334 : memref<1x256x32xf32, #tpu.memory_space<vmem>> -> memref<256x32xf32, #tpu.memory_space<vmem>>
      %dma_start3A_336 = tpu.memref_slice %arg9[%mul3A_330] : memref<10240xi32, #tpu.memory_space<vmem>> -> memref<256xi32, #tpu.memory_space<vmem>>
      %dma_start3A_337 = arith.constant 0 : i32
      %dma_start3A_338 = arith.constant 0 : i32
      %dma_start3A_339 = tpu.memref_slice %arg11[%dma_start3A_337, %dma_start3A_338] : memref<10240x32xf32, #tpu.memory_space<vmem_shared>> -> memref<10240x32xf32, #tpu.memory_space<vmem_shared>>
      tpu.enqueue_indirect_dma source(%dma_start3A_335 : memref<256x32xf32, #tpu.memory_space<vmem>>) target(%dma_start3A_339 : memref<10240x32xf32, #tpu.memory_space<vmem_shared>>) offsets(%dma_start3A_336 : memref<256xi32, #tpu.memory_space<vmem>>) semaphore(%arg25 : memref<!tpu.dma_semaphore, #tpu.memory_space<semaphore_mem>>) {add = true}
      %dma_wait3A_340 = arith.constant 1 : i32
      %dma_wait3A_341 = arith.constant 0 : i32
      %dma_wait3A_342 = arith.constant 0 : i32
      %dma_wait3A_343 = tpu.memref_slice %arg10[%dma_wait3A_340, %dma_wait3A_341, %dma_wait3A_342] : memref<8x256x32xf32, #tpu.memory_space<vmem>> -> memref<1x256x32xf32, #tpu.memory_space<vmem>>
      %dma_wait3A_344 = tpu.memref_squeeze %dma_wait3A_343 : memref<1x256x32xf32, #tpu.memory_space<vmem>> -> memref<256x32xf32, #tpu.memory_space<vmem>>
      %dma_wait3A_345 = arith.constant 0 : i32
      %dma_wait3A_346 = tpu.memref_slice %arg9[%dma_wait3A_345] : memref<10240xi32, #tpu.memory_space<vmem>> -> memref<256xi32, #tpu.memory_space<vmem>>
      %dma_wait3A_347 = arith.constant 0 : i32
      %dma_wait3A_348 = arith.constant 0 : i32
      %dma_wait3A_349 = tpu.memref_slice %arg11[%dma_wait3A_347, %dma_wait3A_348] : memref<10240x32xf32, #tpu.memory_space<vmem_shared>> -> memref<10240x32xf32, #tpu.memory_space<vmem_shared>>
      tpu.wait_indirect_dma semaphore(%arg21 : memref<!tpu.dma_semaphore, #tpu.memory_space<semaphore_mem>>) src(%dma_wait3A_344 : memref<256x32xf32, #tpu.memory_space<vmem>>) dst(%dma_wait3A_349 : memref<10240x32xf32, #tpu.memory_space<vmem_shared>>)
      %lt3A_350 = arith.constant 4 : i32
      %lt3A_351 = arith.cmpi slt, %scan3A_105, %lt3A_350 : i32
      %convert_element_type3A_352 = arith.extui %lt3A_351 : i1 to i32
      %cond3A_353 = arith.constant 0 : i32
      %cond3A_354 = arith.cmpi ne, %convert_element_type3A_352, %cond3A_353 : i32
      scf.if %cond3A_354 {
        %add3A_431 = arith.constant 5 : i32
        %add3A_432 = arith.addi %mul3A_107, %add3A_431 : i32
        %add3A_433 = arith.constant 4 : i32
        %add3A_434 = arith.addi %add3A_432, %add3A_433 : i32
        %mul3A_435 = arith.constant 256 : i32
        %mul3A_436 = arith.muli %add3A_434, %mul3A_435 : i32
        %dma_start3A_437 = arith.constant 1 : i32
        %dma_start3A_438 = arith.constant 0 : i32
        %dma_start3A_439 = arith.constant 0 : i32
        %dma_start3A_440 = tpu.memref_slice %arg10[%dma_start3A_437, %dma_start3A_438, %dma_start3A_439] : memref<8x256x32xf32, #tpu.memory_space<vmem>> -> memref<1x256x32xf32, #tpu.memory_space<vmem>>
        %dma_start3A_441 = tpu.memref_squeeze %dma_start3A_440 : memref<1x256x32xf32, #tpu.memory_space<vmem>> -> memref<256x32xf32, #tpu.memory_space<vmem>>
        %dma_start3A_442 = tpu.memref_slice %arg8[%mul3A_436] : memref<10240xi32, #tpu.memory_space<vmem>> -> memref<256xi32, #tpu.memory_space<vmem>>
        %dma_start3A_443 = arith.constant 0 : i32
        %dma_start3A_444 = arith.constant 0 : i32
        %dma_start3A_445 = tpu.memref_slice %arg2[%dma_start3A_443, %dma_start3A_444] : memref<10240x32xf32, #tpu.memory_space<hbm>> -> memref<10240x32xf32, #tpu.memory_space<hbm>>
        tpu.enqueue_indirect_dma source(%dma_start3A_445 : memref<10240x32xf32, #tpu.memory_space<hbm>>) target(%dma_start3A_441 : memref<256x32xf32, #tpu.memory_space<vmem>>) offsets(%dma_start3A_442 : memref<256xi32, #tpu.memory_space<vmem>>) semaphore(%arg13 : memref<!tpu.dma_semaphore, #tpu.memory_space<semaphore_mem>>)
      } else {
      }
      %dma_wait3A_355 = arith.constant 6 : i32
      %dma_wait3A_356 = arith.constant 0 : i32
      %dma_wait3A_357 = arith.constant 0 : i32
      %dma_wait3A_358 = tpu.memref_slice %arg10[%dma_wait3A_355, %dma_wait3A_356, %dma_wait3A_357] : memref<8x256x32xf32, #tpu.memory_space<vmem>> -> memref<1x256x32xf32, #tpu.memory_space<vmem>>
      %dma_wait3A_359 = tpu.memref_squeeze %dma_wait3A_358 : memref<1x256x32xf32, #tpu.memory_space<vmem>> -> memref<256x32xf32, #tpu.memory_space<vmem>>
      %dma_wait3A_360 = arith.constant 0 : i32
      %dma_wait3A_361 = tpu.memref_slice %arg8[%dma_wait3A_360] : memref<10240xi32, #tpu.memory_space<vmem>> -> memref<256xi32, #tpu.memory_space<vmem>>
      %dma_wait3A_362 = arith.constant 0 : i32
      %dma_wait3A_363 = arith.constant 0 : i32
      %dma_wait3A_364 = tpu.memref_slice %arg2[%dma_wait3A_362, %dma_wait3A_363] : memref<10240x32xf32, #tpu.memory_space<hbm>> -> memref<10240x32xf32, #tpu.memory_space<hbm>>
      tpu.wait_indirect_dma semaphore(%arg18 : memref<!tpu.dma_semaphore, #tpu.memory_space<semaphore_mem>>) src(%dma_wait3A_364 : memref<10240x32xf32, #tpu.memory_space<hbm>>) dst(%dma_wait3A_359 : memref<256x32xf32, #tpu.memory_space<vmem>>)
      %add3A_365 = arith.constant 6 : i32
      %add3A_366 = arith.addi %mul3A_107, %add3A_365 : i32
      %mul3A_367 = arith.constant 256 : i32
      %mul3A_368 = arith.muli %add3A_366, %mul3A_367 : i32
      %dma_start3A_369 = arith.constant 6 : i32
      %dma_start3A_370 = arith.constant 0 : i32
      %dma_start3A_371 = arith.constant 0 : i32
      %dma_start3A_372 = tpu.memref_slice %arg10[%dma_start3A_369, %dma_start3A_370, %dma_start3A_371] : memref<8x256x32xf32, #tpu.memory_space<vmem>> -> memref<1x256x32xf32, #tpu.memory_space<vmem>>
      %dma_start3A_373 = tpu.memref_squeeze %dma_start3A_372 : memref<1x256x32xf32, #tpu.memory_space<vmem>> -> memref<256x32xf32, #tpu.memory_space<vmem>>
      %dma_start3A_374 = tpu.memref_slice %arg9[%mul3A_368] : memref<10240xi32, #tpu.memory_space<vmem>> -> memref<256xi32, #tpu.memory_space<vmem>>
      %dma_start3A_375 = arith.constant 0 : i32
      %dma_start3A_376 = arith.constant 0 : i32
      %dma_start3A_377 = tpu.memref_slice %arg11[%dma_start3A_375, %dma_start3A_376] : memref<10240x32xf32, #tpu.memory_space<vmem_shared>> -> memref<10240x32xf32, #tpu.memory_space<vmem_shared>>
      tpu.enqueue_indirect_dma source(%dma_start3A_373 : memref<256x32xf32, #tpu.memory_space<vmem>>) target(%dma_start3A_377 : memref<10240x32xf32, #tpu.memory_space<vmem_shared>>) offsets(%dma_start3A_374 : memref<256xi32, #tpu.memory_space<vmem>>) semaphore(%arg26 : memref<!tpu.dma_semaphore, #tpu.memory_space<semaphore_mem>>) {add = true}
      %dma_wait3A_378 = arith.constant 2 : i32
      %dma_wait3A_379 = arith.constant 0 : i32
      %dma_wait3A_380 = arith.constant 0 : i32
      %dma_wait3A_381 = tpu.memref_slice %arg10[%dma_wait3A_378, %dma_wait3A_379, %dma_wait3A_380] : memref<8x256x32xf32, #tpu.memory_space<vmem>> -> memref<1x256x32xf32, #tpu.memory_space<vmem>>
      %dma_wait3A_382 = tpu.memref_squeeze %dma_wait3A_381 : memref<1x256x32xf32, #tpu.memory_space<vmem>> -> memref<256x32xf32, #tpu.memory_space<vmem>>
      %dma_wait3A_383 = arith.constant 0 : i32
      %dma_wait3A_384 = tpu.memref_slice %arg9[%dma_wait3A_383] : memref<10240xi32, #tpu.memory_space<vmem>> -> memref<256xi32, #tpu.memory_space<vmem>>
      %dma_wait3A_385 = arith.constant 0 : i32
      %dma_wait3A_386 = arith.constant 0 : i32
      %dma_wait3A_387 = tpu.memref_slice %arg11[%dma_wait3A_385, %dma_wait3A_386] : memref<10240x32xf32, #tpu.memory_space<vmem_shared>> -> memref<10240x32xf32, #tpu.memory_space<vmem_shared>>
      tpu.wait_indirect_dma semaphore(%arg22 : memref<!tpu.dma_semaphore, #tpu.memory_space<semaphore_mem>>) src(%dma_wait3A_382 : memref<256x32xf32, #tpu.memory_space<vmem>>) dst(%dma_wait3A_387 : memref<10240x32xf32, #tpu.memory_space<vmem_shared>>)
      %lt3A_388 = arith.constant 4 : i32
      %lt3A_389 = arith.cmpi slt, %scan3A_105, %lt3A_388 : i32
      %convert_element_type3A_390 = arith.extui %lt3A_389 : i1 to i32
      %cond3A_391 = arith.constant 0 : i32
      %cond3A_392 = arith.cmpi ne, %convert_element_type3A_390, %cond3A_391 : i32
      scf.if %cond3A_392 {
        %add3A_431 = arith.constant 6 : i32
        %add3A_432 = arith.addi %mul3A_107, %add3A_431 : i32
        %add3A_433 = arith.constant 4 : i32
        %add3A_434 = arith.addi %add3A_432, %add3A_433 : i32
        %mul3A_435 = arith.constant 256 : i32
        %mul3A_436 = arith.muli %add3A_434, %mul3A_435 : i32
        %dma_start3A_437 = arith.constant 2 : i32
        %dma_start3A_438 = arith.constant 0 : i32
        %dma_start3A_439 = arith.constant 0 : i32
        %dma_start3A_440 = tpu.memref_slice %arg10[%dma_start3A_437, %dma_start3A_438, %dma_start3A_439] : memref<8x256x32xf32, #tpu.memory_space<vmem>> -> memref<1x256x32xf32, #tpu.memory_space<vmem>>
        %dma_start3A_441 = tpu.memref_squeeze %dma_start3A_440 : memref<1x256x32xf32, #tpu.memory_space<vmem>> -> memref<256x32xf32, #tpu.memory_space<vmem>>
        %dma_start3A_442 = tpu.memref_slice %arg8[%mul3A_436] : memref<10240xi32, #tpu.memory_space<vmem>> -> memref<256xi32, #tpu.memory_space<vmem>>
        %dma_start3A_443 = arith.constant 0 : i32
        %dma_start3A_444 = arith.constant 0 : i32
        %dma_start3A_445 = tpu.memref_slice %arg2[%dma_start3A_443, %dma_start3A_444] : memref<10240x32xf32, #tpu.memory_space<hbm>> -> memref<10240x32xf32, #tpu.memory_space<hbm>>
        tpu.enqueue_indirect_dma source(%dma_start3A_445 : memref<10240x32xf32, #tpu.memory_space<hbm>>) target(%dma_start3A_441 : memref<256x32xf32, #tpu.memory_space<vmem>>) offsets(%dma_start3A_442 : memref<256xi32, #tpu.memory_space<vmem>>) semaphore(%arg14 : memref<!tpu.dma_semaphore, #tpu.memory_space<semaphore_mem>>)
      } else {
      }
      %dma_wait3A_393 = arith.constant 7 : i32
      %dma_wait3A_394 = arith.constant 0 : i32
      %dma_wait3A_395 = arith.constant 0 : i32
      %dma_wait3A_396 = tpu.memref_slice %arg10[%dma_wait3A_393, %dma_wait3A_394, %dma_wait3A_395] : memref<8x256x32xf32, #tpu.memory_space<vmem>> -> memref<1x256x32xf32, #tpu.memory_space<vmem>>
      %dma_wait3A_397 = tpu.memref_squeeze %dma_wait3A_396 : memref<1x256x32xf32, #tpu.memory_space<vmem>> -> memref<256x32xf32, #tpu.memory_space<vmem>>
      %dma_wait3A_398 = arith.constant 0 : i32
      %dma_wait3A_399 = tpu.memref_slice %arg8[%dma_wait3A_398] : memref<10240xi32, #tpu.memory_space<vmem>> -> memref<256xi32, #tpu.memory_space<vmem>>
      %dma_wait3A_400 = arith.constant 0 : i32
      %dma_wait3A_401 = arith.constant 0 : i32
      %dma_wait3A_402 = tpu.memref_slice %arg2[%dma_wait3A_400, %dma_wait3A_401] : memref<10240x32xf32, #tpu.memory_space<hbm>> -> memref<10240x32xf32, #tpu.memory_space<hbm>>
      tpu.wait_indirect_dma semaphore(%arg19 : memref<!tpu.dma_semaphore, #tpu.memory_space<semaphore_mem>>) src(%dma_wait3A_402 : memref<10240x32xf32, #tpu.memory_space<hbm>>) dst(%dma_wait3A_397 : memref<256x32xf32, #tpu.memory_space<vmem>>)
      %add3A_403 = arith.constant 7 : i32
      %add3A_404 = arith.addi %mul3A_107, %add3A_403 : i32
      %mul3A_405 = arith.constant 256 : i32
      %mul3A_406 = arith.muli %add3A_404, %mul3A_405 : i32
      %dma_start3A_407 = arith.constant 7 : i32
      %dma_start3A_408 = arith.constant 0 : i32
      %dma_start3A_409 = arith.constant 0 : i32
      %dma_start3A_410 = tpu.memref_slice %arg10[%dma_start3A_407, %dma_start3A_408, %dma_start3A_409] : memref<8x256x32xf32, #tpu.memory_space<vmem>> -> memref<1x256x32xf32, #tpu.memory_space<vmem>>
      %dma_start3A_411 = tpu.memref_squeeze %dma_start3A_410 : memref<1x256x32xf32, #tpu.memory_space<vmem>> -> memref<256x32xf32, #tpu.memory_space<vmem>>
      %dma_start3A_412 = tpu.memref_slice %arg9[%mul3A_406] : memref<10240xi32, #tpu.memory_space<vmem>> -> memref<256xi32, #tpu.memory_space<vmem>>
      %dma_start3A_413 = arith.constant 0 : i32
      %dma_start3A_414 = arith.constant 0 : i32
      %dma_start3A_415 = tpu.memref_slice %arg11[%dma_start3A_413, %dma_start3A_414] : memref<10240x32xf32, #tpu.memory_space<vmem_shared>> -> memref<10240x32xf32, #tpu.memory_space<vmem_shared>>
      tpu.enqueue_indirect_dma source(%dma_start3A_411 : memref<256x32xf32, #tpu.memory_space<vmem>>) target(%dma_start3A_415 : memref<10240x32xf32, #tpu.memory_space<vmem_shared>>) offsets(%dma_start3A_412 : memref<256xi32, #tpu.memory_space<vmem>>) semaphore(%arg27 : memref<!tpu.dma_semaphore, #tpu.memory_space<semaphore_mem>>) {add = true}
      %dma_wait3A_416 = arith.constant 3 : i32
      %dma_wait3A_417 = arith.constant 0 : i32
      %dma_wait3A_418 = arith.constant 0 : i32
      %dma_wait3A_419 = tpu.memref_slice %arg10[%dma_wait3A_416, %dma_wait3A_417, %dma_wait3A_418] : memref<8x256x32xf32, #tpu.memory_space<vmem>> -> memref<1x256x32xf32, #tpu.memory_space<vmem>>
      %dma_wait3A_420 = tpu.memref_squeeze %dma_wait3A_419 : memref<1x256x32xf32, #tpu.memory_space<vmem>> -> memref<256x32xf32, #tpu.memory_space<vmem>>
      %dma_wait3A_421 = arith.constant 0 : i32
      %dma_wait3A_422 = tpu.memref_slice %arg9[%dma_wait3A_421] : memref<10240xi32, #tpu.memory_space<vmem>> -> memref<256xi32, #tpu.memory_space<vmem>>
      %dma_wait3A_423 = arith.constant 0 : i32
      %dma_wait3A_424 = arith.constant 0 : i32
      %dma_wait3A_425 = tpu.memref_slice %arg11[%dma_wait3A_423, %dma_wait3A_424] : memref<10240x32xf32, #tpu.memory_space<vmem_shared>> -> memref<10240x32xf32, #tpu.memory_space<vmem_shared>>
      tpu.wait_indirect_dma semaphore(%arg23 : memref<!tpu.dma_semaphore, #tpu.memory_space<semaphore_mem>>) src(%dma_wait3A_420 : memref<256x32xf32, #tpu.memory_space<vmem>>) dst(%dma_wait3A_425 : memref<10240x32xf32, #tpu.memory_space<vmem_shared>>)
      %lt3A_426 = arith.constant 4 : i32
      %lt3A_427 = arith.cmpi slt, %scan3A_105, %lt3A_426 : i32
      %convert_element_type3A_428 = arith.extui %lt3A_427 : i1 to i32
      %cond3A_429 = arith.constant 0 : i32
      %cond3A_430 = arith.cmpi ne, %convert_element_type3A_428, %cond3A_429 : i32
      scf.if %cond3A_430 {
        %add3A_431 = arith.constant 7 : i32
        %add3A_432 = arith.addi %mul3A_107, %add3A_431 : i32
        %add3A_433 = arith.constant 4 : i32
        %add3A_434 = arith.addi %add3A_432, %add3A_433 : i32
        %mul3A_435 = arith.constant 256 : i32
        %mul3A_436 = arith.muli %add3A_434, %mul3A_435 : i32
        %dma_start3A_437 = arith.constant 3 : i32
        %dma_start3A_438 = arith.constant 0 : i32
        %dma_start3A_439 = arith.constant 0 : i32
        %dma_start3A_440 = tpu.memref_slice %arg10[%dma_start3A_437, %dma_start3A_438, %dma_start3A_439] : memref<8x256x32xf32, #tpu.memory_space<vmem>> -> memref<1x256x32xf32, #tpu.memory_space<vmem>>
        %dma_start3A_441 = tpu.memref_squeeze %dma_start3A_440 : memref<1x256x32xf32, #tpu.memory_space<vmem>> -> memref<256x32xf32, #tpu.memory_space<vmem>>
        %dma_start3A_442 = tpu.memref_slice %arg8[%mul3A_436] : memref<10240xi32, #tpu.memory_space<vmem>> -> memref<256xi32, #tpu.memory_space<vmem>>
        %dma_start3A_443 = arith.constant 0 : i32
        %dma_start3A_444 = arith.constant 0 : i32
        %dma_start3A_445 = tpu.memref_slice %arg2[%dma_start3A_443, %dma_start3A_444] : memref<10240x32xf32, #tpu.memory_space<hbm>> -> memref<10240x32xf32, #tpu.memory_space<hbm>>
        tpu.enqueue_indirect_dma source(%dma_start3A_445 : memref<10240x32xf32, #tpu.memory_space<hbm>>) target(%dma_start3A_441 : memref<256x32xf32, #tpu.memory_space<vmem>>) offsets(%dma_start3A_442 : memref<256xi32, #tpu.memory_space<vmem>>) semaphore(%arg15 : memref<!tpu.dma_semaphore, #tpu.memory_space<semaphore_mem>>)
      } else {
      }
    }
    %scan3A_54 = arith.constant 5 : i32
    %dma_wait3A = arith.constant 4 : i32
    %dma_wait3A_55 = arith.constant 0 : i32
    %dma_wait3A_56 = arith.constant 0 : i32
    %dma_wait3A_57 = tpu.memref_slice %arg10[%dma_wait3A, %dma_wait3A_55, %dma_wait3A_56] : memref<8x256x32xf32, #tpu.memory_space<vmem>> -> memref<1x256x32xf32, #tpu.memory_space<vmem>>
    %dma_wait3A_58 = tpu.memref_squeeze %dma_wait3A_57 : memref<1x256x32xf32, #tpu.memory_space<vmem>> -> memref<256x32xf32, #tpu.memory_space<vmem>>
    %dma_wait3A_59 = arith.constant 0 : i32
    %dma_wait3A_60 = tpu.memref_slice %arg9[%dma_wait3A_59] : memref<10240xi32, #tpu.memory_space<vmem>> -> memref<256xi32, #tpu.memory_space<vmem>>
    %dma_wait3A_61 = arith.constant 0 : i32
    %dma_wait3A_62 = arith.constant 0 : i32
    %dma_wait3A_63 = tpu.memref_slice %arg11[%dma_wait3A_61, %dma_wait3A_62] : memref<10240x32xf32, #tpu.memory_space<vmem_shared>> -> memref<10240x32xf32, #tpu.memory_space<vmem_shared>>
    tpu.wait_indirect_dma semaphore(%arg24 : memref<!tpu.dma_semaphore, #tpu.memory_space<semaphore_mem>>) src(%dma_wait3A_58 : memref<256x32xf32, #tpu.memory_space<vmem>>) dst(%dma_wait3A_63 : memref<10240x32xf32, #tpu.memory_space<vmem_shared>>)
    %dma_wait3A_64 = arith.constant 5 : i32
    %dma_wait3A_65 = arith.constant 0 : i32
    %dma_wait3A_66 = arith.constant 0 : i32
    %dma_wait3A_67 = tpu.memref_slice %arg10[%dma_wait3A_64, %dma_wait3A_65, %dma_wait3A_66] : memref<8x256x32xf32, #tpu.memory_space<vmem>> -> memref<1x256x32xf32, #tpu.memory_space<vmem>>
    %dma_wait3A_68 = tpu.memref_squeeze %dma_wait3A_67 : memref<1x256x32xf32, #tpu.memory_space<vmem>> -> memref<256x32xf32, #tpu.memory_space<vmem>>
    %dma_wait3A_69 = arith.constant 0 : i32
    %dma_wait3A_70 = tpu.memref_slice %arg9[%dma_wait3A_69] : memref<10240xi32, #tpu.memory_space<vmem>> -> memref<256xi32, #tpu.memory_space<vmem>>
    %dma_wait3A_71 = arith.constant 0 : i32
    %dma_wait3A_72 = arith.constant 0 : i32
    %dma_wait3A_73 = tpu.memref_slice %arg11[%dma_wait3A_71, %dma_wait3A_72] : memref<10240x32xf32, #tpu.memory_space<vmem_shared>> -> memref<10240x32xf32, #tpu.memory_space<vmem_shared>>
    tpu.wait_indirect_dma semaphore(%arg25 : memref<!tpu.dma_semaphore, #tpu.memory_space<semaphore_mem>>) src(%dma_wait3A_68 : memref<256x32xf32, #tpu.memory_space<vmem>>) dst(%dma_wait3A_73 : memref<10240x32xf32, #tpu.memory_space<vmem_shared>>)
    %dma_wait3A_74 = arith.constant 6 : i32
    %dma_wait3A_75 = arith.constant 0 : i32
    %dma_wait3A_76 = arith.constant 0 : i32
    %dma_wait3A_77 = tpu.memref_slice %arg10[%dma_wait3A_74, %dma_wait3A_75, %dma_wait3A_76] : memref<8x256x32xf32, #tpu.memory_space<vmem>> -> memref<1x256x32xf32, #tpu.memory_space<vmem>>
    %dma_wait3A_78 = tpu.memref_squeeze %dma_wait3A_77 : memref<1x256x32xf32, #tpu.memory_space<vmem>> -> memref<256x32xf32, #tpu.memory_space<vmem>>
    %dma_wait3A_79 = arith.constant 0 : i32
    %dma_wait3A_80 = tpu.memref_slice %arg9[%dma_wait3A_79] : memref<10240xi32, #tpu.memory_space<vmem>> -> memref<256xi32, #tpu.memory_space<vmem>>
    %dma_wait3A_81 = arith.constant 0 : i32
    %dma_wait3A_82 = arith.constant 0 : i32
    %dma_wait3A_83 = tpu.memref_slice %arg11[%dma_wait3A_81, %dma_wait3A_82] : memref<10240x32xf32, #tpu.memory_space<vmem_shared>> -> memref<10240x32xf32, #tpu.memory_space<vmem_shared>>
    tpu.wait_indirect_dma semaphore(%arg26 : memref<!tpu.dma_semaphore, #tpu.memory_space<semaphore_mem>>) src(%dma_wait3A_78 : memref<256x32xf32, #tpu.memory_space<vmem>>) dst(%dma_wait3A_83 : memref<10240x32xf32, #tpu.memory_space<vmem_shared>>)
    %dma_wait3A_84 = arith.constant 7 : i32
    %dma_wait3A_85 = arith.constant 0 : i32
    %dma_wait3A_86 = arith.constant 0 : i32
    %dma_wait3A_87 = tpu.memref_slice %arg10[%dma_wait3A_84, %dma_wait3A_85, %dma_wait3A_86] : memref<8x256x32xf32, #tpu.memory_space<vmem>> -> memref<1x256x32xf32, #tpu.memory_space<vmem>>
    %dma_wait3A_88 = tpu.memref_squeeze %dma_wait3A_87 : memref<1x256x32xf32, #tpu.memory_space<vmem>> -> memref<256x32xf32, #tpu.memory_space<vmem>>
    %dma_wait3A_89 = arith.constant 0 : i32
    %dma_wait3A_90 = tpu.memref_slice %arg9[%dma_wait3A_89] : memref<10240xi32, #tpu.memory_space<vmem>> -> memref<256xi32, #tpu.memory_space<vmem>>
    %dma_wait3A_91 = arith.constant 0 : i32
    %dma_wait3A_92 = arith.constant 0 : i32
    %dma_wait3A_93 = tpu.memref_slice %arg11[%dma_wait3A_91, %dma_wait3A_92] : memref<10240x32xf32, #tpu.memory_space<vmem_shared>> -> memref<10240x32xf32, #tpu.memory_space<vmem_shared>>
    tpu.wait_indirect_dma semaphore(%arg27 : memref<!tpu.dma_semaphore, #tpu.memory_space<semaphore_mem>>) src(%dma_wait3A_88 : memref<256x32xf32, #tpu.memory_space<vmem>>) dst(%dma_wait3A_93 : memref<10240x32xf32, #tpu.memory_space<vmem_shared>>)
    %barrier3A_94 = arith.constant 0 : index
    tpu.barrier barrier_id(%barrier3A_94)
    %eq3A_95 = arith.constant 0 : i32
    %eq3A_96 = arith.cmpi eq, %arg0, %eq3A_95 : i32
    %convert_element_type3A_97 = arith.extui %eq3A_96 : i1 to i32
    %cond3A_98 = arith.constant 0 : i32
    %cond3A_99 = arith.cmpi ne, %convert_element_type3A_97, %cond3A_98 : i32
    scf.if %cond3A_99 {
      "tpu.region"() ({
        %run_scoped3A = tpu.sem_alloc : memref<!tpu.dma_semaphore, #tpu.memory_space<semaphore_mem>>
        %dma_start3A_105 = arith.constant 0 : i32
        %dma_start3A_106 = tpu.memref_slice %arg6[%multiple_of3A, %dma_start3A_105] : memref<10240x32xf32, #tpu.memory_space<hbm>> -> memref<640x32xf32, #tpu.memory_space<hbm>>
        %dma_start3A_107 = arith.constant 0 : i32
        %dma_start3A_108 = tpu.memref_slice %arg11[%multiple_of3A, %dma_start3A_107] : memref<10240x32xf32, #tpu.memory_space<vmem_shared>> -> memref<640x32xf32, #tpu.memory_space<vmem_shared>>
        tpu.enqueue_dma source(%dma_start3A_108 : memref<640x32xf32, #tpu.memory_space<vmem_shared>>) target(%dma_start3A_106 : memref<640x32xf32, #tpu.memory_space<hbm>>) target_semaphore(%run_scoped3A : memref<!tpu.dma_semaphore, #tpu.memory_space<semaphore_mem>>)
        %dma_wait3A_109 = arith.constant 0 : i32
        %dma_wait3A_110 = tpu.memref_slice %arg6[%multiple_of3A, %dma_wait3A_109] : memref<10240x32xf32, #tpu.memory_space<hbm>> -> memref<640x32xf32, #tpu.memory_space<hbm>>
        %dma_wait3A_111 = arith.constant 0 : i32
        %dma_wait3A_112 = tpu.memref_slice %arg11[%multiple_of3A, %dma_wait3A_111] : memref<10240x32xf32, #tpu.memory_space<vmem_shared>> -> memref<640x32xf32, #tpu.memory_space<vmem_shared>>
        tpu.wait_dma2 semaphore(%run_scoped3A : memref<!tpu.dma_semaphore, #tpu.memory_space<semaphore_mem>>) src(%dma_wait3A_112 : memref<640x32xf32, #tpu.memory_space<vmem_shared>>) dst(%dma_wait3A_110 : memref<640x32xf32, #tpu.memory_space<hbm>>)
        tpu.yield
      }) : () -> ()
    } else {
    }
    %eq3A_100 = arith.constant 1 : i32
    %eq3A_101 = arith.cmpi eq, %arg0, %eq3A_100 : i32
    %convert_element_type3A_102 = arith.extui %eq3A_101 : i1 to i32
    %cond3A_103 = arith.constant 0 : i32
    %cond3A_104 = arith.cmpi ne, %convert_element_type3A_102, %cond3A_103 : i32
    scf.if %cond3A_104 {
      "tpu.region"() ({
        %run_scoped3A = tpu.sem_alloc : memref<!tpu.dma_semaphore, #tpu.memory_space<semaphore_mem>>
        %dma_start3A_105 = arith.constant 0 : i32
        %dma_start3A_106 = tpu.memref_slice %arg7[%multiple_of3A, %dma_start3A_105] : memref<10240x32xf32, #tpu.memory_space<hbm>> -> memref<640x32xf32, #tpu.memory_space<hbm>>
        %dma_start3A_107 = arith.constant 0 : i32
        %dma_start3A_108 = tpu.memref_slice %arg11[%multiple_of3A, %dma_start3A_107] : memref<10240x32xf32, #tpu.memory_space<vmem_shared>> -> memref<640x32xf32, #tpu.memory_space<vmem_shared>>
        tpu.enqueue_dma source(%dma_start3A_108 : memref<640x32xf32, #tpu.memory_space<vmem_shared>>) target(%dma_start3A_106 : memref<640x32xf32, #tpu.memory_space<hbm>>) target_semaphore(%run_scoped3A : memref<!tpu.dma_semaphore, #tpu.memory_space<semaphore_mem>>)
        %dma_wait3A_109 = arith.constant 0 : i32
        %dma_wait3A_110 = tpu.memref_slice %arg7[%multiple_of3A, %dma_wait3A_109] : memref<10240x32xf32, #tpu.memory_space<hbm>> -> memref<640x32xf32, #tpu.memory_space<hbm>>
        %dma_wait3A_111 = arith.constant 0 : i32
        %dma_wait3A_112 = tpu.memref_slice %arg11[%multiple_of3A, %dma_wait3A_111] : memref<10240x32xf32, #tpu.memory_space<vmem_shared>> -> memref<640x32xf32, #tpu.memory_space<vmem_shared>>
        tpu.wait_dma2 semaphore(%run_scoped3A : memref<!tpu.dma_semaphore, #tpu.memory_space<semaphore_mem>>) src(%dma_wait3A_112 : memref<640x32xf32, #tpu.memory_space<vmem_shared>>) dst(%dma_wait3A_110 : memref<640x32xf32, #tpu.memory_space<hbm>>)
        tpu.yield
      }) : () -> ()
    } else {
    }
    return
  }
}

#map = affine_map<(d0, d1) -> (0, 0)>
#map1 = affine_map<(d0, d1) -> (0)>
module attributes {stable_mosaic.version = 14 : i64} {
  func.func @agg(%arg0: i32, %arg1: i32, %arg2: memref<10240x32xf32, #tpu.memory_space<hbm>>, %arg3: memref<640000xi32, #tpu.memory_space<hbm>>, %arg4: memref<7680xi32, #tpu.memory_space<hbm>>, %arg5: memref<640x32xf32, #tpu.memory_space<hbm>>, %arg6: memref<10240x32xf32, #tpu.memory_space<hbm>>, %arg7: memref<10240x32xf32, #tpu.memory_space<hbm>>, %arg8: memref<10240xi32, #tpu.memory_space<vmem>>, %arg9: memref<10240xi32, #tpu.memory_space<vmem>>, %arg10: memref<8x256x32xf32, #tpu.memory_space<vmem>>, %arg11: memref<10240x32xf32, #tpu.memory_space<vmem_shared>>, %arg12: memref<!tpu.dma_semaphore, #tpu.memory_space<semaphore_mem>>, %arg13: memref<!tpu.dma_semaphore, #tpu.memory_space<semaphore_mem>>, %arg14: memref<!tpu.dma_semaphore, #tpu.memory_space<semaphore_mem>>, %arg15: memref<!tpu.dma_semaphore, #tpu.memory_space<semaphore_mem>>, %arg16: memref<!tpu.dma_semaphore, #tpu.memory_space<semaphore_mem>>, %arg17: memref<!tpu.dma_semaphore, #tpu.memory_space<semaphore_mem>>, %arg18: memref<!tpu.dma_semaphore, #tpu.memory_space<semaphore_mem>>, %arg19: memref<!tpu.dma_semaphore, #tpu.memory_space<semaphore_mem>>, %arg20: memref<!tpu.dma_semaphore, #tpu.memory_space<semaphore_mem>>, %arg21: memref<!tpu.dma_semaphore, #tpu.memory_space<semaphore_mem>>, %arg22: memref<!tpu.dma_semaphore, #tpu.memory_space<semaphore_mem>>, %arg23: memref<!tpu.dma_semaphore, #tpu.memory_space<semaphore_mem>>, %arg24: memref<!tpu.dma_semaphore, #tpu.memory_space<semaphore_mem>>, %arg25: memref<!tpu.dma_semaphore, #tpu.memory_space<semaphore_mem>>, %arg26: memref<!tpu.dma_semaphore, #tpu.memory_space<semaphore_mem>>, %arg27: memref<!tpu.dma_semaphore, #tpu.memory_space<semaphore_mem>>) attributes {dimension_semantics = [#tpu.dimension_semantics<core_parallel>, #tpu.dimension_semantics<subcore_parallel>], iteration_bounds = array<i64: 2, 16>, scalar_prefetch = 0 : i64, scratch_operands = 20 : i64, tpu.core_type = #tpu.core_type<sc_vector_subcore>, window_params = [{transform_indices = #map}, {transform_indices = #map1}, {transform_indices = #map1}, {transform_indices = #map}, {transform_indices = #map}, {transform_indices = #map}]} {
    %mul3A = arith.constant 2 : i32
    %mul3A_0 = arith.muli %arg1, %mul3A : i32
    %add3A = arith.addi %mul3A_0, %arg0 : i32
    %mul3A_1 = arith.constant 640 : i32
    %mul3A_2 = arith.muli %arg1, %mul3A_1 : i32
    %multiple_of3A = tpu.assume_multiple %mul3A_2, 640 : i32
    "tpu.region"() ({
      %run_scoped3A = tpu.sem_alloc : memref<!tpu.dma_semaphore, #tpu.memory_space<semaphore_mem>>
      %dma_start3A_105 = arith.constant 0 : i32
      %dma_start3A_106 = tpu.memref_slice %arg11[%multiple_of3A, %dma_start3A_105] : memref<10240x32xf32, #tpu.memory_space<vmem_shared>> -> memref<640x32xf32, #tpu.memory_space<vmem_shared>>
      %dma_start3A_107 = arith.constant 0 : i32
      %dma_start3A_108 = arith.constant 0 : i32
      %dma_start3A_109 = tpu.memref_slice %arg5[%dma_start3A_107, %dma_start3A_108] : memref<640x32xf32, #tpu.memory_space<hbm>> -> memref<640x32xf32, #tpu.memory_space<hbm>>
      tpu.enqueue_dma source(%dma_start3A_109 : memref<640x32xf32, #tpu.memory_space<hbm>>) target(%dma_start3A_106 : memref<640x32xf32, #tpu.memory_space<vmem_shared>>) target_semaphore(%run_scoped3A : memref<!tpu.dma_semaphore, #tpu.memory_space<semaphore_mem>>)
      %dma_wait3A_110 = arith.constant 0 : i32
      %dma_wait3A_111 = tpu.memref_slice %arg11[%multiple_of3A, %dma_wait3A_110] : memref<10240x32xf32, #tpu.memory_space<vmem_shared>> -> memref<640x32xf32, #tpu.memory_space<vmem_shared>>
      %dma_wait3A_112 = arith.constant 0 : i32
      %dma_wait3A_113 = arith.constant 0 : i32
      %dma_wait3A_114 = tpu.memref_slice %arg5[%dma_wait3A_112, %dma_wait3A_113] : memref<640x32xf32, #tpu.memory_space<hbm>> -> memref<640x32xf32, #tpu.memory_space<hbm>>
      tpu.wait_dma2 semaphore(%run_scoped3A : memref<!tpu.dma_semaphore, #tpu.memory_space<semaphore_mem>>) src(%dma_wait3A_114 : memref<640x32xf32, #tpu.memory_space<hbm>>) dst(%dma_wait3A_111 : memref<640x32xf32, #tpu.memory_space<vmem_shared>>)
      tpu.yield
    }) : () -> ()
    %mul3A_3 = arith.constant 10240 : i32
    %mul3A_4 = arith.muli %add3A, %mul3A_3 : i32
    %multiple_of3A_5 = tpu.assume_multiple %mul3A_4, 256 : i32
    %lt3A = arith.constant 31 : i32
    %lt3A_6 = arith.cmpi slt, %add3A, %lt3A : i32
    %convert_element_type3A = arith.extui %lt3A_6 : i1 to i32
    %cond3A = arith.constant 0 : i32
    %cond3A_7 = arith.cmpi ne, %convert_element_type3A, %cond3A : i32
    scf.if %cond3A_7 {
      "tpu.region"() ({
        %run_scoped3A = tpu.sem_alloc : memref<!tpu.dma_semaphore, #tpu.memory_space<semaphore_mem>>
        %dma_start3A_107 = tpu.memref_slice %arg3[%multiple_of3A_5] : memref<640000xi32, #tpu.memory_space<hbm>> -> memref<10240xi32, #tpu.memory_space<hbm>>
        %dma_start3A_108 = tpu.memref_slice %arg3[%multiple_of3A_5] : memref<640000xi32, #tpu.memory_space<hbm>> -> memref<10240xi32, #tpu.memory_space<hbm>>
        tpu.enqueue_dma source(%dma_start3A_108 : memref<10240xi32, #tpu.memory_space<hbm>>) target(%arg8 : memref<10240xi32, #tpu.memory_space<vmem>>) target_semaphore(%run_scoped3A : memref<!tpu.dma_semaphore, #tpu.memory_space<semaphore_mem>>)
        %dma_wait3A_109 = tpu.memref_slice %arg3[%multiple_of3A_5] : memref<640000xi32, #tpu.memory_space<hbm>> -> memref<10240xi32, #tpu.memory_space<hbm>>
        %dma_wait3A_110 = tpu.memref_slice %arg3[%multiple_of3A_5] : memref<640000xi32, #tpu.memory_space<hbm>> -> memref<10240xi32, #tpu.memory_space<hbm>>
        tpu.wait_dma2 semaphore(%run_scoped3A : memref<!tpu.dma_semaphore, #tpu.memory_space<semaphore_mem>>) src(%dma_wait3A_110 : memref<10240xi32, #tpu.memory_space<hbm>>) dst(%arg8 : memref<10240xi32, #tpu.memory_space<vmem>>)
        tpu.yield
      }) : () -> ()
      %add3A_105 = arith.constant 320000 : i32
      %add3A_106 = arith.addi %add3A_105, %multiple_of3A_5 : i32
      "tpu.region"() ({
        %run_scoped3A = tpu.sem_alloc : memref<!tpu.dma_semaphore, #tpu.memory_space<semaphore_mem>>
        %dma_start3A_107 = tpu.memref_slice %arg3[%add3A_106] : memref<640000xi32, #tpu.memory_space<hbm>> -> memref<10240xi32, #tpu.memory_space<hbm>>
        %dma_start3A_108 = tpu.memref_slice %arg3[%add3A_106] : memref<640000xi32, #tpu.memory_space<hbm>> -> memref<10240xi32, #tpu.memory_space<hbm>>
        tpu.enqueue_dma source(%dma_start3A_108 : memref<10240xi32, #tpu.memory_space<hbm>>) target(%arg9 : memref<10240xi32, #tpu.memory_space<vmem>>) target_semaphore(%run_scoped3A : memref<!tpu.dma_semaphore, #tpu.memory_space<semaphore_mem>>)
        %dma_wait3A_109 = tpu.memref_slice %arg3[%add3A_106] : memref<640000xi32, #tpu.memory_space<hbm>> -> memref<10240xi32, #tpu.memory_space<hbm>>
        %dma_wait3A_110 = tpu.memref_slice %arg3[%add3A_106] : memref<640000xi32, #tpu.memory_space<hbm>> -> memref<10240xi32, #tpu.memory_space<hbm>>
        tpu.wait_dma2 semaphore(%run_scoped3A : memref<!tpu.dma_semaphore, #tpu.memory_space<semaphore_mem>>) src(%dma_wait3A_110 : memref<10240xi32, #tpu.memory_space<hbm>>) dst(%arg9 : memref<10240xi32, #tpu.memory_space<vmem>>)
        tpu.yield
      }) : () -> ()
    } else {
    }
    %eq3A = arith.constant 31 : i32
    %eq3A_8 = arith.cmpi eq, %add3A, %eq3A : i32
    %convert_element_type3A_9 = arith.extui %eq3A_8 : i1 to i32
    %cond3A_10 = arith.constant 0 : i32
    %cond3A_11 = arith.cmpi ne, %convert_element_type3A_9, %cond3A_10 : i32
    scf.if %cond3A_11 {
      "tpu.region"() ({
        %run_scoped3A = tpu.sem_alloc : memref<!tpu.dma_semaphore, #tpu.memory_space<semaphore_mem>>
        %dma_start3A_105 = arith.constant 0 : i32
        %dma_start3A_106 = tpu.memref_slice %arg8[%dma_start3A_105] : memref<10240xi32, #tpu.memory_space<vmem>> -> memref<2560xi32, #tpu.memory_space<vmem>>
        %dma_start3A_107 = arith.constant 317440 : i32
        %dma_start3A_108 = tpu.memref_slice %arg3[%dma_start3A_107] : memref<640000xi32, #tpu.memory_space<hbm>> -> memref<2560xi32, #tpu.memory_space<hbm>>
        %dma_start3A_109 = arith.constant 0 : i32
        %dma_start3A_110 = tpu.memref_slice %arg8[%dma_start3A_109] : memref<10240xi32, #tpu.memory_space<vmem>> -> memref<2560xi32, #tpu.memory_space<vmem>>
        %dma_start3A_111 = arith.constant 317440 : i32
        %dma_start3A_112 = tpu.memref_slice %arg3[%dma_start3A_111] : memref<640000xi32, #tpu.memory_space<hbm>> -> memref<2560xi32, #tpu.memory_space<hbm>>
        tpu.enqueue_dma source(%dma_start3A_112 : memref<2560xi32, #tpu.memory_space<hbm>>) target(%dma_start3A_110 : memref<2560xi32, #tpu.memory_space<vmem>>) target_semaphore(%run_scoped3A : memref<!tpu.dma_semaphore, #tpu.memory_space<semaphore_mem>>)
        %dma_wait3A_113 = arith.constant 0 : i32
        %dma_wait3A_114 = tpu.memref_slice %arg8[%dma_wait3A_113] : memref<10240xi32, #tpu.memory_space<vmem>> -> memref<2560xi32, #tpu.memory_space<vmem>>
        %dma_wait3A_115 = arith.constant 317440 : i32
        %dma_wait3A_116 = tpu.memref_slice %arg3[%dma_wait3A_115] : memref<640000xi32, #tpu.memory_space<hbm>> -> memref<2560xi32, #tpu.memory_space<hbm>>
        %dma_wait3A_117 = arith.constant 0 : i32
        %dma_wait3A_118 = tpu.memref_slice %arg8[%dma_wait3A_117] : memref<10240xi32, #tpu.memory_space<vmem>> -> memref<2560xi32, #tpu.memory_space<vmem>>
        %dma_wait3A_119 = arith.constant 317440 : i32
        %dma_wait3A_120 = tpu.memref_slice %arg3[%dma_wait3A_119] : memref<640000xi32, #tpu.memory_space<hbm>> -> memref<2560xi32, #tpu.memory_space<hbm>>
        tpu.wait_dma2 semaphore(%run_scoped3A : memref<!tpu.dma_semaphore, #tpu.memory_space<semaphore_mem>>) src(%dma_wait3A_120 : memref<2560xi32, #tpu.memory_space<hbm>>) dst(%dma_wait3A_118 : memref<2560xi32, #tpu.memory_space<vmem>>)
        tpu.yield
      }) : () -> ()
      "tpu.region"() ({
        %run_scoped3A = tpu.sem_alloc : memref<!tpu.dma_semaphore, #tpu.memory_space<semaphore_mem>>
        %dma_start3A_105 = arith.constant 2560 : i32
        %dma_start3A_106 = tpu.memref_slice %arg8[%dma_start3A_105] : memref<10240xi32, #tpu.memory_space<vmem>> -> memref<7680xi32, #tpu.memory_space<vmem>>
        %dma_start3A_107 = arith.constant 2560 : i32
        %dma_start3A_108 = tpu.memref_slice %arg8[%dma_start3A_107] : memref<10240xi32, #tpu.memory_space<vmem>> -> memref<7680xi32, #tpu.memory_space<vmem>>
        tpu.enqueue_dma source(%arg4 : memref<7680xi32, #tpu.memory_space<hbm>>) target(%dma_start3A_108 : memref<7680xi32, #tpu.memory_space<vmem>>) target_semaphore(%run_scoped3A : memref<!tpu.dma_semaphore, #tpu.memory_space<semaphore_mem>>)
        %dma_wait3A_109 = arith.constant 2560 : i32
        %dma_wait3A_110 = tpu.memref_slice %arg8[%dma_wait3A_109] : memref<10240xi32, #tpu.memory_space<vmem>> -> memref<7680xi32, #tpu.memory_space<vmem>>
        %dma_wait3A_111 = arith.constant 2560 : i32
        %dma_wait3A_112 = tpu.memref_slice %arg8[%dma_wait3A_111] : memref<10240xi32, #tpu.memory_space<vmem>> -> memref<7680xi32, #tpu.memory_space<vmem>>
        tpu.wait_dma2 semaphore(%run_scoped3A : memref<!tpu.dma_semaphore, #tpu.memory_space<semaphore_mem>>) src(%arg4 : memref<7680xi32, #tpu.memory_space<hbm>>) dst(%dma_wait3A_112 : memref<7680xi32, #tpu.memory_space<vmem>>)
        tpu.yield
      }) : () -> ()
      "tpu.region"() ({
        %run_scoped3A = tpu.sem_alloc : memref<!tpu.dma_semaphore, #tpu.memory_space<semaphore_mem>>
        %dma_start3A_105 = arith.constant 0 : i32
        %dma_start3A_106 = tpu.memref_slice %arg9[%dma_start3A_105] : memref<10240xi32, #tpu.memory_space<vmem>> -> memref<2560xi32, #tpu.memory_space<vmem>>
        %dma_start3A_107 = arith.constant 637440 : i32
        %dma_start3A_108 = tpu.memref_slice %arg3[%dma_start3A_107] : memref<640000xi32, #tpu.memory_space<hbm>> -> memref<2560xi32, #tpu.memory_space<hbm>>
        %dma_start3A_109 = arith.constant 0 : i32
        %dma_start3A_110 = tpu.memref_slice %arg9[%dma_start3A_109] : memref<10240xi32, #tpu.memory_space<vmem>> -> memref<2560xi32, #tpu.memory_space<vmem>>
        %dma_start3A_111 = arith.constant 637440 : i32
        %dma_start3A_112 = tpu.memref_slice %arg3[%dma_start3A_111] : memref<640000xi32, #tpu.memory_space<hbm>> -> memref<2560xi32, #tpu.memory_space<hbm>>
        tpu.enqueue_dma source(%dma_start3A_112 : memref<2560xi32, #tpu.memory_space<hbm>>) target(%dma_start3A_110 : memref<2560xi32, #tpu.memory_space<vmem>>) target_semaphore(%run_scoped3A : memref<!tpu.dma_semaphore, #tpu.memory_space<semaphore_mem>>)
        %dma_wait3A_113 = arith.constant 0 : i32
        %dma_wait3A_114 = tpu.memref_slice %arg9[%dma_wait3A_113] : memref<10240xi32, #tpu.memory_space<vmem>> -> memref<2560xi32, #tpu.memory_space<vmem>>
        %dma_wait3A_115 = arith.constant 637440 : i32
        %dma_wait3A_116 = tpu.memref_slice %arg3[%dma_wait3A_115] : memref<640000xi32, #tpu.memory_space<hbm>> -> memref<2560xi32, #tpu.memory_space<hbm>>
        %dma_wait3A_117 = arith.constant 0 : i32
        %dma_wait3A_118 = tpu.memref_slice %arg9[%dma_wait3A_117] : memref<10240xi32, #tpu.memory_space<vmem>> -> memref<2560xi32, #tpu.memory_space<vmem>>
        %dma_wait3A_119 = arith.constant 637440 : i32
        %dma_wait3A_120 = tpu.memref_slice %arg3[%dma_wait3A_119] : memref<640000xi32, #tpu.memory_space<hbm>> -> memref<2560xi32, #tpu.memory_space<hbm>>
        tpu.wait_dma2 semaphore(%run_scoped3A : memref<!tpu.dma_semaphore, #tpu.memory_space<semaphore_mem>>) src(%dma_wait3A_120 : memref<2560xi32, #tpu.memory_space<hbm>>) dst(%dma_wait3A_118 : memref<2560xi32, #tpu.memory_space<vmem>>)
        tpu.yield
      }) : () -> ()
      "tpu.region"() ({
        %run_scoped3A = tpu.sem_alloc : memref<!tpu.dma_semaphore, #tpu.memory_space<semaphore_mem>>
        %dma_start3A_105 = arith.constant 2560 : i32
        %dma_start3A_106 = tpu.memref_slice %arg9[%dma_start3A_105] : memref<10240xi32, #tpu.memory_space<vmem>> -> memref<7680xi32, #tpu.memory_space<vmem>>
        %dma_start3A_107 = arith.constant 2560 : i32
        %dma_start3A_108 = tpu.memref_slice %arg9[%dma_start3A_107] : memref<10240xi32, #tpu.memory_space<vmem>> -> memref<7680xi32, #tpu.memory_space<vmem>>
        tpu.enqueue_dma source(%arg4 : memref<7680xi32, #tpu.memory_space<hbm>>) target(%dma_start3A_108 : memref<7680xi32, #tpu.memory_space<vmem>>) target_semaphore(%run_scoped3A : memref<!tpu.dma_semaphore, #tpu.memory_space<semaphore_mem>>)
        %dma_wait3A_109 = arith.constant 2560 : i32
        %dma_wait3A_110 = tpu.memref_slice %arg9[%dma_wait3A_109] : memref<10240xi32, #tpu.memory_space<vmem>> -> memref<7680xi32, #tpu.memory_space<vmem>>
        %dma_wait3A_111 = arith.constant 2560 : i32
        %dma_wait3A_112 = tpu.memref_slice %arg9[%dma_wait3A_111] : memref<10240xi32, #tpu.memory_space<vmem>> -> memref<7680xi32, #tpu.memory_space<vmem>>
        tpu.wait_dma2 semaphore(%run_scoped3A : memref<!tpu.dma_semaphore, #tpu.memory_space<semaphore_mem>>) src(%arg4 : memref<7680xi32, #tpu.memory_space<hbm>>) dst(%dma_wait3A_112 : memref<7680xi32, #tpu.memory_space<vmem>>)
        tpu.yield
      }) : () -> ()
    } else {
    }
    %barrier3A = arith.constant 0 : index
    tpu.barrier barrier_id(%barrier3A)
    %dma_start3A = arith.constant 0 : i32
    %dma_start3A_12 = arith.constant 0 : i32
    %dma_start3A_13 = arith.constant 0 : i32
    %dma_start3A_14 = tpu.memref_slice %arg10[%dma_start3A, %dma_start3A_12, %dma_start3A_13] : memref<8x256x32xf32, #tpu.memory_space<vmem>> -> memref<1x256x32xf32, #tpu.memory_space<vmem>>
    %dma_start3A_15 = tpu.memref_squeeze %dma_start3A_14 : memref<1x256x32xf32, #tpu.memory_space<vmem>> -> memref<256x32xf32, #tpu.memory_space<vmem>>
    %dma_start3A_16 = arith.constant 0 : i32
    %dma_start3A_17 = tpu.memref_slice %arg8[%dma_start3A_16] : memref<10240xi32, #tpu.memory_space<vmem>> -> memref<256xi32, #tpu.memory_space<vmem>>
    %dma_start3A_18 = arith.constant 0 : i32
    %dma_start3A_19 = arith.constant 0 : i32
    %dma_start3A_20 = tpu.memref_slice %arg2[%dma_start3A_18, %dma_start3A_19] : memref<10240x32xf32, #tpu.memory_space<hbm>> -> memref<10240x32xf32, #tpu.memory_space<hbm>>
    tpu.enqueue_indirect_dma source(%dma_start3A_20 : memref<10240x32xf32, #tpu.memory_space<hbm>>) target(%dma_start3A_15 : memref<256x32xf32, #tpu.memory_space<vmem>>) offsets(%dma_start3A_17 : memref<256xi32, #tpu.memory_space<vmem>>) semaphore(%arg12 : memref<!tpu.dma_semaphore, #tpu.memory_space<semaphore_mem>>)
    %dma_start3A_21 = arith.constant 1 : i32
    %dma_start3A_22 = arith.constant 0 : i32
    %dma_start3A_23 = arith.constant 0 : i32
    %dma_start3A_24 = tpu.memref_slice %arg10[%dma_start3A_21, %dma_start3A_22, %dma_start3A_23] : memref<8x256x32xf32, #tpu.memory_space<vmem>> -> memref<1x256x32xf32, #tpu.memory_space<vmem>>
    %dma_start3A_25 = tpu.memref_squeeze %dma_start3A_24 : memref<1x256x32xf32, #tpu.memory_space<vmem>> -> memref<256x32xf32, #tpu.memory_space<vmem>>
    %dma_start3A_26 = arith.constant 256 : i32
    %dma_start3A_27 = tpu.memref_slice %arg8[%dma_start3A_26] : memref<10240xi32, #tpu.memory_space<vmem>> -> memref<256xi32, #tpu.memory_space<vmem>>
    %dma_start3A_28 = arith.constant 0 : i32
    %dma_start3A_29 = arith.constant 0 : i32
    %dma_start3A_30 = tpu.memref_slice %arg2[%dma_start3A_28, %dma_start3A_29] : memref<10240x32xf32, #tpu.memory_space<hbm>> -> memref<10240x32xf32, #tpu.memory_space<hbm>>
    tpu.enqueue_indirect_dma source(%dma_start3A_30 : memref<10240x32xf32, #tpu.memory_space<hbm>>) target(%dma_start3A_25 : memref<256x32xf32, #tpu.memory_space<vmem>>) offsets(%dma_start3A_27 : memref<256xi32, #tpu.memory_space<vmem>>) semaphore(%arg13 : memref<!tpu.dma_semaphore, #tpu.memory_space<semaphore_mem>>)
    %dma_start3A_31 = arith.constant 2 : i32
    %dma_start3A_32 = arith.constant 0 : i32
    %dma_start3A_33 = arith.constant 0 : i32
    %dma_start3A_34 = tpu.memref_slice %arg10[%dma_start3A_31, %dma_start3A_32, %dma_start3A_33] : memref<8x256x32xf32, #tpu.memory_space<vmem>> -> memref<1x256x32xf32, #tpu.memory_space<vmem>>
    %dma_start3A_35 = tpu.memref_squeeze %dma_start3A_34 : memref<1x256x32xf32, #tpu.memory_space<vmem>> -> memref<256x32xf32, #tpu.memory_space<vmem>>
    %dma_start3A_36 = arith.constant 512 : i32
    %dma_start3A_37 = tpu.memref_slice %arg8[%dma_start3A_36] : memref<10240xi32, #tpu.memory_space<vmem>> -> memref<256xi32, #tpu.memory_space<vmem>>
    %dma_start3A_38 = arith.constant 0 : i32
    %dma_start3A_39 = arith.constant 0 : i32
    %dma_start3A_40 = tpu.memref_slice %arg2[%dma_start3A_38, %dma_start3A_39] : memref<10240x32xf32, #tpu.memory_space<hbm>> -> memref<10240x32xf32, #tpu.memory_space<hbm>>
    tpu.enqueue_indirect_dma source(%dma_start3A_40 : memref<10240x32xf32, #tpu.memory_space<hbm>>) target(%dma_start3A_35 : memref<256x32xf32, #tpu.memory_space<vmem>>) offsets(%dma_start3A_37 : memref<256xi32, #tpu.memory_space<vmem>>) semaphore(%arg14 : memref<!tpu.dma_semaphore, #tpu.memory_space<semaphore_mem>>)
    %dma_start3A_41 = arith.constant 3 : i32
    %dma_start3A_42 = arith.constant 0 : i32
    %dma_start3A_43 = arith.constant 0 : i32
    %dma_start3A_44 = tpu.memref_slice %arg10[%dma_start3A_41, %dma_start3A_42, %dma_start3A_43] : memref<8x256x32xf32, #tpu.memory_space<vmem>> -> memref<1x256x32xf32, #tpu.memory_space<vmem>>
    %dma_start3A_45 = tpu.memref_squeeze %dma_start3A_44 : memref<1x256x32xf32, #tpu.memory_space<vmem>> -> memref<256x32xf32, #tpu.memory_space<vmem>>
    %dma_start3A_46 = arith.constant 768 : i32
    %dma_start3A_47 = tpu.memref_slice %arg8[%dma_start3A_46] : memref<10240xi32, #tpu.memory_space<vmem>> -> memref<256xi32, #tpu.memory_space<vmem>>
    %dma_start3A_48 = arith.constant 0 : i32
    %dma_start3A_49 = arith.constant 0 : i32
    %dma_start3A_50 = tpu.memref_slice %arg2[%dma_start3A_48, %dma_start3A_49] : memref<10240x32xf32, #tpu.memory_space<hbm>> -> memref<10240x32xf32, #tpu.memory_space<hbm>>
    tpu.enqueue_indirect_dma source(%dma_start3A_50 : memref<10240x32xf32, #tpu.memory_space<hbm>>) target(%dma_start3A_45 : memref<256x32xf32, #tpu.memory_space<vmem>>) offsets(%dma_start3A_47 : memref<256xi32, #tpu.memory_space<vmem>>) semaphore(%arg15 : memref<!tpu.dma_semaphore, #tpu.memory_space<semaphore_mem>>)
    %scan3A = arith.constant 0 : i32
    %scan3A_51 = arith.constant 5 : i32
    %scan3A_52 = arith.addi %scan3A, %scan3A_51 : i32
    %scan3A_53 = arith.constant 1 : i32
    scf.for %scan3A_105 = %scan3A to %scan3A_52 step %scan3A_53  : i32 {
      %mul3A_106 = arith.constant 8 : i32
      %mul3A_107 = arith.muli %mul3A_106, %scan3A_105 : i32
      %dma_wait3A_108 = arith.constant 0 : i32
      %dma_wait3A_109 = arith.constant 0 : i32
      %dma_wait3A_110 = arith.constant 0 : i32
      %dma_wait3A_111 = tpu.memref_slice %arg10[%dma_wait3A_108, %dma_wait3A_109, %dma_wait3A_110] : memref<8x256x32xf32, #tpu.memory_space<vmem>> -> memref<1x256x32xf32, #tpu.memory_space<vmem>>
      %dma_wait3A_112 = tpu.memref_squeeze %dma_wait3A_111 : memref<1x256x32xf32, #tpu.memory_space<vmem>> -> memref<256x32xf32, #tpu.memory_space<vmem>>
      %dma_wait3A_113 = arith.constant 0 : i32
      %dma_wait3A_114 = tpu.memref_slice %arg8[%dma_wait3A_113] : memref<10240xi32, #tpu.memory_space<vmem>> -> memref<256xi32, #tpu.memory_space<vmem>>
      %dma_wait3A_115 = arith.constant 0 : i32
      %dma_wait3A_116 = arith.constant 0 : i32
      %dma_wait3A_117 = tpu.memref_slice %arg2[%dma_wait3A_115, %dma_wait3A_116] : memref<10240x32xf32, #tpu.memory_space<hbm>> -> memref<10240x32xf32, #tpu.memory_space<hbm>>
      tpu.wait_indirect_dma semaphore(%arg12 : memref<!tpu.dma_semaphore, #tpu.memory_space<semaphore_mem>>) src(%dma_wait3A_117 : memref<10240x32xf32, #tpu.memory_space<hbm>>) dst(%dma_wait3A_112 : memref<256x32xf32, #tpu.memory_space<vmem>>)
      %add3A_118 = arith.constant 0 : i32
      %add3A_119 = arith.addi %mul3A_107, %add3A_118 : i32
      %mul3A_120 = arith.constant 256 : i32
      %mul3A_121 = arith.muli %add3A_119, %mul3A_120 : i32
      %dma_start3A_122 = arith.constant 0 : i32
      %dma_start3A_123 = arith.constant 0 : i32
      %dma_start3A_124 = arith.constant 0 : i32
      %dma_start3A_125 = tpu.memref_slice %arg10[%dma_start3A_122, %dma_start3A_123, %dma_start3A_124] : memref<8x256x32xf32, #tpu.memory_space<vmem>> -> memref<1x256x32xf32, #tpu.memory_space<vmem>>
      %dma_start3A_126 = tpu.memref_squeeze %dma_start3A_125 : memref<1x256x32xf32, #tpu.memory_space<vmem>> -> memref<256x32xf32, #tpu.memory_space<vmem>>
      %dma_start3A_127 = tpu.memref_slice %arg9[%mul3A_121] : memref<10240xi32, #tpu.memory_space<vmem>> -> memref<256xi32, #tpu.memory_space<vmem>>
      %dma_start3A_128 = arith.constant 0 : i32
      %dma_start3A_129 = arith.constant 0 : i32
      %dma_start3A_130 = tpu.memref_slice %arg11[%dma_start3A_128, %dma_start3A_129] : memref<10240x32xf32, #tpu.memory_space<vmem_shared>> -> memref<10240x32xf32, #tpu.memory_space<vmem_shared>>
      tpu.enqueue_indirect_dma source(%dma_start3A_126 : memref<256x32xf32, #tpu.memory_space<vmem>>) target(%dma_start3A_130 : memref<10240x32xf32, #tpu.memory_space<vmem_shared>>) offsets(%dma_start3A_127 : memref<256xi32, #tpu.memory_space<vmem>>) semaphore(%arg20 : memref<!tpu.dma_semaphore, #tpu.memory_space<semaphore_mem>>) {add = true}
      %gt3A = arith.constant 0 : i32
      %gt3A_131 = arith.cmpi sgt, %scan3A_105, %gt3A : i32
      %convert_element_type3A_132 = arith.extui %gt3A_131 : i1 to i32
      %cond3A_133 = arith.constant 0 : i32
      %cond3A_134 = arith.cmpi ne, %convert_element_type3A_132, %cond3A_133 : i32
      scf.if %cond3A_134 {
        %dma_wait3A_431 = arith.constant 4 : i32
        %dma_wait3A_432 = arith.constant 0 : i32
        %dma_wait3A_433 = arith.constant 0 : i32
        %dma_wait3A_434 = tpu.memref_slice %arg10[%dma_wait3A_431, %dma_wait3A_432, %dma_wait3A_433] : memref<8x256x32xf32, #tpu.memory_space<vmem>> -> memref<1x256x32xf32, #tpu.memory_space<vmem>>
        %dma_wait3A_435 = tpu.memref_squeeze %dma_wait3A_434 : memref<1x256x32xf32, #tpu.memory_space<vmem>> -> memref<256x32xf32, #tpu.memory_space<vmem>>
        %dma_wait3A_436 = arith.constant 0 : i32
        %dma_wait3A_437 = tpu.memref_slice %arg9[%dma_wait3A_436] : memref<10240xi32, #tpu.memory_space<vmem>> -> memref<256xi32, #tpu.memory_space<vmem>>
        %dma_wait3A_438 = arith.constant 0 : i32
        %dma_wait3A_439 = arith.constant 0 : i32
        %dma_wait3A_440 = tpu.memref_slice %arg11[%dma_wait3A_438, %dma_wait3A_439] : memref<10240x32xf32, #tpu.memory_space<vmem_shared>> -> memref<10240x32xf32, #tpu.memory_space<vmem_shared>>
        tpu.wait_indirect_dma semaphore(%arg24 : memref<!tpu.dma_semaphore, #tpu.memory_space<semaphore_mem>>) src(%dma_wait3A_435 : memref<256x32xf32, #tpu.memory_space<vmem>>) dst(%dma_wait3A_440 : memref<10240x32xf32, #tpu.memory_space<vmem_shared>>)
      } else {
      }
      %add3A_135 = arith.constant 0 : i32
      %add3A_136 = arith.addi %mul3A_107, %add3A_135 : i32
      %add3A_137 = arith.constant 4 : i32
      %add3A_138 = arith.addi %add3A_136, %add3A_137 : i32
      %mul3A_139 = arith.constant 256 : i32
      %mul3A_140 = arith.muli %add3A_138, %mul3A_139 : i32
      %dma_start3A_141 = arith.constant 4 : i32
      %dma_start3A_142 = arith.constant 0 : i32
      %dma_start3A_143 = arith.constant 0 : i32
      %dma_start3A_144 = tpu.memref_slice %arg10[%dma_start3A_141, %dma_start3A_142, %dma_start3A_143] : memref<8x256x32xf32, #tpu.memory_space<vmem>> -> memref<1x256x32xf32, #tpu.memory_space<vmem>>
      %dma_start3A_145 = tpu.memref_squeeze %dma_start3A_144 : memref<1x256x32xf32, #tpu.memory_space<vmem>> -> memref<256x32xf32, #tpu.memory_space<vmem>>
      %dma_start3A_146 = tpu.memref_slice %arg8[%mul3A_140] : memref<10240xi32, #tpu.memory_space<vmem>> -> memref<256xi32, #tpu.memory_space<vmem>>
      %dma_start3A_147 = arith.constant 0 : i32
      %dma_start3A_148 = arith.constant 0 : i32
      %dma_start3A_149 = tpu.memref_slice %arg2[%dma_start3A_147, %dma_start3A_148] : memref<10240x32xf32, #tpu.memory_space<hbm>> -> memref<10240x32xf32, #tpu.memory_space<hbm>>
      tpu.enqueue_indirect_dma source(%dma_start3A_149 : memref<10240x32xf32, #tpu.memory_space<hbm>>) target(%dma_start3A_145 : memref<256x32xf32, #tpu.memory_space<vmem>>) offsets(%dma_start3A_146 : memref<256xi32, #tpu.memory_space<vmem>>) semaphore(%arg16 : memref<!tpu.dma_semaphore, #tpu.memory_space<semaphore_mem>>)
      %dma_wait3A_150 = arith.constant 1 : i32
      %dma_wait3A_151 = arith.constant 0 : i32
      %dma_wait3A_152 = arith.constant 0 : i32
      %dma_wait3A_153 = tpu.memref_slice %arg10[%dma_wait3A_150, %dma_wait3A_151, %dma_wait3A_152] : memref<8x256x32xf32, #tpu.memory_space<vmem>> -> memref<1x256x32xf32, #tpu.memory_space<vmem>>
      %dma_wait3A_154 = tpu.memref_squeeze %dma_wait3A_153 : memref<1x256x32xf32, #tpu.memory_space<vmem>> -> memref<256x32xf32, #tpu.memory_space<vmem>>
      %dma_wait3A_155 = arith.constant 0 : i32
      %dma_wait3A_156 = tpu.memref_slice %arg8[%dma_wait3A_155] : memref<10240xi32, #tpu.memory_space<vmem>> -> memref<256xi32, #tpu.memory_space<vmem>>
      %dma_wait3A_157 = arith.constant 0 : i32
      %dma_wait3A_158 = arith.constant 0 : i32
      %dma_wait3A_159 = tpu.memref_slice %arg2[%dma_wait3A_157, %dma_wait3A_158] : memref<10240x32xf32, #tpu.memory_space<hbm>> -> memref<10240x32xf32, #tpu.memory_space<hbm>>
      tpu.wait_indirect_dma semaphore(%arg13 : memref<!tpu.dma_semaphore, #tpu.memory_space<semaphore_mem>>) src(%dma_wait3A_159 : memref<10240x32xf32, #tpu.memory_space<hbm>>) dst(%dma_wait3A_154 : memref<256x32xf32, #tpu.memory_space<vmem>>)
      %add3A_160 = arith.constant 1 : i32
      %add3A_161 = arith.addi %mul3A_107, %add3A_160 : i32
      %mul3A_162 = arith.constant 256 : i32
      %mul3A_163 = arith.muli %add3A_161, %mul3A_162 : i32
      %dma_start3A_164 = arith.constant 1 : i32
      %dma_start3A_165 = arith.constant 0 : i32
      %dma_start3A_166 = arith.constant 0 : i32
      %dma_start3A_167 = tpu.memref_slice %arg10[%dma_start3A_164, %dma_start3A_165, %dma_start3A_166] : memref<8x256x32xf32, #tpu.memory_space<vmem>> -> memref<1x256x32xf32, #tpu.memory_space<vmem>>
      %dma_start3A_168 = tpu.memref_squeeze %dma_start3A_167 : memref<1x256x32xf32, #tpu.memory_space<vmem>> -> memref<256x32xf32, #tpu.memory_space<vmem>>
      %dma_start3A_169 = tpu.memref_slice %arg9[%mul3A_163] : memref<10240xi32, #tpu.memory_space<vmem>> -> memref<256xi32, #tpu.memory_space<vmem>>
      %dma_start3A_170 = arith.constant 0 : i32
      %dma_start3A_171 = arith.constant 0 : i32
      %dma_start3A_172 = tpu.memref_slice %arg11[%dma_start3A_170, %dma_start3A_171] : memref<10240x32xf32, #tpu.memory_space<vmem_shared>> -> memref<10240x32xf32, #tpu.memory_space<vmem_shared>>
      tpu.enqueue_indirect_dma source(%dma_start3A_168 : memref<256x32xf32, #tpu.memory_space<vmem>>) target(%dma_start3A_172 : memref<10240x32xf32, #tpu.memory_space<vmem_shared>>) offsets(%dma_start3A_169 : memref<256xi32, #tpu.memory_space<vmem>>) semaphore(%arg21 : memref<!tpu.dma_semaphore, #tpu.memory_space<semaphore_mem>>) {add = true}
      %gt3A_173 = arith.constant 0 : i32
      %gt3A_174 = arith.cmpi sgt, %scan3A_105, %gt3A_173 : i32
      %convert_element_type3A_175 = arith.extui %gt3A_174 : i1 to i32
      %cond3A_176 = arith.constant 0 : i32
      %cond3A_177 = arith.cmpi ne, %convert_element_type3A_175, %cond3A_176 : i32
      scf.if %cond3A_177 {
        %dma_wait3A_431 = arith.constant 5 : i32
        %dma_wait3A_432 = arith.constant 0 : i32
        %dma_wait3A_433 = arith.constant 0 : i32
        %dma_wait3A_434 = tpu.memref_slice %arg10[%dma_wait3A_431, %dma_wait3A_432, %dma_wait3A_433] : memref<8x256x32xf32, #tpu.memory_space<vmem>> -> memref<1x256x32xf32, #tpu.memory_space<vmem>>
        %dma_wait3A_435 = tpu.memref_squeeze %dma_wait3A_434 : memref<1x256x32xf32, #tpu.memory_space<vmem>> -> memref<256x32xf32, #tpu.memory_space<vmem>>
        %dma_wait3A_436 = arith.constant 0 : i32
        %dma_wait3A_437 = tpu.memref_slice %arg9[%dma_wait3A_436] : memref<10240xi32, #tpu.memory_space<vmem>> -> memref<256xi32, #tpu.memory_space<vmem>>
        %dma_wait3A_438 = arith.constant 0 : i32
        %dma_wait3A_439 = arith.constant 0 : i32
        %dma_wait3A_440 = tpu.memref_slice %arg11[%dma_wait3A_438, %dma_wait3A_439] : memref<10240x32xf32, #tpu.memory_space<vmem_shared>> -> memref<10240x32xf32, #tpu.memory_space<vmem_shared>>
        tpu.wait_indirect_dma semaphore(%arg25 : memref<!tpu.dma_semaphore, #tpu.memory_space<semaphore_mem>>) src(%dma_wait3A_435 : memref<256x32xf32, #tpu.memory_space<vmem>>) dst(%dma_wait3A_440 : memref<10240x32xf32, #tpu.memory_space<vmem_shared>>)
      } else {
      }
      %add3A_178 = arith.constant 1 : i32
      %add3A_179 = arith.addi %mul3A_107, %add3A_178 : i32
      %add3A_180 = arith.constant 4 : i32
      %add3A_181 = arith.addi %add3A_179, %add3A_180 : i32
      %mul3A_182 = arith.constant 256 : i32
      %mul3A_183 = arith.muli %add3A_181, %mul3A_182 : i32
      %dma_start3A_184 = arith.constant 5 : i32
      %dma_start3A_185 = arith.constant 0 : i32
      %dma_start3A_186 = arith.constant 0 : i32
      %dma_start3A_187 = tpu.memref_slice %arg10[%dma_start3A_184, %dma_start3A_185, %dma_start3A_186] : memref<8x256x32xf32, #tpu.memory_space<vmem>> -> memref<1x256x32xf32, #tpu.memory_space<vmem>>
      %dma_start3A_188 = tpu.memref_squeeze %dma_start3A_187 : memref<1x256x32xf32, #tpu.memory_space<vmem>> -> memref<256x32xf32, #tpu.memory_space<vmem>>
      %dma_start3A_189 = tpu.memref_slice %arg8[%mul3A_183] : memref<10240xi32, #tpu.memory_space<vmem>> -> memref<256xi32, #tpu.memory_space<vmem>>
      %dma_start3A_190 = arith.constant 0 : i32
      %dma_start3A_191 = arith.constant 0 : i32
      %dma_start3A_192 = tpu.memref_slice %arg2[%dma_start3A_190, %dma_start3A_191] : memref<10240x32xf32, #tpu.memory_space<hbm>> -> memref<10240x32xf32, #tpu.memory_space<hbm>>
      tpu.enqueue_indirect_dma source(%dma_start3A_192 : memref<10240x32xf32, #tpu.memory_space<hbm>>) target(%dma_start3A_188 : memref<256x32xf32, #tpu.memory_space<vmem>>) offsets(%dma_start3A_189 : memref<256xi32, #tpu.memory_space<vmem>>) semaphore(%arg17 : memref<!tpu.dma_semaphore, #tpu.memory_space<semaphore_mem>>)
      %dma_wait3A_193 = arith.constant 2 : i32
      %dma_wait3A_194 = arith.constant 0 : i32
      %dma_wait3A_195 = arith.constant 0 : i32
      %dma_wait3A_196 = tpu.memref_slice %arg10[%dma_wait3A_193, %dma_wait3A_194, %dma_wait3A_195] : memref<8x256x32xf32, #tpu.memory_space<vmem>> -> memref<1x256x32xf32, #tpu.memory_space<vmem>>
      %dma_wait3A_197 = tpu.memref_squeeze %dma_wait3A_196 : memref<1x256x32xf32, #tpu.memory_space<vmem>> -> memref<256x32xf32, #tpu.memory_space<vmem>>
      %dma_wait3A_198 = arith.constant 0 : i32
      %dma_wait3A_199 = tpu.memref_slice %arg8[%dma_wait3A_198] : memref<10240xi32, #tpu.memory_space<vmem>> -> memref<256xi32, #tpu.memory_space<vmem>>
      %dma_wait3A_200 = arith.constant 0 : i32
      %dma_wait3A_201 = arith.constant 0 : i32
      %dma_wait3A_202 = tpu.memref_slice %arg2[%dma_wait3A_200, %dma_wait3A_201] : memref<10240x32xf32, #tpu.memory_space<hbm>> -> memref<10240x32xf32, #tpu.memory_space<hbm>>
      tpu.wait_indirect_dma semaphore(%arg14 : memref<!tpu.dma_semaphore, #tpu.memory_space<semaphore_mem>>) src(%dma_wait3A_202 : memref<10240x32xf32, #tpu.memory_space<hbm>>) dst(%dma_wait3A_197 : memref<256x32xf32, #tpu.memory_space<vmem>>)
      %add3A_203 = arith.constant 2 : i32
      %add3A_204 = arith.addi %mul3A_107, %add3A_203 : i32
      %mul3A_205 = arith.constant 256 : i32
      %mul3A_206 = arith.muli %add3A_204, %mul3A_205 : i32
      %dma_start3A_207 = arith.constant 2 : i32
      %dma_start3A_208 = arith.constant 0 : i32
      %dma_start3A_209 = arith.constant 0 : i32
      %dma_start3A_210 = tpu.memref_slice %arg10[%dma_start3A_207, %dma_start3A_208, %dma_start3A_209] : memref<8x256x32xf32, #tpu.memory_space<vmem>> -> memref<1x256x32xf32, #tpu.memory_space<vmem>>
      %dma_start3A_211 = tpu.memref_squeeze %dma_start3A_210 : memref<1x256x32xf32, #tpu.memory_space<vmem>> -> memref<256x32xf32, #tpu.memory_space<vmem>>
      %dma_start3A_212 = tpu.memref_slice %arg9[%mul3A_206] : memref<10240xi32, #tpu.memory_space<vmem>> -> memref<256xi32, #tpu.memory_space<vmem>>
      %dma_start3A_213 = arith.constant 0 : i32
      %dma_start3A_214 = arith.constant 0 : i32
      %dma_start3A_215 = tpu.memref_slice %arg11[%dma_start3A_213, %dma_start3A_214] : memref<10240x32xf32, #tpu.memory_space<vmem_shared>> -> memref<10240x32xf32, #tpu.memory_space<vmem_shared>>
      tpu.enqueue_indirect_dma source(%dma_start3A_211 : memref<256x32xf32, #tpu.memory_space<vmem>>) target(%dma_start3A_215 : memref<10240x32xf32, #tpu.memory_space<vmem_shared>>) offsets(%dma_start3A_212 : memref<256xi32, #tpu.memory_space<vmem>>) semaphore(%arg22 : memref<!tpu.dma_semaphore, #tpu.memory_space<semaphore_mem>>) {add = true}
      %gt3A_216 = arith.constant 0 : i32
      %gt3A_217 = arith.cmpi sgt, %scan3A_105, %gt3A_216 : i32
      %convert_element_type3A_218 = arith.extui %gt3A_217 : i1 to i32
      %cond3A_219 = arith.constant 0 : i32
      %cond3A_220 = arith.cmpi ne, %convert_element_type3A_218, %cond3A_219 : i32
      scf.if %cond3A_220 {
        %dma_wait3A_431 = arith.constant 6 : i32
        %dma_wait3A_432 = arith.constant 0 : i32
        %dma_wait3A_433 = arith.constant 0 : i32
        %dma_wait3A_434 = tpu.memref_slice %arg10[%dma_wait3A_431, %dma_wait3A_432, %dma_wait3A_433] : memref<8x256x32xf32, #tpu.memory_space<vmem>> -> memref<1x256x32xf32, #tpu.memory_space<vmem>>
        %dma_wait3A_435 = tpu.memref_squeeze %dma_wait3A_434 : memref<1x256x32xf32, #tpu.memory_space<vmem>> -> memref<256x32xf32, #tpu.memory_space<vmem>>
        %dma_wait3A_436 = arith.constant 0 : i32
        %dma_wait3A_437 = tpu.memref_slice %arg9[%dma_wait3A_436] : memref<10240xi32, #tpu.memory_space<vmem>> -> memref<256xi32, #tpu.memory_space<vmem>>
        %dma_wait3A_438 = arith.constant 0 : i32
        %dma_wait3A_439 = arith.constant 0 : i32
        %dma_wait3A_440 = tpu.memref_slice %arg11[%dma_wait3A_438, %dma_wait3A_439] : memref<10240x32xf32, #tpu.memory_space<vmem_shared>> -> memref<10240x32xf32, #tpu.memory_space<vmem_shared>>
        tpu.wait_indirect_dma semaphore(%arg26 : memref<!tpu.dma_semaphore, #tpu.memory_space<semaphore_mem>>) src(%dma_wait3A_435 : memref<256x32xf32, #tpu.memory_space<vmem>>) dst(%dma_wait3A_440 : memref<10240x32xf32, #tpu.memory_space<vmem_shared>>)
      } else {
      }
      %add3A_221 = arith.constant 2 : i32
      %add3A_222 = arith.addi %mul3A_107, %add3A_221 : i32
      %add3A_223 = arith.constant 4 : i32
      %add3A_224 = arith.addi %add3A_222, %add3A_223 : i32
      %mul3A_225 = arith.constant 256 : i32
      %mul3A_226 = arith.muli %add3A_224, %mul3A_225 : i32
      %dma_start3A_227 = arith.constant 6 : i32
      %dma_start3A_228 = arith.constant 0 : i32
      %dma_start3A_229 = arith.constant 0 : i32
      %dma_start3A_230 = tpu.memref_slice %arg10[%dma_start3A_227, %dma_start3A_228, %dma_start3A_229] : memref<8x256x32xf32, #tpu.memory_space<vmem>> -> memref<1x256x32xf32, #tpu.memory_space<vmem>>
      %dma_start3A_231 = tpu.memref_squeeze %dma_start3A_230 : memref<1x256x32xf32, #tpu.memory_space<vmem>> -> memref<256x32xf32, #tpu.memory_space<vmem>>
      %dma_start3A_232 = tpu.memref_slice %arg8[%mul3A_226] : memref<10240xi32, #tpu.memory_space<vmem>> -> memref<256xi32, #tpu.memory_space<vmem>>
      %dma_start3A_233 = arith.constant 0 : i32
      %dma_start3A_234 = arith.constant 0 : i32
      %dma_start3A_235 = tpu.memref_slice %arg2[%dma_start3A_233, %dma_start3A_234] : memref<10240x32xf32, #tpu.memory_space<hbm>> -> memref<10240x32xf32, #tpu.memory_space<hbm>>
      tpu.enqueue_indirect_dma source(%dma_start3A_235 : memref<10240x32xf32, #tpu.memory_space<hbm>>) target(%dma_start3A_231 : memref<256x32xf32, #tpu.memory_space<vmem>>) offsets(%dma_start3A_232 : memref<256xi32, #tpu.memory_space<vmem>>) semaphore(%arg18 : memref<!tpu.dma_semaphore, #tpu.memory_space<semaphore_mem>>)
      %dma_wait3A_236 = arith.constant 3 : i32
      %dma_wait3A_237 = arith.constant 0 : i32
      %dma_wait3A_238 = arith.constant 0 : i32
      %dma_wait3A_239 = tpu.memref_slice %arg10[%dma_wait3A_236, %dma_wait3A_237, %dma_wait3A_238] : memref<8x256x32xf32, #tpu.memory_space<vmem>> -> memref<1x256x32xf32, #tpu.memory_space<vmem>>
      %dma_wait3A_240 = tpu.memref_squeeze %dma_wait3A_239 : memref<1x256x32xf32, #tpu.memory_space<vmem>> -> memref<256x32xf32, #tpu.memory_space<vmem>>
      %dma_wait3A_241 = arith.constant 0 : i32
      %dma_wait3A_242 = tpu.memref_slice %arg8[%dma_wait3A_241] : memref<10240xi32, #tpu.memory_space<vmem>> -> memref<256xi32, #tpu.memory_space<vmem>>
      %dma_wait3A_243 = arith.constant 0 : i32
      %dma_wait3A_244 = arith.constant 0 : i32
      %dma_wait3A_245 = tpu.memref_slice %arg2[%dma_wait3A_243, %dma_wait3A_244] : memref<10240x32xf32, #tpu.memory_space<hbm>> -> memref<10240x32xf32, #tpu.memory_space<hbm>>
      tpu.wait_indirect_dma semaphore(%arg15 : memref<!tpu.dma_semaphore, #tpu.memory_space<semaphore_mem>>) src(%dma_wait3A_245 : memref<10240x32xf32, #tpu.memory_space<hbm>>) dst(%dma_wait3A_240 : memref<256x32xf32, #tpu.memory_space<vmem>>)
      %add3A_246 = arith.constant 3 : i32
      %add3A_247 = arith.addi %mul3A_107, %add3A_246 : i32
      %mul3A_248 = arith.constant 256 : i32
      %mul3A_249 = arith.muli %add3A_247, %mul3A_248 : i32
      %dma_start3A_250 = arith.constant 3 : i32
      %dma_start3A_251 = arith.constant 0 : i32
      %dma_start3A_252 = arith.constant 0 : i32
      %dma_start3A_253 = tpu.memref_slice %arg10[%dma_start3A_250, %dma_start3A_251, %dma_start3A_252] : memref<8x256x32xf32, #tpu.memory_space<vmem>> -> memref<1x256x32xf32, #tpu.memory_space<vmem>>
      %dma_start3A_254 = tpu.memref_squeeze %dma_start3A_253 : memref<1x256x32xf32, #tpu.memory_space<vmem>> -> memref<256x32xf32, #tpu.memory_space<vmem>>
      %dma_start3A_255 = tpu.memref_slice %arg9[%mul3A_249] : memref<10240xi32, #tpu.memory_space<vmem>> -> memref<256xi32, #tpu.memory_space<vmem>>
      %dma_start3A_256 = arith.constant 0 : i32
      %dma_start3A_257 = arith.constant 0 : i32
      %dma_start3A_258 = tpu.memref_slice %arg11[%dma_start3A_256, %dma_start3A_257] : memref<10240x32xf32, #tpu.memory_space<vmem_shared>> -> memref<10240x32xf32, #tpu.memory_space<vmem_shared>>
      tpu.enqueue_indirect_dma source(%dma_start3A_254 : memref<256x32xf32, #tpu.memory_space<vmem>>) target(%dma_start3A_258 : memref<10240x32xf32, #tpu.memory_space<vmem_shared>>) offsets(%dma_start3A_255 : memref<256xi32, #tpu.memory_space<vmem>>) semaphore(%arg23 : memref<!tpu.dma_semaphore, #tpu.memory_space<semaphore_mem>>) {add = true}
      %gt3A_259 = arith.constant 0 : i32
      %gt3A_260 = arith.cmpi sgt, %scan3A_105, %gt3A_259 : i32
      %convert_element_type3A_261 = arith.extui %gt3A_260 : i1 to i32
      %cond3A_262 = arith.constant 0 : i32
      %cond3A_263 = arith.cmpi ne, %convert_element_type3A_261, %cond3A_262 : i32
      scf.if %cond3A_263 {
        %dma_wait3A_431 = arith.constant 7 : i32
        %dma_wait3A_432 = arith.constant 0 : i32
        %dma_wait3A_433 = arith.constant 0 : i32
        %dma_wait3A_434 = tpu.memref_slice %arg10[%dma_wait3A_431, %dma_wait3A_432, %dma_wait3A_433] : memref<8x256x32xf32, #tpu.memory_space<vmem>> -> memref<1x256x32xf32, #tpu.memory_space<vmem>>
        %dma_wait3A_435 = tpu.memref_squeeze %dma_wait3A_434 : memref<1x256x32xf32, #tpu.memory_space<vmem>> -> memref<256x32xf32, #tpu.memory_space<vmem>>
        %dma_wait3A_436 = arith.constant 0 : i32
        %dma_wait3A_437 = tpu.memref_slice %arg9[%dma_wait3A_436] : memref<10240xi32, #tpu.memory_space<vmem>> -> memref<256xi32, #tpu.memory_space<vmem>>
        %dma_wait3A_438 = arith.constant 0 : i32
        %dma_wait3A_439 = arith.constant 0 : i32
        %dma_wait3A_440 = tpu.memref_slice %arg11[%dma_wait3A_438, %dma_wait3A_439] : memref<10240x32xf32, #tpu.memory_space<vmem_shared>> -> memref<10240x32xf32, #tpu.memory_space<vmem_shared>>
        tpu.wait_indirect_dma semaphore(%arg27 : memref<!tpu.dma_semaphore, #tpu.memory_space<semaphore_mem>>) src(%dma_wait3A_435 : memref<256x32xf32, #tpu.memory_space<vmem>>) dst(%dma_wait3A_440 : memref<10240x32xf32, #tpu.memory_space<vmem_shared>>)
      } else {
      }
      %add3A_264 = arith.constant 3 : i32
      %add3A_265 = arith.addi %mul3A_107, %add3A_264 : i32
      %add3A_266 = arith.constant 4 : i32
      %add3A_267 = arith.addi %add3A_265, %add3A_266 : i32
      %mul3A_268 = arith.constant 256 : i32
      %mul3A_269 = arith.muli %add3A_267, %mul3A_268 : i32
      %dma_start3A_270 = arith.constant 7 : i32
      %dma_start3A_271 = arith.constant 0 : i32
      %dma_start3A_272 = arith.constant 0 : i32
      %dma_start3A_273 = tpu.memref_slice %arg10[%dma_start3A_270, %dma_start3A_271, %dma_start3A_272] : memref<8x256x32xf32, #tpu.memory_space<vmem>> -> memref<1x256x32xf32, #tpu.memory_space<vmem>>
      %dma_start3A_274 = tpu.memref_squeeze %dma_start3A_273 : memref<1x256x32xf32, #tpu.memory_space<vmem>> -> memref<256x32xf32, #tpu.memory_space<vmem>>
      %dma_start3A_275 = tpu.memref_slice %arg8[%mul3A_269] : memref<10240xi32, #tpu.memory_space<vmem>> -> memref<256xi32, #tpu.memory_space<vmem>>
      %dma_start3A_276 = arith.constant 0 : i32
      %dma_start3A_277 = arith.constant 0 : i32
      %dma_start3A_278 = tpu.memref_slice %arg2[%dma_start3A_276, %dma_start3A_277] : memref<10240x32xf32, #tpu.memory_space<hbm>> -> memref<10240x32xf32, #tpu.memory_space<hbm>>
      tpu.enqueue_indirect_dma source(%dma_start3A_278 : memref<10240x32xf32, #tpu.memory_space<hbm>>) target(%dma_start3A_274 : memref<256x32xf32, #tpu.memory_space<vmem>>) offsets(%dma_start3A_275 : memref<256xi32, #tpu.memory_space<vmem>>) semaphore(%arg19 : memref<!tpu.dma_semaphore, #tpu.memory_space<semaphore_mem>>)
      %dma_wait3A_279 = arith.constant 4 : i32
      %dma_wait3A_280 = arith.constant 0 : i32
      %dma_wait3A_281 = arith.constant 0 : i32
      %dma_wait3A_282 = tpu.memref_slice %arg10[%dma_wait3A_279, %dma_wait3A_280, %dma_wait3A_281] : memref<8x256x32xf32, #tpu.memory_space<vmem>> -> memref<1x256x32xf32, #tpu.memory_space<vmem>>
      %dma_wait3A_283 = tpu.memref_squeeze %dma_wait3A_282 : memref<1x256x32xf32, #tpu.memory_space<vmem>> -> memref<256x32xf32, #tpu.memory_space<vmem>>
      %dma_wait3A_284 = arith.constant 0 : i32
      %dma_wait3A_285 = tpu.memref_slice %arg8[%dma_wait3A_284] : memref<10240xi32, #tpu.memory_space<vmem>> -> memref<256xi32, #tpu.memory_space<vmem>>
      %dma_wait3A_286 = arith.constant 0 : i32
      %dma_wait3A_287 = arith.constant 0 : i32
      %dma_wait3A_288 = tpu.memref_slice %arg2[%dma_wait3A_286, %dma_wait3A_287] : memref<10240x32xf32, #tpu.memory_space<hbm>> -> memref<10240x32xf32, #tpu.memory_space<hbm>>
      tpu.wait_indirect_dma semaphore(%arg16 : memref<!tpu.dma_semaphore, #tpu.memory_space<semaphore_mem>>) src(%dma_wait3A_288 : memref<10240x32xf32, #tpu.memory_space<hbm>>) dst(%dma_wait3A_283 : memref<256x32xf32, #tpu.memory_space<vmem>>)
      %add3A_289 = arith.constant 4 : i32
      %add3A_290 = arith.addi %mul3A_107, %add3A_289 : i32
      %mul3A_291 = arith.constant 256 : i32
      %mul3A_292 = arith.muli %add3A_290, %mul3A_291 : i32
      %dma_start3A_293 = arith.constant 4 : i32
      %dma_start3A_294 = arith.constant 0 : i32
      %dma_start3A_295 = arith.constant 0 : i32
      %dma_start3A_296 = tpu.memref_slice %arg10[%dma_start3A_293, %dma_start3A_294, %dma_start3A_295] : memref<8x256x32xf32, #tpu.memory_space<vmem>> -> memref<1x256x32xf32, #tpu.memory_space<vmem>>
      %dma_start3A_297 = tpu.memref_squeeze %dma_start3A_296 : memref<1x256x32xf32, #tpu.memory_space<vmem>> -> memref<256x32xf32, #tpu.memory_space<vmem>>
      %dma_start3A_298 = tpu.memref_slice %arg9[%mul3A_292] : memref<10240xi32, #tpu.memory_space<vmem>> -> memref<256xi32, #tpu.memory_space<vmem>>
      %dma_start3A_299 = arith.constant 0 : i32
      %dma_start3A_300 = arith.constant 0 : i32
      %dma_start3A_301 = tpu.memref_slice %arg11[%dma_start3A_299, %dma_start3A_300] : memref<10240x32xf32, #tpu.memory_space<vmem_shared>> -> memref<10240x32xf32, #tpu.memory_space<vmem_shared>>
      tpu.enqueue_indirect_dma source(%dma_start3A_297 : memref<256x32xf32, #tpu.memory_space<vmem>>) target(%dma_start3A_301 : memref<10240x32xf32, #tpu.memory_space<vmem_shared>>) offsets(%dma_start3A_298 : memref<256xi32, #tpu.memory_space<vmem>>) semaphore(%arg24 : memref<!tpu.dma_semaphore, #tpu.memory_space<semaphore_mem>>) {add = true}
      %dma_wait3A_302 = arith.constant 0 : i32
      %dma_wait3A_303 = arith.constant 0 : i32
      %dma_wait3A_304 = arith.constant 0 : i32
      %dma_wait3A_305 = tpu.memref_slice %arg10[%dma_wait3A_302, %dma_wait3A_303, %dma_wait3A_304] : memref<8x256x32xf32, #tpu.memory_space<vmem>> -> memref<1x256x32xf32, #tpu.memory_space<vmem>>
      %dma_wait3A_306 = tpu.memref_squeeze %dma_wait3A_305 : memref<1x256x32xf32, #tpu.memory_space<vmem>> -> memref<256x32xf32, #tpu.memory_space<vmem>>
      %dma_wait3A_307 = arith.constant 0 : i32
      %dma_wait3A_308 = tpu.memref_slice %arg9[%dma_wait3A_307] : memref<10240xi32, #tpu.memory_space<vmem>> -> memref<256xi32, #tpu.memory_space<vmem>>
      %dma_wait3A_309 = arith.constant 0 : i32
      %dma_wait3A_310 = arith.constant 0 : i32
      %dma_wait3A_311 = tpu.memref_slice %arg11[%dma_wait3A_309, %dma_wait3A_310] : memref<10240x32xf32, #tpu.memory_space<vmem_shared>> -> memref<10240x32xf32, #tpu.memory_space<vmem_shared>>
      tpu.wait_indirect_dma semaphore(%arg20 : memref<!tpu.dma_semaphore, #tpu.memory_space<semaphore_mem>>) src(%dma_wait3A_306 : memref<256x32xf32, #tpu.memory_space<vmem>>) dst(%dma_wait3A_311 : memref<10240x32xf32, #tpu.memory_space<vmem_shared>>)
      %lt3A_312 = arith.constant 4 : i32
      %lt3A_313 = arith.cmpi slt, %scan3A_105, %lt3A_312 : i32
      %convert_element_type3A_314 = arith.extui %lt3A_313 : i1 to i32
      %cond3A_315 = arith.constant 0 : i32
      %cond3A_316 = arith.cmpi ne, %convert_element_type3A_314, %cond3A_315 : i32
      scf.if %cond3A_316 {
        %add3A_431 = arith.constant 4 : i32
        %add3A_432 = arith.addi %mul3A_107, %add3A_431 : i32
        %add3A_433 = arith.constant 4 : i32
        %add3A_434 = arith.addi %add3A_432, %add3A_433 : i32
        %mul3A_435 = arith.constant 256 : i32
        %mul3A_436 = arith.muli %add3A_434, %mul3A_435 : i32
        %dma_start3A_437 = arith.constant 0 : i32
        %dma_start3A_438 = arith.constant 0 : i32
        %dma_start3A_439 = arith.constant 0 : i32
        %dma_start3A_440 = tpu.memref_slice %arg10[%dma_start3A_437, %dma_start3A_438, %dma_start3A_439] : memref<8x256x32xf32, #tpu.memory_space<vmem>> -> memref<1x256x32xf32, #tpu.memory_space<vmem>>
        %dma_start3A_441 = tpu.memref_squeeze %dma_start3A_440 : memref<1x256x32xf32, #tpu.memory_space<vmem>> -> memref<256x32xf32, #tpu.memory_space<vmem>>
        %dma_start3A_442 = tpu.memref_slice %arg8[%mul3A_436] : memref<10240xi32, #tpu.memory_space<vmem>> -> memref<256xi32, #tpu.memory_space<vmem>>
        %dma_start3A_443 = arith.constant 0 : i32
        %dma_start3A_444 = arith.constant 0 : i32
        %dma_start3A_445 = tpu.memref_slice %arg2[%dma_start3A_443, %dma_start3A_444] : memref<10240x32xf32, #tpu.memory_space<hbm>> -> memref<10240x32xf32, #tpu.memory_space<hbm>>
        tpu.enqueue_indirect_dma source(%dma_start3A_445 : memref<10240x32xf32, #tpu.memory_space<hbm>>) target(%dma_start3A_441 : memref<256x32xf32, #tpu.memory_space<vmem>>) offsets(%dma_start3A_442 : memref<256xi32, #tpu.memory_space<vmem>>) semaphore(%arg12 : memref<!tpu.dma_semaphore, #tpu.memory_space<semaphore_mem>>)
      } else {
      }
      %dma_wait3A_317 = arith.constant 5 : i32
      %dma_wait3A_318 = arith.constant 0 : i32
      %dma_wait3A_319 = arith.constant 0 : i32
      %dma_wait3A_320 = tpu.memref_slice %arg10[%dma_wait3A_317, %dma_wait3A_318, %dma_wait3A_319] : memref<8x256x32xf32, #tpu.memory_space<vmem>> -> memref<1x256x32xf32, #tpu.memory_space<vmem>>
      %dma_wait3A_321 = tpu.memref_squeeze %dma_wait3A_320 : memref<1x256x32xf32, #tpu.memory_space<vmem>> -> memref<256x32xf32, #tpu.memory_space<vmem>>
      %dma_wait3A_322 = arith.constant 0 : i32
      %dma_wait3A_323 = tpu.memref_slice %arg8[%dma_wait3A_322] : memref<10240xi32, #tpu.memory_space<vmem>> -> memref<256xi32, #tpu.memory_space<vmem>>
      %dma_wait3A_324 = arith.constant 0 : i32
      %dma_wait3A_325 = arith.constant 0 : i32
      %dma_wait3A_326 = tpu.memref_slice %arg2[%dma_wait3A_324, %dma_wait3A_325] : memref<10240x32xf32, #tpu.memory_space<hbm>> -> memref<10240x32xf32, #tpu.memory_space<hbm>>
      tpu.wait_indirect_dma semaphore(%arg17 : memref<!tpu.dma_semaphore, #tpu.memory_space<semaphore_mem>>) src(%dma_wait3A_326 : memref<10240x32xf32, #tpu.memory_space<hbm>>) dst(%dma_wait3A_321 : memref<256x32xf32, #tpu.memory_space<vmem>>)
      %add3A_327 = arith.constant 5 : i32
      %add3A_328 = arith.addi %mul3A_107, %add3A_327 : i32
      %mul3A_329 = arith.constant 256 : i32
      %mul3A_330 = arith.muli %add3A_328, %mul3A_329 : i32
      %dma_start3A_331 = arith.constant 5 : i32
      %dma_start3A_332 = arith.constant 0 : i32
      %dma_start3A_333 = arith.constant 0 : i32
      %dma_start3A_334 = tpu.memref_slice %arg10[%dma_start3A_331, %dma_start3A_332, %dma_start3A_333] : memref<8x256x32xf32, #tpu.memory_space<vmem>> -> memref<1x256x32xf32, #tpu.memory_space<vmem>>
      %dma_start3A_335 = tpu.memref_squeeze %dma_start3A_334 : memref<1x256x32xf32, #tpu.memory_space<vmem>> -> memref<256x32xf32, #tpu.memory_space<vmem>>
      %dma_start3A_336 = tpu.memref_slice %arg9[%mul3A_330] : memref<10240xi32, #tpu.memory_space<vmem>> -> memref<256xi32, #tpu.memory_space<vmem>>
      %dma_start3A_337 = arith.constant 0 : i32
      %dma_start3A_338 = arith.constant 0 : i32
      %dma_start3A_339 = tpu.memref_slice %arg11[%dma_start3A_337, %dma_start3A_338] : memref<10240x32xf32, #tpu.memory_space<vmem_shared>> -> memref<10240x32xf32, #tpu.memory_space<vmem_shared>>
      tpu.enqueue_indirect_dma source(%dma_start3A_335 : memref<256x32xf32, #tpu.memory_space<vmem>>) target(%dma_start3A_339 : memref<10240x32xf32, #tpu.memory_space<vmem_shared>>) offsets(%dma_start3A_336 : memref<256xi32, #tpu.memory_space<vmem>>) semaphore(%arg25 : memref<!tpu.dma_semaphore, #tpu.memory_space<semaphore_mem>>) {add = true}
      %dma_wait3A_340 = arith.constant 1 : i32
      %dma_wait3A_341 = arith.constant 0 : i32
      %dma_wait3A_342 = arith.constant 0 : i32
      %dma_wait3A_343 = tpu.memref_slice %arg10[%dma_wait3A_340, %dma_wait3A_341, %dma_wait3A_342] : memref<8x256x32xf32, #tpu.memory_space<vmem>> -> memref<1x256x32xf32, #tpu.memory_space<vmem>>
      %dma_wait3A_344 = tpu.memref_squeeze %dma_wait3A_343 : memref<1x256x32xf32, #tpu.memory_space<vmem>> -> memref<256x32xf32, #tpu.memory_space<vmem>>
      %dma_wait3A_345 = arith.constant 0 : i32
      %dma_wait3A_346 = tpu.memref_slice %arg9[%dma_wait3A_345] : memref<10240xi32, #tpu.memory_space<vmem>> -> memref<256xi32, #tpu.memory_space<vmem>>
      %dma_wait3A_347 = arith.constant 0 : i32
      %dma_wait3A_348 = arith.constant 0 : i32
      %dma_wait3A_349 = tpu.memref_slice %arg11[%dma_wait3A_347, %dma_wait3A_348] : memref<10240x32xf32, #tpu.memory_space<vmem_shared>> -> memref<10240x32xf32, #tpu.memory_space<vmem_shared>>
      tpu.wait_indirect_dma semaphore(%arg21 : memref<!tpu.dma_semaphore, #tpu.memory_space<semaphore_mem>>) src(%dma_wait3A_344 : memref<256x32xf32, #tpu.memory_space<vmem>>) dst(%dma_wait3A_349 : memref<10240x32xf32, #tpu.memory_space<vmem_shared>>)
      %lt3A_350 = arith.constant 4 : i32
      %lt3A_351 = arith.cmpi slt, %scan3A_105, %lt3A_350 : i32
      %convert_element_type3A_352 = arith.extui %lt3A_351 : i1 to i32
      %cond3A_353 = arith.constant 0 : i32
      %cond3A_354 = arith.cmpi ne, %convert_element_type3A_352, %cond3A_353 : i32
      scf.if %cond3A_354 {
        %add3A_431 = arith.constant 5 : i32
        %add3A_432 = arith.addi %mul3A_107, %add3A_431 : i32
        %add3A_433 = arith.constant 4 : i32
        %add3A_434 = arith.addi %add3A_432, %add3A_433 : i32
        %mul3A_435 = arith.constant 256 : i32
        %mul3A_436 = arith.muli %add3A_434, %mul3A_435 : i32
        %dma_start3A_437 = arith.constant 1 : i32
        %dma_start3A_438 = arith.constant 0 : i32
        %dma_start3A_439 = arith.constant 0 : i32
        %dma_start3A_440 = tpu.memref_slice %arg10[%dma_start3A_437, %dma_start3A_438, %dma_start3A_439] : memref<8x256x32xf32, #tpu.memory_space<vmem>> -> memref<1x256x32xf32, #tpu.memory_space<vmem>>
        %dma_start3A_441 = tpu.memref_squeeze %dma_start3A_440 : memref<1x256x32xf32, #tpu.memory_space<vmem>> -> memref<256x32xf32, #tpu.memory_space<vmem>>
        %dma_start3A_442 = tpu.memref_slice %arg8[%mul3A_436] : memref<10240xi32, #tpu.memory_space<vmem>> -> memref<256xi32, #tpu.memory_space<vmem>>
        %dma_start3A_443 = arith.constant 0 : i32
        %dma_start3A_444 = arith.constant 0 : i32
        %dma_start3A_445 = tpu.memref_slice %arg2[%dma_start3A_443, %dma_start3A_444] : memref<10240x32xf32, #tpu.memory_space<hbm>> -> memref<10240x32xf32, #tpu.memory_space<hbm>>
        tpu.enqueue_indirect_dma source(%dma_start3A_445 : memref<10240x32xf32, #tpu.memory_space<hbm>>) target(%dma_start3A_441 : memref<256x32xf32, #tpu.memory_space<vmem>>) offsets(%dma_start3A_442 : memref<256xi32, #tpu.memory_space<vmem>>) semaphore(%arg13 : memref<!tpu.dma_semaphore, #tpu.memory_space<semaphore_mem>>)
      } else {
      }
      %dma_wait3A_355 = arith.constant 6 : i32
      %dma_wait3A_356 = arith.constant 0 : i32
      %dma_wait3A_357 = arith.constant 0 : i32
      %dma_wait3A_358 = tpu.memref_slice %arg10[%dma_wait3A_355, %dma_wait3A_356, %dma_wait3A_357] : memref<8x256x32xf32, #tpu.memory_space<vmem>> -> memref<1x256x32xf32, #tpu.memory_space<vmem>>
      %dma_wait3A_359 = tpu.memref_squeeze %dma_wait3A_358 : memref<1x256x32xf32, #tpu.memory_space<vmem>> -> memref<256x32xf32, #tpu.memory_space<vmem>>
      %dma_wait3A_360 = arith.constant 0 : i32
      %dma_wait3A_361 = tpu.memref_slice %arg8[%dma_wait3A_360] : memref<10240xi32, #tpu.memory_space<vmem>> -> memref<256xi32, #tpu.memory_space<vmem>>
      %dma_wait3A_362 = arith.constant 0 : i32
      %dma_wait3A_363 = arith.constant 0 : i32
      %dma_wait3A_364 = tpu.memref_slice %arg2[%dma_wait3A_362, %dma_wait3A_363] : memref<10240x32xf32, #tpu.memory_space<hbm>> -> memref<10240x32xf32, #tpu.memory_space<hbm>>
      tpu.wait_indirect_dma semaphore(%arg18 : memref<!tpu.dma_semaphore, #tpu.memory_space<semaphore_mem>>) src(%dma_wait3A_364 : memref<10240x32xf32, #tpu.memory_space<hbm>>) dst(%dma_wait3A_359 : memref<256x32xf32, #tpu.memory_space<vmem>>)
      %add3A_365 = arith.constant 6 : i32
      %add3A_366 = arith.addi %mul3A_107, %add3A_365 : i32
      %mul3A_367 = arith.constant 256 : i32
      %mul3A_368 = arith.muli %add3A_366, %mul3A_367 : i32
      %dma_start3A_369 = arith.constant 6 : i32
      %dma_start3A_370 = arith.constant 0 : i32
      %dma_start3A_371 = arith.constant 0 : i32
      %dma_start3A_372 = tpu.memref_slice %arg10[%dma_start3A_369, %dma_start3A_370, %dma_start3A_371] : memref<8x256x32xf32, #tpu.memory_space<vmem>> -> memref<1x256x32xf32, #tpu.memory_space<vmem>>
      %dma_start3A_373 = tpu.memref_squeeze %dma_start3A_372 : memref<1x256x32xf32, #tpu.memory_space<vmem>> -> memref<256x32xf32, #tpu.memory_space<vmem>>
      %dma_start3A_374 = tpu.memref_slice %arg9[%mul3A_368] : memref<10240xi32, #tpu.memory_space<vmem>> -> memref<256xi32, #tpu.memory_space<vmem>>
      %dma_start3A_375 = arith.constant 0 : i32
      %dma_start3A_376 = arith.constant 0 : i32
      %dma_start3A_377 = tpu.memref_slice %arg11[%dma_start3A_375, %dma_start3A_376] : memref<10240x32xf32, #tpu.memory_space<vmem_shared>> -> memref<10240x32xf32, #tpu.memory_space<vmem_shared>>
      tpu.enqueue_indirect_dma source(%dma_start3A_373 : memref<256x32xf32, #tpu.memory_space<vmem>>) target(%dma_start3A_377 : memref<10240x32xf32, #tpu.memory_space<vmem_shared>>) offsets(%dma_start3A_374 : memref<256xi32, #tpu.memory_space<vmem>>) semaphore(%arg26 : memref<!tpu.dma_semaphore, #tpu.memory_space<semaphore_mem>>) {add = true}
      %dma_wait3A_378 = arith.constant 2 : i32
      %dma_wait3A_379 = arith.constant 0 : i32
      %dma_wait3A_380 = arith.constant 0 : i32
      %dma_wait3A_381 = tpu.memref_slice %arg10[%dma_wait3A_378, %dma_wait3A_379, %dma_wait3A_380] : memref<8x256x32xf32, #tpu.memory_space<vmem>> -> memref<1x256x32xf32, #tpu.memory_space<vmem>>
      %dma_wait3A_382 = tpu.memref_squeeze %dma_wait3A_381 : memref<1x256x32xf32, #tpu.memory_space<vmem>> -> memref<256x32xf32, #tpu.memory_space<vmem>>
      %dma_wait3A_383 = arith.constant 0 : i32
      %dma_wait3A_384 = tpu.memref_slice %arg9[%dma_wait3A_383] : memref<10240xi32, #tpu.memory_space<vmem>> -> memref<256xi32, #tpu.memory_space<vmem>>
      %dma_wait3A_385 = arith.constant 0 : i32
      %dma_wait3A_386 = arith.constant 0 : i32
      %dma_wait3A_387 = tpu.memref_slice %arg11[%dma_wait3A_385, %dma_wait3A_386] : memref<10240x32xf32, #tpu.memory_space<vmem_shared>> -> memref<10240x32xf32, #tpu.memory_space<vmem_shared>>
      tpu.wait_indirect_dma semaphore(%arg22 : memref<!tpu.dma_semaphore, #tpu.memory_space<semaphore_mem>>) src(%dma_wait3A_382 : memref<256x32xf32, #tpu.memory_space<vmem>>) dst(%dma_wait3A_387 : memref<10240x32xf32, #tpu.memory_space<vmem_shared>>)
      %lt3A_388 = arith.constant 4 : i32
      %lt3A_389 = arith.cmpi slt, %scan3A_105, %lt3A_388 : i32
      %convert_element_type3A_390 = arith.extui %lt3A_389 : i1 to i32
      %cond3A_391 = arith.constant 0 : i32
      %cond3A_392 = arith.cmpi ne, %convert_element_type3A_390, %cond3A_391 : i32
      scf.if %cond3A_392 {
        %add3A_431 = arith.constant 6 : i32
        %add3A_432 = arith.addi %mul3A_107, %add3A_431 : i32
        %add3A_433 = arith.constant 4 : i32
        %add3A_434 = arith.addi %add3A_432, %add3A_433 : i32
        %mul3A_435 = arith.constant 256 : i32
        %mul3A_436 = arith.muli %add3A_434, %mul3A_435 : i32
        %dma_start3A_437 = arith.constant 2 : i32
        %dma_start3A_438 = arith.constant 0 : i32
        %dma_start3A_439 = arith.constant 0 : i32
        %dma_start3A_440 = tpu.memref_slice %arg10[%dma_start3A_437, %dma_start3A_438, %dma_start3A_439] : memref<8x256x32xf32, #tpu.memory_space<vmem>> -> memref<1x256x32xf32, #tpu.memory_space<vmem>>
        %dma_start3A_441 = tpu.memref_squeeze %dma_start3A_440 : memref<1x256x32xf32, #tpu.memory_space<vmem>> -> memref<256x32xf32, #tpu.memory_space<vmem>>
        %dma_start3A_442 = tpu.memref_slice %arg8[%mul3A_436] : memref<10240xi32, #tpu.memory_space<vmem>> -> memref<256xi32, #tpu.memory_space<vmem>>
        %dma_start3A_443 = arith.constant 0 : i32
        %dma_start3A_444 = arith.constant 0 : i32
        %dma_start3A_445 = tpu.memref_slice %arg2[%dma_start3A_443, %dma_start3A_444] : memref<10240x32xf32, #tpu.memory_space<hbm>> -> memref<10240x32xf32, #tpu.memory_space<hbm>>
        tpu.enqueue_indirect_dma source(%dma_start3A_445 : memref<10240x32xf32, #tpu.memory_space<hbm>>) target(%dma_start3A_441 : memref<256x32xf32, #tpu.memory_space<vmem>>) offsets(%dma_start3A_442 : memref<256xi32, #tpu.memory_space<vmem>>) semaphore(%arg14 : memref<!tpu.dma_semaphore, #tpu.memory_space<semaphore_mem>>)
      } else {
      }
      %dma_wait3A_393 = arith.constant 7 : i32
      %dma_wait3A_394 = arith.constant 0 : i32
      %dma_wait3A_395 = arith.constant 0 : i32
      %dma_wait3A_396 = tpu.memref_slice %arg10[%dma_wait3A_393, %dma_wait3A_394, %dma_wait3A_395] : memref<8x256x32xf32, #tpu.memory_space<vmem>> -> memref<1x256x32xf32, #tpu.memory_space<vmem>>
      %dma_wait3A_397 = tpu.memref_squeeze %dma_wait3A_396 : memref<1x256x32xf32, #tpu.memory_space<vmem>> -> memref<256x32xf32, #tpu.memory_space<vmem>>
      %dma_wait3A_398 = arith.constant 0 : i32
      %dma_wait3A_399 = tpu.memref_slice %arg8[%dma_wait3A_398] : memref<10240xi32, #tpu.memory_space<vmem>> -> memref<256xi32, #tpu.memory_space<vmem>>
      %dma_wait3A_400 = arith.constant 0 : i32
      %dma_wait3A_401 = arith.constant 0 : i32
      %dma_wait3A_402 = tpu.memref_slice %arg2[%dma_wait3A_400, %dma_wait3A_401] : memref<10240x32xf32, #tpu.memory_space<hbm>> -> memref<10240x32xf32, #tpu.memory_space<hbm>>
      tpu.wait_indirect_dma semaphore(%arg19 : memref<!tpu.dma_semaphore, #tpu.memory_space<semaphore_mem>>) src(%dma_wait3A_402 : memref<10240x32xf32, #tpu.memory_space<hbm>>) dst(%dma_wait3A_397 : memref<256x32xf32, #tpu.memory_space<vmem>>)
      %add3A_403 = arith.constant 7 : i32
      %add3A_404 = arith.addi %mul3A_107, %add3A_403 : i32
      %mul3A_405 = arith.constant 256 : i32
      %mul3A_406 = arith.muli %add3A_404, %mul3A_405 : i32
      %dma_start3A_407 = arith.constant 7 : i32
      %dma_start3A_408 = arith.constant 0 : i32
      %dma_start3A_409 = arith.constant 0 : i32
      %dma_start3A_410 = tpu.memref_slice %arg10[%dma_start3A_407, %dma_start3A_408, %dma_start3A_409] : memref<8x256x32xf32, #tpu.memory_space<vmem>> -> memref<1x256x32xf32, #tpu.memory_space<vmem>>
      %dma_start3A_411 = tpu.memref_squeeze %dma_start3A_410 : memref<1x256x32xf32, #tpu.memory_space<vmem>> -> memref<256x32xf32, #tpu.memory_space<vmem>>
      %dma_start3A_412 = tpu.memref_slice %arg9[%mul3A_406] : memref<10240xi32, #tpu.memory_space<vmem>> -> memref<256xi32, #tpu.memory_space<vmem>>
      %dma_start3A_413 = arith.constant 0 : i32
      %dma_start3A_414 = arith.constant 0 : i32
      %dma_start3A_415 = tpu.memref_slice %arg11[%dma_start3A_413, %dma_start3A_414] : memref<10240x32xf32, #tpu.memory_space<vmem_shared>> -> memref<10240x32xf32, #tpu.memory_space<vmem_shared>>
      tpu.enqueue_indirect_dma source(%dma_start3A_411 : memref<256x32xf32, #tpu.memory_space<vmem>>) target(%dma_start3A_415 : memref<10240x32xf32, #tpu.memory_space<vmem_shared>>) offsets(%dma_start3A_412 : memref<256xi32, #tpu.memory_space<vmem>>) semaphore(%arg27 : memref<!tpu.dma_semaphore, #tpu.memory_space<semaphore_mem>>) {add = true}
      %dma_wait3A_416 = arith.constant 3 : i32
      %dma_wait3A_417 = arith.constant 0 : i32
      %dma_wait3A_418 = arith.constant 0 : i32
      %dma_wait3A_419 = tpu.memref_slice %arg10[%dma_wait3A_416, %dma_wait3A_417, %dma_wait3A_418] : memref<8x256x32xf32, #tpu.memory_space<vmem>> -> memref<1x256x32xf32, #tpu.memory_space<vmem>>
      %dma_wait3A_420 = tpu.memref_squeeze %dma_wait3A_419 : memref<1x256x32xf32, #tpu.memory_space<vmem>> -> memref<256x32xf32, #tpu.memory_space<vmem>>
      %dma_wait3A_421 = arith.constant 0 : i32
      %dma_wait3A_422 = tpu.memref_slice %arg9[%dma_wait3A_421] : memref<10240xi32, #tpu.memory_space<vmem>> -> memref<256xi32, #tpu.memory_space<vmem>>
      %dma_wait3A_423 = arith.constant 0 : i32
      %dma_wait3A_424 = arith.constant 0 : i32
      %dma_wait3A_425 = tpu.memref_slice %arg11[%dma_wait3A_423, %dma_wait3A_424] : memref<10240x32xf32, #tpu.memory_space<vmem_shared>> -> memref<10240x32xf32, #tpu.memory_space<vmem_shared>>
      tpu.wait_indirect_dma semaphore(%arg23 : memref<!tpu.dma_semaphore, #tpu.memory_space<semaphore_mem>>) src(%dma_wait3A_420 : memref<256x32xf32, #tpu.memory_space<vmem>>) dst(%dma_wait3A_425 : memref<10240x32xf32, #tpu.memory_space<vmem_shared>>)
      %lt3A_426 = arith.constant 4 : i32
      %lt3A_427 = arith.cmpi slt, %scan3A_105, %lt3A_426 : i32
      %convert_element_type3A_428 = arith.extui %lt3A_427 : i1 to i32
      %cond3A_429 = arith.constant 0 : i32
      %cond3A_430 = arith.cmpi ne, %convert_element_type3A_428, %cond3A_429 : i32
      scf.if %cond3A_430 {
        %add3A_431 = arith.constant 7 : i32
        %add3A_432 = arith.addi %mul3A_107, %add3A_431 : i32
        %add3A_433 = arith.constant 4 : i32
        %add3A_434 = arith.addi %add3A_432, %add3A_433 : i32
        %mul3A_435 = arith.constant 256 : i32
        %mul3A_436 = arith.muli %add3A_434, %mul3A_435 : i32
        %dma_start3A_437 = arith.constant 3 : i32
        %dma_start3A_438 = arith.constant 0 : i32
        %dma_start3A_439 = arith.constant 0 : i32
        %dma_start3A_440 = tpu.memref_slice %arg10[%dma_start3A_437, %dma_start3A_438, %dma_start3A_439] : memref<8x256x32xf32, #tpu.memory_space<vmem>> -> memref<1x256x32xf32, #tpu.memory_space<vmem>>
        %dma_start3A_441 = tpu.memref_squeeze %dma_start3A_440 : memref<1x256x32xf32, #tpu.memory_space<vmem>> -> memref<256x32xf32, #tpu.memory_space<vmem>>
        %dma_start3A_442 = tpu.memref_slice %arg8[%mul3A_436] : memref<10240xi32, #tpu.memory_space<vmem>> -> memref<256xi32, #tpu.memory_space<vmem>>
        %dma_start3A_443 = arith.constant 0 : i32
        %dma_start3A_444 = arith.constant 0 : i32
        %dma_start3A_445 = tpu.memref_slice %arg2[%dma_start3A_443, %dma_start3A_444] : memref<10240x32xf32, #tpu.memory_space<hbm>> -> memref<10240x32xf32, #tpu.memory_space<hbm>>
        tpu.enqueue_indirect_dma source(%dma_start3A_445 : memref<10240x32xf32, #tpu.memory_space<hbm>>) target(%dma_start3A_441 : memref<256x32xf32, #tpu.memory_space<vmem>>) offsets(%dma_start3A_442 : memref<256xi32, #tpu.memory_space<vmem>>) semaphore(%arg15 : memref<!tpu.dma_semaphore, #tpu.memory_space<semaphore_mem>>)
      } else {
      }
    }
    %scan3A_54 = arith.constant 5 : i32
    %dma_wait3A = arith.constant 4 : i32
    %dma_wait3A_55 = arith.constant 0 : i32
    %dma_wait3A_56 = arith.constant 0 : i32
    %dma_wait3A_57 = tpu.memref_slice %arg10[%dma_wait3A, %dma_wait3A_55, %dma_wait3A_56] : memref<8x256x32xf32, #tpu.memory_space<vmem>> -> memref<1x256x32xf32, #tpu.memory_space<vmem>>
    %dma_wait3A_58 = tpu.memref_squeeze %dma_wait3A_57 : memref<1x256x32xf32, #tpu.memory_space<vmem>> -> memref<256x32xf32, #tpu.memory_space<vmem>>
    %dma_wait3A_59 = arith.constant 0 : i32
    %dma_wait3A_60 = tpu.memref_slice %arg9[%dma_wait3A_59] : memref<10240xi32, #tpu.memory_space<vmem>> -> memref<256xi32, #tpu.memory_space<vmem>>
    %dma_wait3A_61 = arith.constant 0 : i32
    %dma_wait3A_62 = arith.constant 0 : i32
    %dma_wait3A_63 = tpu.memref_slice %arg11[%dma_wait3A_61, %dma_wait3A_62] : memref<10240x32xf32, #tpu.memory_space<vmem_shared>> -> memref<10240x32xf32, #tpu.memory_space<vmem_shared>>
    tpu.wait_indirect_dma semaphore(%arg24 : memref<!tpu.dma_semaphore, #tpu.memory_space<semaphore_mem>>) src(%dma_wait3A_58 : memref<256x32xf32, #tpu.memory_space<vmem>>) dst(%dma_wait3A_63 : memref<10240x32xf32, #tpu.memory_space<vmem_shared>>)
    %dma_wait3A_64 = arith.constant 5 : i32
    %dma_wait3A_65 = arith.constant 0 : i32
    %dma_wait3A_66 = arith.constant 0 : i32
    %dma_wait3A_67 = tpu.memref_slice %arg10[%dma_wait3A_64, %dma_wait3A_65, %dma_wait3A_66] : memref<8x256x32xf32, #tpu.memory_space<vmem>> -> memref<1x256x32xf32, #tpu.memory_space<vmem>>
    %dma_wait3A_68 = tpu.memref_squeeze %dma_wait3A_67 : memref<1x256x32xf32, #tpu.memory_space<vmem>> -> memref<256x32xf32, #tpu.memory_space<vmem>>
    %dma_wait3A_69 = arith.constant 0 : i32
    %dma_wait3A_70 = tpu.memref_slice %arg9[%dma_wait3A_69] : memref<10240xi32, #tpu.memory_space<vmem>> -> memref<256xi32, #tpu.memory_space<vmem>>
    %dma_wait3A_71 = arith.constant 0 : i32
    %dma_wait3A_72 = arith.constant 0 : i32
    %dma_wait3A_73 = tpu.memref_slice %arg11[%dma_wait3A_71, %dma_wait3A_72] : memref<10240x32xf32, #tpu.memory_space<vmem_shared>> -> memref<10240x32xf32, #tpu.memory_space<vmem_shared>>
    tpu.wait_indirect_dma semaphore(%arg25 : memref<!tpu.dma_semaphore, #tpu.memory_space<semaphore_mem>>) src(%dma_wait3A_68 : memref<256x32xf32, #tpu.memory_space<vmem>>) dst(%dma_wait3A_73 : memref<10240x32xf32, #tpu.memory_space<vmem_shared>>)
    %dma_wait3A_74 = arith.constant 6 : i32
    %dma_wait3A_75 = arith.constant 0 : i32
    %dma_wait3A_76 = arith.constant 0 : i32
    %dma_wait3A_77 = tpu.memref_slice %arg10[%dma_wait3A_74, %dma_wait3A_75, %dma_wait3A_76] : memref<8x256x32xf32, #tpu.memory_space<vmem>> -> memref<1x256x32xf32, #tpu.memory_space<vmem>>
    %dma_wait3A_78 = tpu.memref_squeeze %dma_wait3A_77 : memref<1x256x32xf32, #tpu.memory_space<vmem>> -> memref<256x32xf32, #tpu.memory_space<vmem>>
    %dma_wait3A_79 = arith.constant 0 : i32
    %dma_wait3A_80 = tpu.memref_slice %arg9[%dma_wait3A_79] : memref<10240xi32, #tpu.memory_space<vmem>> -> memref<256xi32, #tpu.memory_space<vmem>>
    %dma_wait3A_81 = arith.constant 0 : i32
    %dma_wait3A_82 = arith.constant 0 : i32
    %dma_wait3A_83 = tpu.memref_slice %arg11[%dma_wait3A_81, %dma_wait3A_82] : memref<10240x32xf32, #tpu.memory_space<vmem_shared>> -> memref<10240x32xf32, #tpu.memory_space<vmem_shared>>
    tpu.wait_indirect_dma semaphore(%arg26 : memref<!tpu.dma_semaphore, #tpu.memory_space<semaphore_mem>>) src(%dma_wait3A_78 : memref<256x32xf32, #tpu.memory_space<vmem>>) dst(%dma_wait3A_83 : memref<10240x32xf32, #tpu.memory_space<vmem_shared>>)
    %dma_wait3A_84 = arith.constant 7 : i32
    %dma_wait3A_85 = arith.constant 0 : i32
    %dma_wait3A_86 = arith.constant 0 : i32
    %dma_wait3A_87 = tpu.memref_slice %arg10[%dma_wait3A_84, %dma_wait3A_85, %dma_wait3A_86] : memref<8x256x32xf32, #tpu.memory_space<vmem>> -> memref<1x256x32xf32, #tpu.memory_space<vmem>>
    %dma_wait3A_88 = tpu.memref_squeeze %dma_wait3A_87 : memref<1x256x32xf32, #tpu.memory_space<vmem>> -> memref<256x32xf32, #tpu.memory_space<vmem>>
    %dma_wait3A_89 = arith.constant 0 : i32
    %dma_wait3A_90 = tpu.memref_slice %arg9[%dma_wait3A_89] : memref<10240xi32, #tpu.memory_space<vmem>> -> memref<256xi32, #tpu.memory_space<vmem>>
    %dma_wait3A_91 = arith.constant 0 : i32
    %dma_wait3A_92 = arith.constant 0 : i32
    %dma_wait3A_93 = tpu.memref_slice %arg11[%dma_wait3A_91, %dma_wait3A_92] : memref<10240x32xf32, #tpu.memory_space<vmem_shared>> -> memref<10240x32xf32, #tpu.memory_space<vmem_shared>>
    tpu.wait_indirect_dma semaphore(%arg27 : memref<!tpu.dma_semaphore, #tpu.memory_space<semaphore_mem>>) src(%dma_wait3A_88 : memref<256x32xf32, #tpu.memory_space<vmem>>) dst(%dma_wait3A_93 : memref<10240x32xf32, #tpu.memory_space<vmem_shared>>)
    %barrier3A_94 = arith.constant 0 : index
    tpu.barrier barrier_id(%barrier3A_94)
    %eq3A_95 = arith.constant 0 : i32
    %eq3A_96 = arith.cmpi eq, %arg0, %eq3A_95 : i32
    %convert_element_type3A_97 = arith.extui %eq3A_96 : i1 to i32
    %cond3A_98 = arith.constant 0 : i32
    %cond3A_99 = arith.cmpi ne, %convert_element_type3A_97, %cond3A_98 : i32
    scf.if %cond3A_99 {
      "tpu.region"() ({
        %run_scoped3A = tpu.sem_alloc : memref<!tpu.dma_semaphore, #tpu.memory_space<semaphore_mem>>
        %dma_start3A_105 = arith.constant 0 : i32
        %dma_start3A_106 = tpu.memref_slice %arg6[%multiple_of3A, %dma_start3A_105] : memref<10240x32xf32, #tpu.memory_space<hbm>> -> memref<640x32xf32, #tpu.memory_space<hbm>>
        %dma_start3A_107 = arith.constant 0 : i32
        %dma_start3A_108 = tpu.memref_slice %arg11[%multiple_of3A, %dma_start3A_107] : memref<10240x32xf32, #tpu.memory_space<vmem_shared>> -> memref<640x32xf32, #tpu.memory_space<vmem_shared>>
        tpu.enqueue_dma source(%dma_start3A_108 : memref<640x32xf32, #tpu.memory_space<vmem_shared>>) target(%dma_start3A_106 : memref<640x32xf32, #tpu.memory_space<hbm>>) target_semaphore(%run_scoped3A : memref<!tpu.dma_semaphore, #tpu.memory_space<semaphore_mem>>)
        %dma_wait3A_109 = arith.constant 0 : i32
        %dma_wait3A_110 = tpu.memref_slice %arg6[%multiple_of3A, %dma_wait3A_109] : memref<10240x32xf32, #tpu.memory_space<hbm>> -> memref<640x32xf32, #tpu.memory_space<hbm>>
        %dma_wait3A_111 = arith.constant 0 : i32
        %dma_wait3A_112 = tpu.memref_slice %arg11[%multiple_of3A, %dma_wait3A_111] : memref<10240x32xf32, #tpu.memory_space<vmem_shared>> -> memref<640x32xf32, #tpu.memory_space<vmem_shared>>
        tpu.wait_dma2 semaphore(%run_scoped3A : memref<!tpu.dma_semaphore, #tpu.memory_space<semaphore_mem>>) src(%dma_wait3A_112 : memref<640x32xf32, #tpu.memory_space<vmem_shared>>) dst(%dma_wait3A_110 : memref<640x32xf32, #tpu.memory_space<hbm>>)
        tpu.yield
      }) : () -> ()
    } else {
    }
    %eq3A_100 = arith.constant 1 : i32
    %eq3A_101 = arith.cmpi eq, %arg0, %eq3A_100 : i32
    %convert_element_type3A_102 = arith.extui %eq3A_101 : i1 to i32
    %cond3A_103 = arith.constant 0 : i32
    %cond3A_104 = arith.cmpi ne, %convert_element_type3A_102, %cond3A_103 : i32
    scf.if %cond3A_104 {
      "tpu.region"() ({
        %run_scoped3A = tpu.sem_alloc : memref<!tpu.dma_semaphore, #tpu.memory_space<semaphore_mem>>
        %dma_start3A_105 = arith.constant 0 : i32
        %dma_start3A_106 = tpu.memref_slice %arg7[%multiple_of3A, %dma_start3A_105] : memref<10240x32xf32, #tpu.memory_space<hbm>> -> memref<640x32xf32, #tpu.memory_space<hbm>>
        %dma_start3A_107 = arith.constant 0 : i32
        %dma_start3A_108 = tpu.memref_slice %arg11[%multiple_of3A, %dma_start3A_107] : memref<10240x32xf32, #tpu.memory_space<vmem_shared>> -> memref<640x32xf32, #tpu.memory_space<vmem_shared>>
        tpu.enqueue_dma source(%dma_start3A_108 : memref<640x32xf32, #tpu.memory_space<vmem_shared>>) target(%dma_start3A_106 : memref<640x32xf32, #tpu.memory_space<hbm>>) target_semaphore(%run_scoped3A : memref<!tpu.dma_semaphore, #tpu.memory_space<semaphore_mem>>)
        %dma_wait3A_109 = arith.constant 0 : i32
        %dma_wait3A_110 = tpu.memref_slice %arg7[%multiple_of3A, %dma_wait3A_109] : memref<10240x32xf32, #tpu.memory_space<hbm>> -> memref<640x32xf32, #tpu.memory_space<hbm>>
        %dma_wait3A_111 = arith.constant 0 : i32
        %dma_wait3A_112 = tpu.memref_slice %arg11[%multiple_of3A, %dma_wait3A_111] : memref<10240x32xf32, #tpu.memory_space<vmem_shared>> -> memref<640x32xf32, #tpu.memory_space<vmem_shared>>
        tpu.wait_dma2 semaphore(%run_scoped3A : memref<!tpu.dma_semaphore, #tpu.memory_space<semaphore_mem>>) src(%dma_wait3A_112 : memref<640x32xf32, #tpu.memory_space<vmem_shared>>) dst(%dma_wait3A_110 : memref<640x32xf32, #tpu.memory_space<hbm>>)
        tpu.yield
      }) : () -> ()
    } else {
    }
    return
  }
}

module attributes {stable_mosaic.version = 14 : i64} {
  func.func @body(%arg0: memref<1280x1024xf32, #tpu.memory_space<vmem>>, %arg1: memref<1024x128xf32, #tpu.memory_space<vmem>>, %arg2: memref<1280x128xf32, #tpu.memory_space<vmem>>, %arg3: memref<1280x128xf32, #tpu.memory_space<vmem>>, %arg4: memref<2560x128xf32, #tpu.memory_space<vmem>>, %arg5: memref<2560x128xf32, #tpu.memory_space<vmem>>, %arg6: memref<1280x128xf32, #tpu.memory_space<vmem>>, %arg7: memref<1280x128xf32, #tpu.memory_space<vmem>>, %arg8: memref<2560x128xf32, #tpu.memory_space<vmem>>) attributes {dimension_semantics = [], scalar_prefetch = 0 : i64, scratch_operands = 0 : i64, tpu.core_type = #tpu.core_type<tc>} {
    %get3A = arith.constant 0 : index
    %get3A_0 = arith.constant 0 : index
    %get3A_1 = vector.load %arg2[%get3A, %get3A_0] : memref<1280x128xf32, #tpu.memory_space<vmem>>, vector<1280x128xf32>
    %get3A_2 = arith.constant 0 : index
    %get3A_3 = arith.constant 0 : index
    %get3A_4 = vector.load %arg3[%get3A_2, %get3A_3] : memref<1280x128xf32, #tpu.memory_space<vmem>>, vector<1280x128xf32>
    %add3A = arith.addf %get3A_1, %get3A_4 : vector<1280x128xf32>
    %add3A_5 = arith.constant 1.000000e+00 : f32
    %add3A_6 = vector.broadcast %add3A_5 : f32 to vector<1280x128xf32>
    %add3A_7 = arith.addf %add3A, %add3A_6 : vector<1280x128xf32>
    %iota3A = tpu.iota {dimensions = array<i32: 0>} : vector<1280x1xi32>
    %lt3A = arith.constant 1250 : i32
    %lt3A_8 = vector.broadcast %lt3A : i32 to vector<1280x1xi32>
    %lt3A_9 = arith.cmpi slt, %iota3A, %lt3A_8 : vector<1280x1xi32>
    %rsqrt3A = math.rsqrt %add3A_7 : vector<1280x128xf32>
    %jit3A = arith.constant 0.000000e+00 : f32
    %broadcast_in_dim3A = vector.shape_cast %lt3A_9 : vector<1280x1xi1> to vector<1280x1xi1>
    %broadcast_in_dim3A_10 = vector.broadcast %broadcast_in_dim3A : vector<1280x1xi1> to vector<1280x128xi1>
    %broadcast_in_dim3A_11 = vector.broadcast %jit3A : f32 to vector<1280x128xf32>
    %select_n3A = arith.select %broadcast_in_dim3A_10, %rsqrt3A, %broadcast_in_dim3A_11 : vector<1280x128xi1>, vector<1280x128xf32>
    %get3A_12 = arith.constant 0 : index
    %get3A_13 = arith.constant 0 : index
    %get3A_14 = vector.load %arg4[%get3A_12, %get3A_13] : memref<2560x128xf32, #tpu.memory_space<vmem>>, vector<2560x128xf32>
    %get3A_15 = arith.constant 0 : index
    %get3A_16 = arith.constant 0 : index
    %get3A_17 = vector.load %arg5[%get3A_15, %get3A_16] : memref<2560x128xf32, #tpu.memory_space<vmem>>, vector<2560x128xf32>
    %add3A_18 = arith.addf %get3A_14, %get3A_17 : vector<2560x128xf32>
    %add3A_19 = arith.constant 1.000000e+00 : f32
    %add3A_20 = vector.broadcast %add3A_19 : f32 to vector<2560x128xf32>
    %add3A_21 = arith.addf %add3A_18, %add3A_20 : vector<2560x128xf32>
    %iota3A_22 = tpu.iota {dimensions = array<i32: 0>} : vector<2560x1xi32>
    %lt3A_23 = arith.constant 2500 : i32
    %lt3A_24 = vector.broadcast %lt3A_23 : i32 to vector<2560x1xi32>
    %lt3A_25 = arith.cmpi slt, %iota3A_22, %lt3A_24 : vector<2560x1xi32>
    %rsqrt3A_26 = math.rsqrt %add3A_21 : vector<2560x128xf32>
    %jit3A_27 = arith.constant 0.000000e+00 : f32
    %broadcast_in_dim3A_28 = vector.shape_cast %lt3A_25 : vector<2560x1xi1> to vector<2560x1xi1>
    %broadcast_in_dim3A_29 = vector.broadcast %broadcast_in_dim3A_28 : vector<2560x1xi1> to vector<2560x128xi1>
    %broadcast_in_dim3A_30 = vector.broadcast %jit3A_27 : f32 to vector<2560x128xf32>
    %select_n3A_31 = arith.select %broadcast_in_dim3A_29, %rsqrt3A_26, %broadcast_in_dim3A_30 : vector<2560x128xi1>, vector<2560x128xf32>
    %get3A_32 = arith.constant 0 : index
    %get3A_33 = arith.constant 0 : index
    %get3A_34 = vector.load %arg0[%get3A_32, %get3A_33] : memref<1280x1024xf32, #tpu.memory_space<vmem>>, vector<1280x1024xf32>
    %get3A_35 = arith.constant 0 : index
    %get3A_36 = arith.constant 0 : index
    %get3A_37 = vector.load %arg1[%get3A_35, %get3A_36] : memref<1024x128xf32, #tpu.memory_space<vmem>>, vector<1024x128xf32>
    %dot_general3A = arith.constant dense<0.000000e+00> : vector<1280x128xf32>
    %dot_general3A_38 = tpu.matmul %get3A_34, %get3A_37, %dot_general3A {dimension_numbers = #tpu.dot_dimension_numbers<[1], [0], [0], [1], [0, 0, 1, 1], [], []>, transpose_lhs_hint = false} : vector<1280x1024xf32>, vector<1024x128xf32>, vector<1280x128xf32> -> vector<1280x128xf32>
    %mul3A = arith.mulf %dot_general3A_38, %select_n3A : vector<1280x128xf32>
    %swap3A = arith.constant 0 : index
    %swap3A_39 = arith.constant 0 : index
    %swap3A_40 = vector.load %arg6[%swap3A, %swap3A_39] : memref<1280x128xf32, #tpu.memory_space<vmem>>, vector<1280x128xf32>
    tpu.vector_store %arg6[%swap3A, %swap3A_39], %mul3A {strides = array<i32>} : memref<1280x128xf32, #tpu.memory_space<vmem>>, vector<1280x128xf32>,
    %swap3A_41 = arith.constant 0 : index
    %swap3A_42 = arith.constant 0 : index
    %swap3A_43 = vector.load %arg7[%swap3A_41, %swap3A_42] : memref<1280x128xf32, #tpu.memory_space<vmem>>, vector<1280x128xf32>
    tpu.vector_store %arg7[%swap3A_41, %swap3A_42], %select_n3A {strides = array<i32>} : memref<1280x128xf32, #tpu.memory_space<vmem>>, vector<1280x128xf32>,
    %swap3A_44 = arith.constant 0 : index
    %swap3A_45 = arith.constant 0 : index
    %swap3A_46 = vector.load %arg8[%swap3A_44, %swap3A_45] : memref<2560x128xf32, #tpu.memory_space<vmem>>, vector<2560x128xf32>
    tpu.vector_store %arg8[%swap3A_44, %swap3A_45], %select_n3A_31 {strides = array<i32>} : memref<2560x128xf32, #tpu.memory_space<vmem>>, vector<2560x128xf32>,
    return
  }
}

module attributes {stable_mosaic.version = 14 : i64} {
  func.func @body(%arg0: memref<1280x128xf32, #tpu.memory_space<vmem>>, %arg1: memref<1280x128xf32, #tpu.memory_space<vmem>>, %arg2: memref<1280x128xf32, #tpu.memory_space<vmem>>, %arg3: memref<1280x128xf32, #tpu.memory_space<vmem>>, %arg4: memref<128x256xf32, #tpu.memory_space<vmem>>, %arg5: memref<1x128xf32, #tpu.memory_space<vmem>>, %arg6: memref<1280x256xf32, #tpu.memory_space<vmem>>) attributes {dimension_semantics = [], scalar_prefetch = 0 : i64, scratch_operands = 0 : i64, tpu.core_type = #tpu.core_type<tc>} {
    %get3A = arith.constant 0 : index
    %get3A_0 = arith.constant 0 : index
    %get3A_1 = vector.load %arg3[%get3A, %get3A_0] : memref<1280x128xf32, #tpu.memory_space<vmem>>, vector<1280x128xf32>
    %get3A_2 = arith.constant 0 : index
    %get3A_3 = arith.constant 0 : index
    %get3A_4 = vector.load %arg0[%get3A_2, %get3A_3] : memref<1280x128xf32, #tpu.memory_space<vmem>>, vector<1280x128xf32>
    %get3A_5 = arith.constant 0 : index
    %get3A_6 = arith.constant 0 : index
    %get3A_7 = vector.load %arg1[%get3A_5, %get3A_6] : memref<1280x128xf32, #tpu.memory_space<vmem>>, vector<1280x128xf32>
    %add3A = arith.addf %get3A_4, %get3A_7 : vector<1280x128xf32>
    %get3A_8 = arith.constant 0 : index
    %get3A_9 = arith.constant 0 : index
    %get3A_10 = vector.load %arg2[%get3A_8, %get3A_9] : memref<1280x128xf32, #tpu.memory_space<vmem>>, vector<1280x128xf32>
    %add3A_11 = arith.addf %add3A, %get3A_10 : vector<1280x128xf32>
    %mul3A = arith.mulf %get3A_1, %add3A_11 : vector<1280x128xf32>
    %get3A_12 = arith.constant 0 : index
    %get3A_13 = arith.constant 0 : index
    %get3A_14 = vector.load %arg5[%get3A_12, %get3A_13] : memref<1x128xf32, #tpu.memory_space<vmem>>, vector<1x128xf32>
    %add3A_15 = vector.broadcast %get3A_14 : vector<1x128xf32> to vector<1280x128xf32>
    %add3A_16 = arith.addf %mul3A, %add3A_15 : vector<1280x128xf32>
    %max3A = arith.constant 0.000000e+00 : f32
    %max3A_17 = vector.broadcast %max3A : f32 to vector<1280x128xf32>
    %max3A_18 = arith.maximumf %add3A_16, %max3A_17 : vector<1280x128xf32>
    %mul3A_19 = arith.mulf %max3A_18, %get3A_1 : vector<1280x128xf32>
    %get3A_20 = arith.constant 0 : index
    %get3A_21 = arith.constant 0 : index
    %get3A_22 = vector.load %arg4[%get3A_20, %get3A_21] : memref<128x256xf32, #tpu.memory_space<vmem>>, vector<128x256xf32>
    %dot_general3A = arith.constant dense<0.000000e+00> : vector<1280x256xf32>
    %dot_general3A_23 = tpu.matmul %mul3A_19, %get3A_22, %dot_general3A {dimension_numbers = #tpu.dot_dimension_numbers<[1], [0], [0], [1], [0, 0, 1, 1], [], []>, transpose_lhs_hint = false} : vector<1280x128xf32>, vector<128x256xf32>, vector<1280x256xf32> -> vector<1280x256xf32>
    %swap3A = arith.constant 0 : index
    %swap3A_24 = arith.constant 0 : index
    %swap3A_25 = vector.load %arg6[%swap3A, %swap3A_24] : memref<1280x256xf32, #tpu.memory_space<vmem>>, vector<1280x256xf32>
    tpu.vector_store %arg6[%swap3A, %swap3A_24], %dot_general3A_23 {strides = array<i32>} : memref<1280x256xf32, #tpu.memory_space<vmem>>, vector<1280x256xf32>,
    return
  }
}

module attributes {stable_mosaic.version = 14 : i64} {
  func.func @body(%arg0: memref<2560x128xf32, #tpu.memory_space<vmem>>, %arg1: memref<2560x128xf32, #tpu.memory_space<vmem>>, %arg2: memref<2560x128xf32, #tpu.memory_space<vmem>>, %arg3: memref<2560x128xf32, #tpu.memory_space<vmem>>, %arg4: memref<128x128xf32, #tpu.memory_space<vmem>>, %arg5: memref<1x128xf32, #tpu.memory_space<vmem>>, %arg6: memref<2560x128xf32, #tpu.memory_space<vmem>>) attributes {dimension_semantics = [], scalar_prefetch = 0 : i64, scratch_operands = 0 : i64, tpu.core_type = #tpu.core_type<tc>} {
    %get3A = arith.constant 0 : index
    %get3A_0 = arith.constant 0 : index
    %get3A_1 = vector.load %arg3[%get3A, %get3A_0] : memref<2560x128xf32, #tpu.memory_space<vmem>>, vector<2560x128xf32>
    %get3A_2 = arith.constant 0 : index
    %get3A_3 = arith.constant 0 : index
    %get3A_4 = vector.load %arg0[%get3A_2, %get3A_3] : memref<2560x128xf32, #tpu.memory_space<vmem>>, vector<2560x128xf32>
    %get3A_5 = arith.constant 0 : index
    %get3A_6 = arith.constant 0 : index
    %get3A_7 = vector.load %arg1[%get3A_5, %get3A_6] : memref<2560x128xf32, #tpu.memory_space<vmem>>, vector<2560x128xf32>
    %add3A = arith.addf %get3A_4, %get3A_7 : vector<2560x128xf32>
    %get3A_8 = arith.constant 0 : index
    %get3A_9 = arith.constant 0 : index
    %get3A_10 = vector.load %arg2[%get3A_8, %get3A_9] : memref<2560x128xf32, #tpu.memory_space<vmem>>, vector<2560x128xf32>
    %add3A_11 = arith.addf %add3A, %get3A_10 : vector<2560x128xf32>
    %mul3A = arith.mulf %get3A_1, %add3A_11 : vector<2560x128xf32>
    %get3A_12 = arith.constant 0 : index
    %get3A_13 = arith.constant 0 : index
    %get3A_14 = vector.load %arg5[%get3A_12, %get3A_13] : memref<1x128xf32, #tpu.memory_space<vmem>>, vector<1x128xf32>
    %add3A_15 = vector.broadcast %get3A_14 : vector<1x128xf32> to vector<2560x128xf32>
    %add3A_16 = arith.addf %mul3A, %add3A_15 : vector<2560x128xf32>
    %get3A_17 = arith.constant 0 : index
    %get3A_18 = arith.constant 0 : index
    %get3A_19 = vector.load %arg4[%get3A_17, %get3A_18] : memref<128x128xf32, #tpu.memory_space<vmem>>, vector<128x128xf32>
    %dot_general3A = arith.constant dense<0.000000e+00> : vector<2560x128xf32>
    %dot_general3A_20 = tpu.matmul %add3A_16, %get3A_19, %dot_general3A {dimension_numbers = #tpu.dot_dimension_numbers<[1], [0], [0], [1], [0, 0, 1, 1], [], []>, transpose_lhs_hint = false} : vector<2560x128xf32>, vector<128x128xf32>, vector<2560x128xf32> -> vector<2560x128xf32>
    %mul3A_21 = arith.mulf %dot_general3A_20, %get3A_1 : vector<2560x128xf32>
    %swap3A = arith.constant 0 : index
    %swap3A_22 = arith.constant 0 : index
    %swap3A_23 = vector.load %arg6[%swap3A, %swap3A_22] : memref<2560x128xf32, #tpu.memory_space<vmem>>, vector<2560x128xf32>
    tpu.vector_store %arg6[%swap3A, %swap3A_22], %mul3A_21 {strides = array<i32>} : memref<2560x128xf32, #tpu.memory_space<vmem>>, vector<2560x128xf32>,
    return
  }
}

module attributes {stable_mosaic.version = 14 : i64} {
  func.func @body(%arg0: memref<2560x128xf32, #tpu.memory_space<vmem>>, %arg1: memref<2560x128xf32, #tpu.memory_space<vmem>>, %arg2: memref<2560x128xf32, #tpu.memory_space<vmem>>, %arg3: memref<2560x128xf32, #tpu.memory_space<vmem>>, %arg4: memref<1x128xf32, #tpu.memory_space<vmem>>, %arg5: memref<512x32xf32, #tpu.memory_space<vmem>>, %arg6: memref<32x64xf32, #tpu.memory_space<vmem>>, %arg7: memref<1x64xf32, #tpu.memory_space<vmem>>, %arg8: memref<64x128xf32, #tpu.memory_space<vmem>>, %arg9: memref<1x128xf32, #tpu.memory_space<vmem>>, %arg10: memref<32x64xf32, #tpu.memory_space<vmem>>, %arg11: memref<1x64xf32, #tpu.memory_space<vmem>>, %arg12: memref<64x128xf32, #tpu.memory_space<vmem>>, %arg13: memref<1x128xf32, #tpu.memory_space<vmem>>, %arg14: memref<128x256xf32, #tpu.memory_space<vmem>>, %arg15: memref<1x256xf32, #tpu.memory_space<vmem>>, %arg16: memref<384x256xf32, #tpu.memory_space<vmem>>, %arg17: memref<1x256xf32, #tpu.memory_space<vmem>>, %arg18: memref<512x256xf32, #tpu.memory_space<vmem>>) attributes {dimension_semantics = [], scalar_prefetch = 0 : i64, scratch_operands = 0 : i64, tpu.core_type = #tpu.core_type<tc>} {
    %get3A = arith.constant 0 : index
    %get3A_0 = arith.constant 0 : index
    %get3A_1 = vector.load %arg3[%get3A, %get3A_0] : memref<2560x128xf32, #tpu.memory_space<vmem>>, vector<2560x128xf32>
    %get3A_2 = arith.constant 0 : index
    %get3A_3 = arith.constant 0 : index
    %get3A_4 = vector.load %arg0[%get3A_2, %get3A_3] : memref<2560x128xf32, #tpu.memory_space<vmem>>, vector<2560x128xf32>
    %get3A_5 = arith.constant 0 : index
    %get3A_6 = arith.constant 0 : index
    %get3A_7 = vector.load %arg1[%get3A_5, %get3A_6] : memref<2560x128xf32, #tpu.memory_space<vmem>>, vector<2560x128xf32>
    %add3A = arith.addf %get3A_4, %get3A_7 : vector<2560x128xf32>
    %get3A_8 = arith.constant 0 : index
    %get3A_9 = arith.constant 0 : index
    %get3A_10 = vector.load %arg2[%get3A_8, %get3A_9] : memref<2560x128xf32, #tpu.memory_space<vmem>>, vector<2560x128xf32>
    %add3A_11 = arith.addf %add3A, %get3A_10 : vector<2560x128xf32>
    %mul3A = arith.mulf %get3A_1, %add3A_11 : vector<2560x128xf32>
    %get3A_12 = arith.constant 0 : index
    %get3A_13 = arith.constant 0 : index
    %get3A_14 = vector.load %arg4[%get3A_12, %get3A_13] : memref<1x128xf32, #tpu.memory_space<vmem>>, vector<1x128xf32>
    %add3A_15 = vector.broadcast %get3A_14 : vector<1x128xf32> to vector<2560x128xf32>
    %add3A_16 = arith.addf %mul3A, %add3A_15 : vector<2560x128xf32>
    %iota3A = tpu.iota {dimensions = array<i32: 0>} : vector<2560x1xi32>
    %lt3A = arith.constant 2500 : i32
    %lt3A_17 = vector.broadcast %lt3A : i32 to vector<2560x1xi32>
    %lt3A_18 = arith.cmpi slt, %iota3A, %lt3A_17 : vector<2560x1xi32>
    %jit3A = arith.constant 0.000000e+00 : f32
    %broadcast_in_dim3A = vector.shape_cast %lt3A_18 : vector<2560x1xi1> to vector<2560x1xi1>
    %broadcast_in_dim3A_19 = vector.broadcast %broadcast_in_dim3A : vector<2560x1xi1> to vector<2560x128xi1>
    %broadcast_in_dim3A_20 = vector.broadcast %jit3A : f32 to vector<2560x128xf32>
    %select_n3A = arith.select %broadcast_in_dim3A_19, %add3A_16, %broadcast_in_dim3A_20 : vector<2560x128xi1>, vector<2560x128xf32>
    %reduce_sum3A = arith.constant dense<0.000000e+00> : vector<128xf32>
    %reduce_sum3A_21 = vector.multi_reduction <add>, %select_n3A, %reduce_sum3A [0] : vector<2560x128xf32> to vector<128xf32>
    %broadcast_in_dim3A_22 = vector.shape_cast %reduce_sum3A_21 : vector<128xf32> to vector<1x128xf32>
    %slice3A = vector.extract_strided_slice %broadcast_in_dim3A_22 {offsets = [0, 0], sizes = [1, 32], strides = [1, 1]} : vector<1x128xf32> to vector<1x32xf32>
    %slice3A_23 = vector.extract_strided_slice %broadcast_in_dim3A_22 {offsets = [0, 32], sizes = [1, 32], strides = [1, 1]} : vector<1x128xf32> to vector<1x32xf32>
    %add3A_24 = arith.addf %slice3A, %slice3A_23 : vector<1x32xf32>
    %slice3A_25 = vector.extract_strided_slice %broadcast_in_dim3A_22 {offsets = [0, 64], sizes = [1, 32], strides = [1, 1]} : vector<1x128xf32> to vector<1x32xf32>
    %add3A_26 = arith.addf %add3A_24, %slice3A_25 : vector<1x32xf32>
    %slice3A_27 = vector.extract_strided_slice %broadcast_in_dim3A_22 {offsets = [0, 96], sizes = [1, 32], strides = [1, 1]} : vector<1x128xf32> to vector<1x32xf32>
    %add3A_28 = arith.addf %add3A_26, %slice3A_27 : vector<1x32xf32>
    %mul3A_29 = arith.constant 9.99999974E-5 : f32
    %mul3A_30 = vector.broadcast %mul3A_29 : f32 to vector<1x32xf32>
    %mul3A_31 = arith.mulf %add3A_28, %mul3A_30 : vector<1x32xf32>
    %get3A_32 = arith.constant 0 : index
    %get3A_33 = arith.constant 0 : index
    %get3A_34 = vector.load %arg6[%get3A_32, %get3A_33] : memref<32x64xf32, #tpu.memory_space<vmem>>, vector<32x64xf32>
    %dot_general3A = arith.constant dense<0.000000e+00> : vector<1x64xf32>
    %dot_general3A_35 = tpu.matmul %mul3A_31, %get3A_34, %dot_general3A {dimension_numbers = #tpu.dot_dimension_numbers<[1], [0], [0], [1], [0, 0, 1, 1], [], []>, transpose_lhs_hint = false} : vector<1x32xf32>, vector<32x64xf32>, vector<1x64xf32> -> vector<1x64xf32>
    %get3A_36 = arith.constant 0 : index
    %get3A_37 = arith.constant 0 : index
    %get3A_38 = vector.load %arg7[%get3A_36, %get3A_37] : memref<1x64xf32, #tpu.memory_space<vmem>>, vector<1x64xf32>
    %add3A_39 = arith.addf %dot_general3A_35, %get3A_38 : vector<1x64xf32>
    %get3A_40 = arith.constant 0 : index
    %get3A_41 = arith.constant 0 : index
    %get3A_42 = vector.load %arg8[%get3A_40, %get3A_41] : memref<64x128xf32, #tpu.memory_space<vmem>>, vector<64x128xf32>
    %dot_general3A_43 = arith.constant dense<0.000000e+00> : vector<1x128xf32>
    %dot_general3A_44 = tpu.matmul %add3A_39, %get3A_42, %dot_general3A_43 {dimension_numbers = #tpu.dot_dimension_numbers<[1], [0], [0], [1], [0, 0, 1, 1], [], []>, transpose_lhs_hint = false} : vector<1x64xf32>, vector<64x128xf32>, vector<1x128xf32> -> vector<1x128xf32>
    %get3A_45 = arith.constant 0 : index
    %get3A_46 = arith.constant 0 : index
    %get3A_47 = vector.load %arg9[%get3A_45, %get3A_46] : memref<1x128xf32, #tpu.memory_space<vmem>>, vector<1x128xf32>
    %add3A_48 = arith.addf %dot_general3A_44, %get3A_47 : vector<1x128xf32>
    %get3A_49 = arith.constant 0 : index
    %get3A_50 = arith.constant 0 : index
    %get3A_51 = vector.load %arg5[%get3A_49, %get3A_50] : memref<512x32xf32, #tpu.memory_space<vmem>>, vector<512x32xf32>
    %get3A_52 = arith.constant 0 : index
    %get3A_53 = arith.constant 0 : index
    %get3A_54 = vector.load %arg10[%get3A_52, %get3A_53] : memref<32x64xf32, #tpu.memory_space<vmem>>, vector<32x64xf32>
    %dot_general3A_55 = arith.constant dense<0.000000e+00> : vector<512x64xf32>
    %dot_general3A_56 = tpu.matmul %get3A_51, %get3A_54, %dot_general3A_55 {dimension_numbers = #tpu.dot_dimension_numbers<[1], [0], [0], [1], [0, 0, 1, 1], [], []>, transpose_lhs_hint = false} : vector<512x32xf32>, vector<32x64xf32>, vector<512x64xf32> -> vector<512x64xf32>
    %get3A_57 = arith.constant 0 : index
    %get3A_58 = arith.constant 0 : index
    %get3A_59 = vector.load %arg11[%get3A_57, %get3A_58] : memref<1x64xf32, #tpu.memory_space<vmem>>, vector<1x64xf32>
    %add3A_60 = vector.broadcast %get3A_59 : vector<1x64xf32> to vector<512x64xf32>
    %add3A_61 = arith.addf %dot_general3A_56, %add3A_60 : vector<512x64xf32>
    %max3A = arith.constant 0.000000e+00 : f32
    %max3A_62 = vector.broadcast %max3A : f32 to vector<512x64xf32>
    %max3A_63 = arith.maximumf %add3A_61, %max3A_62 : vector<512x64xf32>
    %get3A_64 = arith.constant 0 : index
    %get3A_65 = arith.constant 0 : index
    %get3A_66 = vector.load %arg12[%get3A_64, %get3A_65] : memref<64x128xf32, #tpu.memory_space<vmem>>, vector<64x128xf32>
    %dot_general3A_67 = arith.constant dense<0.000000e+00> : vector<512x128xf32>
    %dot_general3A_68 = tpu.matmul %max3A_63, %get3A_66, %dot_general3A_67 {dimension_numbers = #tpu.dot_dimension_numbers<[1], [0], [0], [1], [0, 0, 1, 1], [], []>, transpose_lhs_hint = false} : vector<512x64xf32>, vector<64x128xf32>, vector<512x128xf32> -> vector<512x128xf32>
    %get3A_69 = arith.constant 0 : index
    %get3A_70 = arith.constant 0 : index
    %get3A_71 = vector.load %arg13[%get3A_69, %get3A_70] : memref<1x128xf32, #tpu.memory_space<vmem>>, vector<1x128xf32>
    %add3A_72 = vector.broadcast %get3A_71 : vector<1x128xf32> to vector<512x128xf32>
    %add3A_73 = arith.addf %dot_general3A_68, %add3A_72 : vector<512x128xf32>
    %max3A_74 = arith.constant 0.000000e+00 : f32
    %max3A_75 = vector.broadcast %max3A_74 : f32 to vector<512x128xf32>
    %max3A_76 = arith.maximumf %add3A_73, %max3A_75 : vector<512x128xf32>
    %get3A_77 = arith.constant 0 : index
    %get3A_78 = arith.constant 0 : index
    %get3A_79 = vector.load %arg14[%get3A_77, %get3A_78] : memref<128x256xf32, #tpu.memory_space<vmem>>, vector<128x256xf32>
    %dot_general3A_80 = arith.constant dense<0.000000e+00> : vector<512x256xf32>
    %dot_general3A_81 = tpu.matmul %max3A_76, %get3A_79, %dot_general3A_80 {dimension_numbers = #tpu.dot_dimension_numbers<[1], [0], [0], [1], [0, 0, 1, 1], [], []>, transpose_lhs_hint = false} : vector<512x128xf32>, vector<128x256xf32>, vector<512x256xf32> -> vector<512x256xf32>
    %get3A_82 = arith.constant 0 : index
    %get3A_83 = arith.constant 0 : index
    %get3A_84 = vector.load %arg15[%get3A_82, %get3A_83] : memref<1x256xf32, #tpu.memory_space<vmem>>, vector<1x256xf32>
    %add3A_85 = vector.broadcast %get3A_84 : vector<1x256xf32> to vector<512x256xf32>
    %add3A_86 = arith.addf %dot_general3A_81, %add3A_85 : vector<512x256xf32>
    %max3A_87 = arith.constant 0.000000e+00 : f32
    %max3A_88 = vector.broadcast %max3A_87 : f32 to vector<512x256xf32>
    %max3A_89 = arith.maximumf %add3A_86, %max3A_88 : vector<512x256xf32>
    %get3A_90 = arith.constant 0 : index
    %get3A_91 = arith.constant 0 : index
    %get3A_92 = vector.load %arg16[%get3A_90, %get3A_91] : memref<384x256xf32, #tpu.memory_space<vmem>>, vector<128x256xf32>
    %dot_general3A_93 = arith.constant dense<0.000000e+00> : vector<1x256xf32>
    %dot_general3A_94 = tpu.matmul %add3A_48, %get3A_92, %dot_general3A_93 {dimension_numbers = #tpu.dot_dimension_numbers<[1], [0], [0], [1], [0, 0, 1, 1], [], []>, transpose_lhs_hint = false} : vector<1x128xf32>, vector<128x256xf32>, vector<1x256xf32> -> vector<1x256xf32>
    %get3A_95 = arith.constant 128 : index
    %get3A_96 = arith.constant 0 : index
    %get3A_97 = vector.load %arg16[%get3A_95, %get3A_96] : memref<384x256xf32, #tpu.memory_space<vmem>>, vector<256x256xf32>
    %dot_general3A_98 = arith.constant dense<0.000000e+00> : vector<512x256xf32>
    %dot_general3A_99 = tpu.matmul %max3A_89, %get3A_97, %dot_general3A_98 {dimension_numbers = #tpu.dot_dimension_numbers<[1], [0], [0], [1], [0, 0, 1, 1], [], []>, transpose_lhs_hint = false} : vector<512x256xf32>, vector<256x256xf32>, vector<512x256xf32> -> vector<512x256xf32>
    %add3A_100 = vector.broadcast %dot_general3A_94 : vector<1x256xf32> to vector<512x256xf32>
    %add3A_101 = arith.addf %add3A_100, %dot_general3A_99 : vector<512x256xf32>
    %get3A_102 = arith.constant 0 : index
    %get3A_103 = arith.constant 0 : index
    %get3A_104 = vector.load %arg17[%get3A_102, %get3A_103] : memref<1x256xf32, #tpu.memory_space<vmem>>, vector<1x256xf32>
    %add3A_105 = vector.broadcast %get3A_104 : vector<1x256xf32> to vector<512x256xf32>
    %add3A_106 = arith.addf %add3A_101, %add3A_105 : vector<512x256xf32>
    %max3A_107 = arith.constant 0.000000e+00 : f32
    %max3A_108 = vector.broadcast %max3A_107 : f32 to vector<512x256xf32>
    %max3A_109 = arith.maximumf %add3A_106, %max3A_108 : vector<512x256xf32>
    %swap3A = arith.constant 0 : index
    %swap3A_110 = arith.constant 0 : index
    %swap3A_111 = vector.load %arg18[%swap3A, %swap3A_110] : memref<512x256xf32, #tpu.memory_space<vmem>>, vector<512x256xf32>
    tpu.vector_store %arg18[%swap3A, %swap3A_110], %max3A_109 {strides = array<i32>} : memref<512x256xf32, #tpu.memory_space<vmem>>, vector<512x256xf32>,
    return
  }
}

</mosaic_0001>

<sc_bundles>
// kernel: kernel.10.cloned.1.call-start
scs
__scs_entry_jumppad:
0x0: {  	(pc) =	sbr.rel $0x88, $3  }
0x1: {  	(tag) =	ssettag $0x0;
	lr =	simm.s32 $0x1  }
0x2: {  	[smem:$0x3F8C] =	sst lr;
	_ =	strace $0xD0000000  }
0x3: {  	_ = 	snop  }
0x4: {  	_ = 	snop  }
0x5: {  	_ = 	snop  }
0x6: {  	_ = 	snop  }
0x7: {  	_ = 	snop  }
__scs_overlays_trampoline_lowered:
0x8: {  	[smem:$0x3F9B] =	sst s0  }
0x9: {  	[smem:$0x3F9C] =	sst s1  }
0xa: {  	[smem:$0x3F9D] =	sst s2  }
0xb: {  	[smem:$0x3F9E] =	sst s3  }
0xc: {  	[smem:$0x3F9F] =	sst s4  }
0xd: {  	[smem:$0x3FA0] =	sst s5  }
0xe: {  	[smem:$0x3FA1] =	sst s6  }
0xf: {  	[smem:$0x3FA2] =	sst s7  }
0x10: {  	[smem:$0x3FA3] =	sst s8  }
0x11: {  	[smem:$0x3FA4] =	sst s9;
	s0 =	simm.s32 @!p0 $0x0  }
0x12: {  	s1 =	sld [smem:$0x3F8A];
	s0 =	simm.s32 @p0 $0x1  }
0x13: {  	[smem:$0x3FA5] =	sst s0;
	s0 =	simm.s32 @!p1 $0x0  }
0x14: {  	s2 =	sld [smem:$0x3F89];
	s0 =	simm.s32 @p1 $0x1  }
0x15: {  	[smem:$0x3FA6] =	sst s0;
	s0 =	simm.s32 @!p2 $0x0  }
0x16: {  	s3 =	sld [smem:$0x3FDB];
	s0 =	simm.s32 @p2 $0x1  }
0x17: {  	s4 =	simm.s32 $0x1BF5;
	[smem:$0x3FA8] =	sst s0  }
0x18: {  	s0 =	sld [smem:$0x3F8B];
	_ =	swait.ge [sflag:s4], $0x0  }
0x19: {  	s7 =	sld [smem:$0x3F8C]  }
0x1a: {  	s8 =	sadd.s32 $0xFFFFE003, lr  }
0x1b: {  	s9 =	sadd.s32 $0xFFFFFEF7, lr;
	s5 =	simm.s32 $0xFFFFFFFF;
	p2 =	slt.u32 s8, $0xFFFFF086  }
0x1c: {  	p1 =	slt.u32 s9, $0xF7A;
	s5 =	simm.s32 @!p2 $0x0  }
0x1d: {  	s5 =	simm.s32 @p1 $0x1;
	p0 =	seq.s32 s7, s2  }
0x1e: {  	s7 =	smul.u32 @!p0 $0xF7A, s2;
	p2 =	seq.s32 @!p0 s5, $0x0  }
0x1f: {  	s9 =	smul.u32 $0xF7A, s1;
	s8 =	simm.s32 @!p0 $0x1BF5;
	p2 =	por !p2, p0  }
0x20: {  	[sflag:s8] =	ssyncset.s32 @!p0 $0xFFFFF086;
	s6 =	sadd.s32 @!p0 s3, s7;
	s7 =	simm.s32 @!p0 $0x108  }
0x21: {  	s3 =	sadd.s32 s3, s9;
	s6 =	sadd.s32 @!p0 $0x88, s6;
	s7 =	simm.s32 @p2 $0x1082  }
0x22: {  	[simem:s7], [sflag:s8] =	dma.local @!p0 [hbm:s6], $0xF7A  }
0x23: {  	s9 =	sor.u32 $0xD0000000, s2;
	s6 =	simm.s32 $0x108;
	_ =	swait.ge @!p0 [sflag:s8], $0x0  }
0x24: {  	s3 =	sadd.s32 $0x88, s3;
	s6 =	simm.s32 @!p1 $0x1082;
	[sflag:s4] =	ssyncset.s32 $0xFFFFF086  }
0x25: {  	[simem:s6], [sflag:s4] =	dma.local [hbm:s3], $0xF7A  }
0x26: {  	[smem:$0x3F8C] =	sst s1;
	(tag) =	ssettag s2;
	_ =	strace s9  }
0x27: {  	s1 =	sld [smem:$0x3F9C]  }
0x28: {  	s2 =	sld [smem:$0x3F9D]  }
0x29: {  	s4 =	sld [smem:$0x3F9F]  }
0x2a: {  	p0 =	seq.s32 s5, $0x0;
	s5 =	sld [smem:$0x3FA0]  }
0x2b: {  	s6 =	sld [smem:$0x3FA1]  }
0x2c: {  	s7 =	sld [smem:$0x3FA2]  }
0x2d: {  	s3 =	simm.s32 $0x108;
	s8 =	sld [smem:$0x3FA3]  }
0x2e: {  	s3 =	simm.s32 @!p0 $0x1082;
	s9 =	sld [smem:$0x3FA4]  }
0x2f: {  	lr =	sadd.s32 s0, s3;
	s0 =	sld [smem:$0x3F9B]  }
0x30: {  	s3 =	sld [smem:$0x3F9E]  }
0x31: {  	[smem:$0x3FA7] =	sst s10  }
0x32: {  	s10 =	sld [smem:$0x3FA5];
	_ =	sdelay $0x3  }
0x33: {  	p0 =	seq.s32 s10, $0x1;
	s10 =	sld [smem:$0x3FA7];
	_ =	sdelay $0x3  }
0x34: {  	[smem:$0x3FA7] =	sst s10  }
0x35: {  	s10 =	sld [smem:$0x3FA6];
	_ =	sdelay $0x3  }
0x36: {  	p1 =	seq.s32 s10, $0x1;
	s10 =	sld [smem:$0x3FA7];
	_ =	sdelay $0x3  }
0x37: {  	[smem:$0x3FA7] =	sst s10  }
0x38: {  	s10 =	sld [smem:$0x3FA8]  }
0x39: {  	_ = 	snop;
	(pc) =	sbr.ind lr, $3  }
0x3a: {  	_ = 	snop  }
0x3b: {  	_ = 	snop  }
0x3c: {  	p2 =	seq.s32 s10, $0x1;
	s10 =	sld [smem:$0x3FA7]  }
0x3d: {  	_ =	shalt  }
0x3e: {  	_ =	shalt  }
0x3f: {  	_ =	shalt  }
0x40: {  	_ =	shalt  }
0x41: {  	_ =	shalt  }
0x42: {  	_ =	shalt  }
0x43: {  	_ =	shalt  }
0x44: {  	_ =	shalt  }
0x45: {  	_ =	shalt  }
0x46: {  	_ =	shalt  }
0x47: {  	_ =	shalt  }
0x48: {  	_ =	shalt  }
0x49: {  	_ =	shalt  }
0x4a: {  	_ =	shalt  }
0x4b: {  	_ =	shalt  }
0x4c: {  	_ =	shalt  }
0x4d: {  	_ =	shalt  }
0x4e: {  	_ =	shalt  }
0x4f: {  	_ =	shalt  }
0x50: {  	_ =	shalt  }
0x51: {  	_ =	shalt  }
0x52: {  	_ =	shalt  }
0x53: {  	_ =	shalt  }
0x54: {  	_ =	shalt  }
0x55: {  	_ =	shalt  }
0x56: {  	_ =	shalt  }
0x57: {  	_ =	shalt  }
0x58: {  	_ =	shalt  }
0x59: {  	_ =	shalt  }
0x5a: {  	_ =	shalt  }
0x5b: {  	_ =	shalt  }
0x5c: {  	_ =	shalt  }
0x5d: {  	_ =	shalt  }
0x5e: {  	_ =	shalt  }
0x5f: {  	_ =	shalt  }
0x60: {  	_ =	shalt  }
0x61: {  	_ =	shalt  }
0x62: {  	_ =	shalt  }
0x63: {  	_ =	shalt  }
0x64: {  	_ =	shalt  }
0x65: {  	_ =	shalt  }
0x66: {  	_ =	shalt  }
0x67: {  	_ =	shalt  }
0x68: {  	_ =	shalt  }
0x69: {  	_ =	shalt  }
0x6a: {  	_ =	shalt  }
0x6b: {  	_ =	shalt  }
0x6c: {  	_ =	shalt  }
0x6d: {  	_ =	shalt  }
0x6e: {  	_ =	shalt  }
0x6f: {  	_ =	shalt  }
0x70: {  	_ =	shalt  }
0x71: {  	_ =	shalt  }
0x72: {  	_ =	shalt  }
0x73: {  	_ =	shalt  }
0x74: {  	_ =	shalt  }
0x75: {  	_ =	shalt  }
0x76: {  	_ =	shalt  }
0x77: {  	_ =	shalt  }
0x78: {  	_ =	shalt  }
0x79: {  	_ =	shalt  }
0x7a: {  	_ =	shalt  }
0x7b: {  	_ =	shalt  }
0x7c: {  	_ =	shalt  }
0x7d: {  	_ =	shalt  }
0x7e: {  	_ =	shalt  }
0x7f: {  	_ =	shalt  }
0x80: {  	_ =	shalt  }
0x81: {  	_ =	shalt  }
0x82: {  	_ =	shalt  }
0x83: {  	_ =	shalt  }
0x84: {  	_ =	shalt  }
0x85: {  	_ =	shalt  }
0x86: {  	_ =	shalt  }
0x87: {  	_ =	shalt  }
.Lfunc_end0:
.L_simem_size_0:
called_computation_lowered:
.L_overlay_start_0:
0x88: {  	s2 =	sld [smem:$0x3FD9]  }
0x89: {  	s3 =	sld [smem:$0x3FFE];
	_ =	sdelay $0x1  }
0x8a: {  	s1 =	srdreg.scid  }
0x8b: {  	s0 =	sand.u32 $0x1, s1  }
0x8c: {  	s17 =	sshll.u32 s0, $0xA;
	s2 =	sadd.s32 s3, s2  }
0x8d: {  	s2 =	sadd.s32 s2, s17  }
0x8e: {  	[smem:$0x3FB3] =	sst s2  }
0x8f: {  	_ = 	snop  }
0x90: {  	s2 =	sld [smem:$0x3FD0];
	(tm) =	ssettm $0x1  }
0x91: {  	s18 =	sld [smem:$0x3FFB];
	_ =	sdelay $0x3  }
0x92: {  	_ =	strace s18  }
0x93: {  	s3 =	sld [smem:$0x3FFC];
	_ =	sdelay $0x3  }
0x94: {  	_ =	strace s3  }
0x95: {  	s3 =	sld [smem:$0x3FFD];
	_ =	sdelay $0x3  }
0x96: {  	_ =	strace s3  }
0x97: {  	_ =	strace $0x8FFFFFFF  }
0x98: {  	s19 =	sld [smem:$0x3FDB];
	_ =	sdelay $0x1  }
0x99: {  	s4 =	simm.s32 $_scs_section_size  }
0x9a: {  	s5 =	simm.s32 $_size__tile_overlayer_lowered;
	s6 =	simm.s32 $_tile_overlayer_lowered  }
0x9b: {  	s22 =	simm.s32 $0x1BFF;
	s21 =	sshll.u32 s6, $0x1;
	s3 =	sadd.s32 s4, s19  }
0x9c: {  	s7 =	simm.s32 $0x0;
	s20 =	sshll.u32 s5, $0x1;
	s5 =	sadd.s32 s21, s3  }
0x9d: {  	[timem:s7], [sflag:s22] =	dma.local [hbm:s5], s20  }
0x9e: {  	_ =	swait.ge [sflag:s22], s20  }
0x9f: {  	s4 =	ssub.s32 $0x0, s20;
	[sflag:s22] =	ssyncset.done $0x0  }
0xa0: {  	[sflag:s22] =	ssyncadd.s32 s4;
	_ =	sdelay $0x1  }
0xa1: {  	s23 =	simm.s32 $0x1B8B  }
0xa2: {  	_ =	swait.ge [sflag:s23], $0x1  }
0xa3: {  	[sflag:s23] =	ssyncset.done $0x0  }
0xa4: {  	s25 =	simm.s32 $0x1B8E;
	s24 =	sld [smem:$0x3FFE];
	[sflag:s23] =	ssyncadd.s32 $0xFFFFFFFF  }
0xa5: {  	s26 =	simm.s32 $execute0_lowered;
	[smem:$0x3FD2] =	sst s25  }
0xa6: {  	s5 =	sshll.u32 s26, $0x1;
	_ =	strace $0x80000046;
	[dreg:$0x1] =	wrdreg $0xFFFFFFFF  }
0xa7: {  	s28 =	simm.s32 $_size_execute0_lowered;
	s3 =	sadd.s32 s3, s5;
	[dreg:$0x0] =	wrdreg $0x0  }
0xa8: {  	s5 =	sshll.u32 s28, $0x1;
	[dreg:$0x2] =	wrdreg s3  }
0xa9: {  	[dreg:$0x3] =	wrdreg s5  }
0xaa: {  	[dreg:$0x4] =	wrdreg $0xC0  }
0xab: {  	_ =	task [dreg:s7], $0x5FFFF  }
0xac: {  	[dreg:$0x1] =	wrdreg $0xFFFFFFFF  }
0xad: {  	[dreg:$0x0] =	wrdreg $0x60  }
0xae: {  	[dreg:$0x2] =	wrdreg s24  }
0xaf: {  	[dreg:$0x3] =	wrdreg s2  }
0xb0: {  	[dreg:$0x4] =	wrdreg $0xA8000  }
0xb1: {  	[dreg:$0x5] =	wrdreg $0x9  }
0xb2: {  	_ =	task.clear_ibuf [dreg:s7], $0x6FFFF;
	_ =	strace $0x90000046  }
0xb3: {  	s29 =	simm.s32 $0x9;
	_ =	strace $0x80000048  }
0xb4: {  	_ =	swait.ge [sflag:s29], $0x1  }
0xb5: {  	[sflag:s29] =	ssyncadd.s32 $0xFFFFFFFF  }
0xb6: {  	_ =	strace $0x90000048  }
0xb7: {  	_ =	sfence  }
0xb8: {  	s30 =	sld [smem:$0x0];
	_ =	sdelay $0x2  }
0xb9: {  	s31 =	sshll.u32 s1, $0xD;
	s1 =	sshrl.u32 s1, $0x2  }
0xba: {  	s3 =	sand.u32 $0x4000, s31;
	s1 =	sadd.s32 s1, s30  }
0xbb: {  	s0 =	sor.u32 s3, s0;
	s1 =	sshll.u32 s1, $0x11  }
0xbc: {  	s0 =	sor.u32 s1, s0  }
0xbd: {  	s0 =	sadd.s32 $0x8F2B, s0  }
0xbe: {  	[sflag:s0] =	ssyncadd.remote.s32 $0x1  }
0xbf: {  	_ =	sfence.sel $0xFFFF  }
0xc0: {  	[dreg:$0x0] =	wrdreg $0xFFFFFFFF;
	(pc) =	sbr.abs _section_cstart, $3  }
0xc1: {  	[dreg:$0x1] =	wrdreg $0xFFFFFFFF  }
0xc2: {  	_ =	task.clear_ibuf [dreg:s7], $0x2FFFF;
	_ =	strace $0x9FFFFFFF  }
0xc3: {  	(tm) =	ssettm $0x7FFFFFFF  }
tec
execute0_lowered:
.L_overlay_start_1:
0x0: {  	(tag) =	ssettag $0x1  }
0x1: {  	s0 =	rddreg [dreg:$0x0]  }
0x2: {  	s2 =	rddreg [dreg:$0x2];
	s4 =	simm.s32 $0x0  }
0x3: {  	s1 =	srdreg.scid;
	s17 =	stileid.u32;
	s21 =	simm.s32 $0x1  }
0x4: {  	s28 =	simm.s32 $0x4;
	s30 =	simm.s32 $0x5;
	s19 =	simm.s32 $0x8  }
0x5: {  	s29 =	simm.s32 $0xD000;
	s31 =	simm.s32 $0xF800;
	[smem:$0x7FF] =	sst s4  }
0x6: {  	s1 =	sand.u32 $0x1, s1;
	s3 =	sshll.u32 s17, $0x1;
	s5 =	sadd.s32 $0x1AA00, s0  }
0x7: {  	s6 =	sadd.s32 $0x6C00, s0;
	s12 =	sadd.s32 $0x2EC00, s0;
	s11 =	sadd.s32 $0x33C00, s0  }
0x8: {  	s13 =	sadd.s32 $0x1AC00, s0;
	s14 =	sadd.s32 $0x24C00, s0;
	s15 =	smul.u32 $0x2800, s17  }
0x9: {  	s23 =	sshll.u32 s17, $0x6;
	s10 =	sadd.s32 $0x1A740, s0;
	s25 =	smul.u32 $0xA00, s17  }
0xa: {  	s17 =	simm.s32 $0x100;
	_ =	strace $0x80000047;
	s3 =	sor.u32 s1, s3  }
0xb: {  	s8 =	ssub.s32 $0x2, s1;
	p0 =	seq.s32 s1, $0x1;
	s1 =	simm.s32 $0x7  }
0xc: {  	s7 =	smul.u32 $0x2800, s3;
	s9 =	sshrl.u32 s8, $0x1;
	s26 =	sshrl.u32 s15, $0x3  }
0xd: {  	s12 =	smov.u32 @p0 s11;
	s13 =	smov.u32 @p0 s14;
	p0 =	seq.s32 s3, $0x1F  }
0xe: {  	s3 =	simm.s32 $0x0;
	s16 =	ssub.s32 s8, s9;
	s8 =	sor.u32 $0x1C09, s23  }
0xf: {  	s12 =	sadd.s32 s12, s26;
	s13 =	sadd.s32 s13, s25;
	s23 =	simm.s32 $0x2  }
0x10: {  	s25 =	simm.s32 $0x3;
	s26 =	simm.s32 $0x2700;
	s7 =	sshrl.u32 s7, $0x3  }
0x11: {  	s11 =	smax.u32 s16, $0x1;
	s16 =	simm.s32 $0x2800;
	s24 =	sadd.s32 s0, s7  }
0x12: {  	s7 =	sadd.s32 s15, s2;
	s15 =	simm.s32 $0x9;
	s0 =	simm.s32 $0x6  }
0x13: {  	s9 =	sadd.s32 $0x10C40, s24;
	s14 =	sshrl.u32 s7, $0x3;
	s24 =	simm.s32 $0x2600  }
.LBB2_1:
0x14: {  	s18 =	rddreg [dreg:$0x1]  }
0x15: {  	[spmem:s14], [sflag:s8] =	dma.local [hbm:s18], $0x500  }
0x16: {  	_ =	swait.ge [sflag:s15], $0x500  }
0x17: {  	[sflag:s15] =	ssyncset.done $0x0  }
0x18: {  	s20 =	simm.s32 @p0 $0x9;
	s18 =	simm.s32 @p0 $0x0;
	[sflag:s15] =	ssyncadd.s32 $0xFFFFFB00  }
0x19: {  	[tilespmem:s18], [sflag:$0x9] =	stream.linear.gather @p0 [hbm4b:s10+s18], $0xA00, $0x38;
	[tilespmem:$0x14800] =	vst v63  }
0x1a: {  	_ =	swait.ge @p0 [sflag:s20], $0xA00  }
0x1b: {  	[sflag:s20] =	ssyncset.done @p0 $0x0  }
0x1c: {  	s22 =	simm.s32 @p0 $0xA00;
	[sflag:s20] =	ssyncadd.s32 @p0 $0xFFFFF600  }
0x1d: {  	[tilespmem:s22], [sflag:$0x9] =	stream.linear.gather @p0 [hbm4b:s6+s18], $0x1E00, $0x38;
	[tilespmem:$0x14800] =	vst v63  }
0x1e: {  	_ =	swait.ge @p0 [sflag:s20], $0x1E00  }
0x1f: {  	[sflag:s20] =	ssyncset.done @p0 $0x0  }
0x20: {  	s18 =	simm.s32 @!p0 $0x0;
	[sflag:s20] =	ssyncadd.s32 @p0 $0xFFFFE200  }
0x21: {  	[tilespmem:s18], [sflag:$0x9] =	stream.linear.gather @!p0 [hbm4b:s9+s18], $0x2800, $0x38;
	[tilespmem:$0x14800] =	vst v63  }
0x22: {  	s18 =	simm.s32 @!p0 $0x9  }
0x23: {  	_ =	swait.ge @!p0 [sflag:s18], $0x2800  }
0x24: {  	[sflag:s18] =	ssyncset.done @!p0 $0x0  }
0x25: {  	[sflag:s18] =	ssyncadd.s32 @!p0 $0xFFFFD800  }
0x26: {  	[tilespmem:s16], [sflag:$0x9] =	stream.linear.gather [hbm4b:s5+s4], $0x1000, $0x38;
	[tilespmem:$0x14800] =	vst v63  }
0x27: {  	_ =	swait.ge [sflag:s15], $0x1000  }
0x28: {  	[sflag:s15] =	ssyncset.done $0x0  }
0x29: {  	[sflag:s15] =	ssyncadd.s32 $0xFFFFF000  }
0x2a: {  	[bflag:$0x0] =	sbarrier.arrive $0xFFFF  }
0x2b: {  	[spmem:s2] =	stream.indirect.scatter.add.f32 [tilespmem:s16], [sflag:$0x1], $0x10, s4, s17, $0xb8;
	[tilespmem:$0x14800] =	vst v63  }
0x2c: {  	_ = 	snop  }
0x2d: {  	[spmem:s2] =	stream.indirect.scatter.add.f32 [tilespmem:s16], [sflag:$0x2], $0x10, s17, s17, $0xb8;
	[tilespmem:$0x14800] =	vst v63  }
0x2e: {  	s22 =	simm.s32 $0x200  }
0x2f: {  	[spmem:s2] =	stream.indirect.scatter.add.f32 [tilespmem:s16], [sflag:$0x3], $0x10, s22, s17, $0xb8;
	[tilespmem:$0x14800] =	vst v63  }
0x30: {  	s20 =	simm.s32 $0x300  }
0x31: {  	[spmem:s2] =	stream.indirect.scatter.add.f32 [tilespmem:s16], [sflag:$0x4], $0x10, s20, s17, $0xb8;
	[tilespmem:$0x14800] =	vst v63  }
0x32: {  	s22 =	simm.s32 $0x400  }
0x33: {  	[spmem:s2] =	stream.indirect.scatter.add.f32 [tilespmem:s16], [sflag:$0x5], $0x10, s22, s17, $0xb8;
	[tilespmem:$0x14800] =	vst v63  }
0x34: {  	_ =	swait.ge [sflag:s21], $0x1000  }
0x35: {  	[sflag:s21] =	ssyncset.done $0x0  }
0x36: {  	s20 =	simm.s32 $0x500;
	[sflag:s21] =	ssyncadd.s32 $0xFFFFF000  }
0x37: {  	[spmem:s2] =	stream.indirect.scatter.add.f32 [tilespmem:s16], [sflag:$0x6], $0x10, s20, s17, $0xb8;
	[tilespmem:$0x14800] =	vst v63  }
0x38: {  	_ =	swait.ge [sflag:s23], $0x1000  }
0x39: {  	[sflag:s23] =	ssyncset.done $0x0  }
0x3a: {  	s22 =	simm.s32 $0x600;
	[sflag:s23] =	ssyncadd.s32 $0xFFFFF000  }
0x3b: {  	[spmem:s2] =	stream.indirect.scatter.add.f32 [tilespmem:s16], [sflag:$0x7], $0x10, s22, s17, $0xb8;
	[tilespmem:$0x14800] =	vst v63  }
0x3c: {  	_ =	swait.ge [sflag:s25], $0x1000  }
0x3d: {  	[sflag:s25] =	ssyncset.done $0x0  }
0x3e: {  	s20 =	simm.s32 $0x700;
	[sflag:s25] =	ssyncadd.s32 $0xFFFFF000  }
0x3f: {  	[spmem:s2] =	stream.indirect.scatter.add.f32 [tilespmem:s16], [sflag:$0x8], $0x10, s20, s17, $0xb8;
	[tilespmem:$0x14800] =	vst v63  }
0x40: {  	_ =	swait.ge [sflag:s28], $0x1000  }
0x41: {  	[sflag:s28] =	ssyncset.done $0x0  }
0x42: {  	s22 =	simm.s32 $0x800;
	[sflag:s28] =	ssyncadd.s32 $0xFFFFF000  }
0x43: {  	[spmem:s2] =	stream.indirect.scatter.add.f32 [tilespmem:s16], [sflag:$0x1], $0x10, s22, s17, $0xb8;
	[tilespmem:$0x14800] =	vst v63  }
0x44: {  	_ =	swait.ge [sflag:s30], $0x1000  }
0x45: {  	[sflag:s30] =	ssyncset.done $0x0  }
0x46: {  	s20 =	simm.s32 $0x900;
	[sflag:s30] =	ssyncadd.s32 $0xFFFFF000  }
0x47: {  	[spmem:s2] =	stream.indirect.scatter.add.f32 [tilespmem:s16], [sflag:$0x2], $0x10, s20, s17, $0xb8;
	[tilespmem:$0x14800] =	vst v63  }
0x48: {  	_ =	swait.ge [sflag:s0], $0x1000  }
0x49: {  	[sflag:s0] =	ssyncset.done $0x0  }
0x4a: {  	s22 =	simm.s32 $0xA00;
	[sflag:s0] =	ssyncadd.s32 $0xFFFFF000  }
0x4b: {  	[spmem:s2] =	stream.indirect.scatter.add.f32 [tilespmem:s16], [sflag:$0x3], $0x10, s22, s17, $0xb8;
	[tilespmem:$0x14800] =	vst v63  }
0x4c: {  	_ =	swait.ge [sflag:s1], $0x1000  }
0x4d: {  	[sflag:s1] =	ssyncset.done $0x0  }
0x4e: {  	s20 =	simm.s32 $0xB00;
	[sflag:s1] =	ssyncadd.s32 $0xFFFFF000  }
0x4f: {  	[spmem:s2] =	stream.indirect.scatter.add.f32 [tilespmem:s16], [sflag:$0x4], $0x10, s20, s17, $0xb8;
	[tilespmem:$0x14800] =	vst v63  }
0x50: {  	_ =	swait.ge [sflag:s19], $0x1000  }
0x51: {  	[sflag:s19] =	ssyncset.done $0x0  }
0x52: {  	s22 =	simm.s32 $0xC00;
	[sflag:s19] =	ssyncadd.s32 $0xFFFFF000  }
0x53: {  	[spmem:s2] =	stream.indirect.scatter.add.f32 [tilespmem:s16], [sflag:$0x5], $0x10, s22, s17, $0xb8;
	[tilespmem:$0x14800] =	vst v63  }
0x54: {  	_ =	swait.ge [sflag:s21], $0x1000  }
0x55: {  	[sflag:s21] =	ssyncset.done $0x0  }
0x56: {  	s20 =	simm.s32 $0xD00;
	[sflag:s21] =	ssyncadd.s32 $0xFFFFF000  }
0x57: {  	[spmem:s2] =	stream.indirect.scatter.add.f32 [tilespmem:s16], [sflag:$0x6], $0x10, s20, s17, $0xb8;
	[tilespmem:$0x14800] =	vst v63  }
0x58: {  	_ =	swait.ge [sflag:s23], $0x1000  }
0x59: {  	[sflag:s23] =	ssyncset.done $0x0  }
0x5a: {  	s22 =	simm.s32 $0xE00;
	[sflag:s23] =	ssyncadd.s32 $0xFFFFF000  }
0x5b: {  	[spmem:s2] =	stream.indirect.scatter.add.f32 [tilespmem:s16], [sflag:$0x7], $0x10, s22, s17, $0xb8;
	[tilespmem:$0x14800] =	vst v63  }
0x5c: {  	_ =	swait.ge [sflag:s25], $0x1000  }
0x5d: {  	[sflag:s25] =	ssyncset.done $0x0  }
0x5e: {  	s20 =	simm.s32 $0xF00;
	[sflag:s25] =	ssyncadd.s32 $0xFFFFF000  }
0x5f: {  	[spmem:s2] =	stream.indirect.scatter.add.f32 [tilespmem:s16], [sflag:$0x8], $0x10, s20, s17, $0xb8;
	[tilespmem:$0x14800] =	vst v63  }
0x60: {  	_ =	swait.ge [sflag:s28], $0x1000  }
0x61: {  	[sflag:s28] =	ssyncset.done $0x0  }
0x62: {  	s22 =	simm.s32 $0x1000;
	[sflag:s28] =	ssyncadd.s32 $0xFFFFF000  }
0x63: {  	[spmem:s2] =	stream.indirect.scatter.add.f32 [tilespmem:s16], [sflag:$0x1], $0x10, s22, s17, $0xb8;
	[tilespmem:$0x14800] =	vst v63  }
0x64: {  	_ =	swait.ge [sflag:s30], $0x1000  }
0x65: {  	[sflag:s30] =	ssyncset.done $0x0  }
0x66: {  	s20 =	simm.s32 $0x1100;
	[sflag:s30] =	ssyncadd.s32 $0xFFFFF000  }
0x67: {  	[spmem:s2] =	stream.indirect.scatter.add.f32 [tilespmem:s16], [sflag:$0x2], $0x10, s20, s17, $0xb8;
	[tilespmem:$0x14800] =	vst v63  }
0x68: {  	_ =	swait.ge [sflag:s0], $0x1000  }
0x69: {  	[sflag:s0] =	ssyncset.done $0x0  }
0x6a: {  	s22 =	simm.s32 $0x1200;
	[sflag:s0] =	ssyncadd.s32 $0xFFFFF000  }
0x6b: {  	[spmem:s2] =	stream.indirect.scatter.add.f32 [tilespmem:s16], [sflag:$0x3], $0x10, s22, s17, $0xb8;
	[tilespmem:$0x14800] =	vst v63  }
0x6c: {  	_ =	swait.ge [sflag:s1], $0x1000  }
0x6d: {  	[sflag:s1] =	ssyncset.done $0x0  }
0x6e: {  	s20 =	simm.s32 $0x1300;
	[sflag:s1] =	ssyncadd.s32 $0xFFFFF000  }
0x6f: {  	[spmem:s2] =	stream.indirect.scatter.add.f32 [tilespmem:s16], [sflag:$0x4], $0x10, s20, s17, $0xb8;
	[tilespmem:$0x14800] =	vst v63  }
0x70: {  	_ =	swait.ge [sflag:s19], $0x1000  }
0x71: {  	[sflag:s19] =	ssyncset.done $0x0  }
0x72: {  	s22 =	simm.s32 $0x1400;
	[sflag:s19] =	ssyncadd.s32 $0xFFFFF000  }
0x73: {  	[spmem:s2] =	stream.indirect.scatter.add.f32 [tilespmem:s16], [sflag:$0x5], $0x10, s22, s17, $0xb8;
	[tilespmem:$0x14800] =	vst v63  }
0x74: {  	_ =	swait.ge [sflag:s21], $0x1000  }
0x75: {  	[sflag:s21] =	ssyncset.done $0x0  }
0x76: {  	s20 =	simm.s32 $0x1500;
	[sflag:s21] =	ssyncadd.s32 $0xFFFFF000  }
0x77: {  	[spmem:s2] =	stream.indirect.scatter.add.f32 [tilespmem:s16], [sflag:$0x6], $0x10, s20, s17, $0xb8;
	[tilespmem:$0x14800] =	vst v63  }
0x78: {  	_ =	swait.ge [sflag:s23], $0x1000  }
0x79: {  	[sflag:s23] =	ssyncset.done $0x0  }
0x7a: {  	s22 =	simm.s32 $0x1600;
	[sflag:s23] =	ssyncadd.s32 $0xFFFFF000  }
0x7b: {  	[spmem:s2] =	stream.indirect.scatter.add.f32 [tilespmem:s16], [sflag:$0x7], $0x10, s22, s17, $0xb8;
	[tilespmem:$0x14800] =	vst v63  }
0x7c: {  	_ =	swait.ge [sflag:s25], $0x1000  }
0x7d: {  	[sflag:s25] =	ssyncset.done $0x0  }
0x7e: {  	s20 =	simm.s32 $0x1700;
	[sflag:s25] =	ssyncadd.s32 $0xFFFFF000  }
0x7f: {  	[spmem:s2] =	stream.indirect.scatter.add.f32 [tilespmem:s16], [sflag:$0x8], $0x10, s20, s17, $0xb8;
	[tilespmem:$0x14800] =	vst v63  }
0x80: {  	_ =	swait.ge [sflag:s28], $0x1000  }
0x81: {  	[sflag:s28] =	ssyncset.done $0x0  }
0x82: {  	s22 =	simm.s32 $0x1800;
	[sflag:s28] =	ssyncadd.s32 $0xFFFFF000  }
0x83: {  	[spmem:s2] =	stream.indirect.scatter.add.f32 [tilespmem:s16], [sflag:$0x1], $0x10, s22, s17, $0xb8;
	[tilespmem:$0x14800] =	vst v63  }
0x84: {  	_ =	swait.ge [sflag:s30], $0x1000  }
0x85: {  	[sflag:s30] =	ssyncset.done $0x0  }
0x86: {  	s20 =	simm.s32 $0x1900;
	[sflag:s30] =	ssyncadd.s32 $0xFFFFF000  }
0x87: {  	[spmem:s2] =	stream.indirect.scatter.add.f32 [tilespmem:s16], [sflag:$0x2], $0x10, s20, s17, $0xb8;
	[tilespmem:$0x14800] =	vst v63  }
0x88: {  	_ =	swait.ge [sflag:s0], $0x1000  }
0x89: {  	[sflag:s0] =	ssyncset.done $0x0  }
0x8a: {  	s22 =	simm.s32 $0x1A00;
	[sflag:s0] =	ssyncadd.s32 $0xFFFFF000  }
0x8b: {  	[spmem:s2] =	stream.indirect.scatter.add.f32 [tilespmem:s16], [sflag:$0x3], $0x10, s22, s17, $0xb8;
	[tilespmem:$0x14800] =	vst v63  }
0x8c: {  	_ =	swait.ge [sflag:s1], $0x1000  }
0x8d: {  	[sflag:s1] =	ssyncset.done $0x0  }
0x8e: {  	s20 =	simm.s32 $0x1B00;
	[sflag:s1] =	ssyncadd.s32 $0xFFFFF000  }
0x8f: {  	[spmem:s2] =	stream.indirect.scatter.add.f32 [tilespmem:s16], [sflag:$0x4], $0x10, s20, s17, $0xb8;
	[tilespmem:$0x14800] =	vst v63  }
0x90: {  	_ =	swait.ge [sflag:s19], $0x1000  }
0x91: {  	[sflag:s19] =	ssyncset.done $0x0  }
0x92: {  	s22 =	simm.s32 $0x1C00;
	[sflag:s19] =	ssyncadd.s32 $0xFFFFF000  }
0x93: {  	[spmem:s2] =	stream.indirect.scatter.add.f32 [tilespmem:s16], [sflag:$0x5], $0x10, s22, s17, $0xb8;
	[tilespmem:$0x14800] =	vst v63  }
0x94: {  	_ =	swait.ge [sflag:s21], $0x1000  }
0x95: {  	[sflag:s21] =	ssyncset.done $0x0  }
0x96: {  	s20 =	simm.s32 $0x1D00;
	[sflag:s21] =	ssyncadd.s32 $0xFFFFF000  }
0x97: {  	[spmem:s2] =	stream.indirect.scatter.add.f32 [tilespmem:s16], [sflag:$0x6], $0x10, s20, s17, $0xb8;
	[tilespmem:$0x14800] =	vst v63  }
0x98: {  	_ =	swait.ge [sflag:s23], $0x1000  }
0x99: {  	[sflag:s23] =	ssyncset.done $0x0  }
0x9a: {  	s22 =	simm.s32 $0x1E00;
	[sflag:s23] =	ssyncadd.s32 $0xFFFFF000  }
0x9b: {  	[spmem:s2] =	stream.indirect.scatter.add.f32 [tilespmem:s16], [sflag:$0x7], $0x10, s22, s17, $0xb8;
	[tilespmem:$0x14800] =	vst v63  }
0x9c: {  	_ =	swait.ge [sflag:s25], $0x1000  }
0x9d: {  	[sflag:s25] =	ssyncset.done $0x0  }
0x9e: {  	s20 =	simm.s32 $0x1F00;
	[sflag:s25] =	ssyncadd.s32 $0xFFFFF000  }
0x9f: {  	[spmem:s2] =	stream.indirect.scatter.add.f32 [tilespmem:s16], [sflag:$0x8], $0x10, s20, s17, $0xb8;
	[tilespmem:$0x14800] =	vst v63  }
0xa0: {  	_ =	swait.ge [sflag:s28], $0x1000  }
0xa1: {  	[sflag:s28] =	ssyncset.done $0x0  }
0xa2: {  	s22 =	simm.s32 $0x2000;
	[sflag:s28] =	ssyncadd.s32 $0xFFFFF000  }
0xa3: {  	[spmem:s2] =	stream.indirect.scatter.add.f32 [tilespmem:s16], [sflag:$0x1], $0x10, s22, s17, $0xb8;
	[tilespmem:$0x14800] =	vst v63  }
0xa4: {  	_ =	swait.ge [sflag:s30], $0x1000  }
0xa5: {  	[sflag:s30] =	ssyncset.done $0x0  }
0xa6: {  	s20 =	simm.s32 $0x2100;
	[sflag:s30] =	ssyncadd.s32 $0xFFFFF000  }
0xa7: {  	[spmem:s2] =	stream.indirect.scatter.add.f32 [tilespmem:s16], [sflag:$0x2], $0x10, s20, s17, $0xb8;
	[tilespmem:$0x14800] =	vst v63  }
0xa8: {  	_ =	swait.ge [sflag:s0], $0x1000  }
0xa9: {  	[sflag:s0] =	ssyncset.done $0x0  }
0xaa: {  	s22 =	simm.s32 $0x2200;
	[sflag:s0] =	ssyncadd.s32 $0xFFFFF000  }
0xab: {  	[spmem:s2] =	stream.indirect.scatter.add.f32 [tilespmem:s16], [sflag:$0x3], $0x10, s22, s17, $0xb8;
	[tilespmem:$0x14800] =	vst v63  }
0xac: {  	_ =	swait.ge [sflag:s1], $0x1000  }
0xad: {  	[sflag:s1] =	ssyncset.done $0x0  }
0xae: {  	s20 =	simm.s32 $0x2300;
	[sflag:s1] =	ssyncadd.s32 $0xFFFFF000  }
0xaf: {  	[spmem:s2] =	stream.indirect.scatter.add.f32 [tilespmem:s16], [sflag:$0x4], $0x10, s20, s17, $0xb8;
	[tilespmem:$0x14800] =	vst v63  }
0xb0: {  	_ =	swait.ge [sflag:s19], $0x1000  }
0xb1: {  	[sflag:s19] =	ssyncset.done $0x0  }
0xb2: {  	s22 =	simm.s32 $0x2400;
	[sflag:s19] =	ssyncadd.s32 $0xFFFFF000  }
0xb3: {  	[spmem:s2] =	stream.indirect.scatter.add.f32 [tilespmem:s16], [sflag:$0x5], $0x10, s22, s17, $0xb8;
	[tilespmem:$0x14800] =	vst v63  }
0xb4: {  	_ =	swait.ge [sflag:s21], $0x1000  }
0xb5: {  	[sflag:s21] =	ssyncset.done $0x0  }
0xb6: {  	s20 =	simm.s32 $0x2500;
	[sflag:s21] =	ssyncadd.s32 $0xFFFFF000  }
0xb7: {  	[spmem:s2] =	stream.indirect.scatter.add.f32 [tilespmem:s16], [sflag:$0x6], $0x10, s20, s17, $0xb8;
	[tilespmem:$0x14800] =	vst v63  }
0xb8: {  	_ =	swait.ge [sflag:s23], $0x1000  }
0xb9: {  	[sflag:s23] =	ssyncset.done $0x0  }
0xba: {  	[sflag:s23] =	ssyncadd.s32 $0xFFFFF000  }
0xbb: {  	[spmem:s2] =	stream.indirect.scatter.add.f32 [tilespmem:s16], [sflag:$0x7], $0x10, s24, s17, $0xb8;
	[tilespmem:$0x14800] =	vst v63  }
0xbc: {  	_ =	swait.ge [sflag:s25], $0x1000  }
0xbd: {  	[sflag:s25] =	ssyncset.done $0x0  }
0xbe: {  	[sflag:s25] =	ssyncadd.s32 $0xFFFFF000  }
0xbf: {  	[spmem:s2] =	stream.indirect.scatter.add.f32 [tilespmem:s16], [sflag:$0x8], $0x10, s26, s17, $0xb8;
	[tilespmem:$0x14800] =	vst v63  }
0xc0: {  	_ =	swait.ge [sflag:s28], $0x1000  }
0xc1: {  	[sflag:s28] =	ssyncset.done $0x0  }
0xc2: {  	[sflag:s28] =	ssyncadd.s32 $0xFFFFF000  }
0xc3: {  	_ =	swait.ge [sflag:s30], $0x1000  }
0xc4: {  	[sflag:s30] =	ssyncset.done $0x0  }
0xc5: {  	[sflag:s30] =	ssyncadd.s32 $0xFFFFF000  }
0xc6: {  	_ =	swait.ge [sflag:s0], $0x1000  }
0xc7: {  	[sflag:s0] =	ssyncset.done $0x0  }
0xc8: {  	[sflag:s0] =	ssyncadd.s32 $0xFFFFF000  }
0xc9: {  	_ =	swait.ge [sflag:s1], $0x1000  }
0xca: {  	[sflag:s1] =	ssyncset.done $0x0  }
0xcb: {  	[sflag:s1] =	ssyncadd.s32 $0xFFFFF000  }
0xcc: {  	_ =	swait.ge [sflag:s19], $0x1000  }
0xcd: {  	[sflag:s19] =	ssyncset.done $0x0  }
0xce: {  	[sflag:s19] =	ssyncadd.s32 $0xFFFFF000  }
0xcf: {  	[bflag:$0x0] =	sbarrier.arrive $0xFFFF  }
0xd0: {  	[tilespmem:s29], [sflag:$0x9] =	stream.linear.gather [spmem:s7], $0x2800, $0x38;
	[tilespmem:$0x14800] =	vst v63  }
0xd1: {  	_ =	swait.ge [sflag:s15], $0x2800  }
0xd2: {  	[sflag:s15] =	ssyncset.done $0x0  }
0xd3: {  	s22 =	simm.s32 $0x0;
	[sflag:s15] =	ssyncadd.s32 $0xFFFFD800  }
0xd4: {  	v0 =	vld [tilespmem:s22+$0xD000];
	_ =	sdelay $0x3  }
0xd5: {  	s18 =	simm.s32 $0xF810  }
0xd6: {  	[tilespmem:s18+$0xFFFFFFF0] =	vst v0  }
0xd7: {  	s20 =	simm.s32 $0x80;
	s22 =	simm.s32 $0x10;
	[tilespmem:s18+$0x0] =	vst v0  }
.LBB2_2:
0xd8: {  	p1 =	sne.s32 s20, $0x9FC0;
	v0 =	vld [tilespmem:s22+$0xD000];
	_ =	sdelay $0x1  }
.Ltmp0:
0xd9: {  	(pc) =	sbr.rel @p1 .LBB2_2-.Ltmp0, $4  }
0xda: {  	_ = 	snop  }
0xdb: {  	s18 =	sadd.s32 $0x20, s18  }
0xdc: {  	[tilespmem:s18+$0xFFFFFFF0] =	vst v0  }
0xdd: {  	s22 =	sshra.s32 s20, $0x2;
	s20 =	sadd.s32 $0x40, s20;
	[tilespmem:s18+$0x0] =	vst v0  }
0xde: {  	v0 =	vld [tilespmem:s22+$0xD000];
	_ =	sdelay $0x3  }
0xdf: {  	s18 =	sadd.s32 $0x20, s18  }
0xe0: {  	[tilespmem:s18+$0xFFFFFFF0] =	vst v0  }
0xe1: {  	[tilespmem:s18+$0x0] =	vst v0  }
0xe2: {  	[hbm4b:s12+s4] =	stream.linear.scatter [tilespmem:s29], [sflag:$0x9], $0x2800, $0x38;
	[tilespmem:$0x14800] =	vst v63  }
0xe3: {  	s3 =	sadd.s32 $0x1, s3;
	_ =	swait.ge [sflag:s15], $0x2800  }
0xe4: {  	p1 =	sne.s32 s3, s11;
	[sflag:s15] =	ssyncset.done $0x0  }
.Ltmp1:
0xe5: {  	[sflag:s15] =	ssyncadd.s32 $0xFFFFD800;
	(pc) =	sbr.rel @p1 .LBB2_1-.Ltmp1, $4  }
0xe6: {  	[hbm4b:s13+s4] =	stream.linear.scatter [tilespmem:s31], [sflag:$0x9], $0x5000, $0x38;
	[tilespmem:$0x14800] =	vst v63  }
0xe7: {  	_ =	swait.ge [sflag:s15], $0x5000  }
0xe8: {  	[sflag:s15] =	ssyncset.done $0x0  }
0xe9: {  	[sflag:s15] =	ssyncadd.s32 $0xFFFFB000  }
0xea: {  	_ =	sfence.sel $0x180000  }
0xeb: {  	[bflag:$0x0] =	sbarrier.arrive $0xFFFF  }
0xec: {  	_ =	strace $0x90000047  }
0xed: {  	s0 =	stileid.u32;
	[bflag:$0x2] =	sbarrier.arrive $0xFFFF  }
0xee: {  	p0 =	sne.s32 s0, $0x0;
	s0 =	rddreg [dreg:$0x3]  }
0xef: {  	s0 =	sadd.s32 @!p0 $0x100000, s0  }
0xf0: {  	[sflag:s0] =	ssyncadd.tile.s32 @!p0 $0x1;
	_ =	shalt  }
.Lfunc_end2:
_tile_overlayer_lowered:
.L_overlay_start_2:
0xf1: {  	(tag) =	ssettag $0x2  }
0xf2: {  	s0 =	rddreg [dreg:$0x0];
	s2 =	stileid.u32  }
0xf3: {  	s1 =	rddreg [dreg:$0x1];
	p0 =	sne.s32 s2, $0x0  }
0xf4: {  	s3 =	rddreg [dreg:$0x2];
	[bflag:$0x3] =	sbarrier.arrive $0xFFFF;
	s2 =	simm.s32 @!p0 $0x1C09  }
0xf5: {  	[timem:s3], [sflag:s2] =	dma.local @!p0 [hbm:s0], s1  }
0xf6: {  	s0 =	simm.s32 @!p0 $0x9  }
0xf7: {  	_ =	swait.ge @!p0 [sflag:s0], s1  }
0xf8: {  	s1 =	ssub.s32 @!p0 $0x0, s1;
	[sflag:s0] =	ssyncset.done @!p0 $0x0  }
0xf9: {  	[sflag:s0] =	ssyncadd.s32 @!p0 s1  }
0xfa: {  	[bflag:$0x3] =	sbarrier.arrive $0xFFFF  }
0xfb: {  	_ =	shalt  }

// kernel: kernel.13.cloned.1.call-start
scs
__scs_entry_jumppad:
0x0: {  	(pc) =	sbr.rel $0x88, $3  }
0x1: {  	(tag) =	ssettag $0x0;
	lr =	simm.s32 $0x1  }
0x2: {  	[smem:$0x3F8C] =	sst lr;
	_ =	strace $0xD0000000  }
0x3: {  	_ = 	snop  }
0x4: {  	_ = 	snop  }
0x5: {  	_ = 	snop  }
0x6: {  	_ = 	snop  }
0x7: {  	_ = 	snop  }
__scs_overlays_trampoline_lowered:
0x8: {  	[smem:$0x3F9B] =	sst s0  }
0x9: {  	[smem:$0x3F9C] =	sst s1  }
0xa: {  	[smem:$0x3F9D] =	sst s2  }
0xb: {  	[smem:$0x3F9E] =	sst s3  }
0xc: {  	[smem:$0x3F9F] =	sst s4  }
0xd: {  	[smem:$0x3FA0] =	sst s5  }
0xe: {  	[smem:$0x3FA1] =	sst s6  }
0xf: {  	[smem:$0x3FA2] =	sst s7  }
0x10: {  	[smem:$0x3FA3] =	sst s8  }
0x11: {  	[smem:$0x3FA4] =	sst s9;
	s0 =	simm.s32 @!p0 $0x0  }
0x12: {  	s1 =	sld [smem:$0x3F8A];
	s0 =	simm.s32 @p0 $0x1  }
0x13: {  	[smem:$0x3FA5] =	sst s0;
	s0 =	simm.s32 @!p1 $0x0  }
0x14: {  	s2 =	sld [smem:$0x3F89];
	s0 =	simm.s32 @p1 $0x1  }
0x15: {  	[smem:$0x3FA6] =	sst s0;
	s0 =	simm.s32 @!p2 $0x0  }
0x16: {  	s3 =	sld [smem:$0x3FDB];
	s0 =	simm.s32 @p2 $0x1  }
0x17: {  	s4 =	simm.s32 $0x1BF5;
	[smem:$0x3FA8] =	sst s0  }
0x18: {  	s0 =	sld [smem:$0x3F8B];
	_ =	swait.ge [sflag:s4], $0x0  }
0x19: {  	s7 =	sld [smem:$0x3F8C]  }
0x1a: {  	s8 =	sadd.s32 $0xFFFFE003, lr  }
0x1b: {  	s9 =	sadd.s32 $0xFFFFFEF7, lr;
	s5 =	simm.s32 $0xFFFFFFFF;
	p2 =	slt.u32 s8, $0xFFFFF086  }
0x1c: {  	p1 =	slt.u32 s9, $0xF7A;
	s5 =	simm.s32 @!p2 $0x0  }
0x1d: {  	s5 =	simm.s32 @p1 $0x1;
	p0 =	seq.s32 s7, s2  }
0x1e: {  	s7 =	smul.u32 @!p0 $0xF7A, s2;
	p2 =	seq.s32 @!p0 s5, $0x0  }
0x1f: {  	s9 =	smul.u32 $0xF7A, s1;
	s8 =	simm.s32 @!p0 $0x1BF5;
	p2 =	por !p2, p0  }
0x20: {  	[sflag:s8] =	ssyncset.s32 @!p0 $0xFFFFF086;
	s6 =	sadd.s32 @!p0 s3, s7;
	s7 =	simm.s32 @!p0 $0x108  }
0x21: {  	s3 =	sadd.s32 s3, s9;
	s6 =	sadd.s32 @!p0 $0x88, s6;
	s7 =	simm.s32 @p2 $0x1082  }
0x22: {  	[simem:s7], [sflag:s8] =	dma.local @!p0 [hbm:s6], $0xF7A  }
0x23: {  	s9 =	sor.u32 $0xD0000000, s2;
	s6 =	simm.s32 $0x108;
	_ =	swait.ge @!p0 [sflag:s8], $0x0  }
0x24: {  	s3 =	sadd.s32 $0x88, s3;
	s6 =	simm.s32 @!p1 $0x1082;
	[sflag:s4] =	ssyncset.s32 $0xFFFFF086  }
0x25: {  	[simem:s6], [sflag:s4] =	dma.local [hbm:s3], $0xF7A  }
0x26: {  	[smem:$0x3F8C] =	sst s1;
	(tag) =	ssettag s2;
	_ =	strace s9  }
0x27: {  	s1 =	sld [smem:$0x3F9C]  }
0x28: {  	s2 =	sld [smem:$0x3F9D]  }
0x29: {  	s4 =	sld [smem:$0x3F9F]  }
0x2a: {  	p0 =	seq.s32 s5, $0x0;
	s5 =	sld [smem:$0x3FA0]  }
0x2b: {  	s6 =	sld [smem:$0x3FA1]  }
0x2c: {  	s7 =	sld [smem:$0x3FA2]  }
0x2d: {  	s3 =	simm.s32 $0x108;
	s8 =	sld [smem:$0x3FA3]  }
0x2e: {  	s3 =	simm.s32 @!p0 $0x1082;
	s9 =	sld [smem:$0x3FA4]  }
0x2f: {  	lr =	sadd.s32 s0, s3;
	s0 =	sld [smem:$0x3F9B]  }
0x30: {  	s3 =	sld [smem:$0x3F9E]  }
0x31: {  	[smem:$0x3FA7] =	sst s10  }
0x32: {  	s10 =	sld [smem:$0x3FA5];
	_ =	sdelay $0x3  }
0x33: {  	p0 =	seq.s32 s10, $0x1;
	s10 =	sld [smem:$0x3FA7];
	_ =	sdelay $0x3  }
0x34: {  	[smem:$0x3FA7] =	sst s10  }
0x35: {  	s10 =	sld [smem:$0x3FA6];
	_ =	sdelay $0x3  }
0x36: {  	p1 =	seq.s32 s10, $0x1;
	s10 =	sld [smem:$0x3FA7];
	_ =	sdelay $0x3  }
0x37: {  	[smem:$0x3FA7] =	sst s10  }
0x38: {  	s10 =	sld [smem:$0x3FA8]  }
0x39: {  	_ = 	snop;
	(pc) =	sbr.ind lr, $3  }
0x3a: {  	_ = 	snop  }
0x3b: {  	_ = 	snop  }
0x3c: {  	p2 =	seq.s32 s10, $0x1;
	s10 =	sld [smem:$0x3FA7]  }
0x3d: {  	_ =	shalt  }
0x3e: {  	_ =	shalt  }
0x3f: {  	_ =	shalt  }
0x40: {  	_ =	shalt  }
0x41: {  	_ =	shalt  }
0x42: {  	_ =	shalt  }
0x43: {  	_ =	shalt  }
0x44: {  	_ =	shalt  }
0x45: {  	_ =	shalt  }
0x46: {  	_ =	shalt  }
0x47: {  	_ =	shalt  }
0x48: {  	_ =	shalt  }
0x49: {  	_ =	shalt  }
0x4a: {  	_ =	shalt  }
0x4b: {  	_ =	shalt  }
0x4c: {  	_ =	shalt  }
0x4d: {  	_ =	shalt  }
0x4e: {  	_ =	shalt  }
0x4f: {  	_ =	shalt  }
0x50: {  	_ =	shalt  }
0x51: {  	_ =	shalt  }
0x52: {  	_ =	shalt  }
0x53: {  	_ =	shalt  }
0x54: {  	_ =	shalt  }
0x55: {  	_ =	shalt  }
0x56: {  	_ =	shalt  }
0x57: {  	_ =	shalt  }
0x58: {  	_ =	shalt  }
0x59: {  	_ =	shalt  }
0x5a: {  	_ =	shalt  }
0x5b: {  	_ =	shalt  }
0x5c: {  	_ =	shalt  }
0x5d: {  	_ =	shalt  }
0x5e: {  	_ =	shalt  }
0x5f: {  	_ =	shalt  }
0x60: {  	_ =	shalt  }
0x61: {  	_ =	shalt  }
0x62: {  	_ =	shalt  }
0x63: {  	_ =	shalt  }
0x64: {  	_ =	shalt  }
0x65: {  	_ =	shalt  }
0x66: {  	_ =	shalt  }
0x67: {  	_ =	shalt  }
0x68: {  	_ =	shalt  }
0x69: {  	_ =	shalt  }
0x6a: {  	_ =	shalt  }
0x6b: {  	_ =	shalt  }
0x6c: {  	_ =	shalt  }
0x6d: {  	_ =	shalt  }
0x6e: {  	_ =	shalt  }
0x6f: {  	_ =	shalt  }
0x70: {  	_ =	shalt  }
0x71: {  	_ =	shalt  }
0x72: {  	_ =	shalt  }
0x73: {  	_ =	shalt  }
0x74: {  	_ =	shalt  }
0x75: {  	_ =	shalt  }
0x76: {  	_ =	shalt  }
0x77: {  	_ =	shalt  }
0x78: {  	_ =	shalt  }
0x79: {  	_ =	shalt  }
0x7a: {  	_ =	shalt  }
0x7b: {  	_ =	shalt  }
0x7c: {  	_ =	shalt  }
0x7d: {  	_ =	shalt  }
0x7e: {  	_ =	shalt  }
0x7f: {  	_ =	shalt  }
0x80: {  	_ =	shalt  }
0x81: {  	_ =	shalt  }
0x82: {  	_ =	shalt  }
0x83: {  	_ =	shalt  }
0x84: {  	_ =	shalt  }
0x85: {  	_ =	shalt  }
0x86: {  	_ =	shalt  }
0x87: {  	_ =	shalt  }
.Lfunc_end0:
.L_simem_size_0:
called_computation.1_lowered:
.L_overlay_start_0:
0x88: {  	s2 =	sld [smem:$0x3FD9]  }
0x89: {  	s3 =	sld [smem:$0x3FFE];
	_ =	sdelay $0x1  }
0x8a: {  	s1 =	srdreg.scid  }
0x8b: {  	s0 =	sand.u32 $0x1, s1  }
0x8c: {  	s17 =	sshll.u32 s0, $0xA;
	s2 =	sadd.s32 s3, s2  }
0x8d: {  	s2 =	sadd.s32 s2, s17  }
0x8e: {  	[smem:$0x3FB3] =	sst s2  }
0x8f: {  	_ = 	snop  }
0x90: {  	s2 =	sld [smem:$0x3FD0];
	(tm) =	ssettm $0x1  }
0x91: {  	s18 =	sld [smem:$0x3FFB];
	_ =	sdelay $0x3  }
0x92: {  	_ =	strace s18  }
0x93: {  	s3 =	sld [smem:$0x3FFC];
	_ =	sdelay $0x3  }
0x94: {  	_ =	strace s3  }
0x95: {  	s3 =	sld [smem:$0x3FFD];
	_ =	sdelay $0x3  }
0x96: {  	_ =	strace s3  }
0x97: {  	_ =	strace $0x8FFFFFFF  }
0x98: {  	s19 =	sld [smem:$0x3FDB];
	_ =	sdelay $0x1  }
0x99: {  	s4 =	simm.s32 $_scs_section_size  }
0x9a: {  	s5 =	simm.s32 $_size__tile_overlayer_lowered;
	s6 =	simm.s32 $_tile_overlayer_lowered  }
0x9b: {  	s22 =	simm.s32 $0x1BFF;
	s21 =	sshll.u32 s6, $0x1;
	s3 =	sadd.s32 s4, s19  }
0x9c: {  	s7 =	simm.s32 $0x0;
	s20 =	sshll.u32 s5, $0x1;
	s5 =	sadd.s32 s21, s3  }
0x9d: {  	[timem:s7], [sflag:s22] =	dma.local [hbm:s5], s20  }
0x9e: {  	_ =	swait.ge [sflag:s22], s20  }
0x9f: {  	s4 =	ssub.s32 $0x0, s20;
	[sflag:s22] =	ssyncset.done $0x0  }
0xa0: {  	[sflag:s22] =	ssyncadd.s32 s4;
	_ =	sdelay $0x1  }
0xa1: {  	s23 =	simm.s32 $0x1B8B  }
0xa2: {  	_ =	swait.ge [sflag:s23], $0x1  }
0xa3: {  	[sflag:s23] =	ssyncset.done $0x0  }
0xa4: {  	s25 =	simm.s32 $0x1B8E;
	s24 =	sld [smem:$0x3FFE];
	[sflag:s23] =	ssyncadd.s32 $0xFFFFFFFF  }
0xa5: {  	s26 =	simm.s32 $execute0_lowered;
	[smem:$0x3FD2] =	sst s25  }
0xa6: {  	s5 =	sshll.u32 s26, $0x1;
	_ =	strace $0x80000049;
	[dreg:$0x1] =	wrdreg $0xFFFFFFFF  }
0xa7: {  	s28 =	simm.s32 $_size_execute0_lowered;
	s3 =	sadd.s32 s3, s5;
	[dreg:$0x0] =	wrdreg $0x0  }
0xa8: {  	s5 =	sshll.u32 s28, $0x1;
	[dreg:$0x2] =	wrdreg s3  }
0xa9: {  	[dreg:$0x3] =	wrdreg s5  }
0xaa: {  	[dreg:$0x4] =	wrdreg $0xC0  }
0xab: {  	_ =	task [dreg:s7], $0x5FFFF  }
0xac: {  	[dreg:$0x1] =	wrdreg $0xFFFFFFFF  }
0xad: {  	[dreg:$0x0] =	wrdreg $0x60  }
0xae: {  	[dreg:$0x2] =	wrdreg s24  }
0xaf: {  	[dreg:$0x3] =	wrdreg s2  }
0xb0: {  	[dreg:$0x4] =	wrdreg $0xD0000  }
0xb1: {  	[dreg:$0x5] =	wrdreg $0x9  }
0xb2: {  	_ =	task.clear_ibuf [dreg:s7], $0x6FFFF;
	_ =	strace $0x90000049  }
0xb3: {  	s29 =	simm.s32 $0x9;
	_ =	strace $0x8000004B  }
0xb4: {  	_ =	swait.ge [sflag:s29], $0x1  }
0xb5: {  	[sflag:s29] =	ssyncadd.s32 $0xFFFFFFFF  }
0xb6: {  	_ =	strace $0x9000004B  }
0xb7: {  	_ =	sfence  }
0xb8: {  	s30 =	sld [smem:$0x0];
	_ =	sdelay $0x2  }
0xb9: {  	s31 =	sshll.u32 s1, $0xD;
	s1 =	sshrl.u32 s1, $0x2  }
0xba: {  	s3 =	sand.u32 $0x4000, s31;
	s1 =	sadd.s32 s1, s30  }
0xbb: {  	s0 =	sor.u32 s3, s0;
	s1 =	sshll.u32 s1, $0x11  }
0xbc: {  	s0 =	sor.u32 s1, s0  }
0xbd: {  	s0 =	sadd.s32 $0x8F2B, s0  }
0xbe: {  	[sflag:s0] =	ssyncadd.remote.s32 $0x1  }
0xbf: {  	_ =	sfence.sel $0xFFFF  }
0xc0: {  	[dreg:$0x0] =	wrdreg $0xFFFFFFFF;
	(pc) =	sbr.abs _section_cstart, $3  }
0xc1: {  	[dreg:$0x1] =	wrdreg $0xFFFFFFFF  }
0xc2: {  	_ =	task.clear_ibuf [dreg:s7], $0x2FFFF;
	_ =	strace $0x9FFFFFFF  }
0xc3: {  	(tm) =	ssettm $0x7FFFFFFF  }
tec
execute0_lowered:
.L_overlay_start_1:
0x0: {  	(tag) =	ssettag $0x1  }
0x1: {  	s0 =	rddreg [dreg:$0x0];
	s1 =	srdreg.scid  }
0x2: {  	s6 =	stileid.u32;
	s3 =	rddreg [dreg:$0x2]  }
0x3: {  	s4 =	simm.s32 $0x0;
	s15 =	simm.s32 $0x11;
	s16 =	simm.s32 $0x100  }
0x4: {  	s17 =	simm.s32 $0x5000;
	s18 =	simm.s32 $0x6000;
	s28 =	simm.s32 $0x3  }
0x5: {  	s29 =	simm.s32 $0xB000;
	s30 =	simm.s32 $0x4;
	s31 =	simm.s32 $0xC000  }
0x6: {  	s12 =	simm.s32 $0x0;
	s1 =	sand.u32 $0x1, s1;
	s2 =	sshll.u32 s6, $0x1  }
0x7: {  	[smem:$0x7FF] =	sst s4;
	s5 =	sadd.s32 $0x1AA00, s0;
	s9 =	smul.u32 $0x2800, s6  }
0x8: {  	s10 =	sadd.s32 $0x6C00, s0;
	s20 =	sshll.u32 s6, $0x6;
	s23 =	sadd.s32 $0x10B00, s0  }
0x9: {  	s24 =	sadd.s32 $0x1A740, s0;
	_ =	strace $0x8000004A;
	[dreg:$0x4] =	wrdreg s10  }
0xa: {  	s2 =	sor.u32 s1, s2;
	s7 =	ssub.s32 $0x2, s1;
	[dreg:$0x7] =	wrdreg s23  }
0xb: {  	p0 =	seq.s32 s1, $0x1;
	s1 =	simm.s32 $0x24A00;
	[dreg:$0x8] =	wrdreg s24  }
0xc: {  	s23 =	simm.s32 $0x1;
	s24 =	simm.s32 $0x9000;
	s19 =	smul.u32 $0x2800, s2  }
0xd: {  	s8 =	sshrl.u32 s7, $0x1;
	s21 =	sadd.s32 s9, s3;
	s1 =	simm.s32 @!p0 $0x1FA00  }
0xe: {  	s25 =	sshrl.u32 s9, $0x3;
	p0 =	seq.s32 s2, $0x1F;
	s2 =	simm.s32 $0x7  }
0xf: {  	s8 =	ssub.s32 s7, s8;
	s7 =	sor.u32 $0x1C11, s20;
	s14 =	sshrl.u32 s21, $0x3  }
0x10: {  	s20 =	simm.s32 $0x7000;
	s21 =	simm.s32 $0xC;
	s4 =	sshrl.u32 s19, $0x3  }
0x11: {  	s26 =	smax.u32 s8, $0x1;
	s19 =	simm.s32 $0x8;
	s4 =	sadd.s32 s4, s0  }
.Ltmp0:
0x12: {  	[dreg:$0x9] =	wrdreg s26;
	s22 =	sadd.s32 $0x7000, s4;
	(pc) =	sbr.rel .LBB2_1-.Ltmp0, $4  }
0x13: {  	s0 =	sadd.s32 s1, s0;
	s4 =	sadd.s32 $0x10C40, s4;
	[dreg:$0x5] =	wrdreg s22  }
0x14: {  	s26 =	simm.s32 $0xA000;
	s0 =	sadd.s32 s0, s25;
	[dreg:$0x6] =	wrdreg s4  }
0x15: {  	s1 =	simm.s32 $0x5;
	s25 =	simm.s32 $0x2;
	[dreg:$0xa] =	wrdreg s0  }
0x16: {  	s22 =	simm.s32 $0x8000;
	s0 =	simm.s32 $0x9;
	s4 =	simm.s32 $0xB  }
.LBB2_4:
0x17: {  	_ =	swait.ge [sflag:s19], $0x1000  }
0x18: {  	[sflag:s19] =	ssyncset.done $0x0  }
0x19: {  	[sflag:s19] =	ssyncadd.s32 $0xFFFFF000  }
0x1a: {  	[spmem:s3] =	stream.indirect.scatter.add.f32 [tilespmem:s31], [sflag:$0x10], $0x10, s9, s16, $0xb8;
	[tilespmem:$0xF800] =	vst v63  }
0x1b: {  	_ =	swait.ge [sflag:s21], $0x1000  }
0x1c: {  	[sflag:s21] =	ssyncset.done $0x0  }
0x1d: {  	s6 =	simm.s32 $0xD;
	[sflag:s21] =	ssyncadd.s32 $0xFFFFF000  }
0x1e: {  	_ =	swait.ge [sflag:s6], $0x1000  }
0x1f: {  	[sflag:s6] =	ssyncset.done $0x0  }
0x20: {  	s8 =	simm.s32 $0xE;
	[sflag:s6] =	ssyncadd.s32 $0xFFFFF000  }
0x21: {  	_ =	swait.ge [sflag:s8], $0x1000  }
0x22: {  	[sflag:s8] =	ssyncset.done $0x0  }
0x23: {  	s9 =	simm.s32 $0xF;
	[sflag:s8] =	ssyncadd.s32 $0xFFFFF000  }
0x24: {  	_ =	swait.ge [sflag:s9], $0x1000  }
0x25: {  	[sflag:s9] =	ssyncset.done $0x0  }
0x26: {  	s10 =	simm.s32 $0x10;
	[sflag:s9] =	ssyncadd.s32 $0xFFFFF000  }
0x27: {  	_ =	swait.ge [sflag:s10], $0x1000  }
0x28: {  	[sflag:s10] =	ssyncset.done $0x0  }
0x29: {  	[sflag:s10] =	ssyncadd.s32 $0xFFFFF000  }
0x2a: {  	[bflag:$0x0] =	sbarrier.arrive $0xFFFF  }
0x2b: {  	s11 =	rddreg [dreg:$0xa]  }
0x2c: {  	[hbm:s11], [sflag:s7] =	dma.local [spmem:s14], $0x500  }
0x2d: {  	_ =	swait.ge [sflag:s15], $0x500  }
0x2e: {  	s12 =	sadd.s32 $0x1, s12;
	s13 =	rddreg [dreg:$0x9]  }
0x2f: {  	p1 =	sne.s32 s12, s13  }
.Ltmp1:
0x30: {  	_ = 	snop;
	(pc) =	sbr.rel @!p1 .LBB2_5-.Ltmp1, $3  }
0x31: {  	_ =	sdelay $0x1  }
0x32: {  	[sflag:s15] =	ssyncset.done $0x0  }
0x33: {  	[sflag:s15] =	ssyncadd.s32 $0xFFFFFB00  }
.LBB2_1:
0x34: {  	s6 =	rddreg [dreg:$0x1]  }
0x35: {  	[spmem:s14], [sflag:s7] =	dma.local [hbm:s6], $0x500  }
0x36: {  	_ =	swait.ge [sflag:s15], $0x500  }
0x37: {  	s8 =	simm.s32 @p0 $0x0;
	[sflag:s15] =	ssyncset.done $0x0  }
0x38: {  	s9 =	simm.s32 @p0 $0x11;
	s6 =	rddreg [dreg:$0x7];
	[sflag:s15] =	ssyncadd.s32 $0xFFFFFB00  }
0x39: {  	[tilespmem:s8], [sflag:$0x11] =	stream.linear.gather @p0 [hbm4b:s6+s8], $0xA00, $0x38;
	[tilespmem:$0xF800] =	vst v63  }
0x3a: {  	_ =	swait.ge @p0 [sflag:s9], $0xA00  }
0x3b: {  	[sflag:s9] =	ssyncset.done @p0 $0x0  }
0x3c: {  	s13 =	simm.s32 @p0 $0xA00;
	s6 =	rddreg [dreg:$0x4];
	[sflag:s9] =	ssyncadd.s32 @p0 $0xFFFFF600  }
0x3d: {  	[tilespmem:s13], [sflag:$0x11] =	stream.linear.gather @p0 [hbm4b:s6+s8], $0x1E00, $0x38;
	[tilespmem:$0xF800] =	vst v63  }
0x3e: {  	_ =	swait.ge @p0 [sflag:s9], $0x1E00  }
0x3f: {  	[sflag:s9] =	ssyncset.done @p0 $0x0  }
0x40: {  	s13 =	simm.s32 @p0 $0x2800;
	s10 =	rddreg [dreg:$0x8];
	[sflag:s9] =	ssyncadd.s32 @p0 $0xFFFFE200  }
0x41: {  	[tilespmem:s13], [sflag:$0x11] =	stream.linear.gather @p0 [hbm4b:s10+s8], $0xA00, $0x38;
	[tilespmem:$0xF800] =	vst v63  }
0x42: {  	_ =	swait.ge @p0 [sflag:s9], $0xA00  }
0x43: {  	[sflag:s9] =	ssyncset.done @p0 $0x0  }
0x44: {  	s13 =	simm.s32 @p0 $0x3200;
	[sflag:s9] =	ssyncadd.s32 @p0 $0xFFFFF600  }
0x45: {  	[tilespmem:s13], [sflag:$0x11] =	stream.linear.gather @p0 [hbm4b:s6+s8], $0x1E00, $0x38;
	[tilespmem:$0xF800] =	vst v63  }
0x46: {  	_ =	swait.ge @p0 [sflag:s9], $0x1E00  }
0x47: {  	s8 =	simm.s32 @!p0 $0x0;
	[sflag:s9] =	ssyncset.done @p0 $0x0  }
0x48: {  	s6 =	rddreg [dreg:$0x5];
	[sflag:s9] =	ssyncadd.s32 @p0 $0xFFFFE200;
	s9 =	simm.s32 @!p0 $0x11  }
0x49: {  	[tilespmem:s8], [sflag:$0x11] =	stream.linear.gather @!p0 [hbm4b:s6+s8], $0x2800, $0x38;
	[tilespmem:$0xF800] =	vst v63  }
0x4a: {  	_ =	swait.ge @!p0 [sflag:s9], $0x2800  }
0x4b: {  	[sflag:s9] =	ssyncset.done @!p0 $0x0  }
0x4c: {  	s13 =	simm.s32 @!p0 $0x2800;
	s6 =	rddreg [dreg:$0x6];
	[sflag:s9] =	ssyncadd.s32 @!p0 $0xFFFFD800  }
0x4d: {  	[tilespmem:s13], [sflag:$0x11] =	stream.linear.gather @!p0 [hbm4b:s6+s8], $0x2800, $0x38;
	[tilespmem:$0xF800] =	vst v63  }
0x4e: {  	_ =	swait.ge @!p0 [sflag:s9], $0x2800  }
0x4f: {  	[sflag:s9] =	ssyncset.done @!p0 $0x0  }
0x50: {  	[sflag:s9] =	ssyncadd.s32 @!p0 $0xFFFFD800  }
0x51: {  	s10 =	simm.s32 $0x0;
	[bflag:$0x0] =	sbarrier.arrive $0xFFFF  }
0x52: {  	[tilespmem:s17], [sflag:$0x1] =	stream.indirect.gather [hbm4b:s5+s16], $0x10, s10, s16, $0xb8;
	[tilespmem:$0xF800] =	vst v63  }
0x53: {  	_ = 	snop  }
0x54: {  	[tilespmem:s18], [sflag:$0x2] =	stream.indirect.gather [hbm4b:s5+s16], $0x10, s16, s16, $0xb8;
	[tilespmem:$0xF800] =	vst v63  }
0x55: {  	s11 =	simm.s32 $0x200  }
0x56: {  	[tilespmem:s20], [sflag:$0x3] =	stream.indirect.gather [hbm4b:s5+s16], $0x10, s11, s16, $0xb8;
	[tilespmem:$0xF800] =	vst v63  }
0x57: {  	s13 =	simm.s32 $0x300  }
0x58: {  	[tilespmem:s22], [sflag:$0x4] =	stream.indirect.gather [hbm4b:s5+s16], $0x10, s13, s16, $0xb8;
	[tilespmem:$0xF800] =	vst v63  }
0x59: {  	s13 =	simm.s32 $0x0  }
.LBB2_2:
0x5a: {  	_ =	swait.ge [sflag:s23], $0x1000  }
0x5b: {  	s8 =	sshra.s32 s13, $0x2;
	[sflag:s23] =	ssyncset.done $0x0  }
0x5c: {  	p1 =	seq.s32 s13, $0x0;
	s9 =	sadd.s32 $0x2800, s8;
	[sflag:s23] =	ssyncadd.s32 $0xFFFFF000  }
0x5d: {  	[spmem:s3] =	stream.indirect.scatter.add.f32 [tilespmem:s17], [sflag:$0x9], $0x10, s9, s16, $0xb8;
	[tilespmem:$0xF800] =	vst v63  }
0x5e: {  	s9 =	simm.s32 @!p1 $0xD  }
0x5f: {  	_ =	swait.ge @!p1 [sflag:s9], $0x1000  }
0x60: {  	[sflag:s9] =	ssyncset.done @!p1 $0x0  }
0x61: {  	s6 =	sadd.s32 $0x400, s8;
	[sflag:s9] =	ssyncadd.s32 @!p1 $0xFFFFF000  }
0x62: {  	[tilespmem:s24], [sflag:$0x5] =	stream.indirect.gather [hbm4b:s5+s16], $0x10, s6, s16, $0xb8;
	[tilespmem:$0xF800] =	vst v63  }
0x63: {  	_ =	swait.ge [sflag:s25], $0x1000  }
0x64: {  	[sflag:s25] =	ssyncset.done $0x0  }
0x65: {  	s10 =	sadd.s32 $0x2900, s8;
	s9 =	simm.s32 @!p1 $0xE;
	[sflag:s25] =	ssyncadd.s32 $0xFFFFF000  }
0x66: {  	[spmem:s3] =	stream.indirect.scatter.add.f32 [tilespmem:s18], [sflag:$0xA], $0x10, s10, s16, $0xb8;
	[tilespmem:$0xF800] =	vst v63  }
0x67: {  	_ =	swait.ge @!p1 [sflag:s9], $0x1000  }
0x68: {  	[sflag:s9] =	ssyncset.done @!p1 $0x0  }
0x69: {  	s11 =	sadd.s32 $0x500, s8;
	[sflag:s9] =	ssyncadd.s32 @!p1 $0xFFFFF000  }
0x6a: {  	[tilespmem:s26], [sflag:$0x6] =	stream.indirect.gather [hbm4b:s5+s16], $0x10, s11, s16, $0xb8;
	[tilespmem:$0xF800] =	vst v63  }
0x6b: {  	_ =	swait.ge [sflag:s28], $0x1000  }
0x6c: {  	[sflag:s28] =	ssyncset.done $0x0  }
0x6d: {  	s6 =	sadd.s32 $0x2A00, s8;
	s9 =	simm.s32 @!p1 $0xF;
	[sflag:s28] =	ssyncadd.s32 $0xFFFFF000  }
0x6e: {  	[spmem:s3] =	stream.indirect.scatter.add.f32 [tilespmem:s20], [sflag:$0xB], $0x10, s6, s16, $0xb8;
	[tilespmem:$0xF800] =	vst v63  }
0x6f: {  	_ =	swait.ge @!p1 [sflag:s9], $0x1000  }
0x70: {  	[sflag:s9] =	ssyncset.done @!p1 $0x0  }
0x71: {  	s10 =	sadd.s32 $0x600, s8;
	[sflag:s9] =	ssyncadd.s32 @!p1 $0xFFFFF000  }
0x72: {  	[tilespmem:s29], [sflag:$0x7] =	stream.indirect.gather [hbm4b:s5+s16], $0x10, s10, s16, $0xb8;
	[tilespmem:$0xF800] =	vst v63  }
0x73: {  	_ =	swait.ge [sflag:s30], $0x1000  }
0x74: {  	[sflag:s30] =	ssyncset.done $0x0  }
0x75: {  	s11 =	sadd.s32 $0x2B00, s8;
	s9 =	simm.s32 @!p1 $0x10;
	[sflag:s30] =	ssyncadd.s32 $0xFFFFF000  }
0x76: {  	[spmem:s3] =	stream.indirect.scatter.add.f32 [tilespmem:s22], [sflag:$0xC], $0x10, s11, s16, $0xb8;
	[tilespmem:$0xF800] =	vst v63  }
0x77: {  	_ =	swait.ge @!p1 [sflag:s9], $0x1000  }
0x78: {  	[sflag:s9] =	ssyncset.done @!p1 $0x0  }
0x79: {  	s6 =	sadd.s32 $0x700, s8;
	[sflag:s9] =	ssyncadd.s32 @!p1 $0xFFFFF000  }
0x7a: {  	[tilespmem:s31], [sflag:$0x8] =	stream.indirect.gather [hbm4b:s5+s16], $0x10, s6, s16, $0xb8;
	[tilespmem:$0xF800] =	vst v63  }
0x7b: {  	_ =	swait.ge [sflag:s1], $0x1000  }
0x7c: {  	[sflag:s1] =	ssyncset.done $0x0  }
0x7d: {  	s10 =	sadd.s32 $0x2C00, s8;
	[sflag:s1] =	ssyncadd.s32 $0xFFFFF000  }
0x7e: {  	[spmem:s3] =	stream.indirect.scatter.add.f32 [tilespmem:s24], [sflag:$0xD], $0x10, s10, s16, $0xb8;
	[tilespmem:$0xF800] =	vst v63  }
0x7f: {  	_ =	swait.ge [sflag:s0], $0x1000  }
0x80: {  	p1 =	seq.s32 s13, $0x8000;
	[sflag:s0] =	ssyncset.done $0x0  }
0x81: {  	s9 =	simm.s32 @p1 $0x6;
	[sflag:s0] =	ssyncadd.s32 $0xFFFFF000  }
0x82: {  	_ =	swait.ge @p1 [sflag:s9], $0x1000  }
0x83: {  	[sflag:s9] =	ssyncset.done @p1 $0x0  }
0x84: {  	[sflag:s9] =	ssyncadd.s32 @p1 $0xFFFFF000;
	s9 =	sshra.s32 @p1 s13, $0x2  }
0x85: {  	s11 =	simm.s32 @p1 $0xA000;
	s10 =	simm.s32 @p1 $0x100;
	s9 =	sadd.s32 @p1 $0x2D00, s9  }
0x86: {  	[spmem:s3] =	stream.indirect.scatter.add.f32 @p1 [tilespmem:s11], [sflag:$0xE], $0x10, s9, s10, $0xb8;
	[tilespmem:$0xF800] =	vst v63  }
0x87: {  	s9 =	simm.s32 @p1 $0xA  }
0x88: {  	_ =	swait.ge @p1 [sflag:s9], $0x1000  }
0x89: {  	[sflag:s9] =	ssyncset.done @p1 $0x0  }
0x8a: {  	[sflag:s9] =	ssyncadd.s32 @p1 $0xFFFFF000;
	s9 =	sshra.s32 @!p1 s13, $0x2  }
0x8b: {  	s6 =	simm.s32 @!p1 $0x5000;
	s11 =	simm.s32 @!p1 $0x100;
	s10 =	sadd.s32 @!p1 $0x800, s9  }
0x8c: {  	[tilespmem:s6], [sflag:$0x1] =	stream.indirect.gather @!p1 [hbm4b:s5+s11], $0x10, s10, s11, $0xb8;
	[tilespmem:$0xF800] =	vst v63  }
0x8d: {  	s6 =	simm.s32 @!p1 $0x6  }
0x8e: {  	_ =	swait.ge @!p1 [sflag:s6], $0x1000  }
0x8f: {  	[sflag:s6] =	ssyncset.done @!p1 $0x0  }
0x90: {  	s10 =	simm.s32 @!p1 $0xA000;
	[sflag:s6] =	ssyncadd.s32 @!p1 $0xFFFFF000;
	s6 =	sadd.s32 @!p1 $0x2D00, s9  }
0x91: {  	[spmem:s3] =	stream.indirect.scatter.add.f32 @!p1 [tilespmem:s10], [sflag:$0xE], $0x10, s6, s11, $0xb8;
	[tilespmem:$0xF800] =	vst v63  }
0x92: {  	s6 =	simm.s32 @!p1 $0xA  }
0x93: {  	_ =	swait.ge @!p1 [sflag:s6], $0x1000  }
0x94: {  	[sflag:s6] =	ssyncset.done @!p1 $0x0  }
0x95: {  	[sflag:s6] =	ssyncadd.s32 @!p1 $0xFFFFF000;
	s6 =	sadd.s32 @!p1 $0x900, s9;
	s9 =	simm.s32 @!p1 $0x6000  }
0x96: {  	[tilespmem:s9], [sflag:$0x2] =	stream.indirect.gather @!p1 [hbm4b:s5+s11], $0x10, s6, s11, $0xb8;
	[tilespmem:$0xF800] =	vst v63  }
0x97: {  	_ =	swait.ge [sflag:s2], $0x1000  }
0x98: {  	[sflag:s2] =	ssyncset.done $0x0  }
.Ltmp2:
0x99: {  	s11 =	sadd.s32 $0x2E00, s8;
	[sflag:s2] =	ssyncadd.s32 $0xFFFFF000;
	(pc) =	sbr.rel @p1 .LBB2_4-.Ltmp2, $4  }
0x9a: {  	[spmem:s3] =	stream.indirect.scatter.add.f32 [tilespmem:s29], [sflag:$0xF], $0x10, s11, s16, $0xb8;
	[tilespmem:$0xF800] =	vst v63  }
0x9b: {  	_ =	swait.ge [sflag:s4], $0x1000  }
0x9c: {  	[sflag:s4] =	ssyncset.done $0x0  }
0x9d: {  	s9 =	sadd.s32 $0x2F00, s8;
	[sflag:s4] =	ssyncadd.s32 $0xFFFFF000  }
0x9e: {  	s6 =	sadd.s32 $0xA00, s8  }
0x9f: {  	[tilespmem:s20], [sflag:$0x3] =	stream.indirect.gather [hbm4b:s5+s16], $0x10, s6, s16, $0xb8;
	[tilespmem:$0xF800] =	vst v63  }
0xa0: {  	_ =	swait.ge [sflag:s19], $0x1000  }
0xa1: {  	[sflag:s19] =	ssyncset.done $0x0  }
0xa2: {  	[sflag:s19] =	ssyncadd.s32 $0xFFFFF000  }
0xa3: {  	[spmem:s3] =	stream.indirect.scatter.add.f32 [tilespmem:s31], [sflag:$0x10], $0x10, s9, s16, $0xb8;
	[tilespmem:$0xF800] =	vst v63  }
.Ltmp3:
0xa4: {  	_ = 	snop;
	(pc) =	sbr.rel .LBB2_2-.Ltmp3, $4  }
0xa5: {  	_ =	swait.ge [sflag:s21], $0x1000  }
0xa6: {  	[sflag:s21] =	ssyncset.done $0x0  }
0xa7: {  	s11 =	sadd.s32 $0xB00, s8;
	s13 =	sadd.s32 $0x2000, s13;
	[sflag:s21] =	ssyncadd.s32 $0xFFFFF000  }
0xa8: {  	[tilespmem:s22], [sflag:$0x4] =	stream.indirect.gather [hbm4b:s5+s16], $0x10, s11, s16, $0xb8;
	[tilespmem:$0xF800] =	vst v63  }
.LBB2_5:
0xa9: {  	_ =	sfence.sel $0x180000  }
0xaa: {  	[bflag:$0x0] =	sbarrier.arrive $0xFFFF  }
0xab: {  	_ =	strace $0x9000004A  }
0xac: {  	s0 =	stileid.u32;
	[bflag:$0x2] =	sbarrier.arrive $0xFFFF  }
0xad: {  	p0 =	sne.s32 s0, $0x0;
	s0 =	rddreg [dreg:$0x3]  }
0xae: {  	s0 =	sadd.s32 @!p0 $0x100000, s0  }
0xaf: {  	[sflag:s0] =	ssyncadd.tile.s32 @!p0 $0x1;
	_ =	shalt  }
.Lfunc_end2:
_tile_overlayer_lowered:
.L_overlay_start_2:
0xb0: {  	(tag) =	ssettag $0x2  }
0xb1: {  	s0 =	rddreg [dreg:$0x0];
	s2 =	stileid.u32  }
0xb2: {  	s1 =	rddreg [dreg:$0x1];
	p0 =	sne.s32 s2, $0x0  }
0xb3: {  	s3 =	rddreg [dreg:$0x2];
	[bflag:$0x3] =	sbarrier.arrive $0xFFFF;
	s2 =	simm.s32 @!p0 $0x1C11  }
0xb4: {  	[timem:s3], [sflag:s2] =	dma.local @!p0 [hbm:s0], s1  }
0xb5: {  	s0 =	simm.s32 @!p0 $0x11  }
0xb6: {  	_ =	swait.ge @!p0 [sflag:s0], s1  }
0xb7: {  	s1 =	ssub.s32 @!p0 $0x0, s1;
	[sflag:s0] =	ssyncset.done @!p0 $0x0  }
0xb8: {  	[sflag:s0] =	ssyncadd.s32 @!p0 s1  }
0xb9: {  	[bflag:$0x3] =	sbarrier.arrive $0xFFFF  }
0xba: {  	_ =	shalt  }

// kernel: kernel.16.cloned.1.call-start
scs
__scs_entry_jumppad:
0x0: {  	(pc) =	sbr.rel $0x88, $3  }
0x1: {  	(tag) =	ssettag $0x0;
	lr =	simm.s32 $0x1  }
0x2: {  	[smem:$0x3F8C] =	sst lr;
	_ =	strace $0xD0000000  }
0x3: {  	_ = 	snop  }
0x4: {  	_ = 	snop  }
0x5: {  	_ = 	snop  }
0x6: {  	_ = 	snop  }
0x7: {  	_ = 	snop  }
__scs_overlays_trampoline_lowered:
0x8: {  	[smem:$0x3F9B] =	sst s0  }
0x9: {  	[smem:$0x3F9C] =	sst s1  }
0xa: {  	[smem:$0x3F9D] =	sst s2  }
0xb: {  	[smem:$0x3F9E] =	sst s3  }
0xc: {  	[smem:$0x3F9F] =	sst s4  }
0xd: {  	[smem:$0x3FA0] =	sst s5  }
0xe: {  	[smem:$0x3FA1] =	sst s6  }
0xf: {  	[smem:$0x3FA2] =	sst s7  }
0x10: {  	[smem:$0x3FA3] =	sst s8  }
0x11: {  	[smem:$0x3FA4] =	sst s9;
	s0 =	simm.s32 @!p0 $0x0  }
0x12: {  	s1 =	sld [smem:$0x3F8A];
	s0 =	simm.s32 @p0 $0x1  }
0x13: {  	[smem:$0x3FA5] =	sst s0;
	s0 =	simm.s32 @!p1 $0x0  }
0x14: {  	s2 =	sld [smem:$0x3F89];
	s0 =	simm.s32 @p1 $0x1  }
0x15: {  	[smem:$0x3FA6] =	sst s0;
	s0 =	simm.s32 @!p2 $0x0  }
0x16: {  	s3 =	sld [smem:$0x3FDB];
	s0 =	simm.s32 @p2 $0x1  }
0x17: {  	s4 =	simm.s32 $0x1BF5;
	[smem:$0x3FA8] =	sst s0  }
0x18: {  	s0 =	sld [smem:$0x3F8B];
	_ =	swait.ge [sflag:s4], $0x0  }
0x19: {  	s7 =	sld [smem:$0x3F8C]  }
0x1a: {  	s8 =	sadd.s32 $0xFFFFE003, lr  }
0x1b: {  	s9 =	sadd.s32 $0xFFFFFEF7, lr;
	s5 =	simm.s32 $0xFFFFFFFF;
	p2 =	slt.u32 s8, $0xFFFFF086  }
0x1c: {  	p1 =	slt.u32 s9, $0xF7A;
	s5 =	simm.s32 @!p2 $0x0  }
0x1d: {  	s5 =	simm.s32 @p1 $0x1;
	p0 =	seq.s32 s7, s2  }
0x1e: {  	s7 =	smul.u32 @!p0 $0xF7A, s2;
	p2 =	seq.s32 @!p0 s5, $0x0  }
0x1f: {  	s9 =	smul.u32 $0xF7A, s1;
	s8 =	simm.s32 @!p0 $0x1BF5;
	p2 =	por !p2, p0  }
0x20: {  	[sflag:s8] =	ssyncset.s32 @!p0 $0xFFFFF086;
	s6 =	sadd.s32 @!p0 s3, s7;
	s7 =	simm.s32 @!p0 $0x108  }
0x21: {  	s3 =	sadd.s32 s3, s9;
	s6 =	sadd.s32 @!p0 $0x88, s6;
	s7 =	simm.s32 @p2 $0x1082  }
0x22: {  	[simem:s7], [sflag:s8] =	dma.local @!p0 [hbm:s6], $0xF7A  }
0x23: {  	s9 =	sor.u32 $0xD0000000, s2;
	s6 =	simm.s32 $0x108;
	_ =	swait.ge @!p0 [sflag:s8], $0x0  }
0x24: {  	s3 =	sadd.s32 $0x88, s3;
	s6 =	simm.s32 @!p1 $0x1082;
	[sflag:s4] =	ssyncset.s32 $0xFFFFF086  }
0x25: {  	[simem:s6], [sflag:s4] =	dma.local [hbm:s3], $0xF7A  }
0x26: {  	[smem:$0x3F8C] =	sst s1;
	(tag) =	ssettag s2;
	_ =	strace s9  }
0x27: {  	s1 =	sld [smem:$0x3F9C]  }
0x28: {  	s2 =	sld [smem:$0x3F9D]  }
0x29: {  	s4 =	sld [smem:$0x3F9F]  }
0x2a: {  	p0 =	seq.s32 s5, $0x0;
	s5 =	sld [smem:$0x3FA0]  }
0x2b: {  	s6 =	sld [smem:$0x3FA1]  }
0x2c: {  	s7 =	sld [smem:$0x3FA2]  }
0x2d: {  	s3 =	simm.s32 $0x108;
	s8 =	sld [smem:$0x3FA3]  }
0x2e: {  	s3 =	simm.s32 @!p0 $0x1082;
	s9 =	sld [smem:$0x3FA4]  }
0x2f: {  	lr =	sadd.s32 s0, s3;
	s0 =	sld [smem:$0x3F9B]  }
0x30: {  	s3 =	sld [smem:$0x3F9E]  }
0x31: {  	[smem:$0x3FA7] =	sst s10  }
0x32: {  	s10 =	sld [smem:$0x3FA5];
	_ =	sdelay $0x3  }
0x33: {  	p0 =	seq.s32 s10, $0x1;
	s10 =	sld [smem:$0x3FA7];
	_ =	sdelay $0x3  }
0x34: {  	[smem:$0x3FA7] =	sst s10  }
0x35: {  	s10 =	sld [smem:$0x3FA6];
	_ =	sdelay $0x3  }
0x36: {  	p1 =	seq.s32 s10, $0x1;
	s10 =	sld [smem:$0x3FA7];
	_ =	sdelay $0x3  }
0x37: {  	[smem:$0x3FA7] =	sst s10  }
0x38: {  	s10 =	sld [smem:$0x3FA8]  }
0x39: {  	_ = 	snop;
	(pc) =	sbr.ind lr, $3  }
0x3a: {  	_ = 	snop  }
0x3b: {  	_ = 	snop  }
0x3c: {  	p2 =	seq.s32 s10, $0x1;
	s10 =	sld [smem:$0x3FA7]  }
0x3d: {  	_ =	shalt  }
0x3e: {  	_ =	shalt  }
0x3f: {  	_ =	shalt  }
0x40: {  	_ =	shalt  }
0x41: {  	_ =	shalt  }
0x42: {  	_ =	shalt  }
0x43: {  	_ =	shalt  }
0x44: {  	_ =	shalt  }
0x45: {  	_ =	shalt  }
0x46: {  	_ =	shalt  }
0x47: {  	_ =	shalt  }
0x48: {  	_ =	shalt  }
0x49: {  	_ =	shalt  }
0x4a: {  	_ =	shalt  }
0x4b: {  	_ =	shalt  }
0x4c: {  	_ =	shalt  }
0x4d: {  	_ =	shalt  }
0x4e: {  	_ =	shalt  }
0x4f: {  	_ =	shalt  }
0x50: {  	_ =	shalt  }
0x51: {  	_ =	shalt  }
0x52: {  	_ =	shalt  }
0x53: {  	_ =	shalt  }
0x54: {  	_ =	shalt  }
0x55: {  	_ =	shalt  }
0x56: {  	_ =	shalt  }
0x57: {  	_ =	shalt  }
0x58: {  	_ =	shalt  }
0x59: {  	_ =	shalt  }
0x5a: {  	_ =	shalt  }
0x5b: {  	_ =	shalt  }
0x5c: {  	_ =	shalt  }
0x5d: {  	_ =	shalt  }
0x5e: {  	_ =	shalt  }
0x5f: {  	_ =	shalt  }
0x60: {  	_ =	shalt  }
0x61: {  	_ =	shalt  }
0x62: {  	_ =	shalt  }
0x63: {  	_ =	shalt  }
0x64: {  	_ =	shalt  }
0x65: {  	_ =	shalt  }
0x66: {  	_ =	shalt  }
0x67: {  	_ =	shalt  }
0x68: {  	_ =	shalt  }
0x69: {  	_ =	shalt  }
0x6a: {  	_ =	shalt  }
0x6b: {  	_ =	shalt  }
0x6c: {  	_ =	shalt  }
0x6d: {  	_ =	shalt  }
0x6e: {  	_ =	shalt  }
0x6f: {  	_ =	shalt  }
0x70: {  	_ =	shalt  }
0x71: {  	_ =	shalt  }
0x72: {  	_ =	shalt  }
0x73: {  	_ =	shalt  }
0x74: {  	_ =	shalt  }
0x75: {  	_ =	shalt  }
0x76: {  	_ =	shalt  }
0x77: {  	_ =	shalt  }
0x78: {  	_ =	shalt  }
0x79: {  	_ =	shalt  }
0x7a: {  	_ =	shalt  }
0x7b: {  	_ =	shalt  }
0x7c: {  	_ =	shalt  }
0x7d: {  	_ =	shalt  }
0x7e: {  	_ =	shalt  }
0x7f: {  	_ =	shalt  }
0x80: {  	_ =	shalt  }
0x81: {  	_ =	shalt  }
0x82: {  	_ =	shalt  }
0x83: {  	_ =	shalt  }
0x84: {  	_ =	shalt  }
0x85: {  	_ =	shalt  }
0x86: {  	_ =	shalt  }
0x87: {  	_ =	shalt  }
.Lfunc_end0:
.L_simem_size_0:
called_computation.2_lowered:
.L_overlay_start_0:
0x88: {  	s2 =	sld [smem:$0x3FD9]  }
0x89: {  	s3 =	sld [smem:$0x3FFE];
	_ =	sdelay $0x1  }
0x8a: {  	s1 =	srdreg.scid  }
0x8b: {  	s0 =	sand.u32 $0x1, s1  }
0x8c: {  	s17 =	sshll.u32 s0, $0xA;
	s2 =	sadd.s32 s3, s2  }
0x8d: {  	s2 =	sadd.s32 s2, s17  }
0x8e: {  	[smem:$0x3FB3] =	sst s2  }
0x8f: {  	_ = 	snop  }
0x90: {  	s2 =	sld [smem:$0x3FD0];
	(tm) =	ssettm $0x1  }
0x91: {  	s18 =	sld [smem:$0x3FFB];
	_ =	sdelay $0x3  }
0x92: {  	_ =	strace s18  }
0x93: {  	s3 =	sld [smem:$0x3FFC];
	_ =	sdelay $0x3  }
0x94: {  	_ =	strace s3  }
0x95: {  	s3 =	sld [smem:$0x3FFD];
	_ =	sdelay $0x3  }
0x96: {  	_ =	strace s3  }
0x97: {  	_ =	strace $0x8FFFFFFF  }
0x98: {  	s19 =	sld [smem:$0x3FDB];
	_ =	sdelay $0x1  }
0x99: {  	s4 =	simm.s32 $_scs_section_size  }
0x9a: {  	s5 =	simm.s32 $_size__tile_overlayer_lowered;
	s6 =	simm.s32 $_tile_overlayer_lowered  }
0x9b: {  	s22 =	simm.s32 $0x1BFF;
	s21 =	sshll.u32 s6, $0x1;
	s3 =	sadd.s32 s4, s19  }
0x9c: {  	s7 =	simm.s32 $0x0;
	s20 =	sshll.u32 s5, $0x1;
	s5 =	sadd.s32 s21, s3  }
0x9d: {  	[timem:s7], [sflag:s22] =	dma.local [hbm:s5], s20  }
0x9e: {  	_ =	swait.ge [sflag:s22], s20  }
0x9f: {  	s4 =	ssub.s32 $0x0, s20;
	[sflag:s22] =	ssyncset.done $0x0  }
0xa0: {  	[sflag:s22] =	ssyncadd.s32 s4;
	_ =	sdelay $0x1  }
0xa1: {  	s23 =	simm.s32 $0x1B8B  }
0xa2: {  	_ =	swait.ge [sflag:s23], $0x1  }
0xa3: {  	[sflag:s23] =	ssyncset.done $0x0  }
0xa4: {  	s25 =	simm.s32 $0x1B8E;
	s24 =	sld [smem:$0x3FFE];
	[sflag:s23] =	ssyncadd.s32 $0xFFFFFFFF  }
0xa5: {  	s26 =	simm.s32 $execute0_lowered;
	[smem:$0x3FD2] =	sst s25  }
0xa6: {  	s5 =	sshll.u32 s26, $0x1;
	_ =	strace $0x8000004C;
	[dreg:$0x1] =	wrdreg $0xFFFFFFFF  }
0xa7: {  	s28 =	simm.s32 $_size_execute0_lowered;
	s3 =	sadd.s32 s3, s5;
	[dreg:$0x0] =	wrdreg $0x0  }
0xa8: {  	s5 =	sshll.u32 s28, $0x1;
	[dreg:$0x2] =	wrdreg s3  }
0xa9: {  	[dreg:$0x3] =	wrdreg s5  }
0xaa: {  	[dreg:$0x4] =	wrdreg $0xC0  }
0xab: {  	_ =	task [dreg:s7], $0x5FFFF  }
0xac: {  	[dreg:$0x1] =	wrdreg $0xFFFFFFFF  }
0xad: {  	[dreg:$0x0] =	wrdreg $0x60  }
0xae: {  	[dreg:$0x2] =	wrdreg s24  }
0xaf: {  	[dreg:$0x3] =	wrdreg s2  }
0xb0: {  	[dreg:$0x4] =	wrdreg $0x150000  }
0xb1: {  	[dreg:$0x5] =	wrdreg $0x9  }
0xb2: {  	_ =	task.clear_ibuf [dreg:s7], $0x6FFFF;
	_ =	strace $0x9000004C  }
0xb3: {  	s29 =	simm.s32 $0x9;
	_ =	strace $0x8000004E  }
0xb4: {  	_ =	swait.ge [sflag:s29], $0x1  }
0xb5: {  	[sflag:s29] =	ssyncadd.s32 $0xFFFFFFFF  }
0xb6: {  	_ =	strace $0x9000004E  }
0xb7: {  	_ =	sfence  }
0xb8: {  	s30 =	sld [smem:$0x0];
	_ =	sdelay $0x2  }
0xb9: {  	s31 =	sshll.u32 s1, $0xD;
	s1 =	sshrl.u32 s1, $0x2  }
0xba: {  	s3 =	sand.u32 $0x4000, s31;
	s1 =	sadd.s32 s1, s30  }
0xbb: {  	s0 =	sor.u32 s3, s0;
	s1 =	sshll.u32 s1, $0x11  }
0xbc: {  	s0 =	sor.u32 s1, s0  }
0xbd: {  	s0 =	sadd.s32 $0x8F2B, s0  }
0xbe: {  	[sflag:s0] =	ssyncadd.remote.s32 $0x1  }
0xbf: {  	_ =	sfence.sel $0xFFFF  }
0xc0: {  	[dreg:$0x0] =	wrdreg $0xFFFFFFFF;
	(pc) =	sbr.abs _section_cstart, $3  }
0xc1: {  	[dreg:$0x1] =	wrdreg $0xFFFFFFFF  }
0xc2: {  	_ =	task.clear_ibuf [dreg:s7], $0x2FFFF;
	_ =	strace $0x9FFFFFFF  }
0xc3: {  	(tm) =	ssettm $0x7FFFFFFF  }
tec
execute0_lowered:
.L_overlay_start_1:
0x0: {  	(tag) =	ssettag $0x1  }
0x1: {  	s0 =	rddreg [dreg:$0x0];
	s1 =	srdreg.scid  }
0x2: {  	s6 =	stileid.u32;
	s3 =	rddreg [dreg:$0x2]  }
0x3: {  	s4 =	simm.s32 $0x0;
	s15 =	simm.s32 $0x11;
	s16 =	simm.s32 $0x100  }
0x4: {  	s17 =	simm.s32 $0x5000;
	s18 =	simm.s32 $0x7000;
	s28 =	simm.s32 $0x3  }
0x5: {  	s29 =	simm.s32 $0x11000;
	s30 =	simm.s32 $0x4;
	s31 =	simm.s32 $0x13000  }
0x6: {  	s12 =	simm.s32 $0x0;
	s1 =	sand.u32 $0x1, s1;
	s2 =	sshll.u32 s6, $0x1  }
0x7: {  	[smem:$0x7FF] =	sst s4;
	s5 =	sadd.s32 $0x1AA00, s0;
	s9 =	smul.u32 $0x5000, s6  }
0x8: {  	s10 =	sadd.s32 $0x6C00, s0;
	s20 =	sshll.u32 s6, $0x6;
	s23 =	sadd.s32 $0x10B00, s0  }
0x9: {  	s24 =	sadd.s32 $0x1A740, s0;
	_ =	strace $0x8000004D;
	[dreg:$0x4] =	wrdreg s10  }
0xa: {  	s2 =	sor.u32 s1, s2;
	s7 =	ssub.s32 $0x2, s1;
	[dreg:$0x7] =	wrdreg s23  }
0xb: {  	p0 =	seq.s32 s1, $0x1;
	s1 =	simm.s32 $0x2EA00;
	[dreg:$0x8] =	wrdreg s24  }
0xc: {  	s23 =	simm.s32 $0x1;
	s24 =	simm.s32 $0xD000;
	s19 =	smul.u32 $0x2800, s2  }
0xd: {  	s8 =	sshrl.u32 s7, $0x1;
	s21 =	sadd.s32 s9, s3;
	s1 =	simm.s32 @!p0 $0x24A00  }
0xe: {  	s25 =	sshrl.u32 s9, $0x3;
	p0 =	seq.s32 s2, $0x1F;
	s2 =	simm.s32 $0x7  }
0xf: {  	s8 =	ssub.s32 s7, s8;
	s7 =	sor.u32 $0x1C11, s20;
	s14 =	sshrl.u32 s21, $0x3  }
0x10: {  	s20 =	simm.s32 $0x9000;
	s21 =	simm.s32 $0xC;
	s4 =	sshrl.u32 s19, $0x3  }
0x11: {  	s26 =	smax.u32 s8, $0x1;
	s19 =	simm.s32 $0x8;
	s4 =	sadd.s32 s4, s0  }
.Ltmp0:
0x12: {  	[dreg:$0x9] =	wrdreg s26;
	s22 =	sadd.s32 $0x7000, s4;
	(pc) =	sbr.rel .LBB2_1-.Ltmp0, $4  }
0x13: {  	s0 =	sadd.s32 s1, s0;
	s4 =	sadd.s32 $0x10C40, s4;
	[dreg:$0x5] =	wrdreg s22  }
0x14: {  	s26 =	simm.s32 $0xF000;
	s0 =	sadd.s32 s0, s25;
	[dreg:$0x6] =	wrdreg s4  }
0x15: {  	s1 =	simm.s32 $0x5;
	s25 =	simm.s32 $0x2;
	[dreg:$0xa] =	wrdreg s0  }
0x16: {  	s22 =	simm.s32 $0xB000;
	s0 =	simm.s32 $0x9;
	s4 =	simm.s32 $0xB  }
.LBB2_4:
0x17: {  	_ =	swait.ge [sflag:s19], $0x2000  }
0x18: {  	[sflag:s19] =	ssyncset.done $0x0  }
0x19: {  	[sflag:s19] =	ssyncadd.s32 $0xFFFFE000  }
0x1a: {  	[spmem:s3] =	stream.indirect.scatter.add.f32 [tilespmem:s31], [sflag:$0x10], $0x20, s9, s16, $0xb8;
	[tilespmem:$0x1A000] =	vst v63  }
0x1b: {  	_ =	swait.ge [sflag:s21], $0x2000  }
0x1c: {  	[sflag:s21] =	ssyncset.done $0x0  }
0x1d: {  	s6 =	simm.s32 $0xD;
	[sflag:s21] =	ssyncadd.s32 $0xFFFFE000  }
0x1e: {  	_ =	swait.ge [sflag:s6], $0x2000  }
0x1f: {  	[sflag:s6] =	ssyncset.done $0x0  }
0x20: {  	s8 =	simm.s32 $0xE;
	[sflag:s6] =	ssyncadd.s32 $0xFFFFE000  }
0x21: {  	_ =	swait.ge [sflag:s8], $0x2000  }
0x22: {  	[sflag:s8] =	ssyncset.done $0x0  }
0x23: {  	s9 =	simm.s32 $0xF;
	[sflag:s8] =	ssyncadd.s32 $0xFFFFE000  }
0x24: {  	_ =	swait.ge [sflag:s9], $0x2000  }
0x25: {  	[sflag:s9] =	ssyncset.done $0x0  }
0x26: {  	s10 =	simm.s32 $0x10;
	[sflag:s9] =	ssyncadd.s32 $0xFFFFE000  }
0x27: {  	_ =	swait.ge [sflag:s10], $0x2000  }
0x28: {  	[sflag:s10] =	ssyncset.done $0x0  }
0x29: {  	[sflag:s10] =	ssyncadd.s32 $0xFFFFE000  }
0x2a: {  	[bflag:$0x0] =	sbarrier.arrive $0xFFFF  }
0x2b: {  	s11 =	rddreg [dreg:$0xa]  }
0x2c: {  	[hbm:s11], [sflag:s7] =	dma.local [spmem:s14], $0xA00  }
0x2d: {  	_ =	swait.ge [sflag:s15], $0xA00  }
0x2e: {  	s12 =	sadd.s32 $0x1, s12;
	s13 =	rddreg [dreg:$0x9]  }
0x2f: {  	p1 =	sne.s32 s12, s13  }
.Ltmp1:
0x30: {  	_ = 	snop;
	(pc) =	sbr.rel @!p1 .LBB2_5-.Ltmp1, $3  }
0x31: {  	_ =	sdelay $0x1  }
0x32: {  	[sflag:s15] =	ssyncset.done $0x0  }
0x33: {  	[sflag:s15] =	ssyncadd.s32 $0xFFFFF600  }
.LBB2_1:
0x34: {  	s6 =	rddreg [dreg:$0x1]  }
0x35: {  	[spmem:s14], [sflag:s7] =	dma.local [hbm:s6], $0xA00  }
0x36: {  	_ =	swait.ge [sflag:s15], $0xA00  }
0x37: {  	s8 =	simm.s32 @p0 $0x0;
	[sflag:s15] =	ssyncset.done $0x0  }
0x38: {  	s9 =	simm.s32 @p0 $0x11;
	s6 =	rddreg [dreg:$0x7];
	[sflag:s15] =	ssyncadd.s32 $0xFFFFF600  }
0x39: {  	[tilespmem:s8], [sflag:$0x11] =	stream.linear.gather @p0 [hbm4b:s6+s8], $0xA00, $0x38;
	[tilespmem:$0x1A000] =	vst v63  }
0x3a: {  	_ =	swait.ge @p0 [sflag:s9], $0xA00  }
0x3b: {  	[sflag:s9] =	ssyncset.done @p0 $0x0  }
0x3c: {  	s13 =	simm.s32 @p0 $0xA00;
	s6 =	rddreg [dreg:$0x4];
	[sflag:s9] =	ssyncadd.s32 @p0 $0xFFFFF600  }
0x3d: {  	[tilespmem:s13], [sflag:$0x11] =	stream.linear.gather @p0 [hbm4b:s6+s8], $0x1E00, $0x38;
	[tilespmem:$0x1A000] =	vst v63  }
0x3e: {  	_ =	swait.ge @p0 [sflag:s9], $0x1E00  }
0x3f: {  	[sflag:s9] =	ssyncset.done @p0 $0x0  }
0x40: {  	s13 =	simm.s32 @p0 $0x2800;
	s10 =	rddreg [dreg:$0x8];
	[sflag:s9] =	ssyncadd.s32 @p0 $0xFFFFE200  }
0x41: {  	[tilespmem:s13], [sflag:$0x11] =	stream.linear.gather @p0 [hbm4b:s10+s8], $0xA00, $0x38;
	[tilespmem:$0x1A000] =	vst v63  }
0x42: {  	_ =	swait.ge @p0 [sflag:s9], $0xA00  }
0x43: {  	[sflag:s9] =	ssyncset.done @p0 $0x0  }
0x44: {  	s13 =	simm.s32 @p0 $0x3200;
	[sflag:s9] =	ssyncadd.s32 @p0 $0xFFFFF600  }
0x45: {  	[tilespmem:s13], [sflag:$0x11] =	stream.linear.gather @p0 [hbm4b:s6+s8], $0x1E00, $0x38;
	[tilespmem:$0x1A000] =	vst v63  }
0x46: {  	_ =	swait.ge @p0 [sflag:s9], $0x1E00  }
0x47: {  	s8 =	simm.s32 @!p0 $0x0;
	[sflag:s9] =	ssyncset.done @p0 $0x0  }
0x48: {  	s6 =	rddreg [dreg:$0x5];
	[sflag:s9] =	ssyncadd.s32 @p0 $0xFFFFE200;
	s9 =	simm.s32 @!p0 $0x11  }
0x49: {  	[tilespmem:s8], [sflag:$0x11] =	stream.linear.gather @!p0 [hbm4b:s6+s8], $0x2800, $0x38;
	[tilespmem:$0x1A000] =	vst v63  }
0x4a: {  	_ =	swait.ge @!p0 [sflag:s9], $0x2800  }
0x4b: {  	[sflag:s9] =	ssyncset.done @!p0 $0x0  }
0x4c: {  	s13 =	simm.s32 @!p0 $0x2800;
	s6 =	rddreg [dreg:$0x6];
	[sflag:s9] =	ssyncadd.s32 @!p0 $0xFFFFD800  }
0x4d: {  	[tilespmem:s13], [sflag:$0x11] =	stream.linear.gather @!p0 [hbm4b:s6+s8], $0x2800, $0x38;
	[tilespmem:$0x1A000] =	vst v63  }
0x4e: {  	_ =	swait.ge @!p0 [sflag:s9], $0x2800  }
0x4f: {  	[sflag:s9] =	ssyncset.done @!p0 $0x0  }
0x50: {  	[sflag:s9] =	ssyncadd.s32 @!p0 $0xFFFFD800  }
0x51: {  	s10 =	simm.s32 $0x0;
	[bflag:$0x0] =	sbarrier.arrive $0xFFFF  }
0x52: {  	[tilespmem:s17], [sflag:$0x1] =	stream.indirect.gather [hbm4b:s5+s16], $0x20, s10, s16, $0xb8;
	[tilespmem:$0x1A000] =	vst v63  }
0x53: {  	_ = 	snop  }
0x54: {  	[tilespmem:s18], [sflag:$0x2] =	stream.indirect.gather [hbm4b:s5+s16], $0x20, s16, s16, $0xb8;
	[tilespmem:$0x1A000] =	vst v63  }
0x55: {  	s11 =	simm.s32 $0x200  }
0x56: {  	[tilespmem:s20], [sflag:$0x3] =	stream.indirect.gather [hbm4b:s5+s16], $0x20, s11, s16, $0xb8;
	[tilespmem:$0x1A000] =	vst v63  }
0x57: {  	s13 =	simm.s32 $0x300  }
0x58: {  	[tilespmem:s22], [sflag:$0x4] =	stream.indirect.gather [hbm4b:s5+s16], $0x20, s13, s16, $0xb8;
	[tilespmem:$0x1A000] =	vst v63  }
0x59: {  	s13 =	simm.s32 $0x0  }
.LBB2_2:
0x5a: {  	_ =	swait.ge [sflag:s23], $0x2000  }
0x5b: {  	s8 =	sshra.s32 s13, $0x2;
	[sflag:s23] =	ssyncset.done $0x0  }
0x5c: {  	p1 =	seq.s32 s13, $0x0;
	s9 =	sadd.s32 $0x2800, s8;
	[sflag:s23] =	ssyncadd.s32 $0xFFFFE000  }
0x5d: {  	[spmem:s3] =	stream.indirect.scatter.add.f32 [tilespmem:s17], [sflag:$0x9], $0x20, s9, s16, $0xb8;
	[tilespmem:$0x1A000] =	vst v63  }
0x5e: {  	s9 =	simm.s32 @!p1 $0xD  }
0x5f: {  	_ =	swait.ge @!p1 [sflag:s9], $0x2000  }
0x60: {  	[sflag:s9] =	ssyncset.done @!p1 $0x0  }
0x61: {  	s6 =	sadd.s32 $0x400, s8;
	[sflag:s9] =	ssyncadd.s32 @!p1 $0xFFFFE000  }
0x62: {  	[tilespmem:s24], [sflag:$0x5] =	stream.indirect.gather [hbm4b:s5+s16], $0x20, s6, s16, $0xb8;
	[tilespmem:$0x1A000] =	vst v63  }
0x63: {  	_ =	swait.ge [sflag:s25], $0x2000  }
0x64: {  	[sflag:s25] =	ssyncset.done $0x0  }
0x65: {  	s10 =	sadd.s32 $0x2900, s8;
	s9 =	simm.s32 @!p1 $0xE;
	[sflag:s25] =	ssyncadd.s32 $0xFFFFE000  }
0x66: {  	[spmem:s3] =	stream.indirect.scatter.add.f32 [tilespmem:s18], [sflag:$0xA], $0x20, s10, s16, $0xb8;
	[tilespmem:$0x1A000] =	vst v63  }
0x67: {  	_ =	swait.ge @!p1 [sflag:s9], $0x2000  }
0x68: {  	[sflag:s9] =	ssyncset.done @!p1 $0x0  }
0x69: {  	s11 =	sadd.s32 $0x500, s8;
	[sflag:s9] =	ssyncadd.s32 @!p1 $0xFFFFE000  }
0x6a: {  	[tilespmem:s26], [sflag:$0x6] =	stream.indirect.gather [hbm4b:s5+s16], $0x20, s11, s16, $0xb8;
	[tilespmem:$0x1A000] =	vst v63  }
0x6b: {  	_ =	swait.ge [sflag:s28], $0x2000  }
0x6c: {  	[sflag:s28] =	ssyncset.done $0x0  }
0x6d: {  	s6 =	sadd.s32 $0x2A00, s8;
	s9 =	simm.s32 @!p1 $0xF;
	[sflag:s28] =	ssyncadd.s32 $0xFFFFE000  }
0x6e: {  	[spmem:s3] =	stream.indirect.scatter.add.f32 [tilespmem:s20], [sflag:$0xB], $0x20, s6, s16, $0xb8;
	[tilespmem:$0x1A000] =	vst v63  }
0x6f: {  	_ =	swait.ge @!p1 [sflag:s9], $0x2000  }
0x70: {  	[sflag:s9] =	ssyncset.done @!p1 $0x0  }
0x71: {  	s10 =	sadd.s32 $0x600, s8;
	[sflag:s9] =	ssyncadd.s32 @!p1 $0xFFFFE000  }
0x72: {  	[tilespmem:s29], [sflag:$0x7] =	stream.indirect.gather [hbm4b:s5+s16], $0x20, s10, s16, $0xb8;
	[tilespmem:$0x1A000] =	vst v63  }
0x73: {  	_ =	swait.ge [sflag:s30], $0x2000  }
0x74: {  	[sflag:s30] =	ssyncset.done $0x0  }
0x75: {  	s11 =	sadd.s32 $0x2B00, s8;
	s9 =	simm.s32 @!p1 $0x10;
	[sflag:s30] =	ssyncadd.s32 $0xFFFFE000  }
0x76: {  	[spmem:s3] =	stream.indirect.scatter.add.f32 [tilespmem:s22], [sflag:$0xC], $0x20, s11, s16, $0xb8;
	[tilespmem:$0x1A000] =	vst v63  }
0x77: {  	_ =	swait.ge @!p1 [sflag:s9], $0x2000  }
0x78: {  	[sflag:s9] =	ssyncset.done @!p1 $0x0  }
0x79: {  	s6 =	sadd.s32 $0x700, s8;
	[sflag:s9] =	ssyncadd.s32 @!p1 $0xFFFFE000  }
0x7a: {  	[tilespmem:s31], [sflag:$0x8] =	stream.indirect.gather [hbm4b:s5+s16], $0x20, s6, s16, $0xb8;
	[tilespmem:$0x1A000] =	vst v63  }
0x7b: {  	_ =	swait.ge [sflag:s1], $0x2000  }
0x7c: {  	[sflag:s1] =	ssyncset.done $0x0  }
0x7d: {  	s10 =	sadd.s32 $0x2C00, s8;
	[sflag:s1] =	ssyncadd.s32 $0xFFFFE000  }
0x7e: {  	[spmem:s3] =	stream.indirect.scatter.add.f32 [tilespmem:s24], [sflag:$0xD], $0x20, s10, s16, $0xb8;
	[tilespmem:$0x1A000] =	vst v63  }
0x7f: {  	_ =	swait.ge [sflag:s0], $0x2000  }
0x80: {  	p1 =	seq.s32 s13, $0x8000;
	[sflag:s0] =	ssyncset.done $0x0  }
0x81: {  	s9 =	simm.s32 @p1 $0x6;
	[sflag:s0] =	ssyncadd.s32 $0xFFFFE000  }
0x82: {  	_ =	swait.ge @p1 [sflag:s9], $0x2000  }
0x83: {  	[sflag:s9] =	ssyncset.done @p1 $0x0  }
0x84: {  	[sflag:s9] =	ssyncadd.s32 @p1 $0xFFFFE000;
	s9 =	sshra.s32 @p1 s13, $0x2  }
0x85: {  	s11 =	simm.s32 @p1 $0xF000;
	s10 =	simm.s32 @p1 $0x100;
	s9 =	sadd.s32 @p1 $0x2D00, s9  }
0x86: {  	[spmem:s3] =	stream.indirect.scatter.add.f32 @p1 [tilespmem:s11], [sflag:$0xE], $0x20, s9, s10, $0xb8;
	[tilespmem:$0x1A000] =	vst v63  }
0x87: {  	s9 =	simm.s32 @p1 $0xA  }
0x88: {  	_ =	swait.ge @p1 [sflag:s9], $0x2000  }
0x89: {  	[sflag:s9] =	ssyncset.done @p1 $0x0  }
0x8a: {  	[sflag:s9] =	ssyncadd.s32 @p1 $0xFFFFE000;
	s9 =	sshra.s32 @!p1 s13, $0x2  }
0x8b: {  	s6 =	simm.s32 @!p1 $0x5000;
	s11 =	simm.s32 @!p1 $0x100;
	s10 =	sadd.s32 @!p1 $0x800, s9  }
0x8c: {  	[tilespmem:s6], [sflag:$0x1] =	stream.indirect.gather @!p1 [hbm4b:s5+s11], $0x20, s10, s11, $0xb8;
	[tilespmem:$0x1A000] =	vst v63  }
0x8d: {  	s6 =	simm.s32 @!p1 $0x6  }
0x8e: {  	_ =	swait.ge @!p1 [sflag:s6], $0x2000  }
0x8f: {  	[sflag:s6] =	ssyncset.done @!p1 $0x0  }
0x90: {  	s10 =	simm.s32 @!p1 $0xF000;
	[sflag:s6] =	ssyncadd.s32 @!p1 $0xFFFFE000;
	s6 =	sadd.s32 @!p1 $0x2D00, s9  }
0x91: {  	[spmem:s3] =	stream.indirect.scatter.add.f32 @!p1 [tilespmem:s10], [sflag:$0xE], $0x20, s6, s11, $0xb8;
	[tilespmem:$0x1A000] =	vst v63  }
0x92: {  	s6 =	simm.s32 @!p1 $0xA  }
0x93: {  	_ =	swait.ge @!p1 [sflag:s6], $0x2000  }
0x94: {  	[sflag:s6] =	ssyncset.done @!p1 $0x0  }
0x95: {  	[sflag:s6] =	ssyncadd.s32 @!p1 $0xFFFFE000;
	s6 =	sadd.s32 @!p1 $0x900, s9;
	s9 =	simm.s32 @!p1 $0x7000  }
0x96: {  	[tilespmem:s9], [sflag:$0x2] =	stream.indirect.gather @!p1 [hbm4b:s5+s11], $0x20, s6, s11, $0xb8;
	[tilespmem:$0x1A000] =	vst v63  }
0x97: {  	_ =	swait.ge [sflag:s2], $0x2000  }
0x98: {  	[sflag:s2] =	ssyncset.done $0x0  }
.Ltmp2:
0x99: {  	s11 =	sadd.s32 $0x2E00, s8;
	[sflag:s2] =	ssyncadd.s32 $0xFFFFE000;
	(pc) =	sbr.rel @p1 .LBB2_4-.Ltmp2, $4  }
0x9a: {  	[spmem:s3] =	stream.indirect.scatter.add.f32 [tilespmem:s29], [sflag:$0xF], $0x20, s11, s16, $0xb8;
	[tilespmem:$0x1A000] =	vst v63  }
0x9b: {  	_ =	swait.ge [sflag:s4], $0x2000  }
0x9c: {  	[sflag:s4] =	ssyncset.done $0x0  }
0x9d: {  	s9 =	sadd.s32 $0x2F00, s8;
	[sflag:s4] =	ssyncadd.s32 $0xFFFFE000  }
0x9e: {  	s6 =	sadd.s32 $0xA00, s8  }
0x9f: {  	[tilespmem:s20], [sflag:$0x3] =	stream.indirect.gather [hbm4b:s5+s16], $0x20, s6, s16, $0xb8;
	[tilespmem:$0x1A000] =	vst v63  }
0xa0: {  	_ =	swait.ge [sflag:s19], $0x2000  }
0xa1: {  	[sflag:s19] =	ssyncset.done $0x0  }
0xa2: {  	[sflag:s19] =	ssyncadd.s32 $0xFFFFE000  }
0xa3: {  	[spmem:s3] =	stream.indirect.scatter.add.f32 [tilespmem:s31], [sflag:$0x10], $0x20, s9, s16, $0xb8;
	[tilespmem:$0x1A000] =	vst v63  }
.Ltmp3:
0xa4: {  	_ = 	snop;
	(pc) =	sbr.rel .LBB2_2-.Ltmp3, $4  }
0xa5: {  	_ =	swait.ge [sflag:s21], $0x2000  }
0xa6: {  	[sflag:s21] =	ssyncset.done $0x0  }
0xa7: {  	s11 =	sadd.s32 $0xB00, s8;
	s13 =	sadd.s32 $0x2000, s13;
	[sflag:s21] =	ssyncadd.s32 $0xFFFFE000  }
0xa8: {  	[tilespmem:s22], [sflag:$0x4] =	stream.indirect.gather [hbm4b:s5+s16], $0x20, s11, s16, $0xb8;
	[tilespmem:$0x1A000] =	vst v63  }
.LBB2_5:
0xa9: {  	_ =	sfence.sel $0x180000  }
0xaa: {  	[bflag:$0x0] =	sbarrier.arrive $0xFFFF  }
0xab: {  	_ =	strace $0x9000004D  }
0xac: {  	s0 =	stileid.u32;
	[bflag:$0x2] =	sbarrier.arrive $0xFFFF  }
0xad: {  	p0 =	sne.s32 s0, $0x0;
	s0 =	rddreg [dreg:$0x3]  }
0xae: {  	s0 =	sadd.s32 @!p0 $0x100000, s0  }
0xaf: {  	[sflag:s0] =	ssyncadd.tile.s32 @!p0 $0x1;
	_ =	shalt  }
.Lfunc_end2:
_tile_overlayer_lowered:
.L_overlay_start_2:
0xb0: {  	(tag) =	ssettag $0x2  }
0xb1: {  	s0 =	rddreg [dreg:$0x0];
	s2 =	stileid.u32  }
0xb2: {  	s1 =	rddreg [dreg:$0x1];
	p0 =	sne.s32 s2, $0x0  }
0xb3: {  	s3 =	rddreg [dreg:$0x2];
	[bflag:$0x3] =	sbarrier.arrive $0xFFFF;
	s2 =	simm.s32 @!p0 $0x1C11  }
0xb4: {  	[timem:s3], [sflag:s2] =	dma.local @!p0 [hbm:s0], s1  }
0xb5: {  	s0 =	simm.s32 @!p0 $0x11  }
0xb6: {  	_ =	swait.ge @!p0 [sflag:s0], s1  }
0xb7: {  	s1 =	ssub.s32 @!p0 $0x0, s1;
	[sflag:s0] =	ssyncset.done @!p0 $0x0  }
0xb8: {  	[sflag:s0] =	ssyncadd.s32 @!p0 s1  }
0xb9: {  	[bflag:$0x3] =	sbarrier.arrive $0xFFFF  }
0xba: {  	_ =	shalt  }

// kernel: kernel.19.cloned.1.call-start
scs
__scs_entry_jumppad:
0x0: {  	(pc) =	sbr.rel $0x88, $3  }
0x1: {  	(tag) =	ssettag $0x0;
	lr =	simm.s32 $0x1  }
0x2: {  	[smem:$0x3F8C] =	sst lr;
	_ =	strace $0xD0000000  }
0x3: {  	_ = 	snop  }
0x4: {  	_ = 	snop  }
0x5: {  	_ = 	snop  }
0x6: {  	_ = 	snop  }
0x7: {  	_ = 	snop  }
__scs_overlays_trampoline_lowered:
0x8: {  	[smem:$0x3F9B] =	sst s0  }
0x9: {  	[smem:$0x3F9C] =	sst s1  }
0xa: {  	[smem:$0x3F9D] =	sst s2  }
0xb: {  	[smem:$0x3F9E] =	sst s3  }
0xc: {  	[smem:$0x3F9F] =	sst s4  }
0xd: {  	[smem:$0x3FA0] =	sst s5  }
0xe: {  	[smem:$0x3FA1] =	sst s6  }
0xf: {  	[smem:$0x3FA2] =	sst s7  }
0x10: {  	[smem:$0x3FA3] =	sst s8  }
0x11: {  	[smem:$0x3FA4] =	sst s9;
	s0 =	simm.s32 @!p0 $0x0  }
0x12: {  	s1 =	sld [smem:$0x3F8A];
	s0 =	simm.s32 @p0 $0x1  }
0x13: {  	[smem:$0x3FA5] =	sst s0;
	s0 =	simm.s32 @!p1 $0x0  }
0x14: {  	s2 =	sld [smem:$0x3F89];
	s0 =	simm.s32 @p1 $0x1  }
0x15: {  	[smem:$0x3FA6] =	sst s0;
	s0 =	simm.s32 @!p2 $0x0  }
0x16: {  	s3 =	sld [smem:$0x3FDB];
	s0 =	simm.s32 @p2 $0x1  }
0x17: {  	s4 =	simm.s32 $0x1BF5;
	[smem:$0x3FA8] =	sst s0  }
0x18: {  	s0 =	sld [smem:$0x3F8B];
	_ =	swait.ge [sflag:s4], $0x0  }
0x19: {  	s7 =	sld [smem:$0x3F8C]  }
0x1a: {  	s8 =	sadd.s32 $0xFFFFE003, lr  }
0x1b: {  	s9 =	sadd.s32 $0xFFFFFEF7, lr;
	s5 =	simm.s32 $0xFFFFFFFF;
	p2 =	slt.u32 s8, $0xFFFFF086  }
0x1c: {  	p1 =	slt.u32 s9, $0xF7A;
	s5 =	simm.s32 @!p2 $0x0  }
0x1d: {  	s5 =	simm.s32 @p1 $0x1;
	p0 =	seq.s32 s7, s2  }
0x1e: {  	s7 =	smul.u32 @!p0 $0xF7A, s2;
	p2 =	seq.s32 @!p0 s5, $0x0  }
0x1f: {  	s9 =	smul.u32 $0xF7A, s1;
	s8 =	simm.s32 @!p0 $0x1BF5;
	p2 =	por !p2, p0  }
0x20: {  	[sflag:s8] =	ssyncset.s32 @!p0 $0xFFFFF086;
	s6 =	sadd.s32 @!p0 s3, s7;
	s7 =	simm.s32 @!p0 $0x108  }
0x21: {  	s3 =	sadd.s32 s3, s9;
	s6 =	sadd.s32 @!p0 $0x88, s6;
	s7 =	simm.s32 @p2 $0x1082  }
0x22: {  	[simem:s7], [sflag:s8] =	dma.local @!p0 [hbm:s6], $0xF7A  }
0x23: {  	s9 =	sor.u32 $0xD0000000, s2;
	s6 =	simm.s32 $0x108;
	_ =	swait.ge @!p0 [sflag:s8], $0x0  }
0x24: {  	s3 =	sadd.s32 $0x88, s3;
	s6 =	simm.s32 @!p1 $0x1082;
	[sflag:s4] =	ssyncset.s32 $0xFFFFF086  }
0x25: {  	[simem:s6], [sflag:s4] =	dma.local [hbm:s3], $0xF7A  }
0x26: {  	[smem:$0x3F8C] =	sst s1;
	(tag) =	ssettag s2;
	_ =	strace s9  }
0x27: {  	s1 =	sld [smem:$0x3F9C]  }
0x28: {  	s2 =	sld [smem:$0x3F9D]  }
0x29: {  	s4 =	sld [smem:$0x3F9F]  }
0x2a: {  	p0 =	seq.s32 s5, $0x0;
	s5 =	sld [smem:$0x3FA0]  }
0x2b: {  	s6 =	sld [smem:$0x3FA1]  }
0x2c: {  	s7 =	sld [smem:$0x3FA2]  }
0x2d: {  	s3 =	simm.s32 $0x108;
	s8 =	sld [smem:$0x3FA3]  }
0x2e: {  	s3 =	simm.s32 @!p0 $0x1082;
	s9 =	sld [smem:$0x3FA4]  }
0x2f: {  	lr =	sadd.s32 s0, s3;
	s0 =	sld [smem:$0x3F9B]  }
0x30: {  	s3 =	sld [smem:$0x3F9E]  }
0x31: {  	[smem:$0x3FA7] =	sst s10  }
0x32: {  	s10 =	sld [smem:$0x3FA5];
	_ =	sdelay $0x3  }
0x33: {  	p0 =	seq.s32 s10, $0x1;
	s10 =	sld [smem:$0x3FA7];
	_ =	sdelay $0x3  }
0x34: {  	[smem:$0x3FA7] =	sst s10  }
0x35: {  	s10 =	sld [smem:$0x3FA6];
	_ =	sdelay $0x3  }
0x36: {  	p1 =	seq.s32 s10, $0x1;
	s10 =	sld [smem:$0x3FA7];
	_ =	sdelay $0x3  }
0x37: {  	[smem:$0x3FA7] =	sst s10  }
0x38: {  	s10 =	sld [smem:$0x3FA8]  }
0x39: {  	_ = 	snop;
	(pc) =	sbr.ind lr, $3  }
0x3a: {  	_ = 	snop  }
0x3b: {  	_ = 	snop  }
0x3c: {  	p2 =	seq.s32 s10, $0x1;
	s10 =	sld [smem:$0x3FA7]  }
0x3d: {  	_ =	shalt  }
0x3e: {  	_ =	shalt  }
0x3f: {  	_ =	shalt  }
0x40: {  	_ =	shalt  }
0x41: {  	_ =	shalt  }
0x42: {  	_ =	shalt  }
0x43: {  	_ =	shalt  }
0x44: {  	_ =	shalt  }
0x45: {  	_ =	shalt  }
0x46: {  	_ =	shalt  }
0x47: {  	_ =	shalt  }
0x48: {  	_ =	shalt  }
0x49: {  	_ =	shalt  }
0x4a: {  	_ =	shalt  }
0x4b: {  	_ =	shalt  }
0x4c: {  	_ =	shalt  }
0x4d: {  	_ =	shalt  }
0x4e: {  	_ =	shalt  }
0x4f: {  	_ =	shalt  }
0x50: {  	_ =	shalt  }
0x51: {  	_ =	shalt  }
0x52: {  	_ =	shalt  }
0x53: {  	_ =	shalt  }
0x54: {  	_ =	shalt  }
0x55: {  	_ =	shalt  }
0x56: {  	_ =	shalt  }
0x57: {  	_ =	shalt  }
0x58: {  	_ =	shalt  }
0x59: {  	_ =	shalt  }
0x5a: {  	_ =	shalt  }
0x5b: {  	_ =	shalt  }
0x5c: {  	_ =	shalt  }
0x5d: {  	_ =	shalt  }
0x5e: {  	_ =	shalt  }
0x5f: {  	_ =	shalt  }
0x60: {  	_ =	shalt  }
0x61: {  	_ =	shalt  }
0x62: {  	_ =	shalt  }
0x63: {  	_ =	shalt  }
0x64: {  	_ =	shalt  }
0x65: {  	_ =	shalt  }
0x66: {  	_ =	shalt  }
0x67: {  	_ =	shalt  }
0x68: {  	_ =	shalt  }
0x69: {  	_ =	shalt  }
0x6a: {  	_ =	shalt  }
0x6b: {  	_ =	shalt  }
0x6c: {  	_ =	shalt  }
0x6d: {  	_ =	shalt  }
0x6e: {  	_ =	shalt  }
0x6f: {  	_ =	shalt  }
0x70: {  	_ =	shalt  }
0x71: {  	_ =	shalt  }
0x72: {  	_ =	shalt  }
0x73: {  	_ =	shalt  }
0x74: {  	_ =	shalt  }
0x75: {  	_ =	shalt  }
0x76: {  	_ =	shalt  }
0x77: {  	_ =	shalt  }
0x78: {  	_ =	shalt  }
0x79: {  	_ =	shalt  }
0x7a: {  	_ =	shalt  }
0x7b: {  	_ =	shalt  }
0x7c: {  	_ =	shalt  }
0x7d: {  	_ =	shalt  }
0x7e: {  	_ =	shalt  }
0x7f: {  	_ =	shalt  }
0x80: {  	_ =	shalt  }
0x81: {  	_ =	shalt  }
0x82: {  	_ =	shalt  }
0x83: {  	_ =	shalt  }
0x84: {  	_ =	shalt  }
0x85: {  	_ =	shalt  }
0x86: {  	_ =	shalt  }
0x87: {  	_ =	shalt  }
.Lfunc_end0:
.L_simem_size_0:
called_computation.3_lowered:
.L_overlay_start_0:
0x88: {  	s2 =	sld [smem:$0x3FD9]  }
0x89: {  	s3 =	sld [smem:$0x3FFE];
	_ =	sdelay $0x1  }
0x8a: {  	s1 =	srdreg.scid  }
0x8b: {  	s0 =	sand.u32 $0x1, s1  }
0x8c: {  	s17 =	sshll.u32 s0, $0xA;
	s2 =	sadd.s32 s3, s2  }
0x8d: {  	s2 =	sadd.s32 s2, s17  }
0x8e: {  	[smem:$0x3FB3] =	sst s2  }
0x8f: {  	_ = 	snop  }
0x90: {  	s2 =	sld [smem:$0x3FD0];
	(tm) =	ssettm $0x1  }
0x91: {  	s18 =	sld [smem:$0x3FFB];
	_ =	sdelay $0x3  }
0x92: {  	_ =	strace s18  }
0x93: {  	s3 =	sld [smem:$0x3FFC];
	_ =	sdelay $0x3  }
0x94: {  	_ =	strace s3  }
0x95: {  	s3 =	sld [smem:$0x3FFD];
	_ =	sdelay $0x3  }
0x96: {  	_ =	strace s3  }
0x97: {  	_ =	strace $0x8FFFFFFF  }
0x98: {  	s19 =	sld [smem:$0x3FDB];
	_ =	sdelay $0x1  }
0x99: {  	s4 =	simm.s32 $_scs_section_size  }
0x9a: {  	s5 =	simm.s32 $_size__tile_overlayer_lowered;
	s6 =	simm.s32 $_tile_overlayer_lowered  }
0x9b: {  	s22 =	simm.s32 $0x1BFF;
	s21 =	sshll.u32 s6, $0x1;
	s3 =	sadd.s32 s4, s19  }
0x9c: {  	s7 =	simm.s32 $0x0;
	s20 =	sshll.u32 s5, $0x1;
	s5 =	sadd.s32 s21, s3  }
0x9d: {  	[timem:s7], [sflag:s22] =	dma.local [hbm:s5], s20  }
0x9e: {  	_ =	swait.ge [sflag:s22], s20  }
0x9f: {  	s4 =	ssub.s32 $0x0, s20;
	[sflag:s22] =	ssyncset.done $0x0  }
0xa0: {  	[sflag:s22] =	ssyncadd.s32 s4;
	_ =	sdelay $0x1  }
0xa1: {  	s23 =	simm.s32 $0x1B8B  }
0xa2: {  	_ =	swait.ge [sflag:s23], $0x1  }
0xa3: {  	[sflag:s23] =	ssyncset.done $0x0  }
0xa4: {  	s25 =	simm.s32 $0x1B8E;
	s24 =	sld [smem:$0x3FFE];
	[sflag:s23] =	ssyncadd.s32 $0xFFFFFFFF  }
0xa5: {  	s26 =	simm.s32 $execute0_lowered;
	[smem:$0x3FD2] =	sst s25  }
0xa6: {  	s5 =	sshll.u32 s26, $0x1;
	_ =	strace $0x8000004F;
	[dreg:$0x1] =	wrdreg $0xFFFFFFFF  }
0xa7: {  	s28 =	simm.s32 $_size_execute0_lowered;
	s3 =	sadd.s32 s3, s5;
	[dreg:$0x0] =	wrdreg $0x0  }
0xa8: {  	s5 =	sshll.u32 s28, $0x1;
	[dreg:$0x2] =	wrdreg s3  }
0xa9: {  	[dreg:$0x3] =	wrdreg s5  }
0xaa: {  	[dreg:$0x4] =	wrdreg $0xC0  }
0xab: {  	_ =	task [dreg:s7], $0x5FFFF  }
0xac: {  	[dreg:$0x1] =	wrdreg $0xFFFFFFFF  }
0xad: {  	[dreg:$0x0] =	wrdreg $0x60  }
0xae: {  	[dreg:$0x2] =	wrdreg s24  }
0xaf: {  	[dreg:$0x3] =	wrdreg s2  }
0xb0: {  	[dreg:$0x4] =	wrdreg $0x150000  }
0xb1: {  	[dreg:$0x5] =	wrdreg $0x9  }
0xb2: {  	_ =	task.clear_ibuf [dreg:s7], $0x6FFFF;
	_ =	strace $0x9000004F  }
0xb3: {  	s29 =	simm.s32 $0x9;
	_ =	strace $0x80000051  }
0xb4: {  	_ =	swait.ge [sflag:s29], $0x1  }
0xb5: {  	[sflag:s29] =	ssyncadd.s32 $0xFFFFFFFF  }
0xb6: {  	_ =	strace $0x90000051  }
0xb7: {  	_ =	sfence  }
0xb8: {  	s30 =	sld [smem:$0x0];
	_ =	sdelay $0x2  }
0xb9: {  	s31 =	sshll.u32 s1, $0xD;
	s1 =	sshrl.u32 s1, $0x2  }
0xba: {  	s3 =	sand.u32 $0x4000, s31;
	s1 =	sadd.s32 s1, s30  }
0xbb: {  	s0 =	sor.u32 s3, s0;
	s1 =	sshll.u32 s1, $0x11  }
0xbc: {  	s0 =	sor.u32 s1, s0  }
0xbd: {  	s0 =	sadd.s32 $0x8F2B, s0  }
0xbe: {  	[sflag:s0] =	ssyncadd.remote.s32 $0x1  }
0xbf: {  	_ =	sfence.sel $0xFFFF  }
0xc0: {  	[dreg:$0x0] =	wrdreg $0xFFFFFFFF;
	(pc) =	sbr.abs _section_cstart, $3  }
0xc1: {  	[dreg:$0x1] =	wrdreg $0xFFFFFFFF  }
0xc2: {  	_ =	task.clear_ibuf [dreg:s7], $0x2FFFF;
	_ =	strace $0x9FFFFFFF  }
0xc3: {  	(tm) =	ssettm $0x7FFFFFFF  }
tec
execute0_lowered:
.L_overlay_start_1:
0x0: {  	(tag) =	ssettag $0x1  }
0x1: {  	s0 =	rddreg [dreg:$0x0];
	s1 =	srdreg.scid  }
0x2: {  	s6 =	stileid.u32;
	s3 =	rddreg [dreg:$0x2]  }
0x3: {  	s4 =	simm.s32 $0x0;
	s15 =	simm.s32 $0x11;
	s16 =	simm.s32 $0x100  }
0x4: {  	s17 =	simm.s32 $0x5000;
	s18 =	simm.s32 $0x7000;
	s28 =	simm.s32 $0x3  }
0x5: {  	s29 =	simm.s32 $0x11000;
	s30 =	simm.s32 $0x4;
	s31 =	simm.s32 $0x13000  }
0x6: {  	s12 =	simm.s32 $0x0;
	s1 =	sand.u32 $0x1, s1;
	s2 =	sshll.u32 s6, $0x1  }
0x7: {  	[smem:$0x7FF] =	sst s4;
	s5 =	sadd.s32 $0x1AA00, s0;
	s9 =	smul.u32 $0x5000, s6  }
0x8: {  	s10 =	sadd.s32 $0x6C00, s0;
	s20 =	sshll.u32 s6, $0x6;
	s23 =	sadd.s32 $0x10B00, s0  }
0x9: {  	s24 =	sadd.s32 $0x1A740, s0;
	_ =	strace $0x80000050;
	[dreg:$0x4] =	wrdreg s10  }
0xa: {  	s2 =	sor.u32 s1, s2;
	s7 =	ssub.s32 $0x2, s1;
	[dreg:$0x7] =	wrdreg s23  }
0xb: {  	p0 =	seq.s32 s1, $0x1;
	s1 =	simm.s32 $0x2EA00;
	[dreg:$0x8] =	wrdreg s24  }
0xc: {  	s23 =	simm.s32 $0x1;
	s24 =	simm.s32 $0xD000;
	s19 =	smul.u32 $0x2800, s2  }
0xd: {  	s8 =	sshrl.u32 s7, $0x1;
	s21 =	sadd.s32 s9, s3;
	s1 =	simm.s32 @!p0 $0x24A00  }
0xe: {  	s25 =	sshrl.u32 s9, $0x3;
	p0 =	seq.s32 s2, $0x1F;
	s2 =	simm.s32 $0x7  }
0xf: {  	s8 =	ssub.s32 s7, s8;
	s7 =	sor.u32 $0x1C11, s20;
	s14 =	sshrl.u32 s21, $0x3  }
0x10: {  	s20 =	simm.s32 $0x9000;
	s21 =	simm.s32 $0xC;
	s4 =	sshrl.u32 s19, $0x3  }
0x11: {  	s26 =	smax.u32 s8, $0x1;
	s19 =	simm.s32 $0x8;
	s4 =	sadd.s32 s4, s0  }
.Ltmp0:
0x12: {  	[dreg:$0x9] =	wrdreg s26;
	s22 =	sadd.s32 $0x7000, s4;
	(pc) =	sbr.rel .LBB2_1-.Ltmp0, $4  }
0x13: {  	s0 =	sadd.s32 s1, s0;
	s4 =	sadd.s32 $0x10C40, s4;
	[dreg:$0x5] =	wrdreg s22  }
0x14: {  	s26 =	simm.s32 $0xF000;
	s0 =	sadd.s32 s0, s25;
	[dreg:$0x6] =	wrdreg s4  }
0x15: {  	s1 =	simm.s32 $0x5;
	s25 =	simm.s32 $0x2;
	[dreg:$0xa] =	wrdreg s0  }
0x16: {  	s22 =	simm.s32 $0xB000;
	s0 =	simm.s32 $0x9;
	s4 =	simm.s32 $0xB  }
.LBB2_4:
0x17: {  	_ =	swait.ge [sflag:s19], $0x2000  }
0x18: {  	[sflag:s19] =	ssyncset.done $0x0  }
0x19: {  	[sflag:s19] =	ssyncadd.s32 $0xFFFFE000  }
0x1a: {  	[spmem:s3] =	stream.indirect.scatter.add.f32 [tilespmem:s31], [sflag:$0x10], $0x20, s9, s16, $0xb8;
	[tilespmem:$0x1A000] =	vst v63  }
0x1b: {  	_ =	swait.ge [sflag:s21], $0x2000  }
0x1c: {  	[sflag:s21] =	ssyncset.done $0x0  }
0x1d: {  	s6 =	simm.s32 $0xD;
	[sflag:s21] =	ssyncadd.s32 $0xFFFFE000  }
0x1e: {  	_ =	swait.ge [sflag:s6], $0x2000  }
0x1f: {  	[sflag:s6] =	ssyncset.done $0x0  }
0x20: {  	s8 =	simm.s32 $0xE;
	[sflag:s6] =	ssyncadd.s32 $0xFFFFE000  }
0x21: {  	_ =	swait.ge [sflag:s8], $0x2000  }
0x22: {  	[sflag:s8] =	ssyncset.done $0x0  }
0x23: {  	s9 =	simm.s32 $0xF;
	[sflag:s8] =	ssyncadd.s32 $0xFFFFE000  }
0x24: {  	_ =	swait.ge [sflag:s9], $0x2000  }
0x25: {  	[sflag:s9] =	ssyncset.done $0x0  }
0x26: {  	s10 =	simm.s32 $0x10;
	[sflag:s9] =	ssyncadd.s32 $0xFFFFE000  }
0x27: {  	_ =	swait.ge [sflag:s10], $0x2000  }
0x28: {  	[sflag:s10] =	ssyncset.done $0x0  }
0x29: {  	[sflag:s10] =	ssyncadd.s32 $0xFFFFE000  }
0x2a: {  	[bflag:$0x0] =	sbarrier.arrive $0xFFFF  }
0x2b: {  	s11 =	rddreg [dreg:$0xa]  }
0x2c: {  	[hbm:s11], [sflag:s7] =	dma.local [spmem:s14], $0xA00  }
0x2d: {  	_ =	swait.ge [sflag:s15], $0xA00  }
0x2e: {  	s12 =	sadd.s32 $0x1, s12;
	s13 =	rddreg [dreg:$0x9]  }
0x2f: {  	p1 =	sne.s32 s12, s13  }
.Ltmp1:
0x30: {  	_ = 	snop;
	(pc) =	sbr.rel @!p1 .LBB2_5-.Ltmp1, $3  }
0x31: {  	_ =	sdelay $0x1  }
0x32: {  	[sflag:s15] =	ssyncset.done $0x0  }
0x33: {  	[sflag:s15] =	ssyncadd.s32 $0xFFFFF600  }
.LBB2_1:
0x34: {  	s6 =	rddreg [dreg:$0x1]  }
0x35: {  	[spmem:s14], [sflag:s7] =	dma.local [hbm:s6], $0xA00  }
0x36: {  	_ =	swait.ge [sflag:s15], $0xA00  }
0x37: {  	s8 =	simm.s32 @p0 $0x0;
	[sflag:s15] =	ssyncset.done $0x0  }
0x38: {  	s9 =	simm.s32 @p0 $0x11;
	s6 =	rddreg [dreg:$0x7];
	[sflag:s15] =	ssyncadd.s32 $0xFFFFF600  }
0x39: {  	[tilespmem:s8], [sflag:$0x11] =	stream.linear.gather @p0 [hbm4b:s6+s8], $0xA00, $0x38;
	[tilespmem:$0x1A000] =	vst v63  }
0x3a: {  	_ =	swait.ge @p0 [sflag:s9], $0xA00  }
0x3b: {  	[sflag:s9] =	ssyncset.done @p0 $0x0  }
0x3c: {  	s13 =	simm.s32 @p0 $0xA00;
	s6 =	rddreg [dreg:$0x4];
	[sflag:s9] =	ssyncadd.s32 @p0 $0xFFFFF600  }
0x3d: {  	[tilespmem:s13], [sflag:$0x11] =	stream.linear.gather @p0 [hbm4b:s6+s8], $0x1E00, $0x38;
	[tilespmem:$0x1A000] =	vst v63  }
0x3e: {  	_ =	swait.ge @p0 [sflag:s9], $0x1E00  }
0x3f: {  	[sflag:s9] =	ssyncset.done @p0 $0x0  }
0x40: {  	s13 =	simm.s32 @p0 $0x2800;
	s10 =	rddreg [dreg:$0x8];
	[sflag:s9] =	ssyncadd.s32 @p0 $0xFFFFE200  }
0x41: {  	[tilespmem:s13], [sflag:$0x11] =	stream.linear.gather @p0 [hbm4b:s10+s8], $0xA00, $0x38;
	[tilespmem:$0x1A000] =	vst v63  }
0x42: {  	_ =	swait.ge @p0 [sflag:s9], $0xA00  }
0x43: {  	[sflag:s9] =	ssyncset.done @p0 $0x0  }
0x44: {  	s13 =	simm.s32 @p0 $0x3200;
	[sflag:s9] =	ssyncadd.s32 @p0 $0xFFFFF600  }
0x45: {  	[tilespmem:s13], [sflag:$0x11] =	stream.linear.gather @p0 [hbm4b:s6+s8], $0x1E00, $0x38;
	[tilespmem:$0x1A000] =	vst v63  }
0x46: {  	_ =	swait.ge @p0 [sflag:s9], $0x1E00  }
0x47: {  	s8 =	simm.s32 @!p0 $0x0;
	[sflag:s9] =	ssyncset.done @p0 $0x0  }
0x48: {  	s6 =	rddreg [dreg:$0x5];
	[sflag:s9] =	ssyncadd.s32 @p0 $0xFFFFE200;
	s9 =	simm.s32 @!p0 $0x11  }
0x49: {  	[tilespmem:s8], [sflag:$0x11] =	stream.linear.gather @!p0 [hbm4b:s6+s8], $0x2800, $0x38;
	[tilespmem:$0x1A000] =	vst v63  }
0x4a: {  	_ =	swait.ge @!p0 [sflag:s9], $0x2800  }
0x4b: {  	[sflag:s9] =	ssyncset.done @!p0 $0x0  }
0x4c: {  	s13 =	simm.s32 @!p0 $0x2800;
	s6 =	rddreg [dreg:$0x6];
	[sflag:s9] =	ssyncadd.s32 @!p0 $0xFFFFD800  }
0x4d: {  	[tilespmem:s13], [sflag:$0x11] =	stream.linear.gather @!p0 [hbm4b:s6+s8], $0x2800, $0x38;
	[tilespmem:$0x1A000] =	vst v63  }
0x4e: {  	_ =	swait.ge @!p0 [sflag:s9], $0x2800  }
0x4f: {  	[sflag:s9] =	ssyncset.done @!p0 $0x0  }
0x50: {  	[sflag:s9] =	ssyncadd.s32 @!p0 $0xFFFFD800  }
0x51: {  	s10 =	simm.s32 $0x0;
	[bflag:$0x0] =	sbarrier.arrive $0xFFFF  }
0x52: {  	[tilespmem:s17], [sflag:$0x1] =	stream.indirect.gather [hbm4b:s5+s16], $0x20, s10, s16, $0xb8;
	[tilespmem:$0x1A000] =	vst v63  }
0x53: {  	_ = 	snop  }
0x54: {  	[tilespmem:s18], [sflag:$0x2] =	stream.indirect.gather [hbm4b:s5+s16], $0x20, s16, s16, $0xb8;
	[tilespmem:$0x1A000] =	vst v63  }
0x55: {  	s11 =	simm.s32 $0x200  }
0x56: {  	[tilespmem:s20], [sflag:$0x3] =	stream.indirect.gather [hbm4b:s5+s16], $0x20, s11, s16, $0xb8;
	[tilespmem:$0x1A000] =	vst v63  }
0x57: {  	s13 =	simm.s32 $0x300  }
0x58: {  	[tilespmem:s22], [sflag:$0x4] =	stream.indirect.gather [hbm4b:s5+s16], $0x20, s13, s16, $0xb8;
	[tilespmem:$0x1A000] =	vst v63  }
0x59: {  	s13 =	simm.s32 $0x0  }
.LBB2_2:
0x5a: {  	_ =	swait.ge [sflag:s23], $0x2000  }
0x5b: {  	s8 =	sshra.s32 s13, $0x2;
	[sflag:s23] =	ssyncset.done $0x0  }
0x5c: {  	p1 =	seq.s32 s13, $0x0;
	s9 =	sadd.s32 $0x2800, s8;
	[sflag:s23] =	ssyncadd.s32 $0xFFFFE000  }
0x5d: {  	[spmem:s3] =	stream.indirect.scatter.add.f32 [tilespmem:s17], [sflag:$0x9], $0x20, s9, s16, $0xb8;
	[tilespmem:$0x1A000] =	vst v63  }
0x5e: {  	s9 =	simm.s32 @!p1 $0xD  }
0x5f: {  	_ =	swait.ge @!p1 [sflag:s9], $0x2000  }
0x60: {  	[sflag:s9] =	ssyncset.done @!p1 $0x0  }
0x61: {  	s6 =	sadd.s32 $0x400, s8;
	[sflag:s9] =	ssyncadd.s32 @!p1 $0xFFFFE000  }
0x62: {  	[tilespmem:s24], [sflag:$0x5] =	stream.indirect.gather [hbm4b:s5+s16], $0x20, s6, s16, $0xb8;
	[tilespmem:$0x1A000] =	vst v63  }
0x63: {  	_ =	swait.ge [sflag:s25], $0x2000  }
0x64: {  	[sflag:s25] =	ssyncset.done $0x0  }
0x65: {  	s10 =	sadd.s32 $0x2900, s8;
	s9 =	simm.s32 @!p1 $0xE;
	[sflag:s25] =	ssyncadd.s32 $0xFFFFE000  }
0x66: {  	[spmem:s3] =	stream.indirect.scatter.add.f32 [tilespmem:s18], [sflag:$0xA], $0x20, s10, s16, $0xb8;
	[tilespmem:$0x1A000] =	vst v63  }
0x67: {  	_ =	swait.ge @!p1 [sflag:s9], $0x2000  }
0x68: {  	[sflag:s9] =	ssyncset.done @!p1 $0x0  }
0x69: {  	s11 =	sadd.s32 $0x500, s8;
	[sflag:s9] =	ssyncadd.s32 @!p1 $0xFFFFE000  }
0x6a: {  	[tilespmem:s26], [sflag:$0x6] =	stream.indirect.gather [hbm4b:s5+s16], $0x20, s11, s16, $0xb8;
	[tilespmem:$0x1A000] =	vst v63  }
0x6b: {  	_ =	swait.ge [sflag:s28], $0x2000  }
0x6c: {  	[sflag:s28] =	ssyncset.done $0x0  }
0x6d: {  	s6 =	sadd.s32 $0x2A00, s8;
	s9 =	simm.s32 @!p1 $0xF;
	[sflag:s28] =	ssyncadd.s32 $0xFFFFE000  }
0x6e: {  	[spmem:s3] =	stream.indirect.scatter.add.f32 [tilespmem:s20], [sflag:$0xB], $0x20, s6, s16, $0xb8;
	[tilespmem:$0x1A000] =	vst v63  }
0x6f: {  	_ =	swait.ge @!p1 [sflag:s9], $0x2000  }
0x70: {  	[sflag:s9] =	ssyncset.done @!p1 $0x0  }
0x71: {  	s10 =	sadd.s32 $0x600, s8;
	[sflag:s9] =	ssyncadd.s32 @!p1 $0xFFFFE000  }
0x72: {  	[tilespmem:s29], [sflag:$0x7] =	stream.indirect.gather [hbm4b:s5+s16], $0x20, s10, s16, $0xb8;
	[tilespmem:$0x1A000] =	vst v63  }
0x73: {  	_ =	swait.ge [sflag:s30], $0x2000  }
0x74: {  	[sflag:s30] =	ssyncset.done $0x0  }
0x75: {  	s11 =	sadd.s32 $0x2B00, s8;
	s9 =	simm.s32 @!p1 $0x10;
	[sflag:s30] =	ssyncadd.s32 $0xFFFFE000  }
0x76: {  	[spmem:s3] =	stream.indirect.scatter.add.f32 [tilespmem:s22], [sflag:$0xC], $0x20, s11, s16, $0xb8;
	[tilespmem:$0x1A000] =	vst v63  }
0x77: {  	_ =	swait.ge @!p1 [sflag:s9], $0x2000  }
0x78: {  	[sflag:s9] =	ssyncset.done @!p1 $0x0  }
0x79: {  	s6 =	sadd.s32 $0x700, s8;
	[sflag:s9] =	ssyncadd.s32 @!p1 $0xFFFFE000  }
0x7a: {  	[tilespmem:s31], [sflag:$0x8] =	stream.indirect.gather [hbm4b:s5+s16], $0x20, s6, s16, $0xb8;
	[tilespmem:$0x1A000] =	vst v63  }
0x7b: {  	_ =	swait.ge [sflag:s1], $0x2000  }
0x7c: {  	[sflag:s1] =	ssyncset.done $0x0  }
0x7d: {  	s10 =	sadd.s32 $0x2C00, s8;
	[sflag:s1] =	ssyncadd.s32 $0xFFFFE000  }
0x7e: {  	[spmem:s3] =	stream.indirect.scatter.add.f32 [tilespmem:s24], [sflag:$0xD], $0x20, s10, s16, $0xb8;
	[tilespmem:$0x1A000] =	vst v63  }
0x7f: {  	_ =	swait.ge [sflag:s0], $0x2000  }
0x80: {  	p1 =	seq.s32 s13, $0x8000;
	[sflag:s0] =	ssyncset.done $0x0  }
0x81: {  	s9 =	simm.s32 @p1 $0x6;
	[sflag:s0] =	ssyncadd.s32 $0xFFFFE000  }
0x82: {  	_ =	swait.ge @p1 [sflag:s9], $0x2000  }
0x83: {  	[sflag:s9] =	ssyncset.done @p1 $0x0  }
0x84: {  	[sflag:s9] =	ssyncadd.s32 @p1 $0xFFFFE000;
	s9 =	sshra.s32 @p1 s13, $0x2  }
0x85: {  	s11 =	simm.s32 @p1 $0xF000;
	s10 =	simm.s32 @p1 $0x100;
	s9 =	sadd.s32 @p1 $0x2D00, s9  }
0x86: {  	[spmem:s3] =	stream.indirect.scatter.add.f32 @p1 [tilespmem:s11], [sflag:$0xE], $0x20, s9, s10, $0xb8;
	[tilespmem:$0x1A000] =	vst v63  }
0x87: {  	s9 =	simm.s32 @p1 $0xA  }
0x88: {  	_ =	swait.ge @p1 [sflag:s9], $0x2000  }
0x89: {  	[sflag:s9] =	ssyncset.done @p1 $0x0  }
0x8a: {  	[sflag:s9] =	ssyncadd.s32 @p1 $0xFFFFE000;
	s9 =	sshra.s32 @!p1 s13, $0x2  }
0x8b: {  	s6 =	simm.s32 @!p1 $0x5000;
	s11 =	simm.s32 @!p1 $0x100;
	s10 =	sadd.s32 @!p1 $0x800, s9  }
0x8c: {  	[tilespmem:s6], [sflag:$0x1] =	stream.indirect.gather @!p1 [hbm4b:s5+s11], $0x20, s10, s11, $0xb8;
	[tilespmem:$0x1A000] =	vst v63  }
0x8d: {  	s6 =	simm.s32 @!p1 $0x6  }
0x8e: {  	_ =	swait.ge @!p1 [sflag:s6], $0x2000  }
0x8f: {  	[sflag:s6] =	ssyncset.done @!p1 $0x0  }
0x90: {  	s10 =	simm.s32 @!p1 $0xF000;
	[sflag:s6] =	ssyncadd.s32 @!p1 $0xFFFFE000;
	s6 =	sadd.s32 @!p1 $0x2D00, s9  }
0x91: {  	[spmem:s3] =	stream.indirect.scatter.add.f32 @!p1 [tilespmem:s10], [sflag:$0xE], $0x20, s6, s11, $0xb8;
	[tilespmem:$0x1A000] =	vst v63  }
0x92: {  	s6 =	simm.s32 @!p1 $0xA  }
0x93: {  	_ =	swait.ge @!p1 [sflag:s6], $0x2000  }
0x94: {  	[sflag:s6] =	ssyncset.done @!p1 $0x0  }
0x95: {  	[sflag:s6] =	ssyncadd.s32 @!p1 $0xFFFFE000;
	s6 =	sadd.s32 @!p1 $0x900, s9;
	s9 =	simm.s32 @!p1 $0x7000  }
0x96: {  	[tilespmem:s9], [sflag:$0x2] =	stream.indirect.gather @!p1 [hbm4b:s5+s11], $0x20, s6, s11, $0xb8;
	[tilespmem:$0x1A000] =	vst v63  }
0x97: {  	_ =	swait.ge [sflag:s2], $0x2000  }
0x98: {  	[sflag:s2] =	ssyncset.done $0x0  }
.Ltmp2:
0x99: {  	s11 =	sadd.s32 $0x2E00, s8;
	[sflag:s2] =	ssyncadd.s32 $0xFFFFE000;
	(pc) =	sbr.rel @p1 .LBB2_4-.Ltmp2, $4  }
0x9a: {  	[spmem:s3] =	stream.indirect.scatter.add.f32 [tilespmem:s29], [sflag:$0xF], $0x20, s11, s16, $0xb8;
	[tilespmem:$0x1A000] =	vst v63  }
0x9b: {  	_ =	swait.ge [sflag:s4], $0x2000  }
0x9c: {  	[sflag:s4] =	ssyncset.done $0x0  }
0x9d: {  	s9 =	sadd.s32 $0x2F00, s8;
	[sflag:s4] =	ssyncadd.s32 $0xFFFFE000  }
0x9e: {  	s6 =	sadd.s32 $0xA00, s8  }
0x9f: {  	[tilespmem:s20], [sflag:$0x3] =	stream.indirect.gather [hbm4b:s5+s16], $0x20, s6, s16, $0xb8;
	[tilespmem:$0x1A000] =	vst v63  }
0xa0: {  	_ =	swait.ge [sflag:s19], $0x2000  }
0xa1: {  	[sflag:s19] =	ssyncset.done $0x0  }
0xa2: {  	[sflag:s19] =	ssyncadd.s32 $0xFFFFE000  }
0xa3: {  	[spmem:s3] =	stream.indirect.scatter.add.f32 [tilespmem:s31], [sflag:$0x10], $0x20, s9, s16, $0xb8;
	[tilespmem:$0x1A000] =	vst v63  }
.Ltmp3:
0xa4: {  	_ = 	snop;
	(pc) =	sbr.rel .LBB2_2-.Ltmp3, $4  }
0xa5: {  	_ =	swait.ge [sflag:s21], $0x2000  }
0xa6: {  	[sflag:s21] =	ssyncset.done $0x0  }
0xa7: {  	s11 =	sadd.s32 $0xB00, s8;
	s13 =	sadd.s32 $0x2000, s13;
	[sflag:s21] =	ssyncadd.s32 $0xFFFFE000  }
0xa8: {  	[tilespmem:s22], [sflag:$0x4] =	stream.indirect.gather [hbm4b:s5+s16], $0x20, s11, s16, $0xb8;
	[tilespmem:$0x1A000] =	vst v63  }
.LBB2_5:
0xa9: {  	_ =	sfence.sel $0x180000  }
0xaa: {  	[bflag:$0x0] =	sbarrier.arrive $0xFFFF  }
0xab: {  	_ =	strace $0x90000050  }
0xac: {  	s0 =	stileid.u32;
	[bflag:$0x2] =	sbarrier.arrive $0xFFFF  }
0xad: {  	p0 =	sne.s32 s0, $0x0;
	s0 =	rddreg [dreg:$0x3]  }
0xae: {  	s0 =	sadd.s32 @!p0 $0x100000, s0  }
0xaf: {  	[sflag:s0] =	ssyncadd.tile.s32 @!p0 $0x1;
	_ =	shalt  }
.Lfunc_end2:
_tile_overlayer_lowered:
.L_overlay_start_2:
0xb0: {  	(tag) =	ssettag $0x2  }
0xb1: {  	s0 =	rddreg [dreg:$0x0];
	s2 =	stileid.u32  }
0xb2: {  	s1 =	rddreg [dreg:$0x1];
	p0 =	sne.s32 s2, $0x0  }
0xb3: {  	s3 =	rddreg [dreg:$0x2];
	[bflag:$0x3] =	sbarrier.arrive $0xFFFF;
	s2 =	simm.s32 @!p0 $0x1C11  }
0xb4: {  	[timem:s3], [sflag:s2] =	dma.local @!p0 [hbm:s0], s1  }
0xb5: {  	s0 =	simm.s32 @!p0 $0x11  }
0xb6: {  	_ =	swait.ge @!p0 [sflag:s0], s1  }
0xb7: {  	s1 =	ssub.s32 @!p0 $0x0, s1;
	[sflag:s0] =	ssyncset.done @!p0 $0x0  }
0xb8: {  	[sflag:s0] =	ssyncadd.s32 @!p0 s1  }
0xb9: {  	[bflag:$0x3] =	sbarrier.arrive $0xFFFF  }
0xba: {  	_ =	shalt  }

</sc_bundles>
